<compile_context>
chip_gen: v7x
topology: tpu7x:2x2x1
jax: 0.10.2.dev20260603
libtpu: 0.0.44.dev20260713+nightly
codegen_flags: <defaults>
</compile_context>

<pallas_src>
import functools
import math

import jax
import jax.numpy as jnp
from jax import lax
from jax.experimental import pallas as pl
from jax.experimental.pallas import tpu as pltpu
from jax.experimental.pallas import tpu_sc as plsc

D = 32
L = 16
SCALE = math.sqrt(D)
NC, NS = 2, 16
NW = NC * NS
TE, EI = 4, 8
TB, BI = 4, 128
K = TB * BI
JR = TE * TB * EI
JP = BI + 1
RU = 4
NR = 4
NO = 2


def _emb_body(n, xq_hbm, lut_hbm, out_hbm, *refs):
    idxs = refs[0:NR]
    rows = refs[NR:2 * NR]
    obs = refs[2 * NR:2 * NR + NO]
    sis = refs[2 * NR + NO:3 * NR + NO]
    sgs = refs[3 * NR + NO:4 * NR + NO]
    sos = refs[4 * NR + NO:4 * NR + 2 * NO]

    wid = lax.axis_index("s") * NC + lax.axis_index("c")
    tb0 = wid * TB

    def idx_fetch(cc, rb, op):
        for tbl in range(TB):
            src = xq_hbm.at[cc // EI, tb0 + tbl, cc % EI]
            dst = idxs[rb].at[pl.ds(tbl * BI, BI)]
            if op == "sync":
                pltpu.sync_copy(src, dst)
            elif op == "fire":
                pltpu.async_copy(src, dst, sis[rb])
            else:
                pltpu.make_async_copy(src, dst, sis[rb]).wait()

    lane = lax.iota(jnp.int32, L)
    cvec0 = (lane // EI) * (TB * EI) + lane % EI
    cvec1 = cvec0 + 2 * (TB * EI)

    def wb_copy(cc, ob, fire):
        for te in range(TE):
            src = obs[ob].at[pl.ds(te * TB * EI, TB * EI), pl.ds(0, BI)]
            dst = out_hbm.at[cc, te, pl.ds(wid * TB * EI, TB * EI)]
            if fire:
                pltpu.async_copy(src, dst, sos[ob])
            else:
                pltpu.make_async_copy(src, dst, sos[ob]).wait()

    idx_fetch(0, 0, "sync")
    pltpu.async_copy(lut_hbm.at[idxs[0]], rows[0], sgs[0])
    idx_fetch(1, 1, "sync")
    pltpu.async_copy(lut_hbm.at[idxs[1]], rows[1], sgs[1])
    idx_fetch(2, 2, "fire")

    def stage(c, rb, ob):
        g2 = (rb + 2) % NR

        pltpu.make_async_copy(lut_hbm.at[idxs[rb]], rows[rb], sgs[rb]).wait()

        @pl.when(c + 2 < n)
        def _():
            idx_fetch(c + 2, g2, "wait")
            pltpu.async_copy(lut_hbm.at[idxs[g2]], rows[g2], sgs[g2])

        @pl.when(c >= NO)
        def _():
            wb_copy(c - NO, ob, fire=False)

        @plsc.parallel_loop(0, K, unroll=RU)
        def _(r):
            tbl = r // BI
            bi = r % BI
            jv0 = cvec0 + tbl * EI
            jv1 = cvec1 + tbl * EI
            bv = jnp.zeros((L,), jnp.int32) + bi
            v0 = rows[rb][r, pl.ds(0, L)]
            plsc.store_scatter(obs[ob], [jv0, bv], v0 * SCALE)
            v1 = rows[rb][r, pl.ds(L, L)]
            plsc.store_scatter(obs[ob], [jv1, bv], v1 * SCALE)

        wb_copy(c, ob, fire=True)

        @pl.when(c + 3 < n)
        def _():
            idx_fetch(c + 3, (rb + 3) % NR, "fire")

    def outer(o, carry):
        c = o * NR
        for k in range(NR):
            stage(c + k, k, k % NO)
        return carry

    lax.fori_loop(0, n // NR, outer, 0)

    wb_copy(n - 2, 0, fire=False)
    wb_copy(n - 1, 1, fire=False)


def kernel(x, lut):
    B, C = x.shape
    assert B == NW * K and C % NR == 0 and lut.shape[1] == D
    xq = x.T.reshape(C // EI, EI, B // BI, BI).transpose(0, 2, 1, 3)

    mesh = plsc.VectorSubcoreMesh(core_axis_name="c", subcore_axis_name="s")
    f = pl.kernel(
        functools.partial(_emb_body, C),
        out_type=jax.ShapeDtypeStruct((C, TE, (B // BI) * EI, BI), jnp.float32),
        mesh=mesh,
        scratch_types=(
            [pltpu.VMEM((K,), jnp.int32)] * NR
            + [pltpu.VMEM((K, D), jnp.float32)] * NR
            + [pltpu.VMEM((JR, JP), jnp.float32)] * NO
            + [pltpu.SemaphoreType.DMA] * (2 * NR + NO)
        ),
        compiler_params=pltpu.CompilerParams(
            use_tc_tiling_on_sc=False, needs_layout_passes=False),
    )
    o4 = f(xq, lut)
    return (o4.reshape(C, TE, B // BI, EI, BI)
              .transpose((2, 4, 0, 1, 3)).reshape(B, C, D))

# --- scband reference (transcript-rebuilt; emitter-appended) ---
"""Pipeline reference for scband-elut-1082331758953 (READ-ONLY COPY).

The authoritative reference and input builder live on the scoring server;
editing this copy changes nothing except your own understanding.
"""

import jax, jax.numpy as jnp
import numpy as np
import math

VOCAB = 1000000
D_EMB = 32
B = 16384
C = 200

def setup_inputs(seed: int = 0) -> dict:
    key = jax.random.key(seed)
    k1, k2 = jax.random.split(key)
    x = jax.random.randint(k1, (B, C), 0, VOCAB, dtype=jnp.int64 if jax.config.jax_enable_x64 else jnp.int32)
    lut = jax.random.normal(k2, (VOCAB, D_EMB), dtype=jnp.float32)
    return {"x": x, "lut": lut}

def reference(x, lut):
    # Embedding lookup scaled by sqrt(d_emb)
    emb = jnp.take(lut, x, axis=0)  # (B, C, E)
    return emb * math.sqrt(D_EMB)

if __name__ == "__main__":
    import jax
    _d = setup_inputs()
    print(jax.jit(kernel)(*tuple(_d.values())))

</pallas_src>

<mosaic_0001>
#map = affine_map<(d0, d1) -> (0, 0, 0, 0)>
#map1 = affine_map<(d0, d1) -> (0, 0)>
module attributes {stable_mosaic.version = 14 : i64} {
  func.func @_emb_body(%arg0: i32, %arg1: i32, %arg2: memref<25x128x8x128xi32, #tpu.memory_space<hbm>>, %arg3: memref<1000000x32xf32, #tpu.memory_space<hbm>>, %arg4: memref<200x4x1024x128xf32, #tpu.memory_space<hbm>>, %arg5: memref<512xi32, #tpu.memory_space<vmem>>, %arg6: memref<512xi32, #tpu.memory_space<vmem>>, %arg7: memref<512xi32, #tpu.memory_space<vmem>>, %arg8: memref<512xi32, #tpu.memory_space<vmem>>, %arg9: memref<512x32xf32, #tpu.memory_space<vmem>>, %arg10: memref<512x32xf32, #tpu.memory_space<vmem>>, %arg11: memref<512x32xf32, #tpu.memory_space<vmem>>, %arg12: memref<512x32xf32, #tpu.memory_space<vmem>>, %arg13: memref<128x129xf32, #tpu.memory_space<vmem>>, %arg14: memref<128x129xf32, #tpu.memory_space<vmem>>, %arg15: memref<!tpu.dma_semaphore, #tpu.memory_space<semaphore_mem>>, %arg16: memref<!tpu.dma_semaphore, #tpu.memory_space<semaphore_mem>>, %arg17: memref<!tpu.dma_semaphore, #tpu.memory_space<semaphore_mem>>, %arg18: memref<!tpu.dma_semaphore, #tpu.memory_space<semaphore_mem>>, %arg19: memref<!tpu.dma_semaphore, #tpu.memory_space<semaphore_mem>>, %arg20: memref<!tpu.dma_semaphore, #tpu.memory_space<semaphore_mem>>, %arg21: memref<!tpu.dma_semaphore, #tpu.memory_space<semaphore_mem>>, %arg22: memref<!tpu.dma_semaphore, #tpu.memory_space<semaphore_mem>>, %arg23: memref<!tpu.dma_semaphore, #tpu.memory_space<semaphore_mem>>, %arg24: memref<!tpu.dma_semaphore, #tpu.memory_space<semaphore_mem>>) attributes {dimension_semantics = [#tpu.dimension_semantics<core_parallel>, #tpu.dimension_semantics<subcore_parallel>], iteration_bounds = array<i64: 2, 16>, scalar_prefetch = 0 : i64, scratch_operands = 20 : i64, tpu.core_type = #tpu.core_type<sc_vector_subcore>, window_params = [{transform_indices = #map}, {transform_indices = #map1}, {transform_indices = #map}]} {
    %mul3A = arith.constant 2 : i32
    %mul3A_0 = arith.muli %arg1, %mul3A : i32
    %add3A = arith.addi %mul3A_0, %arg0 : i32
    %mul3A_1 = arith.constant 4 : i32
    %mul3A_2 = arith.muli %add3A, %mul3A_1 : i32
    %iota3A = tpu.iota {dimensions = array<i32: 0>} : vector<16xi32>
    %jit3A = arith.constant 8 : i32
    %div3A = vector.broadcast %jit3A : i32 to vector<16xi32>
    %div3A_3 = arith.divsi %iota3A, %div3A : vector<16xi32>
    %sign3A = arith.constant 0 : i32
    %sign3A_4 = vector.broadcast %sign3A : i32 to vector<16xi32>
    %sign3A_5 = arith.cmpi sgt, %iota3A, %sign3A_4 : vector<16xi32>
    %sign3A_6 = arith.extui %sign3A_5 : vector<16xi1> to vector<16xi32>
    %sign3A_7 = arith.constant 0 : i32
    %sign3A_8 = vector.broadcast %sign3A_7 : i32 to vector<16xi32>
    %sign3A_9 = arith.cmpi slt, %iota3A, %sign3A_8 : vector<16xi32>
    %sign3A_10 = arith.extui %sign3A_9 : vector<16xi1> to vector<16xi32>
    %sign3A_11 = arith.subi %sign3A_6, %sign3A_10 : vector<16xi32>
    %sign3A_12 = arith.constant 0 : i32
    %sign3A_13 = arith.cmpi sgt, %jit3A, %sign3A_12 : i32
    %sign3A_14 = arith.extui %sign3A_13 : i1 to i32
    %sign3A_15 = arith.constant 0 : i32
    %sign3A_16 = arith.cmpi slt, %jit3A, %sign3A_15 : i32
    %sign3A_17 = arith.extui %sign3A_16 : i1 to i32
    %sign3A_18 = arith.subi %sign3A_14, %sign3A_17 : i32
    %ne3A = vector.broadcast %sign3A_18 : i32 to vector<16xi32>
    %ne3A_19 = arith.cmpi ne, %sign3A_11, %ne3A : vector<16xi32>
    %rem3A = vector.broadcast %jit3A : i32 to vector<16xi32>
    %rem3A_20 = arith.remsi %iota3A, %rem3A : vector<16xi32>
    %ne3A_21 = arith.constant 0 : i32
    %ne3A_22 = vector.broadcast %ne3A_21 : i32 to vector<16xi32>
    %ne3A_23 = arith.cmpi ne, %rem3A_20, %ne3A_22 : vector<16xi32>
    %and3A = arith.andi %ne3A_19, %ne3A_23 : vector<16xi1>
    %sub3A = arith.constant 1 : i32
    %sub3A_24 = vector.broadcast %sub3A : i32 to vector<16xi32>
    %sub3A_25 = arith.subi %div3A_3, %sub3A_24 : vector<16xi32>
    %select_n3A = arith.select %and3A, %sub3A_25, %div3A_3 : vector<16xi1>, vector<16xi32>
    %mul3A_26 = arith.constant 32 : i32
    %mul3A_27 = vector.broadcast %mul3A_26 : i32 to vector<16xi32>
    %mul3A_28 = arith.muli %select_n3A, %mul3A_27 : vector<16xi32>
    %jit3A_29 = arith.constant 8 : i32
    %eq3A = arith.constant 0 : i32
    %eq3A_30 = arith.cmpi eq, %jit3A_29, %eq3A : i32
    %jit3A_31 = arith.constant 1 : i32
    %select_n3A_32 = arith.select %eq3A_30, %jit3A_31, %jit3A_29 : i32
    %rem3A_33 = vector.broadcast %select_n3A_32 : i32 to vector<16xi32>
    %rem3A_34 = arith.remsi %iota3A, %rem3A_33 : vector<16xi32>
    %ne3A_35 = arith.constant 0 : i32
    %ne3A_36 = vector.broadcast %ne3A_35 : i32 to vector<16xi32>
    %ne3A_37 = arith.cmpi ne, %rem3A_34, %ne3A_36 : vector<16xi32>
    %lt3A = arith.constant 0 : i32
    %lt3A_38 = vector.broadcast %lt3A : i32 to vector<16xi32>
    %lt3A_39 = arith.cmpi slt, %rem3A_34, %lt3A_38 : vector<16xi32>
    %lt3A_40 = arith.constant 0 : i32
    %lt3A_41 = arith.cmpi slt, %select_n3A_32, %lt3A_40 : i32
    %ne3A_42 = vector.broadcast %lt3A_41 : i1 to vector<16xi1>
    %ne3A_43 = vector.broadcast %ne3A_42 : vector<16xi1> to vector<16xi1>
    %ne3A_44 = arith.xori %lt3A_39, %ne3A_43 : vector<16xi1>
    %and3A_45 = arith.andi %ne3A_44, %ne3A_37 : vector<16xi1>
    %add3A_46 = vector.broadcast %select_n3A_32 : i32 to vector<16xi32>
    %add3A_47 = arith.addi %rem3A_34, %add3A_46 : vector<16xi32>
    %select_n3A_48 = arith.select %and3A_45, %add3A_47, %rem3A_34 : vector<16xi1>, vector<16xi32>
    %add3A_49 = arith.addi %mul3A_28, %select_n3A_48 : vector<16xi32>
    %add3A_50 = arith.constant 64 : i32
    %add3A_51 = vector.broadcast %add3A_50 : i32 to vector<16xi32>
    %add3A_52 = arith.addi %add3A_49, %add3A_51 : vector<16xi32>
    %add3A_53 = arith.constant 0 : i32
    %add3A_54 = arith.addi %mul3A_2, %add3A_53 : i32
    %run_scoped3A = arith.constant 0 : i32
    %run_scoped3A_55 = arith.constant 0 : i32
    "tpu.region"() ({
      %run_scoped3A_293 = tpu.sem_alloc : memref<!tpu.dma_semaphore, #tpu.memory_space<semaphore_mem>>
      %dma_start3A_294 = arith.constant 0 : i32
      %dma_start3A_295 = tpu.memref_slice %arg5[%dma_start3A_294] : memref<512xi32, #tpu.memory_space<vmem>> -> memref<128xi32, #tpu.memory_space<vmem>>
      %dma_start3A_296 = arith.constant 0 : i32
      %dma_start3A_297 = tpu.memref_slice %arg2[%run_scoped3A, %add3A_54, %run_scoped3A_55, %dma_start3A_296] : memref<25x128x8x128xi32, #tpu.memory_space<hbm>> -> memref<1x1x1x128xi32, #tpu.memory_space<hbm>>
      %dma_start3A_298 = tpu.memref_squeeze %dma_start3A_297 : memref<1x1x1x128xi32, #tpu.memory_space<hbm>> -> memref<128xi32, #tpu.memory_space<hbm>>
      %dma_start3A_299 = arith.constant 0 : i32
      %dma_start3A_300 = tpu.memref_slice %arg5[%dma_start3A_299] : memref<512xi32, #tpu.memory_space<vmem>> -> memref<128xi32, #tpu.memory_space<vmem>>
      %dma_start3A_301 = arith.constant 0 : i32
      %dma_start3A_302 = tpu.memref_slice %arg2[%run_scoped3A, %add3A_54, %run_scoped3A_55, %dma_start3A_301] : memref<25x128x8x128xi32, #tpu.memory_space<hbm>> -> memref<1x1x1x128xi32, #tpu.memory_space<hbm>>
      %dma_start3A_303 = tpu.memref_squeeze %dma_start3A_302 : memref<1x1x1x128xi32, #tpu.memory_space<hbm>> -> memref<128xi32, #tpu.memory_space<hbm>>
      tpu.enqueue_dma source(%dma_start3A_303 : memref<128xi32, #tpu.memory_space<hbm>>) target(%dma_start3A_300 : memref<128xi32, #tpu.memory_space<vmem>>) target_semaphore(%run_scoped3A_293 : memref<!tpu.dma_semaphore, #tpu.memory_space<semaphore_mem>>)
      %dma_wait3A_304 = arith.constant 0 : i32
      %dma_wait3A_305 = tpu.memref_slice %arg5[%dma_wait3A_304] : memref<512xi32, #tpu.memory_space<vmem>> -> memref<128xi32, #tpu.memory_space<vmem>>
      %dma_wait3A_306 = arith.constant 0 : i32
      %dma_wait3A_307 = tpu.memref_slice %arg2[%run_scoped3A, %add3A_54, %run_scoped3A_55, %dma_wait3A_306] : memref<25x128x8x128xi32, #tpu.memory_space<hbm>> -> memref<1x1x1x128xi32, #tpu.memory_space<hbm>>
      %dma_wait3A_308 = tpu.memref_squeeze %dma_wait3A_307 : memref<1x1x1x128xi32, #tpu.memory_space<hbm>> -> memref<128xi32, #tpu.memory_space<hbm>>
      %dma_wait3A_309 = arith.constant 0 : i32
      %dma_wait3A_310 = tpu.memref_slice %arg5[%dma_wait3A_309] : memref<512xi32, #tpu.memory_space<vmem>> -> memref<128xi32, #tpu.memory_space<vmem>>
      %dma_wait3A_311 = arith.constant 0 : i32
      %dma_wait3A_312 = tpu.memref_slice %arg2[%run_scoped3A, %add3A_54, %run_scoped3A_55, %dma_wait3A_311] : memref<25x128x8x128xi32, #tpu.memory_space<hbm>> -> memref<1x1x1x128xi32, #tpu.memory_space<hbm>>
      %dma_wait3A_313 = tpu.memref_squeeze %dma_wait3A_312 : memref<1x1x1x128xi32, #tpu.memory_space<hbm>> -> memref<128xi32, #tpu.memory_space<hbm>>
      tpu.wait_dma2 semaphore(%run_scoped3A_293 : memref<!tpu.dma_semaphore, #tpu.memory_space<semaphore_mem>>) src(%dma_wait3A_313 : memref<128xi32, #tpu.memory_space<hbm>>) dst(%dma_wait3A_310 : memref<128xi32, #tpu.memory_space<vmem>>)
      tpu.yield
    }) : () -> ()
    %add3A_56 = arith.constant 1 : i32
    %add3A_57 = arith.addi %mul3A_2, %add3A_56 : i32
    %run_scoped3A_58 = arith.constant 0 : i32
    %run_scoped3A_59 = arith.constant 0 : i32
    "tpu.region"() ({
      %run_scoped3A_293 = tpu.sem_alloc : memref<!tpu.dma_semaphore, #tpu.memory_space<semaphore_mem>>
      %dma_start3A_294 = arith.constant 128 : i32
      %dma_start3A_295 = tpu.memref_slice %arg5[%dma_start3A_294] : memref<512xi32, #tpu.memory_space<vmem>> -> memref<128xi32, #tpu.memory_space<vmem>>
      %dma_start3A_296 = arith.constant 0 : i32
      %dma_start3A_297 = tpu.memref_slice %arg2[%run_scoped3A_58, %add3A_57, %run_scoped3A_59, %dma_start3A_296] : memref<25x128x8x128xi32, #tpu.memory_space<hbm>> -> memref<1x1x1x128xi32, #tpu.memory_space<hbm>>
      %dma_start3A_298 = tpu.memref_squeeze %dma_start3A_297 : memref<1x1x1x128xi32, #tpu.memory_space<hbm>> -> memref<128xi32, #tpu.memory_space<hbm>>
      %dma_start3A_299 = arith.constant 128 : i32
      %dma_start3A_300 = tpu.memref_slice %arg5[%dma_start3A_299] : memref<512xi32, #tpu.memory_space<vmem>> -> memref<128xi32, #tpu.memory_space<vmem>>
      %dma_start3A_301 = arith.constant 0 : i32
      %dma_start3A_302 = tpu.memref_slice %arg2[%run_scoped3A_58, %add3A_57, %run_scoped3A_59, %dma_start3A_301] : memref<25x128x8x128xi32, #tpu.memory_space<hbm>> -> memref<1x1x1x128xi32, #tpu.memory_space<hbm>>
      %dma_start3A_303 = tpu.memref_squeeze %dma_start3A_302 : memref<1x1x1x128xi32, #tpu.memory_space<hbm>> -> memref<128xi32, #tpu.memory_space<hbm>>
      tpu.enqueue_dma source(%dma_start3A_303 : memref<128xi32, #tpu.memory_space<hbm>>) target(%dma_start3A_300 : memref<128xi32, #tpu.memory_space<vmem>>) target_semaphore(%run_scoped3A_293 : memref<!tpu.dma_semaphore, #tpu.memory_space<semaphore_mem>>)
      %dma_wait3A_304 = arith.constant 128 : i32
      %dma_wait3A_305 = tpu.memref_slice %arg5[%dma_wait3A_304] : memref<512xi32, #tpu.memory_space<vmem>> -> memref<128xi32, #tpu.memory_space<vmem>>
      %dma_wait3A_306 = arith.constant 0 : i32
      %dma_wait3A_307 = tpu.memref_slice %arg2[%run_scoped3A_58, %add3A_57, %run_scoped3A_59, %dma_wait3A_306] : memref<25x128x8x128xi32, #tpu.memory_space<hbm>> -> memref<1x1x1x128xi32, #tpu.memory_space<hbm>>
      %dma_wait3A_308 = tpu.memref_squeeze %dma_wait3A_307 : memref<1x1x1x128xi32, #tpu.memory_space<hbm>> -> memref<128xi32, #tpu.memory_space<hbm>>
      %dma_wait3A_309 = arith.constant 128 : i32
      %dma_wait3A_310 = tpu.memref_slice %arg5[%dma_wait3A_309] : memref<512xi32, #tpu.memory_space<vmem>> -> memref<128xi32, #tpu.memory_space<vmem>>
      %dma_wait3A_311 = arith.constant 0 : i32
      %dma_wait3A_312 = tpu.memref_slice %arg2[%run_scoped3A_58, %add3A_57, %run_scoped3A_59, %dma_wait3A_311] : memref<25x128x8x128xi32, #tpu.memory_space<hbm>> -> memref<1x1x1x128xi32, #tpu.memory_space<hbm>>
      %dma_wait3A_313 = tpu.memref_squeeze %dma_wait3A_312 : memref<1x1x1x128xi32, #tpu.memory_space<hbm>> -> memref<128xi32, #tpu.memory_space<hbm>>
      tpu.wait_dma2 semaphore(%run_scoped3A_293 : memref<!tpu.dma_semaphore, #tpu.memory_space<semaphore_mem>>) src(%dma_wait3A_313 : memref<128xi32, #tpu.memory_space<hbm>>) dst(%dma_wait3A_310 : memref<128xi32, #tpu.memory_space<vmem>>)
      tpu.yield
    }) : () -> ()
    %add3A_60 = arith.constant 2 : i32
    %add3A_61 = arith.addi %mul3A_2, %add3A_60 : i32
    %run_scoped3A_62 = arith.constant 0 : i32
    %run_scoped3A_63 = arith.constant 0 : i32
    "tpu.region"() ({
      %run_scoped3A_293 = tpu.sem_alloc : memref<!tpu.dma_semaphore, #tpu.memory_space<semaphore_mem>>
      %dma_start3A_294 = arith.constant 256 : i32
      %dma_start3A_295 = tpu.memref_slice %arg5[%dma_start3A_294] : memref<512xi32, #tpu.memory_space<vmem>> -> memref<128xi32, #tpu.memory_space<vmem>>
      %dma_start3A_296 = arith.constant 0 : i32
      %dma_start3A_297 = tpu.memref_slice %arg2[%run_scoped3A_62, %add3A_61, %run_scoped3A_63, %dma_start3A_296] : memref<25x128x8x128xi32, #tpu.memory_space<hbm>> -> memref<1x1x1x128xi32, #tpu.memory_space<hbm>>
      %dma_start3A_298 = tpu.memref_squeeze %dma_start3A_297 : memref<1x1x1x128xi32, #tpu.memory_space<hbm>> -> memref<128xi32, #tpu.memory_space<hbm>>
      %dma_start3A_299 = arith.constant 256 : i32
      %dma_start3A_300 = tpu.memref_slice %arg5[%dma_start3A_299] : memref<512xi32, #tpu.memory_space<vmem>> -> memref<128xi32, #tpu.memory_space<vmem>>
      %dma_start3A_301 = arith.constant 0 : i32
      %dma_start3A_302 = tpu.memref_slice %arg2[%run_scoped3A_62, %add3A_61, %run_scoped3A_63, %dma_start3A_301] : memref<25x128x8x128xi32, #tpu.memory_space<hbm>> -> memref<1x1x1x128xi32, #tpu.memory_space<hbm>>
      %dma_start3A_303 = tpu.memref_squeeze %dma_start3A_302 : memref<1x1x1x128xi32, #tpu.memory_space<hbm>> -> memref<128xi32, #tpu.memory_space<hbm>>
      tpu.enqueue_dma source(%dma_start3A_303 : memref<128xi32, #tpu.memory_space<hbm>>) target(%dma_start3A_300 : memref<128xi32, #tpu.memory_space<vmem>>) target_semaphore(%run_scoped3A_293 : memref<!tpu.dma_semaphore, #tpu.memory_space<semaphore_mem>>)
      %dma_wait3A_304 = arith.constant 256 : i32
      %dma_wait3A_305 = tpu.memref_slice %arg5[%dma_wait3A_304] : memref<512xi32, #tpu.memory_space<vmem>> -> memref<128xi32, #tpu.memory_space<vmem>>
      %dma_wait3A_306 = arith.constant 0 : i32
      %dma_wait3A_307 = tpu.memref_slice %arg2[%run_scoped3A_62, %add3A_61, %run_scoped3A_63, %dma_wait3A_306] : memref<25x128x8x128xi32, #tpu.memory_space<hbm>> -> memref<1x1x1x128xi32, #tpu.memory_space<hbm>>
      %dma_wait3A_308 = tpu.memref_squeeze %dma_wait3A_307 : memref<1x1x1x128xi32, #tpu.memory_space<hbm>> -> memref<128xi32, #tpu.memory_space<hbm>>
      %dma_wait3A_309 = arith.constant 256 : i32
      %dma_wait3A_310 = tpu.memref_slice %arg5[%dma_wait3A_309] : memref<512xi32, #tpu.memory_space<vmem>> -> memref<128xi32, #tpu.memory_space<vmem>>
      %dma_wait3A_311 = arith.constant 0 : i32
      %dma_wait3A_312 = tpu.memref_slice %arg2[%run_scoped3A_62, %add3A_61, %run_scoped3A_63, %dma_wait3A_311] : memref<25x128x8x128xi32, #tpu.memory_space<hbm>> -> memref<1x1x1x128xi32, #tpu.memory_space<hbm>>
      %dma_wait3A_313 = tpu.memref_squeeze %dma_wait3A_312 : memref<1x1x1x128xi32, #tpu.memory_space<hbm>> -> memref<128xi32, #tpu.memory_space<hbm>>
      tpu.wait_dma2 semaphore(%run_scoped3A_293 : memref<!tpu.dma_semaphore, #tpu.memory_space<semaphore_mem>>) src(%dma_wait3A_313 : memref<128xi32, #tpu.memory_space<hbm>>) dst(%dma_wait3A_310 : memref<128xi32, #tpu.memory_space<vmem>>)
      tpu.yield
    }) : () -> ()
    %add3A_64 = arith.constant 3 : i32
    %add3A_65 = arith.addi %mul3A_2, %add3A_64 : i32
    %run_scoped3A_66 = arith.constant 0 : i32
    %run_scoped3A_67 = arith.constant 0 : i32
    "tpu.region"() ({
      %run_scoped3A_293 = tpu.sem_alloc : memref<!tpu.dma_semaphore, #tpu.memory_space<semaphore_mem>>
      %dma_start3A_294 = arith.constant 384 : i32
      %dma_start3A_295 = tpu.memref_slice %arg5[%dma_start3A_294] : memref<512xi32, #tpu.memory_space<vmem>> -> memref<128xi32, #tpu.memory_space<vmem>>
      %dma_start3A_296 = arith.constant 0 : i32
      %dma_start3A_297 = tpu.memref_slice %arg2[%run_scoped3A_66, %add3A_65, %run_scoped3A_67, %dma_start3A_296] : memref<25x128x8x128xi32, #tpu.memory_space<hbm>> -> memref<1x1x1x128xi32, #tpu.memory_space<hbm>>
      %dma_start3A_298 = tpu.memref_squeeze %dma_start3A_297 : memref<1x1x1x128xi32, #tpu.memory_space<hbm>> -> memref<128xi32, #tpu.memory_space<hbm>>
      %dma_start3A_299 = arith.constant 384 : i32
      %dma_start3A_300 = tpu.memref_slice %arg5[%dma_start3A_299] : memref<512xi32, #tpu.memory_space<vmem>> -> memref<128xi32, #tpu.memory_space<vmem>>
      %dma_start3A_301 = arith.constant 0 : i32
      %dma_start3A_302 = tpu.memref_slice %arg2[%run_scoped3A_66, %add3A_65, %run_scoped3A_67, %dma_start3A_301] : memref<25x128x8x128xi32, #tpu.memory_space<hbm>> -> memref<1x1x1x128xi32, #tpu.memory_space<hbm>>
      %dma_start3A_303 = tpu.memref_squeeze %dma_start3A_302 : memref<1x1x1x128xi32, #tpu.memory_space<hbm>> -> memref<128xi32, #tpu.memory_space<hbm>>
      tpu.enqueue_dma source(%dma_start3A_303 : memref<128xi32, #tpu.memory_space<hbm>>) target(%dma_start3A_300 : memref<128xi32, #tpu.memory_space<vmem>>) target_semaphore(%run_scoped3A_293 : memref<!tpu.dma_semaphore, #tpu.memory_space<semaphore_mem>>)
      %dma_wait3A_304 = arith.constant 384 : i32
      %dma_wait3A_305 = tpu.memref_slice %arg5[%dma_wait3A_304] : memref<512xi32, #tpu.memory_space<vmem>> -> memref<128xi32, #tpu.memory_space<vmem>>
      %dma_wait3A_306 = arith.constant 0 : i32
      %dma_wait3A_307 = tpu.memref_slice %arg2[%run_scoped3A_66, %add3A_65, %run_scoped3A_67, %dma_wait3A_306] : memref<25x128x8x128xi32, #tpu.memory_space<hbm>> -> memref<1x1x1x128xi32, #tpu.memory_space<hbm>>
      %dma_wait3A_308 = tpu.memref_squeeze %dma_wait3A_307 : memref<1x1x1x128xi32, #tpu.memory_space<hbm>> -> memref<128xi32, #tpu.memory_space<hbm>>
      %dma_wait3A_309 = arith.constant 384 : i32
      %dma_wait3A_310 = tpu.memref_slice %arg5[%dma_wait3A_309] : memref<512xi32, #tpu.memory_space<vmem>> -> memref<128xi32, #tpu.memory_space<vmem>>
      %dma_wait3A_311 = arith.constant 0 : i32
      %dma_wait3A_312 = tpu.memref_slice %arg2[%run_scoped3A_66, %add3A_65, %run_scoped3A_67, %dma_wait3A_311] : memref<25x128x8x128xi32, #tpu.memory_space<hbm>> -> memref<1x1x1x128xi32, #tpu.memory_space<hbm>>
      %dma_wait3A_313 = tpu.memref_squeeze %dma_wait3A_312 : memref<1x1x1x128xi32, #tpu.memory_space<hbm>> -> memref<128xi32, #tpu.memory_space<hbm>>
      tpu.wait_dma2 semaphore(%run_scoped3A_293 : memref<!tpu.dma_semaphore, #tpu.memory_space<semaphore_mem>>) src(%dma_wait3A_313 : memref<128xi32, #tpu.memory_space<hbm>>) dst(%dma_wait3A_310 : memref<128xi32, #tpu.memory_space<vmem>>)
      tpu.yield
    }) : () -> ()
    %dma_start3A = arith.constant 0 : i32
    %dma_start3A_68 = arith.constant 0 : i32
    %dma_start3A_69 = tpu.memref_slice %arg3[%dma_start3A, %dma_start3A_68] : memref<1000000x32xf32, #tpu.memory_space<hbm>> -> memref<1000000x32xf32, #tpu.memory_space<hbm>>
    tpu.enqueue_indirect_dma source(%dma_start3A_69 : memref<1000000x32xf32, #tpu.memory_space<hbm>>) target(%arg9 : memref<512x32xf32, #tpu.memory_space<vmem>>) offsets(%arg5 : memref<512xi32, #tpu.memory_space<vmem>>) semaphore(%arg19 : memref<!tpu.dma_semaphore, #tpu.memory_space<semaphore_mem>>)
    %add3A_70 = arith.constant 0 : i32
    %add3A_71 = arith.addi %mul3A_2, %add3A_70 : i32
    %run_scoped3A_72 = arith.constant 0 : i32
    %run_scoped3A_73 = arith.constant 1 : i32
    "tpu.region"() ({
      %run_scoped3A_293 = tpu.sem_alloc : memref<!tpu.dma_semaphore, #tpu.memory_space<semaphore_mem>>
      %dma_start3A_294 = arith.constant 0 : i32
      %dma_start3A_295 = tpu.memref_slice %arg6[%dma_start3A_294] : memref<512xi32, #tpu.memory_space<vmem>> -> memref<128xi32, #tpu.memory_space<vmem>>
      %dma_start3A_296 = arith.constant 0 : i32
      %dma_start3A_297 = tpu.memref_slice %arg2[%run_scoped3A_72, %add3A_71, %run_scoped3A_73, %dma_start3A_296] : memref<25x128x8x128xi32, #tpu.memory_space<hbm>> -> memref<1x1x1x128xi32, #tpu.memory_space<hbm>>
      %dma_start3A_298 = tpu.memref_squeeze %dma_start3A_297 : memref<1x1x1x128xi32, #tpu.memory_space<hbm>> -> memref<128xi32, #tpu.memory_space<hbm>>
      %dma_start3A_299 = arith.constant 0 : i32
      %dma_start3A_300 = tpu.memref_slice %arg6[%dma_start3A_299] : memref<512xi32, #tpu.memory_space<vmem>> -> memref<128xi32, #tpu.memory_space<vmem>>
      %dma_start3A_301 = arith.constant 0 : i32
      %dma_start3A_302 = tpu.memref_slice %arg2[%run_scoped3A_72, %add3A_71, %run_scoped3A_73, %dma_start3A_301] : memref<25x128x8x128xi32, #tpu.memory_space<hbm>> -> memref<1x1x1x128xi32, #tpu.memory_space<hbm>>
      %dma_start3A_303 = tpu.memref_squeeze %dma_start3A_302 : memref<1x1x1x128xi32, #tpu.memory_space<hbm>> -> memref<128xi32, #tpu.memory_space<hbm>>
      tpu.enqueue_dma source(%dma_start3A_303 : memref<128xi32, #tpu.memory_space<hbm>>) target(%dma_start3A_300 : memref<128xi32, #tpu.memory_space<vmem>>) target_semaphore(%run_scoped3A_293 : memref<!tpu.dma_semaphore, #tpu.memory_space<semaphore_mem>>)
      %dma_wait3A_304 = arith.constant 0 : i32
      %dma_wait3A_305 = tpu.memref_slice %arg6[%dma_wait3A_304] : memref<512xi32, #tpu.memory_space<vmem>> -> memref<128xi32, #tpu.memory_space<vmem>>
      %dma_wait3A_306 = arith.constant 0 : i32
      %dma_wait3A_307 = tpu.memref_slice %arg2[%run_scoped3A_72, %add3A_71, %run_scoped3A_73, %dma_wait3A_306] : memref<25x128x8x128xi32, #tpu.memory_space<hbm>> -> memref<1x1x1x128xi32, #tpu.memory_space<hbm>>
      %dma_wait3A_308 = tpu.memref_squeeze %dma_wait3A_307 : memref<1x1x1x128xi32, #tpu.memory_space<hbm>> -> memref<128xi32, #tpu.memory_space<hbm>>
      %dma_wait3A_309 = arith.constant 0 : i32
      %dma_wait3A_310 = tpu.memref_slice %arg6[%dma_wait3A_309] : memref<512xi32, #tpu.memory_space<vmem>> -> memref<128xi32, #tpu.memory_space<vmem>>
      %dma_wait3A_311 = arith.constant 0 : i32
      %dma_wait3A_312 = tpu.memref_slice %arg2[%run_scoped3A_72, %add3A_71, %run_scoped3A_73, %dma_wait3A_311] : memref<25x128x8x128xi32, #tpu.memory_space<hbm>> -> memref<1x1x1x128xi32, #tpu.memory_space<hbm>>
      %dma_wait3A_313 = tpu.memref_squeeze %dma_wait3A_312 : memref<1x1x1x128xi32, #tpu.memory_space<hbm>> -> memref<128xi32, #tpu.memory_space<hbm>>
      tpu.wait_dma2 semaphore(%run_scoped3A_293 : memref<!tpu.dma_semaphore, #tpu.memory_space<semaphore_mem>>) src(%dma_wait3A_313 : memref<128xi32, #tpu.memory_space<hbm>>) dst(%dma_wait3A_310 : memref<128xi32, #tpu.memory_space<vmem>>)
      tpu.yield
    }) : () -> ()
    %add3A_74 = arith.constant 1 : i32
    %add3A_75 = arith.addi %mul3A_2, %add3A_74 : i32
    %run_scoped3A_76 = arith.constant 0 : i32
    %run_scoped3A_77 = arith.constant 1 : i32
    "tpu.region"() ({
      %run_scoped3A_293 = tpu.sem_alloc : memref<!tpu.dma_semaphore, #tpu.memory_space<semaphore_mem>>
      %dma_start3A_294 = arith.constant 128 : i32
      %dma_start3A_295 = tpu.memref_slice %arg6[%dma_start3A_294] : memref<512xi32, #tpu.memory_space<vmem>> -> memref<128xi32, #tpu.memory_space<vmem>>
      %dma_start3A_296 = arith.constant 0 : i32
      %dma_start3A_297 = tpu.memref_slice %arg2[%run_scoped3A_76, %add3A_75, %run_scoped3A_77, %dma_start3A_296] : memref<25x128x8x128xi32, #tpu.memory_space<hbm>> -> memref<1x1x1x128xi32, #tpu.memory_space<hbm>>
      %dma_start3A_298 = tpu.memref_squeeze %dma_start3A_297 : memref<1x1x1x128xi32, #tpu.memory_space<hbm>> -> memref<128xi32, #tpu.memory_space<hbm>>
      %dma_start3A_299 = arith.constant 128 : i32
      %dma_start3A_300 = tpu.memref_slice %arg6[%dma_start3A_299] : memref<512xi32, #tpu.memory_space<vmem>> -> memref<128xi32, #tpu.memory_space<vmem>>
      %dma_start3A_301 = arith.constant 0 : i32
      %dma_start3A_302 = tpu.memref_slice %arg2[%run_scoped3A_76, %add3A_75, %run_scoped3A_77, %dma_start3A_301] : memref<25x128x8x128xi32, #tpu.memory_space<hbm>> -> memref<1x1x1x128xi32, #tpu.memory_space<hbm>>
      %dma_start3A_303 = tpu.memref_squeeze %dma_start3A_302 : memref<1x1x1x128xi32, #tpu.memory_space<hbm>> -> memref<128xi32, #tpu.memory_space<hbm>>
      tpu.enqueue_dma source(%dma_start3A_303 : memref<128xi32, #tpu.memory_space<hbm>>) target(%dma_start3A_300 : memref<128xi32, #tpu.memory_space<vmem>>) target_semaphore(%run_scoped3A_293 : memref<!tpu.dma_semaphore, #tpu.memory_space<semaphore_mem>>)
      %dma_wait3A_304 = arith.constant 128 : i32
      %dma_wait3A_305 = tpu.memref_slice %arg6[%dma_wait3A_304] : memref<512xi32, #tpu.memory_space<vmem>> -> memref<128xi32, #tpu.memory_space<vmem>>
      %dma_wait3A_306 = arith.constant 0 : i32
      %dma_wait3A_307 = tpu.memref_slice %arg2[%run_scoped3A_76, %add3A_75, %run_scoped3A_77, %dma_wait3A_306] : memref<25x128x8x128xi32, #tpu.memory_space<hbm>> -> memref<1x1x1x128xi32, #tpu.memory_space<hbm>>
      %dma_wait3A_308 = tpu.memref_squeeze %dma_wait3A_307 : memref<1x1x1x128xi32, #tpu.memory_space<hbm>> -> memref<128xi32, #tpu.memory_space<hbm>>
      %dma_wait3A_309 = arith.constant 128 : i32
      %dma_wait3A_310 = tpu.memref_slice %arg6[%dma_wait3A_309] : memref<512xi32, #tpu.memory_space<vmem>> -> memref<128xi32, #tpu.memory_space<vmem>>
      %dma_wait3A_311 = arith.constant 0 : i32
      %dma_wait3A_312 = tpu.memref_slice %arg2[%run_scoped3A_76, %add3A_75, %run_scoped3A_77, %dma_wait3A_311] : memref<25x128x8x128xi32, #tpu.memory_space<hbm>> -> memref<1x1x1x128xi32, #tpu.memory_space<hbm>>
      %dma_wait3A_313 = tpu.memref_squeeze %dma_wait3A_312 : memref<1x1x1x128xi32, #tpu.memory_space<hbm>> -> memref<128xi32, #tpu.memory_space<hbm>>
      tpu.wait_dma2 semaphore(%run_scoped3A_293 : memref<!tpu.dma_semaphore, #tpu.memory_space<semaphore_mem>>) src(%dma_wait3A_313 : memref<128xi32, #tpu.memory_space<hbm>>) dst(%dma_wait3A_310 : memref<128xi32, #tpu.memory_space<vmem>>)
      tpu.yield
    }) : () -> ()
    %add3A_78 = arith.constant 2 : i32
    %add3A_79 = arith.addi %mul3A_2, %add3A_78 : i32
    %run_scoped3A_80 = arith.constant 0 : i32
    %run_scoped3A_81 = arith.constant 1 : i32
    "tpu.region"() ({
      %run_scoped3A_293 = tpu.sem_alloc : memref<!tpu.dma_semaphore, #tpu.memory_space<semaphore_mem>>
      %dma_start3A_294 = arith.constant 256 : i32
      %dma_start3A_295 = tpu.memref_slice %arg6[%dma_start3A_294] : memref<512xi32, #tpu.memory_space<vmem>> -> memref<128xi32, #tpu.memory_space<vmem>>
      %dma_start3A_296 = arith.constant 0 : i32
      %dma_start3A_297 = tpu.memref_slice %arg2[%run_scoped3A_80, %add3A_79, %run_scoped3A_81, %dma_start3A_296] : memref<25x128x8x128xi32, #tpu.memory_space<hbm>> -> memref<1x1x1x128xi32, #tpu.memory_space<hbm>>
      %dma_start3A_298 = tpu.memref_squeeze %dma_start3A_297 : memref<1x1x1x128xi32, #tpu.memory_space<hbm>> -> memref<128xi32, #tpu.memory_space<hbm>>
      %dma_start3A_299 = arith.constant 256 : i32
      %dma_start3A_300 = tpu.memref_slice %arg6[%dma_start3A_299] : memref<512xi32, #tpu.memory_space<vmem>> -> memref<128xi32, #tpu.memory_space<vmem>>
      %dma_start3A_301 = arith.constant 0 : i32
      %dma_start3A_302 = tpu.memref_slice %arg2[%run_scoped3A_80, %add3A_79, %run_scoped3A_81, %dma_start3A_301] : memref<25x128x8x128xi32, #tpu.memory_space<hbm>> -> memref<1x1x1x128xi32, #tpu.memory_space<hbm>>
      %dma_start3A_303 = tpu.memref_squeeze %dma_start3A_302 : memref<1x1x1x128xi32, #tpu.memory_space<hbm>> -> memref<128xi32, #tpu.memory_space<hbm>>
      tpu.enqueue_dma source(%dma_start3A_303 : memref<128xi32, #tpu.memory_space<hbm>>) target(%dma_start3A_300 : memref<128xi32, #tpu.memory_space<vmem>>) target_semaphore(%run_scoped3A_293 : memref<!tpu.dma_semaphore, #tpu.memory_space<semaphore_mem>>)
      %dma_wait3A_304 = arith.constant 256 : i32
      %dma_wait3A_305 = tpu.memref_slice %arg6[%dma_wait3A_304] : memref<512xi32, #tpu.memory_space<vmem>> -> memref<128xi32, #tpu.memory_space<vmem>>
      %dma_wait3A_306 = arith.constant 0 : i32
      %dma_wait3A_307 = tpu.memref_slice %arg2[%run_scoped3A_80, %add3A_79, %run_scoped3A_81, %dma_wait3A_306] : memref<25x128x8x128xi32, #tpu.memory_space<hbm>> -> memref<1x1x1x128xi32, #tpu.memory_space<hbm>>
      %dma_wait3A_308 = tpu.memref_squeeze %dma_wait3A_307 : memref<1x1x1x128xi32, #tpu.memory_space<hbm>> -> memref<128xi32, #tpu.memory_space<hbm>>
      %dma_wait3A_309 = arith.constant 256 : i32
      %dma_wait3A_310 = tpu.memref_slice %arg6[%dma_wait3A_309] : memref<512xi32, #tpu.memory_space<vmem>> -> memref<128xi32, #tpu.memory_space<vmem>>
      %dma_wait3A_311 = arith.constant 0 : i32
      %dma_wait3A_312 = tpu.memref_slice %arg2[%run_scoped3A_80, %add3A_79, %run_scoped3A_81, %dma_wait3A_311] : memref<25x128x8x128xi32, #tpu.memory_space<hbm>> -> memref<1x1x1x128xi32, #tpu.memory_space<hbm>>
      %dma_wait3A_313 = tpu.memref_squeeze %dma_wait3A_312 : memref<1x1x1x128xi32, #tpu.memory_space<hbm>> -> memref<128xi32, #tpu.memory_space<hbm>>
      tpu.wait_dma2 semaphore(%run_scoped3A_293 : memref<!tpu.dma_semaphore, #tpu.memory_space<semaphore_mem>>) src(%dma_wait3A_313 : memref<128xi32, #tpu.memory_space<hbm>>) dst(%dma_wait3A_310 : memref<128xi32, #tpu.memory_space<vmem>>)
      tpu.yield
    }) : () -> ()
    %add3A_82 = arith.constant 3 : i32
    %add3A_83 = arith.addi %mul3A_2, %add3A_82 : i32
    %run_scoped3A_84 = arith.constant 0 : i32
    %run_scoped3A_85 = arith.constant 1 : i32
    "tpu.region"() ({
      %run_scoped3A_293 = tpu.sem_alloc : memref<!tpu.dma_semaphore, #tpu.memory_space<semaphore_mem>>
      %dma_start3A_294 = arith.constant 384 : i32
      %dma_start3A_295 = tpu.memref_slice %arg6[%dma_start3A_294] : memref<512xi32, #tpu.memory_space<vmem>> -> memref<128xi32, #tpu.memory_space<vmem>>
      %dma_start3A_296 = arith.constant 0 : i32
      %dma_start3A_297 = tpu.memref_slice %arg2[%run_scoped3A_84, %add3A_83, %run_scoped3A_85, %dma_start3A_296] : memref<25x128x8x128xi32, #tpu.memory_space<hbm>> -> memref<1x1x1x128xi32, #tpu.memory_space<hbm>>
      %dma_start3A_298 = tpu.memref_squeeze %dma_start3A_297 : memref<1x1x1x128xi32, #tpu.memory_space<hbm>> -> memref<128xi32, #tpu.memory_space<hbm>>
      %dma_start3A_299 = arith.constant 384 : i32
      %dma_start3A_300 = tpu.memref_slice %arg6[%dma_start3A_299] : memref<512xi32, #tpu.memory_space<vmem>> -> memref<128xi32, #tpu.memory_space<vmem>>
      %dma_start3A_301 = arith.constant 0 : i32
      %dma_start3A_302 = tpu.memref_slice %arg2[%run_scoped3A_84, %add3A_83, %run_scoped3A_85, %dma_start3A_301] : memref<25x128x8x128xi32, #tpu.memory_space<hbm>> -> memref<1x1x1x128xi32, #tpu.memory_space<hbm>>
      %dma_start3A_303 = tpu.memref_squeeze %dma_start3A_302 : memref<1x1x1x128xi32, #tpu.memory_space<hbm>> -> memref<128xi32, #tpu.memory_space<hbm>>
      tpu.enqueue_dma source(%dma_start3A_303 : memref<128xi32, #tpu.memory_space<hbm>>) target(%dma_start3A_300 : memref<128xi32, #tpu.memory_space<vmem>>) target_semaphore(%run_scoped3A_293 : memref<!tpu.dma_semaphore, #tpu.memory_space<semaphore_mem>>)
      %dma_wait3A_304 = arith.constant 384 : i32
      %dma_wait3A_305 = tpu.memref_slice %arg6[%dma_wait3A_304] : memref<512xi32, #tpu.memory_space<vmem>> -> memref<128xi32, #tpu.memory_space<vmem>>
      %dma_wait3A_306 = arith.constant 0 : i32
      %dma_wait3A_307 = tpu.memref_slice %arg2[%run_scoped3A_84, %add3A_83, %run_scoped3A_85, %dma_wait3A_306] : memref<25x128x8x128xi32, #tpu.memory_space<hbm>> -> memref<1x1x1x128xi32, #tpu.memory_space<hbm>>
      %dma_wait3A_308 = tpu.memref_squeeze %dma_wait3A_307 : memref<1x1x1x128xi32, #tpu.memory_space<hbm>> -> memref<128xi32, #tpu.memory_space<hbm>>
      %dma_wait3A_309 = arith.constant 384 : i32
      %dma_wait3A_310 = tpu.memref_slice %arg6[%dma_wait3A_309] : memref<512xi32, #tpu.memory_space<vmem>> -> memref<128xi32, #tpu.memory_space<vmem>>
      %dma_wait3A_311 = arith.constant 0 : i32
      %dma_wait3A_312 = tpu.memref_slice %arg2[%run_scoped3A_84, %add3A_83, %run_scoped3A_85, %dma_wait3A_311] : memref<25x128x8x128xi32, #tpu.memory_space<hbm>> -> memref<1x1x1x128xi32, #tpu.memory_space<hbm>>
      %dma_wait3A_313 = tpu.memref_squeeze %dma_wait3A_312 : memref<1x1x1x128xi32, #tpu.memory_space<hbm>> -> memref<128xi32, #tpu.memory_space<hbm>>
      tpu.wait_dma2 semaphore(%run_scoped3A_293 : memref<!tpu.dma_semaphore, #tpu.memory_space<semaphore_mem>>) src(%dma_wait3A_313 : memref<128xi32, #tpu.memory_space<hbm>>) dst(%dma_wait3A_310 : memref<128xi32, #tpu.memory_space<vmem>>)
      tpu.yield
    }) : () -> ()
    %dma_start3A_86 = arith.constant 0 : i32
    %dma_start3A_87 = arith.constant 0 : i32
    %dma_start3A_88 = tpu.memref_slice %arg3[%dma_start3A_86, %dma_start3A_87] : memref<1000000x32xf32, #tpu.memory_space<hbm>> -> memref<1000000x32xf32, #tpu.memory_space<hbm>>
    tpu.enqueue_indirect_dma source(%dma_start3A_88 : memref<1000000x32xf32, #tpu.memory_space<hbm>>) target(%arg10 : memref<512x32xf32, #tpu.memory_space<vmem>>) offsets(%arg6 : memref<512xi32, #tpu.memory_space<vmem>>) semaphore(%arg20 : memref<!tpu.dma_semaphore, #tpu.memory_space<semaphore_mem>>)
    %add3A_89 = arith.constant 0 : i32
    %add3A_90 = arith.addi %mul3A_2, %add3A_89 : i32
    %dma_start3A_91 = arith.constant 0 : i32
    %dma_start3A_92 = arith.constant 2 : i32
    %dma_start3A_93 = arith.constant 0 : i32
    %dma_start3A_94 = tpu.memref_slice %arg7[%dma_start3A_93] : memref<512xi32, #tpu.memory_space<vmem>> -> memref<128xi32, #tpu.memory_space<vmem>>
    %dma_start3A_95 = arith.constant 0 : i32
    %dma_start3A_96 = tpu.memref_slice %arg2[%dma_start3A_91, %add3A_90, %dma_start3A_92, %dma_start3A_95] : memref<25x128x8x128xi32, #tpu.memory_space<hbm>> -> memref<1x1x1x128xi32, #tpu.memory_space<hbm>>
    %dma_start3A_97 = tpu.memref_squeeze %dma_start3A_96 : memref<1x1x1x128xi32, #tpu.memory_space<hbm>> -> memref<128xi32, #tpu.memory_space<hbm>>
    %dma_start3A_98 = arith.constant 0 : i32
    %dma_start3A_99 = tpu.memref_slice %arg7[%dma_start3A_98] : memref<512xi32, #tpu.memory_space<vmem>> -> memref<128xi32, #tpu.memory_space<vmem>>
    %dma_start3A_100 = arith.constant 0 : i32
    %dma_start3A_101 = tpu.memref_slice %arg2[%dma_start3A_91, %add3A_90, %dma_start3A_92, %dma_start3A_100] : memref<25x128x8x128xi32, #tpu.memory_space<hbm>> -> memref<1x1x1x128xi32, #tpu.memory_space<hbm>>
    %dma_start3A_102 = tpu.memref_squeeze %dma_start3A_101 : memref<1x1x1x128xi32, #tpu.memory_space<hbm>> -> memref<128xi32, #tpu.memory_space<hbm>>
    tpu.enqueue_dma source(%dma_start3A_102 : memref<128xi32, #tpu.memory_space<hbm>>) target(%dma_start3A_99 : memref<128xi32, #tpu.memory_space<vmem>>) target_semaphore(%arg17 : memref<!tpu.dma_semaphore, #tpu.memory_space<semaphore_mem>>)
    %add3A_103 = arith.constant 1 : i32
    %add3A_104 = arith.addi %mul3A_2, %add3A_103 : i32
    %dma_start3A_105 = arith.constant 0 : i32
    %dma_start3A_106 = arith.constant 2 : i32
    %dma_start3A_107 = arith.constant 128 : i32
    %dma_start3A_108 = tpu.memref_slice %arg7[%dma_start3A_107] : memref<512xi32, #tpu.memory_space<vmem>> -> memref<128xi32, #tpu.memory_space<vmem>>
    %dma_start3A_109 = arith.constant 0 : i32
    %dma_start3A_110 = tpu.memref_slice %arg2[%dma_start3A_105, %add3A_104, %dma_start3A_106, %dma_start3A_109] : memref<25x128x8x128xi32, #tpu.memory_space<hbm>> -> memref<1x1x1x128xi32, #tpu.memory_space<hbm>>
    %dma_start3A_111 = tpu.memref_squeeze %dma_start3A_110 : memref<1x1x1x128xi32, #tpu.memory_space<hbm>> -> memref<128xi32, #tpu.memory_space<hbm>>
    %dma_start3A_112 = arith.constant 128 : i32
    %dma_start3A_113 = tpu.memref_slice %arg7[%dma_start3A_112] : memref<512xi32, #tpu.memory_space<vmem>> -> memref<128xi32, #tpu.memory_space<vmem>>
    %dma_start3A_114 = arith.constant 0 : i32
    %dma_start3A_115 = tpu.memref_slice %arg2[%dma_start3A_105, %add3A_104, %dma_start3A_106, %dma_start3A_114] : memref<25x128x8x128xi32, #tpu.memory_space<hbm>> -> memref<1x1x1x128xi32, #tpu.memory_space<hbm>>
    %dma_start3A_116 = tpu.memref_squeeze %dma_start3A_115 : memref<1x1x1x128xi32, #tpu.memory_space<hbm>> -> memref<128xi32, #tpu.memory_space<hbm>>
    tpu.enqueue_dma source(%dma_start3A_116 : memref<128xi32, #tpu.memory_space<hbm>>) target(%dma_start3A_113 : memref<128xi32, #tpu.memory_space<vmem>>) target_semaphore(%arg17 : memref<!tpu.dma_semaphore, #tpu.memory_space<semaphore_mem>>)
    %add3A_117 = arith.constant 2 : i32
    %add3A_118 = arith.addi %mul3A_2, %add3A_117 : i32
    %dma_start3A_119 = arith.constant 0 : i32
    %dma_start3A_120 = arith.constant 2 : i32
    %dma_start3A_121 = arith.constant 256 : i32
    %dma_start3A_122 = tpu.memref_slice %arg7[%dma_start3A_121] : memref<512xi32, #tpu.memory_space<vmem>> -> memref<128xi32, #tpu.memory_space<vmem>>
    %dma_start3A_123 = arith.constant 0 : i32
    %dma_start3A_124 = tpu.memref_slice %arg2[%dma_start3A_119, %add3A_118, %dma_start3A_120, %dma_start3A_123] : memref<25x128x8x128xi32, #tpu.memory_space<hbm>> -> memref<1x1x1x128xi32, #tpu.memory_space<hbm>>
    %dma_start3A_125 = tpu.memref_squeeze %dma_start3A_124 : memref<1x1x1x128xi32, #tpu.memory_space<hbm>> -> memref<128xi32, #tpu.memory_space<hbm>>
    %dma_start3A_126 = arith.constant 256 : i32
    %dma_start3A_127 = tpu.memref_slice %arg7[%dma_start3A_126] : memref<512xi32, #tpu.memory_space<vmem>> -> memref<128xi32, #tpu.memory_space<vmem>>
    %dma_start3A_128 = arith.constant 0 : i32
    %dma_start3A_129 = tpu.memref_slice %arg2[%dma_start3A_119, %add3A_118, %dma_start3A_120, %dma_start3A_128] : memref<25x128x8x128xi32, #tpu.memory_space<hbm>> -> memref<1x1x1x128xi32, #tpu.memory_space<hbm>>
    %dma_start3A_130 = tpu.memref_squeeze %dma_start3A_129 : memref<1x1x1x128xi32, #tpu.memory_space<hbm>> -> memref<128xi32, #tpu.memory_space<hbm>>
    tpu.enqueue_dma source(%dma_start3A_130 : memref<128xi32, #tpu.memory_space<hbm>>) target(%dma_start3A_127 : memref<128xi32, #tpu.memory_space<vmem>>) target_semaphore(%arg17 : memref<!tpu.dma_semaphore, #tpu.memory_space<semaphore_mem>>)
    %add3A_131 = arith.constant 3 : i32
    %add3A_132 = arith.addi %mul3A_2, %add3A_131 : i32
    %dma_start3A_133 = arith.constant 0 : i32
    %dma_start3A_134 = arith.constant 2 : i32
    %dma_start3A_135 = arith.constant 384 : i32
    %dma_start3A_136 = tpu.memref_slice %arg7[%dma_start3A_135] : memref<512xi32, #tpu.memory_space<vmem>> -> memref<128xi32, #tpu.memory_space<vmem>>
    %dma_start3A_137 = arith.constant 0 : i32
    %dma_start3A_138 = tpu.memref_slice %arg2[%dma_start3A_133, %add3A_132, %dma_start3A_134, %dma_start3A_137] : memref<25x128x8x128xi32, #tpu.memory_space<hbm>> -> memref<1x1x1x128xi32, #tpu.memory_space<hbm>>
    %dma_start3A_139 = tpu.memref_squeeze %dma_start3A_138 : memref<1x1x1x128xi32, #tpu.memory_space<hbm>> -> memref<128xi32, #tpu.memory_space<hbm>>
    %dma_start3A_140 = arith.constant 384 : i32
    %dma_start3A_141 = tpu.memref_slice %arg7[%dma_start3A_140] : memref<512xi32, #tpu.memory_space<vmem>> -> memref<128xi32, #tpu.memory_space<vmem>>
    %dma_start3A_142 = arith.constant 0 : i32
    %dma_start3A_143 = tpu.memref_slice %arg2[%dma_start3A_133, %add3A_132, %dma_start3A_134, %dma_start3A_142] : memref<25x128x8x128xi32, #tpu.memory_space<hbm>> -> memref<1x1x1x128xi32, #tpu.memory_space<hbm>>
    %dma_start3A_144 = tpu.memref_squeeze %dma_start3A_143 : memref<1x1x1x128xi32, #tpu.memory_space<hbm>> -> memref<128xi32, #tpu.memory_space<hbm>>
    tpu.enqueue_dma source(%dma_start3A_144 : memref<128xi32, #tpu.memory_space<hbm>>) target(%dma_start3A_141 : memref<128xi32, #tpu.memory_space<vmem>>) target_semaphore(%arg17 : memref<!tpu.dma_semaphore, #tpu.memory_space<semaphore_mem>>)
    %scan3A = arith.constant 0 : i32
    %scan3A_145 = arith.constant 0 : i32
    %scan3A_146 = arith.constant 50 : i32
    %scan3A_147 = arith.addi %scan3A_145, %scan3A_146 : i32
    %scan3A_148 = arith.constant 1 : i32
    scf.for %scan3A_293 = %scan3A_145 to %scan3A_147 step %scan3A_148  : i32 {
      %mul3A_294 = arith.constant 4 : i32
      %mul3A_295 = arith.muli %scan3A_293, %mul3A_294 : i32
      %add3A_296 = arith.constant 0 : i32
      %add3A_297 = arith.addi %mul3A_295, %add3A_296 : i32
      %dma_wait3A_298 = arith.constant 0 : i32
      %dma_wait3A_299 = arith.constant 0 : i32
      %dma_wait3A_300 = tpu.memref_slice %arg3[%dma_wait3A_298, %dma_wait3A_299] : memref<1000000x32xf32, #tpu.memory_space<hbm>> -> memref<1000000x32xf32, #tpu.memory_space<hbm>>
      tpu.wait_indirect_dma semaphore(%arg19 : memref<!tpu.dma_semaphore, #tpu.memory_space<semaphore_mem>>) src(%dma_wait3A_300 : memref<1000000x32xf32, #tpu.memory_space<hbm>>) dst(%arg9 : memref<512x32xf32, #tpu.memory_space<vmem>>)
      %add3A_301 = arith.constant 2 : i32
      %add3A_302 = arith.addi %add3A_297, %add3A_301 : i32
      %lt3A_303 = arith.constant 200 : i32
      %lt3A_304 = arith.cmpi slt, %add3A_302, %lt3A_303 : i32
      %convert_element_type3A = arith.extui %lt3A_304 : i1 to i32
      %cond3A = arith.constant 0 : i32
      %cond3A_305 = arith.cmpi ne, %convert_element_type3A, %cond3A : i32
      scf.if %cond3A_305 {
        %add3A_672 = arith.constant 2 : i32
        %add3A_673 = arith.addi %add3A_297, %add3A_672 : i32
        %jit3A_674 = arith.constant 8 : i32
        %div3A_675 = arith.divsi %add3A_673, %jit3A_674 : i32
        %sign3A_676 = arith.constant 0 : i32
        %sign3A_677 = arith.cmpi sgt, %add3A_673, %sign3A_676 : i32
        %sign3A_678 = arith.extui %sign3A_677 : i1 to i32
        %sign3A_679 = arith.constant 0 : i32
        %sign3A_680 = arith.cmpi slt, %add3A_673, %sign3A_679 : i32
        %sign3A_681 = arith.extui %sign3A_680 : i1 to i32
        %sign3A_682 = arith.subi %sign3A_678, %sign3A_681 : i32
        %sign3A_683 = arith.constant 0 : i32
        %sign3A_684 = arith.cmpi sgt, %jit3A_674, %sign3A_683 : i32
        %sign3A_685 = arith.extui %sign3A_684 : i1 to i32
        %sign3A_686 = arith.constant 0 : i32
        %sign3A_687 = arith.cmpi slt, %jit3A_674, %sign3A_686 : i32
        %sign3A_688 = arith.extui %sign3A_687 : i1 to i32
        %sign3A_689 = arith.subi %sign3A_685, %sign3A_688 : i32
        %ne3A_690 = arith.cmpi ne, %sign3A_682, %sign3A_689 : i32
        %rem3A_691 = arith.remsi %add3A_673, %jit3A_674 : i32
        %ne3A_692 = arith.constant 0 : i32
        %ne3A_693 = arith.cmpi ne, %rem3A_691, %ne3A_692 : i32
        %and3A_694 = arith.andi %ne3A_690, %ne3A_693 : i1
        %sub3A_695 = arith.constant 1 : i32
        %sub3A_696 = arith.subi %div3A_675, %sub3A_695 : i32
        %select_n3A_697 = arith.select %and3A_694, %sub3A_696, %div3A_675 : i32
        %add3A_698 = arith.constant 0 : i32
        %add3A_699 = arith.addi %mul3A_2, %add3A_698 : i32
        %jit3A_700 = arith.constant 8 : i32
        %eq3A_701 = arith.constant 0 : i32
        %eq3A_702 = arith.cmpi eq, %jit3A_700, %eq3A_701 : i32
        %jit3A_703 = arith.constant 1 : i32
        %select_n3A_704 = arith.select %eq3A_702, %jit3A_703, %jit3A_700 : i32
        %rem3A_705 = arith.remsi %add3A_673, %select_n3A_704 : i32
        %ne3A_706 = arith.constant 0 : i32
        %ne3A_707 = arith.cmpi ne, %rem3A_705, %ne3A_706 : i32
        %lt3A_708 = arith.constant 0 : i32
        %lt3A_709 = arith.cmpi slt, %rem3A_705, %lt3A_708 : i32
        %lt3A_710 = arith.constant 0 : i32
        %lt3A_711 = arith.cmpi slt, %select_n3A_704, %lt3A_710 : i32
        %ne3A_712 = arith.xori %lt3A_709, %lt3A_711 : i1
        %and3A_713 = arith.andi %ne3A_712, %ne3A_707 : i1
        %add3A_714 = arith.addi %rem3A_705, %select_n3A_704 : i32
        %select_n3A_715 = arith.select %and3A_713, %add3A_714, %rem3A_705 : i32
        %dma_wait3A_716 = arith.constant 0 : i32
        %dma_wait3A_717 = tpu.memref_slice %arg7[%dma_wait3A_716] : memref<512xi32, #tpu.memory_space<vmem>> -> memref<128xi32, #tpu.memory_space<vmem>>
        %dma_wait3A_718 = arith.constant 0 : i32
        %dma_wait3A_719 = tpu.memref_slice %arg2[%select_n3A_697, %add3A_699, %select_n3A_715, %dma_wait3A_718] : memref<25x128x8x128xi32, #tpu.memory_space<hbm>> -> memref<1x1x1x128xi32, #tpu.memory_space<hbm>>
        %dma_wait3A_720 = tpu.memref_squeeze %dma_wait3A_719 : memref<1x1x1x128xi32, #tpu.memory_space<hbm>> -> memref<128xi32, #tpu.memory_space<hbm>>
        %dma_wait3A_721 = arith.constant 0 : i32
        %dma_wait3A_722 = tpu.memref_slice %arg7[%dma_wait3A_721] : memref<512xi32, #tpu.memory_space<vmem>> -> memref<128xi32, #tpu.memory_space<vmem>>
        %dma_wait3A_723 = arith.constant 0 : i32
        %dma_wait3A_724 = tpu.memref_slice %arg2[%select_n3A_697, %add3A_699, %select_n3A_715, %dma_wait3A_723] : memref<25x128x8x128xi32, #tpu.memory_space<hbm>> -> memref<1x1x1x128xi32, #tpu.memory_space<hbm>>
        %dma_wait3A_725 = tpu.memref_squeeze %dma_wait3A_724 : memref<1x1x1x128xi32, #tpu.memory_space<hbm>> -> memref<128xi32, #tpu.memory_space<hbm>>
        tpu.wait_dma2 semaphore(%arg17 : memref<!tpu.dma_semaphore, #tpu.memory_space<semaphore_mem>>) src(%dma_wait3A_725 : memref<128xi32, #tpu.memory_space<hbm>>) dst(%dma_wait3A_722 : memref<128xi32, #tpu.memory_space<vmem>>)
        %jit3A_726 = arith.constant 8 : i32
        %div3A_727 = arith.divsi %add3A_673, %jit3A_726 : i32
        %sign3A_728 = arith.constant 0 : i32
        %sign3A_729 = arith.cmpi sgt, %add3A_673, %sign3A_728 : i32
        %sign3A_730 = arith.extui %sign3A_729 : i1 to i32
        %sign3A_731 = arith.constant 0 : i32
        %sign3A_732 = arith.cmpi slt, %add3A_673, %sign3A_731 : i32
        %sign3A_733 = arith.extui %sign3A_732 : i1 to i32
        %sign3A_734 = arith.subi %sign3A_730, %sign3A_733 : i32
        %sign3A_735 = arith.constant 0 : i32
        %sign3A_736 = arith.cmpi sgt, %jit3A_726, %sign3A_735 : i32
        %sign3A_737 = arith.extui %sign3A_736 : i1 to i32
        %sign3A_738 = arith.constant 0 : i32
        %sign3A_739 = arith.cmpi slt, %jit3A_726, %sign3A_738 : i32
        %sign3A_740 = arith.extui %sign3A_739 : i1 to i32
        %sign3A_741 = arith.subi %sign3A_737, %sign3A_740 : i32
        %ne3A_742 = arith.cmpi ne, %sign3A_734, %sign3A_741 : i32
        %rem3A_743 = arith.remsi %add3A_673, %jit3A_726 : i32
        %ne3A_744 = arith.constant 0 : i32
        %ne3A_745 = arith.cmpi ne, %rem3A_743, %ne3A_744 : i32
        %and3A_746 = arith.andi %ne3A_742, %ne3A_745 : i1
        %sub3A_747 = arith.constant 1 : i32
        %sub3A_748 = arith.subi %div3A_727, %sub3A_747 : i32
        %select_n3A_749 = arith.select %and3A_746, %sub3A_748, %div3A_727 : i32
        %add3A_750 = arith.constant 1 : i32
        %add3A_751 = arith.addi %mul3A_2, %add3A_750 : i32
        %jit3A_752 = arith.constant 8 : i32
        %eq3A_753 = arith.constant 0 : i32
        %eq3A_754 = arith.cmpi eq, %jit3A_752, %eq3A_753 : i32
        %jit3A_755 = arith.constant 1 : i32
        %select_n3A_756 = arith.select %eq3A_754, %jit3A_755, %jit3A_752 : i32
        %rem3A_757 = arith.remsi %add3A_673, %select_n3A_756 : i32
        %ne3A_758 = arith.constant 0 : i32
        %ne3A_759 = arith.cmpi ne, %rem3A_757, %ne3A_758 : i32
        %lt3A_760 = arith.constant 0 : i32
        %lt3A_761 = arith.cmpi slt, %rem3A_757, %lt3A_760 : i32
        %lt3A_762 = arith.constant 0 : i32
        %lt3A_763 = arith.cmpi slt, %select_n3A_756, %lt3A_762 : i32
        %ne3A_764 = arith.xori %lt3A_761, %lt3A_763 : i1
        %and3A_765 = arith.andi %ne3A_764, %ne3A_759 : i1
        %add3A_766 = arith.addi %rem3A_757, %select_n3A_756 : i32
        %select_n3A_767 = arith.select %and3A_765, %add3A_766, %rem3A_757 : i32
        %dma_wait3A_768 = arith.constant 128 : i32
        %dma_wait3A_769 = tpu.memref_slice %arg7[%dma_wait3A_768] : memref<512xi32, #tpu.memory_space<vmem>> -> memref<128xi32, #tpu.memory_space<vmem>>
        %dma_wait3A_770 = arith.constant 0 : i32
        %dma_wait3A_771 = tpu.memref_slice %arg2[%select_n3A_749, %add3A_751, %select_n3A_767, %dma_wait3A_770] : memref<25x128x8x128xi32, #tpu.memory_space<hbm>> -> memref<1x1x1x128xi32, #tpu.memory_space<hbm>>
        %dma_wait3A_772 = tpu.memref_squeeze %dma_wait3A_771 : memref<1x1x1x128xi32, #tpu.memory_space<hbm>> -> memref<128xi32, #tpu.memory_space<hbm>>
        %dma_wait3A_773 = arith.constant 128 : i32
        %dma_wait3A_774 = tpu.memref_slice %arg7[%dma_wait3A_773] : memref<512xi32, #tpu.memory_space<vmem>> -> memref<128xi32, #tpu.memory_space<vmem>>
        %dma_wait3A_775 = arith.constant 0 : i32
        %dma_wait3A_776 = tpu.memref_slice %arg2[%select_n3A_749, %add3A_751, %select_n3A_767, %dma_wait3A_775] : memref<25x128x8x128xi32, #tpu.memory_space<hbm>> -> memref<1x1x1x128xi32, #tpu.memory_space<hbm>>
        %dma_wait3A_777 = tpu.memref_squeeze %dma_wait3A_776 : memref<1x1x1x128xi32, #tpu.memory_space<hbm>> -> memref<128xi32, #tpu.memory_space<hbm>>
        tpu.wait_dma2 semaphore(%arg17 : memref<!tpu.dma_semaphore, #tpu.memory_space<semaphore_mem>>) src(%dma_wait3A_777 : memref<128xi32, #tpu.memory_space<hbm>>) dst(%dma_wait3A_774 : memref<128xi32, #tpu.memory_space<vmem>>)
        %jit3A_778 = arith.constant 8 : i32
        %div3A_779 = arith.divsi %add3A_673, %jit3A_778 : i32
        %sign3A_780 = arith.constant 0 : i32
        %sign3A_781 = arith.cmpi sgt, %add3A_673, %sign3A_780 : i32
        %sign3A_782 = arith.extui %sign3A_781 : i1 to i32
        %sign3A_783 = arith.constant 0 : i32
        %sign3A_784 = arith.cmpi slt, %add3A_673, %sign3A_783 : i32
        %sign3A_785 = arith.extui %sign3A_784 : i1 to i32
        %sign3A_786 = arith.subi %sign3A_782, %sign3A_785 : i32
        %sign3A_787 = arith.constant 0 : i32
        %sign3A_788 = arith.cmpi sgt, %jit3A_778, %sign3A_787 : i32
        %sign3A_789 = arith.extui %sign3A_788 : i1 to i32
        %sign3A_790 = arith.constant 0 : i32
        %sign3A_791 = arith.cmpi slt, %jit3A_778, %sign3A_790 : i32
        %sign3A_792 = arith.extui %sign3A_791 : i1 to i32
        %sign3A_793 = arith.subi %sign3A_789, %sign3A_792 : i32
        %ne3A_794 = arith.cmpi ne, %sign3A_786, %sign3A_793 : i32
        %rem3A_795 = arith.remsi %add3A_673, %jit3A_778 : i32
        %ne3A_796 = arith.constant 0 : i32
        %ne3A_797 = arith.cmpi ne, %rem3A_795, %ne3A_796 : i32
        %and3A_798 = arith.andi %ne3A_794, %ne3A_797 : i1
        %sub3A_799 = arith.constant 1 : i32
        %sub3A_800 = arith.subi %div3A_779, %sub3A_799 : i32
        %select_n3A_801 = arith.select %and3A_798, %sub3A_800, %div3A_779 : i32
        %add3A_802 = arith.constant 2 : i32
        %add3A_803 = arith.addi %mul3A_2, %add3A_802 : i32
        %jit3A_804 = arith.constant 8 : i32
        %eq3A_805 = arith.constant 0 : i32
        %eq3A_806 = arith.cmpi eq, %jit3A_804, %eq3A_805 : i32
        %jit3A_807 = arith.constant 1 : i32
        %select_n3A_808 = arith.select %eq3A_806, %jit3A_807, %jit3A_804 : i32
        %rem3A_809 = arith.remsi %add3A_673, %select_n3A_808 : i32
        %ne3A_810 = arith.constant 0 : i32
        %ne3A_811 = arith.cmpi ne, %rem3A_809, %ne3A_810 : i32
        %lt3A_812 = arith.constant 0 : i32
        %lt3A_813 = arith.cmpi slt, %rem3A_809, %lt3A_812 : i32
        %lt3A_814 = arith.constant 0 : i32
        %lt3A_815 = arith.cmpi slt, %select_n3A_808, %lt3A_814 : i32
        %ne3A_816 = arith.xori %lt3A_813, %lt3A_815 : i1
        %and3A_817 = arith.andi %ne3A_816, %ne3A_811 : i1
        %add3A_818 = arith.addi %rem3A_809, %select_n3A_808 : i32
        %select_n3A_819 = arith.select %and3A_817, %add3A_818, %rem3A_809 : i32
        %dma_wait3A_820 = arith.constant 256 : i32
        %dma_wait3A_821 = tpu.memref_slice %arg7[%dma_wait3A_820] : memref<512xi32, #tpu.memory_space<vmem>> -> memref<128xi32, #tpu.memory_space<vmem>>
        %dma_wait3A_822 = arith.constant 0 : i32
        %dma_wait3A_823 = tpu.memref_slice %arg2[%select_n3A_801, %add3A_803, %select_n3A_819, %dma_wait3A_822] : memref<25x128x8x128xi32, #tpu.memory_space<hbm>> -> memref<1x1x1x128xi32, #tpu.memory_space<hbm>>
        %dma_wait3A_824 = tpu.memref_squeeze %dma_wait3A_823 : memref<1x1x1x128xi32, #tpu.memory_space<hbm>> -> memref<128xi32, #tpu.memory_space<hbm>>
        %dma_wait3A_825 = arith.constant 256 : i32
        %dma_wait3A_826 = tpu.memref_slice %arg7[%dma_wait3A_825] : memref<512xi32, #tpu.memory_space<vmem>> -> memref<128xi32, #tpu.memory_space<vmem>>
        %dma_wait3A_827 = arith.constant 0 : i32
        %dma_wait3A_828 = tpu.memref_slice %arg2[%select_n3A_801, %add3A_803, %select_n3A_819, %dma_wait3A_827] : memref<25x128x8x128xi32, #tpu.memory_space<hbm>> -> memref<1x1x1x128xi32, #tpu.memory_space<hbm>>
        %dma_wait3A_829 = tpu.memref_squeeze %dma_wait3A_828 : memref<1x1x1x128xi32, #tpu.memory_space<hbm>> -> memref<128xi32, #tpu.memory_space<hbm>>
        tpu.wait_dma2 semaphore(%arg17 : memref<!tpu.dma_semaphore, #tpu.memory_space<semaphore_mem>>) src(%dma_wait3A_829 : memref<128xi32, #tpu.memory_space<hbm>>) dst(%dma_wait3A_826 : memref<128xi32, #tpu.memory_space<vmem>>)
        %jit3A_830 = arith.constant 8 : i32
        %div3A_831 = arith.divsi %add3A_673, %jit3A_830 : i32
        %sign3A_832 = arith.constant 0 : i32
        %sign3A_833 = arith.cmpi sgt, %add3A_673, %sign3A_832 : i32
        %sign3A_834 = arith.extui %sign3A_833 : i1 to i32
        %sign3A_835 = arith.constant 0 : i32
        %sign3A_836 = arith.cmpi slt, %add3A_673, %sign3A_835 : i32
        %sign3A_837 = arith.extui %sign3A_836 : i1 to i32
        %sign3A_838 = arith.subi %sign3A_834, %sign3A_837 : i32
        %sign3A_839 = arith.constant 0 : i32
        %sign3A_840 = arith.cmpi sgt, %jit3A_830, %sign3A_839 : i32
        %sign3A_841 = arith.extui %sign3A_840 : i1 to i32
        %sign3A_842 = arith.constant 0 : i32
        %sign3A_843 = arith.cmpi slt, %jit3A_830, %sign3A_842 : i32
        %sign3A_844 = arith.extui %sign3A_843 : i1 to i32
        %sign3A_845 = arith.subi %sign3A_841, %sign3A_844 : i32
        %ne3A_846 = arith.cmpi ne, %sign3A_838, %sign3A_845 : i32
        %rem3A_847 = arith.remsi %add3A_673, %jit3A_830 : i32
        %ne3A_848 = arith.constant 0 : i32
        %ne3A_849 = arith.cmpi ne, %rem3A_847, %ne3A_848 : i32
        %and3A_850 = arith.andi %ne3A_846, %ne3A_849 : i1
        %sub3A_851 = arith.constant 1 : i32
        %sub3A_852 = arith.subi %div3A_831, %sub3A_851 : i32
        %select_n3A_853 = arith.select %and3A_850, %sub3A_852, %div3A_831 : i32
        %add3A_854 = arith.constant 3 : i32
        %add3A_855 = arith.addi %mul3A_2, %add3A_854 : i32
        %jit3A_856 = arith.constant 8 : i32
        %eq3A_857 = arith.constant 0 : i32
        %eq3A_858 = arith.cmpi eq, %jit3A_856, %eq3A_857 : i32
        %jit3A_859 = arith.constant 1 : i32
        %select_n3A_860 = arith.select %eq3A_858, %jit3A_859, %jit3A_856 : i32
        %rem3A_861 = arith.remsi %add3A_673, %select_n3A_860 : i32
        %ne3A_862 = arith.constant 0 : i32
        %ne3A_863 = arith.cmpi ne, %rem3A_861, %ne3A_862 : i32
        %lt3A_864 = arith.constant 0 : i32
        %lt3A_865 = arith.cmpi slt, %rem3A_861, %lt3A_864 : i32
        %lt3A_866 = arith.constant 0 : i32
        %lt3A_867 = arith.cmpi slt, %select_n3A_860, %lt3A_866 : i32
        %ne3A_868 = arith.xori %lt3A_865, %lt3A_867 : i1
        %and3A_869 = arith.andi %ne3A_868, %ne3A_863 : i1
        %add3A_870 = arith.addi %rem3A_861, %select_n3A_860 : i32
        %select_n3A_871 = arith.select %and3A_869, %add3A_870, %rem3A_861 : i32
        %dma_wait3A_872 = arith.constant 384 : i32
        %dma_wait3A_873 = tpu.memref_slice %arg7[%dma_wait3A_872] : memref<512xi32, #tpu.memory_space<vmem>> -> memref<128xi32, #tpu.memory_space<vmem>>
        %dma_wait3A_874 = arith.constant 0 : i32
        %dma_wait3A_875 = tpu.memref_slice %arg2[%select_n3A_853, %add3A_855, %select_n3A_871, %dma_wait3A_874] : memref<25x128x8x128xi32, #tpu.memory_space<hbm>> -> memref<1x1x1x128xi32, #tpu.memory_space<hbm>>
        %dma_wait3A_876 = tpu.memref_squeeze %dma_wait3A_875 : memref<1x1x1x128xi32, #tpu.memory_space<hbm>> -> memref<128xi32, #tpu.memory_space<hbm>>
        %dma_wait3A_877 = arith.constant 384 : i32
        %dma_wait3A_878 = tpu.memref_slice %arg7[%dma_wait3A_877] : memref<512xi32, #tpu.memory_space<vmem>> -> memref<128xi32, #tpu.memory_space<vmem>>
        %dma_wait3A_879 = arith.constant 0 : i32
        %dma_wait3A_880 = tpu.memref_slice %arg2[%select_n3A_853, %add3A_855, %select_n3A_871, %dma_wait3A_879] : memref<25x128x8x128xi32, #tpu.memory_space<hbm>> -> memref<1x1x1x128xi32, #tpu.memory_space<hbm>>
        %dma_wait3A_881 = tpu.memref_squeeze %dma_wait3A_880 : memref<1x1x1x128xi32, #tpu.memory_space<hbm>> -> memref<128xi32, #tpu.memory_space<hbm>>
        tpu.wait_dma2 semaphore(%arg17 : memref<!tpu.dma_semaphore, #tpu.memory_space<semaphore_mem>>) src(%dma_wait3A_881 : memref<128xi32, #tpu.memory_space<hbm>>) dst(%dma_wait3A_878 : memref<128xi32, #tpu.memory_space<vmem>>)
        %dma_start3A_882 = arith.constant 0 : i32
        %dma_start3A_883 = arith.constant 0 : i32
        %dma_start3A_884 = tpu.memref_slice %arg3[%dma_start3A_882, %dma_start3A_883] : memref<1000000x32xf32, #tpu.memory_space<hbm>> -> memref<1000000x32xf32, #tpu.memory_space<hbm>>
        tpu.enqueue_indirect_dma source(%dma_start3A_884 : memref<1000000x32xf32, #tpu.memory_space<hbm>>) target(%arg11 : memref<512x32xf32, #tpu.memory_space<vmem>>) offsets(%arg7 : memref<512xi32, #tpu.memory_space<vmem>>) semaphore(%arg21 : memref<!tpu.dma_semaphore, #tpu.memory_space<semaphore_mem>>)
      } else {
      }
      %ge3A = arith.constant 2 : i32
      %ge3A_306 = arith.cmpi sge, %add3A_297, %ge3A : i32
      %convert_element_type3A_307 = arith.extui %ge3A_306 : i1 to i32
      %cond3A_308 = arith.constant 0 : i32
      %cond3A_309 = arith.cmpi ne, %convert_element_type3A_307, %cond3A_308 : i32
      scf.if %cond3A_309 {
        %sub3A_672 = arith.constant 2 : i32
        %sub3A_673 = arith.subi %add3A_297, %sub3A_672 : i32
        %mul3A_674 = arith.constant 4 : i32
        %mul3A_675 = arith.muli %add3A, %mul3A_674 : i32
        %mul3A_676 = arith.constant 8 : i32
        %mul3A_677 = arith.muli %mul3A_675, %mul3A_676 : i32
        %dma_wait3A_678 = arith.constant 0 : i32
        %dma_wait3A_679 = arith.constant 0 : i32
        %dma_wait3A_680 = arith.constant 0 : i32
        %dma_wait3A_681 = tpu.memref_slice %arg13[%dma_wait3A_679, %dma_wait3A_680] : memref<128x129xf32, #tpu.memory_space<vmem>> -> memref<32x128xf32, #tpu.memory_space<vmem>>
        %dma_wait3A_682 = arith.constant 0 : i32
        %dma_wait3A_683 = tpu.memref_slice %arg4[%sub3A_673, %dma_wait3A_678, %mul3A_677, %dma_wait3A_682] : memref<200x4x1024x128xf32, #tpu.memory_space<hbm>> -> memref<1x1x32x128xf32, #tpu.memory_space<hbm>>
        %dma_wait3A_684 = tpu.memref_squeeze %dma_wait3A_683 : memref<1x1x32x128xf32, #tpu.memory_space<hbm>> -> memref<32x128xf32, #tpu.memory_space<hbm>>
        %dma_wait3A_685 = arith.constant 0 : i32
        %dma_wait3A_686 = tpu.memref_slice %arg4[%sub3A_673, %dma_wait3A_678, %mul3A_677, %dma_wait3A_685] : memref<200x4x1024x128xf32, #tpu.memory_space<hbm>> -> memref<1x1x32x128xf32, #tpu.memory_space<hbm>>
        %dma_wait3A_687 = tpu.memref_squeeze %dma_wait3A_686 : memref<1x1x32x128xf32, #tpu.memory_space<hbm>> -> memref<32x128xf32, #tpu.memory_space<hbm>>
        %dma_wait3A_688 = arith.constant 0 : i32
        %dma_wait3A_689 = arith.constant 0 : i32
        %dma_wait3A_690 = tpu.memref_slice %arg13[%dma_wait3A_688, %dma_wait3A_689] : memref<128x129xf32, #tpu.memory_space<vmem>> -> memref<32x128xf32, #tpu.memory_space<vmem>>
        tpu.wait_dma2 semaphore(%arg23 : memref<!tpu.dma_semaphore, #tpu.memory_space<semaphore_mem>>) src(%dma_wait3A_690 : memref<32x128xf32, #tpu.memory_space<vmem>>) dst(%dma_wait3A_687 : memref<32x128xf32, #tpu.memory_space<hbm>>)
        %mul3A_691 = arith.constant 4 : i32
        %mul3A_692 = arith.muli %add3A, %mul3A_691 : i32
        %mul3A_693 = arith.constant 8 : i32
        %mul3A_694 = arith.muli %mul3A_692, %mul3A_693 : i32
        %dma_wait3A_695 = arith.constant 1 : i32
        %dma_wait3A_696 = arith.constant 32 : i32
        %dma_wait3A_697 = arith.constant 0 : i32
        %dma_wait3A_698 = tpu.memref_slice %arg13[%dma_wait3A_696, %dma_wait3A_697] : memref<128x129xf32, #tpu.memory_space<vmem>> -> memref<32x128xf32, #tpu.memory_space<vmem>>
        %dma_wait3A_699 = arith.constant 0 : i32
        %dma_wait3A_700 = tpu.memref_slice %arg4[%sub3A_673, %dma_wait3A_695, %mul3A_694, %dma_wait3A_699] : memref<200x4x1024x128xf32, #tpu.memory_space<hbm>> -> memref<1x1x32x128xf32, #tpu.memory_space<hbm>>
        %dma_wait3A_701 = tpu.memref_squeeze %dma_wait3A_700 : memref<1x1x32x128xf32, #tpu.memory_space<hbm>> -> memref<32x128xf32, #tpu.memory_space<hbm>>
        %dma_wait3A_702 = arith.constant 0 : i32
        %dma_wait3A_703 = tpu.memref_slice %arg4[%sub3A_673, %dma_wait3A_695, %mul3A_694, %dma_wait3A_702] : memref<200x4x1024x128xf32, #tpu.memory_space<hbm>> -> memref<1x1x32x128xf32, #tpu.memory_space<hbm>>
        %dma_wait3A_704 = tpu.memref_squeeze %dma_wait3A_703 : memref<1x1x32x128xf32, #tpu.memory_space<hbm>> -> memref<32x128xf32, #tpu.memory_space<hbm>>
        %dma_wait3A_705 = arith.constant 32 : i32
        %dma_wait3A_706 = arith.constant 0 : i32
        %dma_wait3A_707 = tpu.memref_slice %arg13[%dma_wait3A_705, %dma_wait3A_706] : memref<128x129xf32, #tpu.memory_space<vmem>> -> memref<32x128xf32, #tpu.memory_space<vmem>>
        tpu.wait_dma2 semaphore(%arg23 : memref<!tpu.dma_semaphore, #tpu.memory_space<semaphore_mem>>) src(%dma_wait3A_707 : memref<32x128xf32, #tpu.memory_space<vmem>>) dst(%dma_wait3A_704 : memref<32x128xf32, #tpu.memory_space<hbm>>)
        %mul3A_708 = arith.constant 4 : i32
        %mul3A_709 = arith.muli %add3A, %mul3A_708 : i32
        %mul3A_710 = arith.constant 8 : i32
        %mul3A_711 = arith.muli %mul3A_709, %mul3A_710 : i32
        %dma_wait3A_712 = arith.constant 2 : i32
        %dma_wait3A_713 = arith.constant 64 : i32
        %dma_wait3A_714 = arith.constant 0 : i32
        %dma_wait3A_715 = tpu.memref_slice %arg13[%dma_wait3A_713, %dma_wait3A_714] : memref<128x129xf32, #tpu.memory_space<vmem>> -> memref<32x128xf32, #tpu.memory_space<vmem>>
        %dma_wait3A_716 = arith.constant 0 : i32
        %dma_wait3A_717 = tpu.memref_slice %arg4[%sub3A_673, %dma_wait3A_712, %mul3A_711, %dma_wait3A_716] : memref<200x4x1024x128xf32, #tpu.memory_space<hbm>> -> memref<1x1x32x128xf32, #tpu.memory_space<hbm>>
        %dma_wait3A_718 = tpu.memref_squeeze %dma_wait3A_717 : memref<1x1x32x128xf32, #tpu.memory_space<hbm>> -> memref<32x128xf32, #tpu.memory_space<hbm>>
        %dma_wait3A_719 = arith.constant 0 : i32
        %dma_wait3A_720 = tpu.memref_slice %arg4[%sub3A_673, %dma_wait3A_712, %mul3A_711, %dma_wait3A_719] : memref<200x4x1024x128xf32, #tpu.memory_space<hbm>> -> memref<1x1x32x128xf32, #tpu.memory_space<hbm>>
        %dma_wait3A_721 = tpu.memref_squeeze %dma_wait3A_720 : memref<1x1x32x128xf32, #tpu.memory_space<hbm>> -> memref<32x128xf32, #tpu.memory_space<hbm>>
        %dma_wait3A_722 = arith.constant 64 : i32
        %dma_wait3A_723 = arith.constant 0 : i32
        %dma_wait3A_724 = tpu.memref_slice %arg13[%dma_wait3A_722, %dma_wait3A_723] : memref<128x129xf32, #tpu.memory_space<vmem>> -> memref<32x128xf32, #tpu.memory_space<vmem>>
        tpu.wait_dma2 semaphore(%arg23 : memref<!tpu.dma_semaphore, #tpu.memory_space<semaphore_mem>>) src(%dma_wait3A_724 : memref<32x128xf32, #tpu.memory_space<vmem>>) dst(%dma_wait3A_721 : memref<32x128xf32, #tpu.memory_space<hbm>>)
        %mul3A_725 = arith.constant 4 : i32
        %mul3A_726 = arith.muli %add3A, %mul3A_725 : i32
        %mul3A_727 = arith.constant 8 : i32
        %mul3A_728 = arith.muli %mul3A_726, %mul3A_727 : i32
        %dma_wait3A_729 = arith.constant 3 : i32
        %dma_wait3A_730 = arith.constant 96 : i32
        %dma_wait3A_731 = arith.constant 0 : i32
        %dma_wait3A_732 = tpu.memref_slice %arg13[%dma_wait3A_730, %dma_wait3A_731] : memref<128x129xf32, #tpu.memory_space<vmem>> -> memref<32x128xf32, #tpu.memory_space<vmem>>
        %dma_wait3A_733 = arith.constant 0 : i32
        %dma_wait3A_734 = tpu.memref_slice %arg4[%sub3A_673, %dma_wait3A_729, %mul3A_728, %dma_wait3A_733] : memref<200x4x1024x128xf32, #tpu.memory_space<hbm>> -> memref<1x1x32x128xf32, #tpu.memory_space<hbm>>
        %dma_wait3A_735 = tpu.memref_squeeze %dma_wait3A_734 : memref<1x1x32x128xf32, #tpu.memory_space<hbm>> -> memref<32x128xf32, #tpu.memory_space<hbm>>
        %dma_wait3A_736 = arith.constant 0 : i32
        %dma_wait3A_737 = tpu.memref_slice %arg4[%sub3A_673, %dma_wait3A_729, %mul3A_728, %dma_wait3A_736] : memref<200x4x1024x128xf32, #tpu.memory_space<hbm>> -> memref<1x1x32x128xf32, #tpu.memory_space<hbm>>
        %dma_wait3A_738 = tpu.memref_squeeze %dma_wait3A_737 : memref<1x1x32x128xf32, #tpu.memory_space<hbm>> -> memref<32x128xf32, #tpu.memory_space<hbm>>
        %dma_wait3A_739 = arith.constant 96 : i32
        %dma_wait3A_740 = arith.constant 0 : i32
        %dma_wait3A_741 = tpu.memref_slice %arg13[%dma_wait3A_739, %dma_wait3A_740] : memref<128x129xf32, #tpu.memory_space<vmem>> -> memref<32x128xf32, #tpu.memory_space<vmem>>
        tpu.wait_dma2 semaphore(%arg23 : memref<!tpu.dma_semaphore, #tpu.memory_space<semaphore_mem>>) src(%dma_wait3A_741 : memref<32x128xf32, #tpu.memory_space<vmem>>) dst(%dma_wait3A_738 : memref<32x128xf32, #tpu.memory_space<hbm>>)
      } else {
      }
      %parallel_loop3A = arith.constant 0 : i32
      %parallel_loop3A_310 = arith.constant 512 : i32
      %parallel_loop3A_311 = arith.constant 1 : i32
      scf.for %parallel_loop3A_672 = %parallel_loop3A to %parallel_loop3A_310 step %parallel_loop3A_311  : i32 {
        %parallel_loop3A_673 = arith.constant 128 : i32
        %parallel_loop3A_674 = arith.divsi %parallel_loop3A_672, %parallel_loop3A_673 : i32
        %parallel_loop3A_675 = arith.constant 0 : i32
        %parallel_loop3A_676 = arith.cmpi sgt, %parallel_loop3A_672, %parallel_loop3A_675 : i32
        %parallel_loop3A_677 = arith.extui %parallel_loop3A_676 : i1 to i32
        %parallel_loop3A_678 = arith.constant 0 : i32
        %parallel_loop3A_679 = arith.cmpi slt, %parallel_loop3A_672, %parallel_loop3A_678 : i32
        %parallel_loop3A_680 = arith.extui %parallel_loop3A_679 : i1 to i32
        %parallel_loop3A_681 = arith.subi %parallel_loop3A_677, %parallel_loop3A_680 : i32
        %parallel_loop3A_682 = arith.constant 0 : i32
        %parallel_loop3A_683 = arith.cmpi sgt, %parallel_loop3A_673, %parallel_loop3A_682 : i32
        %parallel_loop3A_684 = arith.extui %parallel_loop3A_683 : i1 to i32
        %parallel_loop3A_685 = arith.constant 0 : i32
        %parallel_loop3A_686 = arith.cmpi slt, %parallel_loop3A_673, %parallel_loop3A_685 : i32
        %parallel_loop3A_687 = arith.extui %parallel_loop3A_686 : i1 to i32
        %parallel_loop3A_688 = arith.subi %parallel_loop3A_684, %parallel_loop3A_687 : i32
        %parallel_loop3A_689 = arith.cmpi ne, %parallel_loop3A_681, %parallel_loop3A_688 : i32
        %parallel_loop3A_690 = arith.remsi %parallel_loop3A_672, %parallel_loop3A_673 : i32
        %parallel_loop3A_691 = arith.constant 0 : i32
        %parallel_loop3A_692 = arith.cmpi ne, %parallel_loop3A_690, %parallel_loop3A_691 : i32
        %parallel_loop3A_693 = arith.andi %parallel_loop3A_689, %parallel_loop3A_692 : i1
        %parallel_loop3A_694 = arith.constant 1 : i32
        %parallel_loop3A_695 = arith.subi %parallel_loop3A_674, %parallel_loop3A_694 : i32
        %parallel_loop3A_696 = arith.select %parallel_loop3A_693, %parallel_loop3A_695, %parallel_loop3A_674 : i32
        %parallel_loop3A_697 = arith.constant 128 : i32
        %parallel_loop3A_698 = arith.constant 0 : i32
        %parallel_loop3A_699 = arith.cmpi eq, %parallel_loop3A_697, %parallel_loop3A_698 : i32
        %parallel_loop3A_700 = arith.constant 1 : i32
        %parallel_loop3A_701 = arith.select %parallel_loop3A_699, %parallel_loop3A_700, %parallel_loop3A_697 : i32
        %parallel_loop3A_702 = arith.remsi %parallel_loop3A_672, %parallel_loop3A_701 : i32
        %parallel_loop3A_703 = arith.constant 0 : i32
        %parallel_loop3A_704 = arith.cmpi ne, %parallel_loop3A_702, %parallel_loop3A_703 : i32
        %parallel_loop3A_705 = arith.constant 0 : i32
        %parallel_loop3A_706 = arith.cmpi slt, %parallel_loop3A_702, %parallel_loop3A_705 : i32
        %parallel_loop3A_707 = arith.constant 0 : i32
        %parallel_loop3A_708 = arith.cmpi slt, %parallel_loop3A_701, %parallel_loop3A_707 : i32
        %parallel_loop3A_709 = arith.xori %parallel_loop3A_706, %parallel_loop3A_708 : i1
        %parallel_loop3A_710 = arith.andi %parallel_loop3A_709, %parallel_loop3A_704 : i1
        %parallel_loop3A_711 = arith.addi %parallel_loop3A_702, %parallel_loop3A_701 : i32
        %parallel_loop3A_712 = arith.select %parallel_loop3A_710, %parallel_loop3A_711, %parallel_loop3A_702 : i32
        %parallel_loop3A_713 = arith.constant 8 : i32
        %parallel_loop3A_714 = arith.muli %parallel_loop3A_696, %parallel_loop3A_713 : i32
        %parallel_loop3A_715 = vector.broadcast %parallel_loop3A_714 : i32 to vector<16xi32>
        %parallel_loop3A_716 = arith.addi %add3A_49, %parallel_loop3A_715 : vector<16xi32>
        %parallel_loop3A_717 = arith.constant 8 : i32
        %parallel_loop3A_718 = arith.muli %parallel_loop3A_696, %parallel_loop3A_717 : i32
        %parallel_loop3A_719 = vector.broadcast %parallel_loop3A_718 : i32 to vector<16xi32>
        %parallel_loop3A_720 = arith.addi %add3A_52, %parallel_loop3A_719 : vector<16xi32>
        %parallel_loop3A_721 = arith.constant 0 : i32
        %parallel_loop3A_722 = vector.broadcast %parallel_loop3A_721 : i32 to vector<16xi32>
        %parallel_loop3A_723 = vector.broadcast %parallel_loop3A_712 : i32 to vector<16xi32>
        %parallel_loop3A_724 = arith.addi %parallel_loop3A_722, %parallel_loop3A_723 : vector<16xi32>
        %parallel_loop3A_725 = arith.index_cast %parallel_loop3A_672 : i32 to index
        %parallel_loop3A_726 = arith.constant 0 : index
        %parallel_loop3A_727 = tpu.vector_load %arg9[%parallel_loop3A_725, %parallel_loop3A_726] {strides = array<i32>} : memref<512x32xf32, #tpu.memory_space<vmem>>, vector<16xf32>,
        %parallel_loop3A_728 = arith.constant 5.65685415 : f32
        %parallel_loop3A_729 = vector.broadcast %parallel_loop3A_728 : f32 to vector<16xf32>
        %parallel_loop3A_730 = arith.mulf %parallel_loop3A_727, %parallel_loop3A_729 : vector<16xf32>
        tpu.vector_store_idx %arg13[%parallel_loop3A_716, %parallel_loop3A_724], %parallel_loop3A_730 : memref<128x129xf32, #tpu.memory_space<vmem>>[vector<16xi32>, vector<16xi32>], vector<16xf32>,
        %parallel_loop3A_731 = arith.index_cast %parallel_loop3A_672 : i32 to index
        %parallel_loop3A_732 = arith.constant 16 : index
        %parallel_loop3A_733 = tpu.vector_load %arg9[%parallel_loop3A_731, %parallel_loop3A_732] {strides = array<i32>} : memref<512x32xf32, #tpu.memory_space<vmem>>, vector<16xf32>,
        %parallel_loop3A_734 = arith.constant 5.65685415 : f32
        %parallel_loop3A_735 = vector.broadcast %parallel_loop3A_734 : f32 to vector<16xf32>
        %parallel_loop3A_736 = arith.mulf %parallel_loop3A_733, %parallel_loop3A_735 : vector<16xf32>
        tpu.vector_store_idx %arg13[%parallel_loop3A_720, %parallel_loop3A_724], %parallel_loop3A_736 : memref<128x129xf32, #tpu.memory_space<vmem>>[vector<16xi32>, vector<16xi32>], vector<16xf32>,
      } {sc.loop_unroll_factor = 4 : i64, sc.parallel_access}
      %mul3A_312 = arith.constant 4 : i32
      %mul3A_313 = arith.muli %add3A, %mul3A_312 : i32
      %mul3A_314 = arith.constant 8 : i32
      %mul3A_315 = arith.muli %mul3A_313, %mul3A_314 : i32
      %dma_start3A_316 = arith.constant 0 : i32
      %dma_start3A_317 = arith.constant 0 : i32
      %dma_start3A_318 = arith.constant 0 : i32
      %dma_start3A_319 = tpu.memref_slice %arg13[%dma_start3A_317, %dma_start3A_318] : memref<128x129xf32, #tpu.memory_space<vmem>> -> memref<32x128xf32, #tpu.memory_space<vmem>>
      %dma_start3A_320 = arith.constant 0 : i32
      %dma_start3A_321 = tpu.memref_slice %arg4[%add3A_297, %dma_start3A_316, %mul3A_315, %dma_start3A_320] : memref<200x4x1024x128xf32, #tpu.memory_space<hbm>> -> memref<1x1x32x128xf32, #tpu.memory_space<hbm>>
      %dma_start3A_322 = tpu.memref_squeeze %dma_start3A_321 : memref<1x1x32x128xf32, #tpu.memory_space<hbm>> -> memref<32x128xf32, #tpu.memory_space<hbm>>
      %dma_start3A_323 = arith.constant 0 : i32
      %dma_start3A_324 = tpu.memref_slice %arg4[%add3A_297, %dma_start3A_316, %mul3A_315, %dma_start3A_323] : memref<200x4x1024x128xf32, #tpu.memory_space<hbm>> -> memref<1x1x32x128xf32, #tpu.memory_space<hbm>>
      %dma_start3A_325 = tpu.memref_squeeze %dma_start3A_324 : memref<1x1x32x128xf32, #tpu.memory_space<hbm>> -> memref<32x128xf32, #tpu.memory_space<hbm>>
      %dma_start3A_326 = arith.constant 0 : i32
      %dma_start3A_327 = arith.constant 0 : i32
      %dma_start3A_328 = tpu.memref_slice %arg13[%dma_start3A_326, %dma_start3A_327] : memref<128x129xf32, #tpu.memory_space<vmem>> -> memref<32x128xf32, #tpu.memory_space<vmem>>
      tpu.enqueue_dma source(%dma_start3A_328 : memref<32x128xf32, #tpu.memory_space<vmem>>) target(%dma_start3A_325 : memref<32x128xf32, #tpu.memory_space<hbm>>) target_semaphore(%arg23 : memref<!tpu.dma_semaphore, #tpu.memory_space<semaphore_mem>>)
      %mul3A_329 = arith.constant 4 : i32
      %mul3A_330 = arith.muli %add3A, %mul3A_329 : i32
      %mul3A_331 = arith.constant 8 : i32
      %mul3A_332 = arith.muli %mul3A_330, %mul3A_331 : i32
      %dma_start3A_333 = arith.constant 1 : i32
      %dma_start3A_334 = arith.constant 32 : i32
      %dma_start3A_335 = arith.constant 0 : i32
      %dma_start3A_336 = tpu.memref_slice %arg13[%dma_start3A_334, %dma_start3A_335] : memref<128x129xf32, #tpu.memory_space<vmem>> -> memref<32x128xf32, #tpu.memory_space<vmem>>
      %dma_start3A_337 = arith.constant 0 : i32
      %dma_start3A_338 = tpu.memref_slice %arg4[%add3A_297, %dma_start3A_333, %mul3A_332, %dma_start3A_337] : memref<200x4x1024x128xf32, #tpu.memory_space<hbm>> -> memref<1x1x32x128xf32, #tpu.memory_space<hbm>>
      %dma_start3A_339 = tpu.memref_squeeze %dma_start3A_338 : memref<1x1x32x128xf32, #tpu.memory_space<hbm>> -> memref<32x128xf32, #tpu.memory_space<hbm>>
      %dma_start3A_340 = arith.constant 0 : i32
      %dma_start3A_341 = tpu.memref_slice %arg4[%add3A_297, %dma_start3A_333, %mul3A_332, %dma_start3A_340] : memref<200x4x1024x128xf32, #tpu.memory_space<hbm>> -> memref<1x1x32x128xf32, #tpu.memory_space<hbm>>
      %dma_start3A_342 = tpu.memref_squeeze %dma_start3A_341 : memref<1x1x32x128xf32, #tpu.memory_space<hbm>> -> memref<32x128xf32, #tpu.memory_space<hbm>>
      %dma_start3A_343 = arith.constant 32 : i32
      %dma_start3A_344 = arith.constant 0 : i32
      %dma_start3A_345 = tpu.memref_slice %arg13[%dma_start3A_343, %dma_start3A_344] : memref<128x129xf32, #tpu.memory_space<vmem>> -> memref<32x128xf32, #tpu.memory_space<vmem>>
      tpu.enqueue_dma source(%dma_start3A_345 : memref<32x128xf32, #tpu.memory_space<vmem>>) target(%dma_start3A_342 : memref<32x128xf32, #tpu.memory_space<hbm>>) target_semaphore(%arg23 : memref<!tpu.dma_semaphore, #tpu.memory_space<semaphore_mem>>)
      %mul3A_346 = arith.constant 4 : i32
      %mul3A_347 = arith.muli %add3A, %mul3A_346 : i32
      %mul3A_348 = arith.constant 8 : i32
      %mul3A_349 = arith.muli %mul3A_347, %mul3A_348 : i32
      %dma_start3A_350 = arith.constant 2 : i32
      %dma_start3A_351 = arith.constant 64 : i32
      %dma_start3A_352 = arith.constant 0 : i32
      %dma_start3A_353 = tpu.memref_slice %arg13[%dma_start3A_351, %dma_start3A_352] : memref<128x129xf32, #tpu.memory_space<vmem>> -> memref<32x128xf32, #tpu.memory_space<vmem>>
      %dma_start3A_354 = arith.constant 0 : i32
      %dma_start3A_355 = tpu.memref_slice %arg4[%add3A_297, %dma_start3A_350, %mul3A_349, %dma_start3A_354] : memref<200x4x1024x128xf32, #tpu.memory_space<hbm>> -> memref<1x1x32x128xf32, #tpu.memory_space<hbm>>
      %dma_start3A_356 = tpu.memref_squeeze %dma_start3A_355 : memref<1x1x32x128xf32, #tpu.memory_space<hbm>> -> memref<32x128xf32, #tpu.memory_space<hbm>>
      %dma_start3A_357 = arith.constant 0 : i32
      %dma_start3A_358 = tpu.memref_slice %arg4[%add3A_297, %dma_start3A_350, %mul3A_349, %dma_start3A_357] : memref<200x4x1024x128xf32, #tpu.memory_space<hbm>> -> memref<1x1x32x128xf32, #tpu.memory_space<hbm>>
      %dma_start3A_359 = tpu.memref_squeeze %dma_start3A_358 : memref<1x1x32x128xf32, #tpu.memory_space<hbm>> -> memref<32x128xf32, #tpu.memory_space<hbm>>
      %dma_start3A_360 = arith.constant 64 : i32
      %dma_start3A_361 = arith.constant 0 : i32
      %dma_start3A_362 = tpu.memref_slice %arg13[%dma_start3A_360, %dma_start3A_361] : memref<128x129xf32, #tpu.memory_space<vmem>> -> memref<32x128xf32, #tpu.memory_space<vmem>>
      tpu.enqueue_dma source(%dma_start3A_362 : memref<32x128xf32, #tpu.memory_space<vmem>>) target(%dma_start3A_359 : memref<32x128xf32, #tpu.memory_space<hbm>>) target_semaphore(%arg23 : memref<!tpu.dma_semaphore, #tpu.memory_space<semaphore_mem>>)
      %mul3A_363 = arith.constant 4 : i32
      %mul3A_364 = arith.muli %add3A, %mul3A_363 : i32
      %mul3A_365 = arith.constant 8 : i32
      %mul3A_366 = arith.muli %mul3A_364, %mul3A_365 : i32
      %dma_start3A_367 = arith.constant 3 : i32
      %dma_start3A_368 = arith.constant 96 : i32
      %dma_start3A_369 = arith.constant 0 : i32
      %dma_start3A_370 = tpu.memref_slice %arg13[%dma_start3A_368, %dma_start3A_369] : memref<128x129xf32, #tpu.memory_space<vmem>> -> memref<32x128xf32, #tpu.memory_space<vmem>>
      %dma_start3A_371 = arith.constant 0 : i32
      %dma_start3A_372 = tpu.memref_slice %arg4[%add3A_297, %dma_start3A_367, %mul3A_366, %dma_start3A_371] : memref<200x4x1024x128xf32, #tpu.memory_space<hbm>> -> memref<1x1x32x128xf32, #tpu.memory_space<hbm>>
      %dma_start3A_373 = tpu.memref_squeeze %dma_start3A_372 : memref<1x1x32x128xf32, #tpu.memory_space<hbm>> -> memref<32x128xf32, #tpu.memory_space<hbm>>
      %dma_start3A_374 = arith.constant 0 : i32
      %dma_start3A_375 = tpu.memref_slice %arg4[%add3A_297, %dma_start3A_367, %mul3A_366, %dma_start3A_374] : memref<200x4x1024x128xf32, #tpu.memory_space<hbm>> -> memref<1x1x32x128xf32, #tpu.memory_space<hbm>>
      %dma_start3A_376 = tpu.memref_squeeze %dma_start3A_375 : memref<1x1x32x128xf32, #tpu.memory_space<hbm>> -> memref<32x128xf32, #tpu.memory_space<hbm>>
      %dma_start3A_377 = arith.constant 96 : i32
      %dma_start3A_378 = arith.constant 0 : i32
      %dma_start3A_379 = tpu.memref_slice %arg13[%dma_start3A_377, %dma_start3A_378] : memref<128x129xf32, #tpu.memory_space<vmem>> -> memref<32x128xf32, #tpu.memory_space<vmem>>
      tpu.enqueue_dma source(%dma_start3A_379 : memref<32x128xf32, #tpu.memory_space<vmem>>) target(%dma_start3A_376 : memref<32x128xf32, #tpu.memory_space<hbm>>) target_semaphore(%arg23 : memref<!tpu.dma_semaphore, #tpu.memory_space<semaphore_mem>>)
      %add3A_380 = arith.constant 3 : i32
      %add3A_381 = arith.addi %add3A_297, %add3A_380 : i32
      %lt3A_382 = arith.constant 200 : i32
      %lt3A_383 = arith.cmpi slt, %add3A_381, %lt3A_382 : i32
      %convert_element_type3A_384 = arith.extui %lt3A_383 : i1 to i32
      %cond3A_385 = arith.constant 0 : i32
      %cond3A_386 = arith.cmpi ne, %convert_element_type3A_384, %cond3A_385 : i32
      scf.if %cond3A_386 {
        %add3A_672 = arith.constant 3 : i32
        %add3A_673 = arith.addi %add3A_297, %add3A_672 : i32
        %jit3A_674 = arith.constant 8 : i32
        %div3A_675 = arith.divsi %add3A_673, %jit3A_674 : i32
        %sign3A_676 = arith.constant 0 : i32
        %sign3A_677 = arith.cmpi sgt, %add3A_673, %sign3A_676 : i32
        %sign3A_678 = arith.extui %sign3A_677 : i1 to i32
        %sign3A_679 = arith.constant 0 : i32
        %sign3A_680 = arith.cmpi slt, %add3A_673, %sign3A_679 : i32
        %sign3A_681 = arith.extui %sign3A_680 : i1 to i32
        %sign3A_682 = arith.subi %sign3A_678, %sign3A_681 : i32
        %sign3A_683 = arith.constant 0 : i32
        %sign3A_684 = arith.cmpi sgt, %jit3A_674, %sign3A_683 : i32
        %sign3A_685 = arith.extui %sign3A_684 : i1 to i32
        %sign3A_686 = arith.constant 0 : i32
        %sign3A_687 = arith.cmpi slt, %jit3A_674, %sign3A_686 : i32
        %sign3A_688 = arith.extui %sign3A_687 : i1 to i32
        %sign3A_689 = arith.subi %sign3A_685, %sign3A_688 : i32
        %ne3A_690 = arith.cmpi ne, %sign3A_682, %sign3A_689 : i32
        %rem3A_691 = arith.remsi %add3A_673, %jit3A_674 : i32
        %ne3A_692 = arith.constant 0 : i32
        %ne3A_693 = arith.cmpi ne, %rem3A_691, %ne3A_692 : i32
        %and3A_694 = arith.andi %ne3A_690, %ne3A_693 : i1
        %sub3A_695 = arith.constant 1 : i32
        %sub3A_696 = arith.subi %div3A_675, %sub3A_695 : i32
        %select_n3A_697 = arith.select %and3A_694, %sub3A_696, %div3A_675 : i32
        %add3A_698 = arith.constant 0 : i32
        %add3A_699 = arith.addi %mul3A_2, %add3A_698 : i32
        %jit3A_700 = arith.constant 8 : i32
        %eq3A_701 = arith.constant 0 : i32
        %eq3A_702 = arith.cmpi eq, %jit3A_700, %eq3A_701 : i32
        %jit3A_703 = arith.constant 1 : i32
        %select_n3A_704 = arith.select %eq3A_702, %jit3A_703, %jit3A_700 : i32
        %rem3A_705 = arith.remsi %add3A_673, %select_n3A_704 : i32
        %ne3A_706 = arith.constant 0 : i32
        %ne3A_707 = arith.cmpi ne, %rem3A_705, %ne3A_706 : i32
        %lt3A_708 = arith.constant 0 : i32
        %lt3A_709 = arith.cmpi slt, %rem3A_705, %lt3A_708 : i32
        %lt3A_710 = arith.constant 0 : i32
        %lt3A_711 = arith.cmpi slt, %select_n3A_704, %lt3A_710 : i32
        %ne3A_712 = arith.xori %lt3A_709, %lt3A_711 : i1
        %and3A_713 = arith.andi %ne3A_712, %ne3A_707 : i1
        %add3A_714 = arith.addi %rem3A_705, %select_n3A_704 : i32
        %select_n3A_715 = arith.select %and3A_713, %add3A_714, %rem3A_705 : i32
        %dma_start3A_716 = arith.constant 0 : i32
        %dma_start3A_717 = tpu.memref_slice %arg8[%dma_start3A_716] : memref<512xi32, #tpu.memory_space<vmem>> -> memref<128xi32, #tpu.memory_space<vmem>>
        %dma_start3A_718 = arith.constant 0 : i32
        %dma_start3A_719 = tpu.memref_slice %arg2[%select_n3A_697, %add3A_699, %select_n3A_715, %dma_start3A_718] : memref<25x128x8x128xi32, #tpu.memory_space<hbm>> -> memref<1x1x1x128xi32, #tpu.memory_space<hbm>>
        %dma_start3A_720 = tpu.memref_squeeze %dma_start3A_719 : memref<1x1x1x128xi32, #tpu.memory_space<hbm>> -> memref<128xi32, #tpu.memory_space<hbm>>
        %dma_start3A_721 = arith.constant 0 : i32
        %dma_start3A_722 = tpu.memref_slice %arg8[%dma_start3A_721] : memref<512xi32, #tpu.memory_space<vmem>> -> memref<128xi32, #tpu.memory_space<vmem>>
        %dma_start3A_723 = arith.constant 0 : i32
        %dma_start3A_724 = tpu.memref_slice %arg2[%select_n3A_697, %add3A_699, %select_n3A_715, %dma_start3A_723] : memref<25x128x8x128xi32, #tpu.memory_space<hbm>> -> memref<1x1x1x128xi32, #tpu.memory_space<hbm>>
        %dma_start3A_725 = tpu.memref_squeeze %dma_start3A_724 : memref<1x1x1x128xi32, #tpu.memory_space<hbm>> -> memref<128xi32, #tpu.memory_space<hbm>>
        tpu.enqueue_dma source(%dma_start3A_725 : memref<128xi32, #tpu.memory_space<hbm>>) target(%dma_start3A_722 : memref<128xi32, #tpu.memory_space<vmem>>) target_semaphore(%arg18 : memref<!tpu.dma_semaphore, #tpu.memory_space<semaphore_mem>>)
        %jit3A_726 = arith.constant 8 : i32
        %div3A_727 = arith.divsi %add3A_673, %jit3A_726 : i32
        %sign3A_728 = arith.constant 0 : i32
        %sign3A_729 = arith.cmpi sgt, %add3A_673, %sign3A_728 : i32
        %sign3A_730 = arith.extui %sign3A_729 : i1 to i32
        %sign3A_731 = arith.constant 0 : i32
        %sign3A_732 = arith.cmpi slt, %add3A_673, %sign3A_731 : i32
        %sign3A_733 = arith.extui %sign3A_732 : i1 to i32
        %sign3A_734 = arith.subi %sign3A_730, %sign3A_733 : i32
        %sign3A_735 = arith.constant 0 : i32
        %sign3A_736 = arith.cmpi sgt, %jit3A_726, %sign3A_735 : i32
        %sign3A_737 = arith.extui %sign3A_736 : i1 to i32
        %sign3A_738 = arith.constant 0 : i32
        %sign3A_739 = arith.cmpi slt, %jit3A_726, %sign3A_738 : i32
        %sign3A_740 = arith.extui %sign3A_739 : i1 to i32
        %sign3A_741 = arith.subi %sign3A_737, %sign3A_740 : i32
        %ne3A_742 = arith.cmpi ne, %sign3A_734, %sign3A_741 : i32
        %rem3A_743 = arith.remsi %add3A_673, %jit3A_726 : i32
        %ne3A_744 = arith.constant 0 : i32
        %ne3A_745 = arith.cmpi ne, %rem3A_743, %ne3A_744 : i32
        %and3A_746 = arith.andi %ne3A_742, %ne3A_745 : i1
        %sub3A_747 = arith.constant 1 : i32
        %sub3A_748 = arith.subi %div3A_727, %sub3A_747 : i32
        %select_n3A_749 = arith.select %and3A_746, %sub3A_748, %div3A_727 : i32
        %add3A_750 = arith.constant 1 : i32
        %add3A_751 = arith.addi %mul3A_2, %add3A_750 : i32
        %jit3A_752 = arith.constant 8 : i32
        %eq3A_753 = arith.constant 0 : i32
        %eq3A_754 = arith.cmpi eq, %jit3A_752, %eq3A_753 : i32
        %jit3A_755 = arith.constant 1 : i32
        %select_n3A_756 = arith.select %eq3A_754, %jit3A_755, %jit3A_752 : i32
        %rem3A_757 = arith.remsi %add3A_673, %select_n3A_756 : i32
        %ne3A_758 = arith.constant 0 : i32
        %ne3A_759 = arith.cmpi ne, %rem3A_757, %ne3A_758 : i32
        %lt3A_760 = arith.constant 0 : i32
        %lt3A_761 = arith.cmpi slt, %rem3A_757, %lt3A_760 : i32
        %lt3A_762 = arith.constant 0 : i32
        %lt3A_763 = arith.cmpi slt, %select_n3A_756, %lt3A_762 : i32
        %ne3A_764 = arith.xori %lt3A_761, %lt3A_763 : i1
        %and3A_765 = arith.andi %ne3A_764, %ne3A_759 : i1
        %add3A_766 = arith.addi %rem3A_757, %select_n3A_756 : i32
        %select_n3A_767 = arith.select %and3A_765, %add3A_766, %rem3A_757 : i32
        %dma_start3A_768 = arith.constant 128 : i32
        %dma_start3A_769 = tpu.memref_slice %arg8[%dma_start3A_768] : memref<512xi32, #tpu.memory_space<vmem>> -> memref<128xi32, #tpu.memory_space<vmem>>
        %dma_start3A_770 = arith.constant 0 : i32
        %dma_start3A_771 = tpu.memref_slice %arg2[%select_n3A_749, %add3A_751, %select_n3A_767, %dma_start3A_770] : memref<25x128x8x128xi32, #tpu.memory_space<hbm>> -> memref<1x1x1x128xi32, #tpu.memory_space<hbm>>
        %dma_start3A_772 = tpu.memref_squeeze %dma_start3A_771 : memref<1x1x1x128xi32, #tpu.memory_space<hbm>> -> memref<128xi32, #tpu.memory_space<hbm>>
        %dma_start3A_773 = arith.constant 128 : i32
        %dma_start3A_774 = tpu.memref_slice %arg8[%dma_start3A_773] : memref<512xi32, #tpu.memory_space<vmem>> -> memref<128xi32, #tpu.memory_space<vmem>>
        %dma_start3A_775 = arith.constant 0 : i32
        %dma_start3A_776 = tpu.memref_slice %arg2[%select_n3A_749, %add3A_751, %select_n3A_767, %dma_start3A_775] : memref<25x128x8x128xi32, #tpu.memory_space<hbm>> -> memref<1x1x1x128xi32, #tpu.memory_space<hbm>>
        %dma_start3A_777 = tpu.memref_squeeze %dma_start3A_776 : memref<1x1x1x128xi32, #tpu.memory_space<hbm>> -> memref<128xi32, #tpu.memory_space<hbm>>
        tpu.enqueue_dma source(%dma_start3A_777 : memref<128xi32, #tpu.memory_space<hbm>>) target(%dma_start3A_774 : memref<128xi32, #tpu.memory_space<vmem>>) target_semaphore(%arg18 : memref<!tpu.dma_semaphore, #tpu.memory_space<semaphore_mem>>)
        %jit3A_778 = arith.constant 8 : i32
        %div3A_779 = arith.divsi %add3A_673, %jit3A_778 : i32
        %sign3A_780 = arith.constant 0 : i32
        %sign3A_781 = arith.cmpi sgt, %add3A_673, %sign3A_780 : i32
        %sign3A_782 = arith.extui %sign3A_781 : i1 to i32
        %sign3A_783 = arith.constant 0 : i32
        %sign3A_784 = arith.cmpi slt, %add3A_673, %sign3A_783 : i32
        %sign3A_785 = arith.extui %sign3A_784 : i1 to i32
        %sign3A_786 = arith.subi %sign3A_782, %sign3A_785 : i32
        %sign3A_787 = arith.constant 0 : i32
        %sign3A_788 = arith.cmpi sgt, %jit3A_778, %sign3A_787 : i32
        %sign3A_789 = arith.extui %sign3A_788 : i1 to i32
        %sign3A_790 = arith.constant 0 : i32
        %sign3A_791 = arith.cmpi slt, %jit3A_778, %sign3A_790 : i32
        %sign3A_792 = arith.extui %sign3A_791 : i1 to i32
        %sign3A_793 = arith.subi %sign3A_789, %sign3A_792 : i32
        %ne3A_794 = arith.cmpi ne, %sign3A_786, %sign3A_793 : i32
        %rem3A_795 = arith.remsi %add3A_673, %jit3A_778 : i32
        %ne3A_796 = arith.constant 0 : i32
        %ne3A_797 = arith.cmpi ne, %rem3A_795, %ne3A_796 : i32
        %and3A_798 = arith.andi %ne3A_794, %ne3A_797 : i1
        %sub3A_799 = arith.constant 1 : i32
        %sub3A_800 = arith.subi %div3A_779, %sub3A_799 : i32
        %select_n3A_801 = arith.select %and3A_798, %sub3A_800, %div3A_779 : i32
        %add3A_802 = arith.constant 2 : i32
        %add3A_803 = arith.addi %mul3A_2, %add3A_802 : i32
        %jit3A_804 = arith.constant 8 : i32
        %eq3A_805 = arith.constant 0 : i32
        %eq3A_806 = arith.cmpi eq, %jit3A_804, %eq3A_805 : i32
        %jit3A_807 = arith.constant 1 : i32
        %select_n3A_808 = arith.select %eq3A_806, %jit3A_807, %jit3A_804 : i32
        %rem3A_809 = arith.remsi %add3A_673, %select_n3A_808 : i32
        %ne3A_810 = arith.constant 0 : i32
        %ne3A_811 = arith.cmpi ne, %rem3A_809, %ne3A_810 : i32
        %lt3A_812 = arith.constant 0 : i32
        %lt3A_813 = arith.cmpi slt, %rem3A_809, %lt3A_812 : i32
        %lt3A_814 = arith.constant 0 : i32
        %lt3A_815 = arith.cmpi slt, %select_n3A_808, %lt3A_814 : i32
        %ne3A_816 = arith.xori %lt3A_813, %lt3A_815 : i1
        %and3A_817 = arith.andi %ne3A_816, %ne3A_811 : i1
        %add3A_818 = arith.addi %rem3A_809, %select_n3A_808 : i32
        %select_n3A_819 = arith.select %and3A_817, %add3A_818, %rem3A_809 : i32
        %dma_start3A_820 = arith.constant 256 : i32
        %dma_start3A_821 = tpu.memref_slice %arg8[%dma_start3A_820] : memref<512xi32, #tpu.memory_space<vmem>> -> memref<128xi32, #tpu.memory_space<vmem>>
        %dma_start3A_822 = arith.constant 0 : i32
        %dma_start3A_823 = tpu.memref_slice %arg2[%select_n3A_801, %add3A_803, %select_n3A_819, %dma_start3A_822] : memref<25x128x8x128xi32, #tpu.memory_space<hbm>> -> memref<1x1x1x128xi32, #tpu.memory_space<hbm>>
        %dma_start3A_824 = tpu.memref_squeeze %dma_start3A_823 : memref<1x1x1x128xi32, #tpu.memory_space<hbm>> -> memref<128xi32, #tpu.memory_space<hbm>>
        %dma_start3A_825 = arith.constant 256 : i32
        %dma_start3A_826 = tpu.memref_slice %arg8[%dma_start3A_825] : memref<512xi32, #tpu.memory_space<vmem>> -> memref<128xi32, #tpu.memory_space<vmem>>
        %dma_start3A_827 = arith.constant 0 : i32
        %dma_start3A_828 = tpu.memref_slice %arg2[%select_n3A_801, %add3A_803, %select_n3A_819, %dma_start3A_827] : memref<25x128x8x128xi32, #tpu.memory_space<hbm>> -> memref<1x1x1x128xi32, #tpu.memory_space<hbm>>
        %dma_start3A_829 = tpu.memref_squeeze %dma_start3A_828 : memref<1x1x1x128xi32, #tpu.memory_space<hbm>> -> memref<128xi32, #tpu.memory_space<hbm>>
        tpu.enqueue_dma source(%dma_start3A_829 : memref<128xi32, #tpu.memory_space<hbm>>) target(%dma_start3A_826 : memref<128xi32, #tpu.memory_space<vmem>>) target_semaphore(%arg18 : memref<!tpu.dma_semaphore, #tpu.memory_space<semaphore_mem>>)
        %jit3A_830 = arith.constant 8 : i32
        %div3A_831 = arith.divsi %add3A_673, %jit3A_830 : i32
        %sign3A_832 = arith.constant 0 : i32
        %sign3A_833 = arith.cmpi sgt, %add3A_673, %sign3A_832 : i32
        %sign3A_834 = arith.extui %sign3A_833 : i1 to i32
        %sign3A_835 = arith.constant 0 : i32
        %sign3A_836 = arith.cmpi slt, %add3A_673, %sign3A_835 : i32
        %sign3A_837 = arith.extui %sign3A_836 : i1 to i32
        %sign3A_838 = arith.subi %sign3A_834, %sign3A_837 : i32
        %sign3A_839 = arith.constant 0 : i32
        %sign3A_840 = arith.cmpi sgt, %jit3A_830, %sign3A_839 : i32
        %sign3A_841 = arith.extui %sign3A_840 : i1 to i32
        %sign3A_842 = arith.constant 0 : i32
        %sign3A_843 = arith.cmpi slt, %jit3A_830, %sign3A_842 : i32
        %sign3A_844 = arith.extui %sign3A_843 : i1 to i32
        %sign3A_845 = arith.subi %sign3A_841, %sign3A_844 : i32
        %ne3A_846 = arith.cmpi ne, %sign3A_838, %sign3A_845 : i32
        %rem3A_847 = arith.remsi %add3A_673, %jit3A_830 : i32
        %ne3A_848 = arith.constant 0 : i32
        %ne3A_849 = arith.cmpi ne, %rem3A_847, %ne3A_848 : i32
        %and3A_850 = arith.andi %ne3A_846, %ne3A_849 : i1
        %sub3A_851 = arith.constant 1 : i32
        %sub3A_852 = arith.subi %div3A_831, %sub3A_851 : i32
        %select_n3A_853 = arith.select %and3A_850, %sub3A_852, %div3A_831 : i32
        %add3A_854 = arith.constant 3 : i32
        %add3A_855 = arith.addi %mul3A_2, %add3A_854 : i32
        %jit3A_856 = arith.constant 8 : i32
        %eq3A_857 = arith.constant 0 : i32
        %eq3A_858 = arith.cmpi eq, %jit3A_856, %eq3A_857 : i32
        %jit3A_859 = arith.constant 1 : i32
        %select_n3A_860 = arith.select %eq3A_858, %jit3A_859, %jit3A_856 : i32
        %rem3A_861 = arith.remsi %add3A_673, %select_n3A_860 : i32
        %ne3A_862 = arith.constant 0 : i32
        %ne3A_863 = arith.cmpi ne, %rem3A_861, %ne3A_862 : i32
        %lt3A_864 = arith.constant 0 : i32
        %lt3A_865 = arith.cmpi slt, %rem3A_861, %lt3A_864 : i32
        %lt3A_866 = arith.constant 0 : i32
        %lt3A_867 = arith.cmpi slt, %select_n3A_860, %lt3A_866 : i32
        %ne3A_868 = arith.xori %lt3A_865, %lt3A_867 : i1
        %and3A_869 = arith.andi %ne3A_868, %ne3A_863 : i1
        %add3A_870 = arith.addi %rem3A_861, %select_n3A_860 : i32
        %select_n3A_871 = arith.select %and3A_869, %add3A_870, %rem3A_861 : i32
        %dma_start3A_872 = arith.constant 384 : i32
        %dma_start3A_873 = tpu.memref_slice %arg8[%dma_start3A_872] : memref<512xi32, #tpu.memory_space<vmem>> -> memref<128xi32, #tpu.memory_space<vmem>>
        %dma_start3A_874 = arith.constant 0 : i32
        %dma_start3A_875 = tpu.memref_slice %arg2[%select_n3A_853, %add3A_855, %select_n3A_871, %dma_start3A_874] : memref<25x128x8x128xi32, #tpu.memory_space<hbm>> -> memref<1x1x1x128xi32, #tpu.memory_space<hbm>>
        %dma_start3A_876 = tpu.memref_squeeze %dma_start3A_875 : memref<1x1x1x128xi32, #tpu.memory_space<hbm>> -> memref<128xi32, #tpu.memory_space<hbm>>
        %dma_start3A_877 = arith.constant 384 : i32
        %dma_start3A_878 = tpu.memref_slice %arg8[%dma_start3A_877] : memref<512xi32, #tpu.memory_space<vmem>> -> memref<128xi32, #tpu.memory_space<vmem>>
        %dma_start3A_879 = arith.constant 0 : i32
        %dma_start3A_880 = tpu.memref_slice %arg2[%select_n3A_853, %add3A_855, %select_n3A_871, %dma_start3A_879] : memref<25x128x8x128xi32, #tpu.memory_space<hbm>> -> memref<1x1x1x128xi32, #tpu.memory_space<hbm>>
        %dma_start3A_881 = tpu.memref_squeeze %dma_start3A_880 : memref<1x1x1x128xi32, #tpu.memory_space<hbm>> -> memref<128xi32, #tpu.memory_space<hbm>>
        tpu.enqueue_dma source(%dma_start3A_881 : memref<128xi32, #tpu.memory_space<hbm>>) target(%dma_start3A_878 : memref<128xi32, #tpu.memory_space<vmem>>) target_semaphore(%arg18 : memref<!tpu.dma_semaphore, #tpu.memory_space<semaphore_mem>>)
      } else {
      }
      %add3A_387 = arith.constant 1 : i32
      %add3A_388 = arith.addi %mul3A_295, %add3A_387 : i32
      %dma_wait3A_389 = arith.constant 0 : i32
      %dma_wait3A_390 = arith.constant 0 : i32
      %dma_wait3A_391 = tpu.memref_slice %arg3[%dma_wait3A_389, %dma_wait3A_390] : memref<1000000x32xf32, #tpu.memory_space<hbm>> -> memref<1000000x32xf32, #tpu.memory_space<hbm>>
      tpu.wait_indirect_dma semaphore(%arg20 : memref<!tpu.dma_semaphore, #tpu.memory_space<semaphore_mem>>) src(%dma_wait3A_391 : memref<1000000x32xf32, #tpu.memory_space<hbm>>) dst(%arg10 : memref<512x32xf32, #tpu.memory_space<vmem>>)
      %add3A_392 = arith.constant 2 : i32
      %add3A_393 = arith.addi %add3A_388, %add3A_392 : i32
      %lt3A_394 = arith.constant 200 : i32
      %lt3A_395 = arith.cmpi slt, %add3A_393, %lt3A_394 : i32
      %convert_element_type3A_396 = arith.extui %lt3A_395 : i1 to i32
      %cond3A_397 = arith.constant 0 : i32
      %cond3A_398 = arith.cmpi ne, %convert_element_type3A_396, %cond3A_397 : i32
      scf.if %cond3A_398 {
        %add3A_672 = arith.constant 2 : i32
        %add3A_673 = arith.addi %add3A_388, %add3A_672 : i32
        %jit3A_674 = arith.constant 8 : i32
        %div3A_675 = arith.divsi %add3A_673, %jit3A_674 : i32
        %sign3A_676 = arith.constant 0 : i32
        %sign3A_677 = arith.cmpi sgt, %add3A_673, %sign3A_676 : i32
        %sign3A_678 = arith.extui %sign3A_677 : i1 to i32
        %sign3A_679 = arith.constant 0 : i32
        %sign3A_680 = arith.cmpi slt, %add3A_673, %sign3A_679 : i32
        %sign3A_681 = arith.extui %sign3A_680 : i1 to i32
        %sign3A_682 = arith.subi %sign3A_678, %sign3A_681 : i32
        %sign3A_683 = arith.constant 0 : i32
        %sign3A_684 = arith.cmpi sgt, %jit3A_674, %sign3A_683 : i32
        %sign3A_685 = arith.extui %sign3A_684 : i1 to i32
        %sign3A_686 = arith.constant 0 : i32
        %sign3A_687 = arith.cmpi slt, %jit3A_674, %sign3A_686 : i32
        %sign3A_688 = arith.extui %sign3A_687 : i1 to i32
        %sign3A_689 = arith.subi %sign3A_685, %sign3A_688 : i32
        %ne3A_690 = arith.cmpi ne, %sign3A_682, %sign3A_689 : i32
        %rem3A_691 = arith.remsi %add3A_673, %jit3A_674 : i32
        %ne3A_692 = arith.constant 0 : i32
        %ne3A_693 = arith.cmpi ne, %rem3A_691, %ne3A_692 : i32
        %and3A_694 = arith.andi %ne3A_690, %ne3A_693 : i1
        %sub3A_695 = arith.constant 1 : i32
        %sub3A_696 = arith.subi %div3A_675, %sub3A_695 : i32
        %select_n3A_697 = arith.select %and3A_694, %sub3A_696, %div3A_675 : i32
        %add3A_698 = arith.constant 0 : i32
        %add3A_699 = arith.addi %mul3A_2, %add3A_698 : i32
        %jit3A_700 = arith.constant 8 : i32
        %eq3A_701 = arith.constant 0 : i32
        %eq3A_702 = arith.cmpi eq, %jit3A_700, %eq3A_701 : i32
        %jit3A_703 = arith.constant 1 : i32
        %select_n3A_704 = arith.select %eq3A_702, %jit3A_703, %jit3A_700 : i32
        %rem3A_705 = arith.remsi %add3A_673, %select_n3A_704 : i32
        %ne3A_706 = arith.constant 0 : i32
        %ne3A_707 = arith.cmpi ne, %rem3A_705, %ne3A_706 : i32
        %lt3A_708 = arith.constant 0 : i32
        %lt3A_709 = arith.cmpi slt, %rem3A_705, %lt3A_708 : i32
        %lt3A_710 = arith.constant 0 : i32
        %lt3A_711 = arith.cmpi slt, %select_n3A_704, %lt3A_710 : i32
        %ne3A_712 = arith.xori %lt3A_709, %lt3A_711 : i1
        %and3A_713 = arith.andi %ne3A_712, %ne3A_707 : i1
        %add3A_714 = arith.addi %rem3A_705, %select_n3A_704 : i32
        %select_n3A_715 = arith.select %and3A_713, %add3A_714, %rem3A_705 : i32
        %dma_wait3A_716 = arith.constant 0 : i32
        %dma_wait3A_717 = tpu.memref_slice %arg8[%dma_wait3A_716] : memref<512xi32, #tpu.memory_space<vmem>> -> memref<128xi32, #tpu.memory_space<vmem>>
        %dma_wait3A_718 = arith.constant 0 : i32
        %dma_wait3A_719 = tpu.memref_slice %arg2[%select_n3A_697, %add3A_699, %select_n3A_715, %dma_wait3A_718] : memref<25x128x8x128xi32, #tpu.memory_space<hbm>> -> memref<1x1x1x128xi32, #tpu.memory_space<hbm>>
        %dma_wait3A_720 = tpu.memref_squeeze %dma_wait3A_719 : memref<1x1x1x128xi32, #tpu.memory_space<hbm>> -> memref<128xi32, #tpu.memory_space<hbm>>
        %dma_wait3A_721 = arith.constant 0 : i32
        %dma_wait3A_722 = tpu.memref_slice %arg8[%dma_wait3A_721] : memref<512xi32, #tpu.memory_space<vmem>> -> memref<128xi32, #tpu.memory_space<vmem>>
        %dma_wait3A_723 = arith.constant 0 : i32
        %dma_wait3A_724 = tpu.memref_slice %arg2[%select_n3A_697, %add3A_699, %select_n3A_715, %dma_wait3A_723] : memref<25x128x8x128xi32, #tpu.memory_space<hbm>> -> memref<1x1x1x128xi32, #tpu.memory_space<hbm>>
        %dma_wait3A_725 = tpu.memref_squeeze %dma_wait3A_724 : memref<1x1x1x128xi32, #tpu.memory_space<hbm>> -> memref<128xi32, #tpu.memory_space<hbm>>
        tpu.wait_dma2 semaphore(%arg18 : memref<!tpu.dma_semaphore, #tpu.memory_space<semaphore_mem>>) src(%dma_wait3A_725 : memref<128xi32, #tpu.memory_space<hbm>>) dst(%dma_wait3A_722 : memref<128xi32, #tpu.memory_space<vmem>>)
        %jit3A_726 = arith.constant 8 : i32
        %div3A_727 = arith.divsi %add3A_673, %jit3A_726 : i32
        %sign3A_728 = arith.constant 0 : i32
        %sign3A_729 = arith.cmpi sgt, %add3A_673, %sign3A_728 : i32
        %sign3A_730 = arith.extui %sign3A_729 : i1 to i32
        %sign3A_731 = arith.constant 0 : i32
        %sign3A_732 = arith.cmpi slt, %add3A_673, %sign3A_731 : i32
        %sign3A_733 = arith.extui %sign3A_732 : i1 to i32
        %sign3A_734 = arith.subi %sign3A_730, %sign3A_733 : i32
        %sign3A_735 = arith.constant 0 : i32
        %sign3A_736 = arith.cmpi sgt, %jit3A_726, %sign3A_735 : i32
        %sign3A_737 = arith.extui %sign3A_736 : i1 to i32
        %sign3A_738 = arith.constant 0 : i32
        %sign3A_739 = arith.cmpi slt, %jit3A_726, %sign3A_738 : i32
        %sign3A_740 = arith.extui %sign3A_739 : i1 to i32
        %sign3A_741 = arith.subi %sign3A_737, %sign3A_740 : i32
        %ne3A_742 = arith.cmpi ne, %sign3A_734, %sign3A_741 : i32
        %rem3A_743 = arith.remsi %add3A_673, %jit3A_726 : i32
        %ne3A_744 = arith.constant 0 : i32
        %ne3A_745 = arith.cmpi ne, %rem3A_743, %ne3A_744 : i32
        %and3A_746 = arith.andi %ne3A_742, %ne3A_745 : i1
        %sub3A_747 = arith.constant 1 : i32
        %sub3A_748 = arith.subi %div3A_727, %sub3A_747 : i32
        %select_n3A_749 = arith.select %and3A_746, %sub3A_748, %div3A_727 : i32
        %add3A_750 = arith.constant 1 : i32
        %add3A_751 = arith.addi %mul3A_2, %add3A_750 : i32
        %jit3A_752 = arith.constant 8 : i32
        %eq3A_753 = arith.constant 0 : i32
        %eq3A_754 = arith.cmpi eq, %jit3A_752, %eq3A_753 : i32
        %jit3A_755 = arith.constant 1 : i32
        %select_n3A_756 = arith.select %eq3A_754, %jit3A_755, %jit3A_752 : i32
        %rem3A_757 = arith.remsi %add3A_673, %select_n3A_756 : i32
        %ne3A_758 = arith.constant 0 : i32
        %ne3A_759 = arith.cmpi ne, %rem3A_757, %ne3A_758 : i32
        %lt3A_760 = arith.constant 0 : i32
        %lt3A_761 = arith.cmpi slt, %rem3A_757, %lt3A_760 : i32
        %lt3A_762 = arith.constant 0 : i32
        %lt3A_763 = arith.cmpi slt, %select_n3A_756, %lt3A_762 : i32
        %ne3A_764 = arith.xori %lt3A_761, %lt3A_763 : i1
        %and3A_765 = arith.andi %ne3A_764, %ne3A_759 : i1
        %add3A_766 = arith.addi %rem3A_757, %select_n3A_756 : i32
        %select_n3A_767 = arith.select %and3A_765, %add3A_766, %rem3A_757 : i32
        %dma_wait3A_768 = arith.constant 128 : i32
        %dma_wait3A_769 = tpu.memref_slice %arg8[%dma_wait3A_768] : memref<512xi32, #tpu.memory_space<vmem>> -> memref<128xi32, #tpu.memory_space<vmem>>
        %dma_wait3A_770 = arith.constant 0 : i32
        %dma_wait3A_771 = tpu.memref_slice %arg2[%select_n3A_749, %add3A_751, %select_n3A_767, %dma_wait3A_770] : memref<25x128x8x128xi32, #tpu.memory_space<hbm>> -> memref<1x1x1x128xi32, #tpu.memory_space<hbm>>
        %dma_wait3A_772 = tpu.memref_squeeze %dma_wait3A_771 : memref<1x1x1x128xi32, #tpu.memory_space<hbm>> -> memref<128xi32, #tpu.memory_space<hbm>>
        %dma_wait3A_773 = arith.constant 128 : i32
        %dma_wait3A_774 = tpu.memref_slice %arg8[%dma_wait3A_773] : memref<512xi32, #tpu.memory_space<vmem>> -> memref<128xi32, #tpu.memory_space<vmem>>
        %dma_wait3A_775 = arith.constant 0 : i32
        %dma_wait3A_776 = tpu.memref_slice %arg2[%select_n3A_749, %add3A_751, %select_n3A_767, %dma_wait3A_775] : memref<25x128x8x128xi32, #tpu.memory_space<hbm>> -> memref<1x1x1x128xi32, #tpu.memory_space<hbm>>
        %dma_wait3A_777 = tpu.memref_squeeze %dma_wait3A_776 : memref<1x1x1x128xi32, #tpu.memory_space<hbm>> -> memref<128xi32, #tpu.memory_space<hbm>>
        tpu.wait_dma2 semaphore(%arg18 : memref<!tpu.dma_semaphore, #tpu.memory_space<semaphore_mem>>) src(%dma_wait3A_777 : memref<128xi32, #tpu.memory_space<hbm>>) dst(%dma_wait3A_774 : memref<128xi32, #tpu.memory_space<vmem>>)
        %jit3A_778 = arith.constant 8 : i32
        %div3A_779 = arith.divsi %add3A_673, %jit3A_778 : i32
        %sign3A_780 = arith.constant 0 : i32
        %sign3A_781 = arith.cmpi sgt, %add3A_673, %sign3A_780 : i32
        %sign3A_782 = arith.extui %sign3A_781 : i1 to i32
        %sign3A_783 = arith.constant 0 : i32
        %sign3A_784 = arith.cmpi slt, %add3A_673, %sign3A_783 : i32
        %sign3A_785 = arith.extui %sign3A_784 : i1 to i32
        %sign3A_786 = arith.subi %sign3A_782, %sign3A_785 : i32
        %sign3A_787 = arith.constant 0 : i32
        %sign3A_788 = arith.cmpi sgt, %jit3A_778, %sign3A_787 : i32
        %sign3A_789 = arith.extui %sign3A_788 : i1 to i32
        %sign3A_790 = arith.constant 0 : i32
        %sign3A_791 = arith.cmpi slt, %jit3A_778, %sign3A_790 : i32
        %sign3A_792 = arith.extui %sign3A_791 : i1 to i32
        %sign3A_793 = arith.subi %sign3A_789, %sign3A_792 : i32
        %ne3A_794 = arith.cmpi ne, %sign3A_786, %sign3A_793 : i32
        %rem3A_795 = arith.remsi %add3A_673, %jit3A_778 : i32
        %ne3A_796 = arith.constant 0 : i32
        %ne3A_797 = arith.cmpi ne, %rem3A_795, %ne3A_796 : i32
        %and3A_798 = arith.andi %ne3A_794, %ne3A_797 : i1
        %sub3A_799 = arith.constant 1 : i32
        %sub3A_800 = arith.subi %div3A_779, %sub3A_799 : i32
        %select_n3A_801 = arith.select %and3A_798, %sub3A_800, %div3A_779 : i32
        %add3A_802 = arith.constant 2 : i32
        %add3A_803 = arith.addi %mul3A_2, %add3A_802 : i32
        %jit3A_804 = arith.constant 8 : i32
        %eq3A_805 = arith.constant 0 : i32
        %eq3A_806 = arith.cmpi eq, %jit3A_804, %eq3A_805 : i32
        %jit3A_807 = arith.constant 1 : i32
        %select_n3A_808 = arith.select %eq3A_806, %jit3A_807, %jit3A_804 : i32
        %rem3A_809 = arith.remsi %add3A_673, %select_n3A_808 : i32
        %ne3A_810 = arith.constant 0 : i32
        %ne3A_811 = arith.cmpi ne, %rem3A_809, %ne3A_810 : i32
        %lt3A_812 = arith.constant 0 : i32
        %lt3A_813 = arith.cmpi slt, %rem3A_809, %lt3A_812 : i32
        %lt3A_814 = arith.constant 0 : i32
        %lt3A_815 = arith.cmpi slt, %select_n3A_808, %lt3A_814 : i32
        %ne3A_816 = arith.xori %lt3A_813, %lt3A_815 : i1
        %and3A_817 = arith.andi %ne3A_816, %ne3A_811 : i1
        %add3A_818 = arith.addi %rem3A_809, %select_n3A_808 : i32
        %select_n3A_819 = arith.select %and3A_817, %add3A_818, %rem3A_809 : i32
        %dma_wait3A_820 = arith.constant 256 : i32
        %dma_wait3A_821 = tpu.memref_slice %arg8[%dma_wait3A_820] : memref<512xi32, #tpu.memory_space<vmem>> -> memref<128xi32, #tpu.memory_space<vmem>>
        %dma_wait3A_822 = arith.constant 0 : i32
        %dma_wait3A_823 = tpu.memref_slice %arg2[%select_n3A_801, %add3A_803, %select_n3A_819, %dma_wait3A_822] : memref<25x128x8x128xi32, #tpu.memory_space<hbm>> -> memref<1x1x1x128xi32, #tpu.memory_space<hbm>>
        %dma_wait3A_824 = tpu.memref_squeeze %dma_wait3A_823 : memref<1x1x1x128xi32, #tpu.memory_space<hbm>> -> memref<128xi32, #tpu.memory_space<hbm>>
        %dma_wait3A_825 = arith.constant 256 : i32
        %dma_wait3A_826 = tpu.memref_slice %arg8[%dma_wait3A_825] : memref<512xi32, #tpu.memory_space<vmem>> -> memref<128xi32, #tpu.memory_space<vmem>>
        %dma_wait3A_827 = arith.constant 0 : i32
        %dma_wait3A_828 = tpu.memref_slice %arg2[%select_n3A_801, %add3A_803, %select_n3A_819, %dma_wait3A_827] : memref<25x128x8x128xi32, #tpu.memory_space<hbm>> -> memref<1x1x1x128xi32, #tpu.memory_space<hbm>>
        %dma_wait3A_829 = tpu.memref_squeeze %dma_wait3A_828 : memref<1x1x1x128xi32, #tpu.memory_space<hbm>> -> memref<128xi32, #tpu.memory_space<hbm>>
        tpu.wait_dma2 semaphore(%arg18 : memref<!tpu.dma_semaphore, #tpu.memory_space<semaphore_mem>>) src(%dma_wait3A_829 : memref<128xi32, #tpu.memory_space<hbm>>) dst(%dma_wait3A_826 : memref<128xi32, #tpu.memory_space<vmem>>)
        %jit3A_830 = arith.constant 8 : i32
        %div3A_831 = arith.divsi %add3A_673, %jit3A_830 : i32
        %sign3A_832 = arith.constant 0 : i32
        %sign3A_833 = arith.cmpi sgt, %add3A_673, %sign3A_832 : i32
        %sign3A_834 = arith.extui %sign3A_833 : i1 to i32
        %sign3A_835 = arith.constant 0 : i32
        %sign3A_836 = arith.cmpi slt, %add3A_673, %sign3A_835 : i32
        %sign3A_837 = arith.extui %sign3A_836 : i1 to i32
        %sign3A_838 = arith.subi %sign3A_834, %sign3A_837 : i32
        %sign3A_839 = arith.constant 0 : i32
        %sign3A_840 = arith.cmpi sgt, %jit3A_830, %sign3A_839 : i32
        %sign3A_841 = arith.extui %sign3A_840 : i1 to i32
        %sign3A_842 = arith.constant 0 : i32
        %sign3A_843 = arith.cmpi slt, %jit3A_830, %sign3A_842 : i32
        %sign3A_844 = arith.extui %sign3A_843 : i1 to i32
        %sign3A_845 = arith.subi %sign3A_841, %sign3A_844 : i32
        %ne3A_846 = arith.cmpi ne, %sign3A_838, %sign3A_845 : i32
        %rem3A_847 = arith.remsi %add3A_673, %jit3A_830 : i32
        %ne3A_848 = arith.constant 0 : i32
        %ne3A_849 = arith.cmpi ne, %rem3A_847, %ne3A_848 : i32
        %and3A_850 = arith.andi %ne3A_846, %ne3A_849 : i1
        %sub3A_851 = arith.constant 1 : i32
        %sub3A_852 = arith.subi %div3A_831, %sub3A_851 : i32
        %select_n3A_853 = arith.select %and3A_850, %sub3A_852, %div3A_831 : i32
        %add3A_854 = arith.constant 3 : i32
        %add3A_855 = arith.addi %mul3A_2, %add3A_854 : i32
        %jit3A_856 = arith.constant 8 : i32
        %eq3A_857 = arith.constant 0 : i32
        %eq3A_858 = arith.cmpi eq, %jit3A_856, %eq3A_857 : i32
        %jit3A_859 = arith.constant 1 : i32
        %select_n3A_860 = arith.select %eq3A_858, %jit3A_859, %jit3A_856 : i32
        %rem3A_861 = arith.remsi %add3A_673, %select_n3A_860 : i32
        %ne3A_862 = arith.constant 0 : i32
        %ne3A_863 = arith.cmpi ne, %rem3A_861, %ne3A_862 : i32
        %lt3A_864 = arith.constant 0 : i32
        %lt3A_865 = arith.cmpi slt, %rem3A_861, %lt3A_864 : i32
        %lt3A_866 = arith.constant 0 : i32
        %lt3A_867 = arith.cmpi slt, %select_n3A_860, %lt3A_866 : i32
        %ne3A_868 = arith.xori %lt3A_865, %lt3A_867 : i1
        %and3A_869 = arith.andi %ne3A_868, %ne3A_863 : i1
        %add3A_870 = arith.addi %rem3A_861, %select_n3A_860 : i32
        %select_n3A_871 = arith.select %and3A_869, %add3A_870, %rem3A_861 : i32
        %dma_wait3A_872 = arith.constant 384 : i32
        %dma_wait3A_873 = tpu.memref_slice %arg8[%dma_wait3A_872] : memref<512xi32, #tpu.memory_space<vmem>> -> memref<128xi32, #tpu.memory_space<vmem>>
        %dma_wait3A_874 = arith.constant 0 : i32
        %dma_wait3A_875 = tpu.memref_slice %arg2[%select_n3A_853, %add3A_855, %select_n3A_871, %dma_wait3A_874] : memref<25x128x8x128xi32, #tpu.memory_space<hbm>> -> memref<1x1x1x128xi32, #tpu.memory_space<hbm>>
        %dma_wait3A_876 = tpu.memref_squeeze %dma_wait3A_875 : memref<1x1x1x128xi32, #tpu.memory_space<hbm>> -> memref<128xi32, #tpu.memory_space<hbm>>
        %dma_wait3A_877 = arith.constant 384 : i32
        %dma_wait3A_878 = tpu.memref_slice %arg8[%dma_wait3A_877] : memref<512xi32, #tpu.memory_space<vmem>> -> memref<128xi32, #tpu.memory_space<vmem>>
        %dma_wait3A_879 = arith.constant 0 : i32
        %dma_wait3A_880 = tpu.memref_slice %arg2[%select_n3A_853, %add3A_855, %select_n3A_871, %dma_wait3A_879] : memref<25x128x8x128xi32, #tpu.memory_space<hbm>> -> memref<1x1x1x128xi32, #tpu.memory_space<hbm>>
        %dma_wait3A_881 = tpu.memref_squeeze %dma_wait3A_880 : memref<1x1x1x128xi32, #tpu.memory_space<hbm>> -> memref<128xi32, #tpu.memory_space<hbm>>
        tpu.wait_dma2 semaphore(%arg18 : memref<!tpu.dma_semaphore, #tpu.memory_space<semaphore_mem>>) src(%dma_wait3A_881 : memref<128xi32, #tpu.memory_space<hbm>>) dst(%dma_wait3A_878 : memref<128xi32, #tpu.memory_space<vmem>>)
        %dma_start3A_882 = arith.constant 0 : i32
        %dma_start3A_883 = arith.constant 0 : i32
        %dma_start3A_884 = tpu.memref_slice %arg3[%dma_start3A_882, %dma_start3A_883] : memref<1000000x32xf32, #tpu.memory_space<hbm>> -> memref<1000000x32xf32, #tpu.memory_space<hbm>>
        tpu.enqueue_indirect_dma source(%dma_start3A_884 : memref<1000000x32xf32, #tpu.memory_space<hbm>>) target(%arg12 : memref<512x32xf32, #tpu.memory_space<vmem>>) offsets(%arg8 : memref<512xi32, #tpu.memory_space<vmem>>) semaphore(%arg22 : memref<!tpu.dma_semaphore, #tpu.memory_space<semaphore_mem>>)
      } else {
      }
      %ge3A_399 = arith.constant 2 : i32
      %ge3A_400 = arith.cmpi sge, %add3A_388, %ge3A_399 : i32
      %convert_element_type3A_401 = arith.extui %ge3A_400 : i1 to i32
      %cond3A_402 = arith.constant 0 : i32
      %cond3A_403 = arith.cmpi ne, %convert_element_type3A_401, %cond3A_402 : i32
      scf.if %cond3A_403 {
        %sub3A_672 = arith.constant 2 : i32
        %sub3A_673 = arith.subi %add3A_388, %sub3A_672 : i32
        %mul3A_674 = arith.constant 4 : i32
        %mul3A_675 = arith.muli %add3A, %mul3A_674 : i32
        %mul3A_676 = arith.constant 8 : i32
        %mul3A_677 = arith.muli %mul3A_675, %mul3A_676 : i32
        %dma_wait3A_678 = arith.constant 0 : i32
        %dma_wait3A_679 = arith.constant 0 : i32
        %dma_wait3A_680 = arith.constant 0 : i32
        %dma_wait3A_681 = tpu.memref_slice %arg14[%dma_wait3A_679, %dma_wait3A_680] : memref<128x129xf32, #tpu.memory_space<vmem>> -> memref<32x128xf32, #tpu.memory_space<vmem>>
        %dma_wait3A_682 = arith.constant 0 : i32
        %dma_wait3A_683 = tpu.memref_slice %arg4[%sub3A_673, %dma_wait3A_678, %mul3A_677, %dma_wait3A_682] : memref<200x4x1024x128xf32, #tpu.memory_space<hbm>> -> memref<1x1x32x128xf32, #tpu.memory_space<hbm>>
        %dma_wait3A_684 = tpu.memref_squeeze %dma_wait3A_683 : memref<1x1x32x128xf32, #tpu.memory_space<hbm>> -> memref<32x128xf32, #tpu.memory_space<hbm>>
        %dma_wait3A_685 = arith.constant 0 : i32
        %dma_wait3A_686 = tpu.memref_slice %arg4[%sub3A_673, %dma_wait3A_678, %mul3A_677, %dma_wait3A_685] : memref<200x4x1024x128xf32, #tpu.memory_space<hbm>> -> memref<1x1x32x128xf32, #tpu.memory_space<hbm>>
        %dma_wait3A_687 = tpu.memref_squeeze %dma_wait3A_686 : memref<1x1x32x128xf32, #tpu.memory_space<hbm>> -> memref<32x128xf32, #tpu.memory_space<hbm>>
        %dma_wait3A_688 = arith.constant 0 : i32
        %dma_wait3A_689 = arith.constant 0 : i32
        %dma_wait3A_690 = tpu.memref_slice %arg14[%dma_wait3A_688, %dma_wait3A_689] : memref<128x129xf32, #tpu.memory_space<vmem>> -> memref<32x128xf32, #tpu.memory_space<vmem>>
        tpu.wait_dma2 semaphore(%arg24 : memref<!tpu.dma_semaphore, #tpu.memory_space<semaphore_mem>>) src(%dma_wait3A_690 : memref<32x128xf32, #tpu.memory_space<vmem>>) dst(%dma_wait3A_687 : memref<32x128xf32, #tpu.memory_space<hbm>>)
        %mul3A_691 = arith.constant 4 : i32
        %mul3A_692 = arith.muli %add3A, %mul3A_691 : i32
        %mul3A_693 = arith.constant 8 : i32
        %mul3A_694 = arith.muli %mul3A_692, %mul3A_693 : i32
        %dma_wait3A_695 = arith.constant 1 : i32
        %dma_wait3A_696 = arith.constant 32 : i32
        %dma_wait3A_697 = arith.constant 0 : i32
        %dma_wait3A_698 = tpu.memref_slice %arg14[%dma_wait3A_696, %dma_wait3A_697] : memref<128x129xf32, #tpu.memory_space<vmem>> -> memref<32x128xf32, #tpu.memory_space<vmem>>
        %dma_wait3A_699 = arith.constant 0 : i32
        %dma_wait3A_700 = tpu.memref_slice %arg4[%sub3A_673, %dma_wait3A_695, %mul3A_694, %dma_wait3A_699] : memref<200x4x1024x128xf32, #tpu.memory_space<hbm>> -> memref<1x1x32x128xf32, #tpu.memory_space<hbm>>
        %dma_wait3A_701 = tpu.memref_squeeze %dma_wait3A_700 : memref<1x1x32x128xf32, #tpu.memory_space<hbm>> -> memref<32x128xf32, #tpu.memory_space<hbm>>
        %dma_wait3A_702 = arith.constant 0 : i32
        %dma_wait3A_703 = tpu.memref_slice %arg4[%sub3A_673, %dma_wait3A_695, %mul3A_694, %dma_wait3A_702] : memref<200x4x1024x128xf32, #tpu.memory_space<hbm>> -> memref<1x1x32x128xf32, #tpu.memory_space<hbm>>
        %dma_wait3A_704 = tpu.memref_squeeze %dma_wait3A_703 : memref<1x1x32x128xf32, #tpu.memory_space<hbm>> -> memref<32x128xf32, #tpu.memory_space<hbm>>
        %dma_wait3A_705 = arith.constant 32 : i32
        %dma_wait3A_706 = arith.constant 0 : i32
        %dma_wait3A_707 = tpu.memref_slice %arg14[%dma_wait3A_705, %dma_wait3A_706] : memref<128x129xf32, #tpu.memory_space<vmem>> -> memref<32x128xf32, #tpu.memory_space<vmem>>
        tpu.wait_dma2 semaphore(%arg24 : memref<!tpu.dma_semaphore, #tpu.memory_space<semaphore_mem>>) src(%dma_wait3A_707 : memref<32x128xf32, #tpu.memory_space<vmem>>) dst(%dma_wait3A_704 : memref<32x128xf32, #tpu.memory_space<hbm>>)
        %mul3A_708 = arith.constant 4 : i32
        %mul3A_709 = arith.muli %add3A, %mul3A_708 : i32
        %mul3A_710 = arith.constant 8 : i32
        %mul3A_711 = arith.muli %mul3A_709, %mul3A_710 : i32
        %dma_wait3A_712 = arith.constant 2 : i32
        %dma_wait3A_713 = arith.constant 64 : i32
        %dma_wait3A_714 = arith.constant 0 : i32
        %dma_wait3A_715 = tpu.memref_slice %arg14[%dma_wait3A_713, %dma_wait3A_714] : memref<128x129xf32, #tpu.memory_space<vmem>> -> memref<32x128xf32, #tpu.memory_space<vmem>>
        %dma_wait3A_716 = arith.constant 0 : i32
        %dma_wait3A_717 = tpu.memref_slice %arg4[%sub3A_673, %dma_wait3A_712, %mul3A_711, %dma_wait3A_716] : memref<200x4x1024x128xf32, #tpu.memory_space<hbm>> -> memref<1x1x32x128xf32, #tpu.memory_space<hbm>>
        %dma_wait3A_718 = tpu.memref_squeeze %dma_wait3A_717 : memref<1x1x32x128xf32, #tpu.memory_space<hbm>> -> memref<32x128xf32, #tpu.memory_space<hbm>>
        %dma_wait3A_719 = arith.constant 0 : i32
        %dma_wait3A_720 = tpu.memref_slice %arg4[%sub3A_673, %dma_wait3A_712, %mul3A_711, %dma_wait3A_719] : memref<200x4x1024x128xf32, #tpu.memory_space<hbm>> -> memref<1x1x32x128xf32, #tpu.memory_space<hbm>>
        %dma_wait3A_721 = tpu.memref_squeeze %dma_wait3A_720 : memref<1x1x32x128xf32, #tpu.memory_space<hbm>> -> memref<32x128xf32, #tpu.memory_space<hbm>>
        %dma_wait3A_722 = arith.constant 64 : i32
        %dma_wait3A_723 = arith.constant 0 : i32
        %dma_wait3A_724 = tpu.memref_slice %arg14[%dma_wait3A_722, %dma_wait3A_723] : memref<128x129xf32, #tpu.memory_space<vmem>> -> memref<32x128xf32, #tpu.memory_space<vmem>>
        tpu.wait_dma2 semaphore(%arg24 : memref<!tpu.dma_semaphore, #tpu.memory_space<semaphore_mem>>) src(%dma_wait3A_724 : memref<32x128xf32, #tpu.memory_space<vmem>>) dst(%dma_wait3A_721 : memref<32x128xf32, #tpu.memory_space<hbm>>)
        %mul3A_725 = arith.constant 4 : i32
        %mul3A_726 = arith.muli %add3A, %mul3A_725 : i32
        %mul3A_727 = arith.constant 8 : i32
        %mul3A_728 = arith.muli %mul3A_726, %mul3A_727 : i32
        %dma_wait3A_729 = arith.constant 3 : i32
        %dma_wait3A_730 = arith.constant 96 : i32
        %dma_wait3A_731 = arith.constant 0 : i32
        %dma_wait3A_732 = tpu.memref_slice %arg14[%dma_wait3A_730, %dma_wait3A_731] : memref<128x129xf32, #tpu.memory_space<vmem>> -> memref<32x128xf32, #tpu.memory_space<vmem>>
        %dma_wait3A_733 = arith.constant 0 : i32
        %dma_wait3A_734 = tpu.memref_slice %arg4[%sub3A_673, %dma_wait3A_729, %mul3A_728, %dma_wait3A_733] : memref<200x4x1024x128xf32, #tpu.memory_space<hbm>> -> memref<1x1x32x128xf32, #tpu.memory_space<hbm>>
        %dma_wait3A_735 = tpu.memref_squeeze %dma_wait3A_734 : memref<1x1x32x128xf32, #tpu.memory_space<hbm>> -> memref<32x128xf32, #tpu.memory_space<hbm>>
        %dma_wait3A_736 = arith.constant 0 : i32
        %dma_wait3A_737 = tpu.memref_slice %arg4[%sub3A_673, %dma_wait3A_729, %mul3A_728, %dma_wait3A_736] : memref<200x4x1024x128xf32, #tpu.memory_space<hbm>> -> memref<1x1x32x128xf32, #tpu.memory_space<hbm>>
        %dma_wait3A_738 = tpu.memref_squeeze %dma_wait3A_737 : memref<1x1x32x128xf32, #tpu.memory_space<hbm>> -> memref<32x128xf32, #tpu.memory_space<hbm>>
        %dma_wait3A_739 = arith.constant 96 : i32
        %dma_wait3A_740 = arith.constant 0 : i32
        %dma_wait3A_741 = tpu.memref_slice %arg14[%dma_wait3A_739, %dma_wait3A_740] : memref<128x129xf32, #tpu.memory_space<vmem>> -> memref<32x128xf32, #tpu.memory_space<vmem>>
        tpu.wait_dma2 semaphore(%arg24 : memref<!tpu.dma_semaphore, #tpu.memory_space<semaphore_mem>>) src(%dma_wait3A_741 : memref<32x128xf32, #tpu.memory_space<vmem>>) dst(%dma_wait3A_738 : memref<32x128xf32, #tpu.memory_space<hbm>>)
      } else {
      }
      %parallel_loop3A_404 = arith.constant 0 : i32
      %parallel_loop3A_405 = arith.constant 512 : i32
      %parallel_loop3A_406 = arith.constant 1 : i32
      scf.for %parallel_loop3A_672 = %parallel_loop3A_404 to %parallel_loop3A_405 step %parallel_loop3A_406  : i32 {
        %parallel_loop3A_673 = arith.constant 128 : i32
        %parallel_loop3A_674 = arith.divsi %parallel_loop3A_672, %parallel_loop3A_673 : i32
        %parallel_loop3A_675 = arith.constant 0 : i32
        %parallel_loop3A_676 = arith.cmpi sgt, %parallel_loop3A_672, %parallel_loop3A_675 : i32
        %parallel_loop3A_677 = arith.extui %parallel_loop3A_676 : i1 to i32
        %parallel_loop3A_678 = arith.constant 0 : i32
        %parallel_loop3A_679 = arith.cmpi slt, %parallel_loop3A_672, %parallel_loop3A_678 : i32
        %parallel_loop3A_680 = arith.extui %parallel_loop3A_679 : i1 to i32
        %parallel_loop3A_681 = arith.subi %parallel_loop3A_677, %parallel_loop3A_680 : i32
        %parallel_loop3A_682 = arith.constant 0 : i32
        %parallel_loop3A_683 = arith.cmpi sgt, %parallel_loop3A_673, %parallel_loop3A_682 : i32
        %parallel_loop3A_684 = arith.extui %parallel_loop3A_683 : i1 to i32
        %parallel_loop3A_685 = arith.constant 0 : i32
        %parallel_loop3A_686 = arith.cmpi slt, %parallel_loop3A_673, %parallel_loop3A_685 : i32
        %parallel_loop3A_687 = arith.extui %parallel_loop3A_686 : i1 to i32
        %parallel_loop3A_688 = arith.subi %parallel_loop3A_684, %parallel_loop3A_687 : i32
        %parallel_loop3A_689 = arith.cmpi ne, %parallel_loop3A_681, %parallel_loop3A_688 : i32
        %parallel_loop3A_690 = arith.remsi %parallel_loop3A_672, %parallel_loop3A_673 : i32
        %parallel_loop3A_691 = arith.constant 0 : i32
        %parallel_loop3A_692 = arith.cmpi ne, %parallel_loop3A_690, %parallel_loop3A_691 : i32
        %parallel_loop3A_693 = arith.andi %parallel_loop3A_689, %parallel_loop3A_692 : i1
        %parallel_loop3A_694 = arith.constant 1 : i32
        %parallel_loop3A_695 = arith.subi %parallel_loop3A_674, %parallel_loop3A_694 : i32
        %parallel_loop3A_696 = arith.select %parallel_loop3A_693, %parallel_loop3A_695, %parallel_loop3A_674 : i32
        %parallel_loop3A_697 = arith.constant 128 : i32
        %parallel_loop3A_698 = arith.constant 0 : i32
        %parallel_loop3A_699 = arith.cmpi eq, %parallel_loop3A_697, %parallel_loop3A_698 : i32
        %parallel_loop3A_700 = arith.constant 1 : i32
        %parallel_loop3A_701 = arith.select %parallel_loop3A_699, %parallel_loop3A_700, %parallel_loop3A_697 : i32
        %parallel_loop3A_702 = arith.remsi %parallel_loop3A_672, %parallel_loop3A_701 : i32
        %parallel_loop3A_703 = arith.constant 0 : i32
        %parallel_loop3A_704 = arith.cmpi ne, %parallel_loop3A_702, %parallel_loop3A_703 : i32
        %parallel_loop3A_705 = arith.constant 0 : i32
        %parallel_loop3A_706 = arith.cmpi slt, %parallel_loop3A_702, %parallel_loop3A_705 : i32
        %parallel_loop3A_707 = arith.constant 0 : i32
        %parallel_loop3A_708 = arith.cmpi slt, %parallel_loop3A_701, %parallel_loop3A_707 : i32
        %parallel_loop3A_709 = arith.xori %parallel_loop3A_706, %parallel_loop3A_708 : i1
        %parallel_loop3A_710 = arith.andi %parallel_loop3A_709, %parallel_loop3A_704 : i1
        %parallel_loop3A_711 = arith.addi %parallel_loop3A_702, %parallel_loop3A_701 : i32
        %parallel_loop3A_712 = arith.select %parallel_loop3A_710, %parallel_loop3A_711, %parallel_loop3A_702 : i32
        %parallel_loop3A_713 = arith.constant 8 : i32
        %parallel_loop3A_714 = arith.muli %parallel_loop3A_696, %parallel_loop3A_713 : i32
        %parallel_loop3A_715 = vector.broadcast %parallel_loop3A_714 : i32 to vector<16xi32>
        %parallel_loop3A_716 = arith.addi %add3A_49, %parallel_loop3A_715 : vector<16xi32>
        %parallel_loop3A_717 = arith.constant 8 : i32
        %parallel_loop3A_718 = arith.muli %parallel_loop3A_696, %parallel_loop3A_717 : i32
        %parallel_loop3A_719 = vector.broadcast %parallel_loop3A_718 : i32 to vector<16xi32>
        %parallel_loop3A_720 = arith.addi %add3A_52, %parallel_loop3A_719 : vector<16xi32>
        %parallel_loop3A_721 = arith.constant 0 : i32
        %parallel_loop3A_722 = vector.broadcast %parallel_loop3A_721 : i32 to vector<16xi32>
        %parallel_loop3A_723 = vector.broadcast %parallel_loop3A_712 : i32 to vector<16xi32>
        %parallel_loop3A_724 = arith.addi %parallel_loop3A_722, %parallel_loop3A_723 : vector<16xi32>
        %parallel_loop3A_725 = arith.index_cast %parallel_loop3A_672 : i32 to index
        %parallel_loop3A_726 = arith.constant 0 : index
        %parallel_loop3A_727 = tpu.vector_load %arg10[%parallel_loop3A_725, %parallel_loop3A_726] {strides = array<i32>} : memref<512x32xf32, #tpu.memory_space<vmem>>, vector<16xf32>,
        %parallel_loop3A_728 = arith.constant 5.65685415 : f32
        %parallel_loop3A_729 = vector.broadcast %parallel_loop3A_728 : f32 to vector<16xf32>
        %parallel_loop3A_730 = arith.mulf %parallel_loop3A_727, %parallel_loop3A_729 : vector<16xf32>
        tpu.vector_store_idx %arg14[%parallel_loop3A_716, %parallel_loop3A_724], %parallel_loop3A_730 : memref<128x129xf32, #tpu.memory_space<vmem>>[vector<16xi32>, vector<16xi32>], vector<16xf32>,
        %parallel_loop3A_731 = arith.index_cast %parallel_loop3A_672 : i32 to index
        %parallel_loop3A_732 = arith.constant 16 : index
        %parallel_loop3A_733 = tpu.vector_load %arg10[%parallel_loop3A_731, %parallel_loop3A_732] {strides = array<i32>} : memref<512x32xf32, #tpu.memory_space<vmem>>, vector<16xf32>,
        %parallel_loop3A_734 = arith.constant 5.65685415 : f32
        %parallel_loop3A_735 = vector.broadcast %parallel_loop3A_734 : f32 to vector<16xf32>
        %parallel_loop3A_736 = arith.mulf %parallel_loop3A_733, %parallel_loop3A_735 : vector<16xf32>
        tpu.vector_store_idx %arg14[%parallel_loop3A_720, %parallel_loop3A_724], %parallel_loop3A_736 : memref<128x129xf32, #tpu.memory_space<vmem>>[vector<16xi32>, vector<16xi32>], vector<16xf32>,
      } {sc.loop_unroll_factor = 4 : i64, sc.parallel_access}
      %mul3A_407 = arith.constant 4 : i32
      %mul3A_408 = arith.muli %add3A, %mul3A_407 : i32
      %mul3A_409 = arith.constant 8 : i32
      %mul3A_410 = arith.muli %mul3A_408, %mul3A_409 : i32
      %dma_start3A_411 = arith.constant 0 : i32
      %dma_start3A_412 = arith.constant 0 : i32
      %dma_start3A_413 = arith.constant 0 : i32
      %dma_start3A_414 = tpu.memref_slice %arg14[%dma_start3A_412, %dma_start3A_413] : memref<128x129xf32, #tpu.memory_space<vmem>> -> memref<32x128xf32, #tpu.memory_space<vmem>>
      %dma_start3A_415 = arith.constant 0 : i32
      %dma_start3A_416 = tpu.memref_slice %arg4[%add3A_388, %dma_start3A_411, %mul3A_410, %dma_start3A_415] : memref<200x4x1024x128xf32, #tpu.memory_space<hbm>> -> memref<1x1x32x128xf32, #tpu.memory_space<hbm>>
      %dma_start3A_417 = tpu.memref_squeeze %dma_start3A_416 : memref<1x1x32x128xf32, #tpu.memory_space<hbm>> -> memref<32x128xf32, #tpu.memory_space<hbm>>
      %dma_start3A_418 = arith.constant 0 : i32
      %dma_start3A_419 = tpu.memref_slice %arg4[%add3A_388, %dma_start3A_411, %mul3A_410, %dma_start3A_418] : memref<200x4x1024x128xf32, #tpu.memory_space<hbm>> -> memref<1x1x32x128xf32, #tpu.memory_space<hbm>>
      %dma_start3A_420 = tpu.memref_squeeze %dma_start3A_419 : memref<1x1x32x128xf32, #tpu.memory_space<hbm>> -> memref<32x128xf32, #tpu.memory_space<hbm>>
      %dma_start3A_421 = arith.constant 0 : i32
      %dma_start3A_422 = arith.constant 0 : i32
      %dma_start3A_423 = tpu.memref_slice %arg14[%dma_start3A_421, %dma_start3A_422] : memref<128x129xf32, #tpu.memory_space<vmem>> -> memref<32x128xf32, #tpu.memory_space<vmem>>
      tpu.enqueue_dma source(%dma_start3A_423 : memref<32x128xf32, #tpu.memory_space<vmem>>) target(%dma_start3A_420 : memref<32x128xf32, #tpu.memory_space<hbm>>) target_semaphore(%arg24 : memref<!tpu.dma_semaphore, #tpu.memory_space<semaphore_mem>>)
      %mul3A_424 = arith.constant 4 : i32
      %mul3A_425 = arith.muli %add3A, %mul3A_424 : i32
      %mul3A_426 = arith.constant 8 : i32
      %mul3A_427 = arith.muli %mul3A_425, %mul3A_426 : i32
      %dma_start3A_428 = arith.constant 1 : i32
      %dma_start3A_429 = arith.constant 32 : i32
      %dma_start3A_430 = arith.constant 0 : i32
      %dma_start3A_431 = tpu.memref_slice %arg14[%dma_start3A_429, %dma_start3A_430] : memref<128x129xf32, #tpu.memory_space<vmem>> -> memref<32x128xf32, #tpu.memory_space<vmem>>
      %dma_start3A_432 = arith.constant 0 : i32
      %dma_start3A_433 = tpu.memref_slice %arg4[%add3A_388, %dma_start3A_428, %mul3A_427, %dma_start3A_432] : memref<200x4x1024x128xf32, #tpu.memory_space<hbm>> -> memref<1x1x32x128xf32, #tpu.memory_space<hbm>>
      %dma_start3A_434 = tpu.memref_squeeze %dma_start3A_433 : memref<1x1x32x128xf32, #tpu.memory_space<hbm>> -> memref<32x128xf32, #tpu.memory_space<hbm>>
      %dma_start3A_435 = arith.constant 0 : i32
      %dma_start3A_436 = tpu.memref_slice %arg4[%add3A_388, %dma_start3A_428, %mul3A_427, %dma_start3A_435] : memref<200x4x1024x128xf32, #tpu.memory_space<hbm>> -> memref<1x1x32x128xf32, #tpu.memory_space<hbm>>
      %dma_start3A_437 = tpu.memref_squeeze %dma_start3A_436 : memref<1x1x32x128xf32, #tpu.memory_space<hbm>> -> memref<32x128xf32, #tpu.memory_space<hbm>>
      %dma_start3A_438 = arith.constant 32 : i32
      %dma_start3A_439 = arith.constant 0 : i32
      %dma_start3A_440 = tpu.memref_slice %arg14[%dma_start3A_438, %dma_start3A_439] : memref<128x129xf32, #tpu.memory_space<vmem>> -> memref<32x128xf32, #tpu.memory_space<vmem>>
      tpu.enqueue_dma source(%dma_start3A_440 : memref<32x128xf32, #tpu.memory_space<vmem>>) target(%dma_start3A_437 : memref<32x128xf32, #tpu.memory_space<hbm>>) target_semaphore(%arg24 : memref<!tpu.dma_semaphore, #tpu.memory_space<semaphore_mem>>)
      %mul3A_441 = arith.constant 4 : i32
      %mul3A_442 = arith.muli %add3A, %mul3A_441 : i32
      %mul3A_443 = arith.constant 8 : i32
      %mul3A_444 = arith.muli %mul3A_442, %mul3A_443 : i32
      %dma_start3A_445 = arith.constant 2 : i32
      %dma_start3A_446 = arith.constant 64 : i32
      %dma_start3A_447 = arith.constant 0 : i32
      %dma_start3A_448 = tpu.memref_slice %arg14[%dma_start3A_446, %dma_start3A_447] : memref<128x129xf32, #tpu.memory_space<vmem>> -> memref<32x128xf32, #tpu.memory_space<vmem>>
      %dma_start3A_449 = arith.constant 0 : i32
      %dma_start3A_450 = tpu.memref_slice %arg4[%add3A_388, %dma_start3A_445, %mul3A_444, %dma_start3A_449] : memref<200x4x1024x128xf32, #tpu.memory_space<hbm>> -> memref<1x1x32x128xf32, #tpu.memory_space<hbm>>
      %dma_start3A_451 = tpu.memref_squeeze %dma_start3A_450 : memref<1x1x32x128xf32, #tpu.memory_space<hbm>> -> memref<32x128xf32, #tpu.memory_space<hbm>>
      %dma_start3A_452 = arith.constant 0 : i32
      %dma_start3A_453 = tpu.memref_slice %arg4[%add3A_388, %dma_start3A_445, %mul3A_444, %dma_start3A_452] : memref<200x4x1024x128xf32, #tpu.memory_space<hbm>> -> memref<1x1x32x128xf32, #tpu.memory_space<hbm>>
      %dma_start3A_454 = tpu.memref_squeeze %dma_start3A_453 : memref<1x1x32x128xf32, #tpu.memory_space<hbm>> -> memref<32x128xf32, #tpu.memory_space<hbm>>
      %dma_start3A_455 = arith.constant 64 : i32
      %dma_start3A_456 = arith.constant 0 : i32
      %dma_start3A_457 = tpu.memref_slice %arg14[%dma_start3A_455, %dma_start3A_456] : memref<128x129xf32, #tpu.memory_space<vmem>> -> memref<32x128xf32, #tpu.memory_space<vmem>>
      tpu.enqueue_dma source(%dma_start3A_457 : memref<32x128xf32, #tpu.memory_space<vmem>>) target(%dma_start3A_454 : memref<32x128xf32, #tpu.memory_space<hbm>>) target_semaphore(%arg24 : memref<!tpu.dma_semaphore, #tpu.memory_space<semaphore_mem>>)
      %mul3A_458 = arith.constant 4 : i32
      %mul3A_459 = arith.muli %add3A, %mul3A_458 : i32
      %mul3A_460 = arith.constant 8 : i32
      %mul3A_461 = arith.muli %mul3A_459, %mul3A_460 : i32
      %dma_start3A_462 = arith.constant 3 : i32
      %dma_start3A_463 = arith.constant 96 : i32
      %dma_start3A_464 = arith.constant 0 : i32
      %dma_start3A_465 = tpu.memref_slice %arg14[%dma_start3A_463, %dma_start3A_464] : memref<128x129xf32, #tpu.memory_space<vmem>> -> memref<32x128xf32, #tpu.memory_space<vmem>>
      %dma_start3A_466 = arith.constant 0 : i32
      %dma_start3A_467 = tpu.memref_slice %arg4[%add3A_388, %dma_start3A_462, %mul3A_461, %dma_start3A_466] : memref<200x4x1024x128xf32, #tpu.memory_space<hbm>> -> memref<1x1x32x128xf32, #tpu.memory_space<hbm>>
      %dma_start3A_468 = tpu.memref_squeeze %dma_start3A_467 : memref<1x1x32x128xf32, #tpu.memory_space<hbm>> -> memref<32x128xf32, #tpu.memory_space<hbm>>
      %dma_start3A_469 = arith.constant 0 : i32
      %dma_start3A_470 = tpu.memref_slice %arg4[%add3A_388, %dma_start3A_462, %mul3A_461, %dma_start3A_469] : memref<200x4x1024x128xf32, #tpu.memory_space<hbm>> -> memref<1x1x32x128xf32, #tpu.memory_space<hbm>>
      %dma_start3A_471 = tpu.memref_squeeze %dma_start3A_470 : memref<1x1x32x128xf32, #tpu.memory_space<hbm>> -> memref<32x128xf32, #tpu.memory_space<hbm>>
      %dma_start3A_472 = arith.constant 96 : i32
      %dma_start3A_473 = arith.constant 0 : i32
      %dma_start3A_474 = tpu.memref_slice %arg14[%dma_start3A_472, %dma_start3A_473] : memref<128x129xf32, #tpu.memory_space<vmem>> -> memref<32x128xf32, #tpu.memory_space<vmem>>
      tpu.enqueue_dma source(%dma_start3A_474 : memref<32x128xf32, #tpu.memory_space<vmem>>) target(%dma_start3A_471 : memref<32x128xf32, #tpu.memory_space<hbm>>) target_semaphore(%arg24 : memref<!tpu.dma_semaphore, #tpu.memory_space<semaphore_mem>>)
      %add3A_475 = arith.constant 3 : i32
      %add3A_476 = arith.addi %add3A_388, %add3A_475 : i32
      %lt3A_477 = arith.constant 200 : i32
      %lt3A_478 = arith.cmpi slt, %add3A_476, %lt3A_477 : i32
      %convert_element_type3A_479 = arith.extui %lt3A_478 : i1 to i32
      %cond3A_480 = arith.constant 0 : i32
      %cond3A_481 = arith.cmpi ne, %convert_element_type3A_479, %cond3A_480 : i32
      scf.if %cond3A_481 {
        %add3A_672 = arith.constant 3 : i32
        %add3A_673 = arith.addi %add3A_388, %add3A_672 : i32
        %jit3A_674 = arith.constant 8 : i32
        %div3A_675 = arith.divsi %add3A_673, %jit3A_674 : i32
        %sign3A_676 = arith.constant 0 : i32
        %sign3A_677 = arith.cmpi sgt, %add3A_673, %sign3A_676 : i32
        %sign3A_678 = arith.extui %sign3A_677 : i1 to i32
        %sign3A_679 = arith.constant 0 : i32
        %sign3A_680 = arith.cmpi slt, %add3A_673, %sign3A_679 : i32
        %sign3A_681 = arith.extui %sign3A_680 : i1 to i32
        %sign3A_682 = arith.subi %sign3A_678, %sign3A_681 : i32
        %sign3A_683 = arith.constant 0 : i32
        %sign3A_684 = arith.cmpi sgt, %jit3A_674, %sign3A_683 : i32
        %sign3A_685 = arith.extui %sign3A_684 : i1 to i32
        %sign3A_686 = arith.constant 0 : i32
        %sign3A_687 = arith.cmpi slt, %jit3A_674, %sign3A_686 : i32
        %sign3A_688 = arith.extui %sign3A_687 : i1 to i32
        %sign3A_689 = arith.subi %sign3A_685, %sign3A_688 : i32
        %ne3A_690 = arith.cmpi ne, %sign3A_682, %sign3A_689 : i32
        %rem3A_691 = arith.remsi %add3A_673, %jit3A_674 : i32
        %ne3A_692 = arith.constant 0 : i32
        %ne3A_693 = arith.cmpi ne, %rem3A_691, %ne3A_692 : i32
        %and3A_694 = arith.andi %ne3A_690, %ne3A_693 : i1
        %sub3A_695 = arith.constant 1 : i32
        %sub3A_696 = arith.subi %div3A_675, %sub3A_695 : i32
        %select_n3A_697 = arith.select %and3A_694, %sub3A_696, %div3A_675 : i32
        %add3A_698 = arith.constant 0 : i32
        %add3A_699 = arith.addi %mul3A_2, %add3A_698 : i32
        %jit3A_700 = arith.constant 8 : i32
        %eq3A_701 = arith.constant 0 : i32
        %eq3A_702 = arith.cmpi eq, %jit3A_700, %eq3A_701 : i32
        %jit3A_703 = arith.constant 1 : i32
        %select_n3A_704 = arith.select %eq3A_702, %jit3A_703, %jit3A_700 : i32
        %rem3A_705 = arith.remsi %add3A_673, %select_n3A_704 : i32
        %ne3A_706 = arith.constant 0 : i32
        %ne3A_707 = arith.cmpi ne, %rem3A_705, %ne3A_706 : i32
        %lt3A_708 = arith.constant 0 : i32
        %lt3A_709 = arith.cmpi slt, %rem3A_705, %lt3A_708 : i32
        %lt3A_710 = arith.constant 0 : i32
        %lt3A_711 = arith.cmpi slt, %select_n3A_704, %lt3A_710 : i32
        %ne3A_712 = arith.xori %lt3A_709, %lt3A_711 : i1
        %and3A_713 = arith.andi %ne3A_712, %ne3A_707 : i1
        %add3A_714 = arith.addi %rem3A_705, %select_n3A_704 : i32
        %select_n3A_715 = arith.select %and3A_713, %add3A_714, %rem3A_705 : i32
        %dma_start3A_716 = arith.constant 0 : i32
        %dma_start3A_717 = tpu.memref_slice %arg5[%dma_start3A_716] : memref<512xi32, #tpu.memory_space<vmem>> -> memref<128xi32, #tpu.memory_space<vmem>>
        %dma_start3A_718 = arith.constant 0 : i32
        %dma_start3A_719 = tpu.memref_slice %arg2[%select_n3A_697, %add3A_699, %select_n3A_715, %dma_start3A_718] : memref<25x128x8x128xi32, #tpu.memory_space<hbm>> -> memref<1x1x1x128xi32, #tpu.memory_space<hbm>>
        %dma_start3A_720 = tpu.memref_squeeze %dma_start3A_719 : memref<1x1x1x128xi32, #tpu.memory_space<hbm>> -> memref<128xi32, #tpu.memory_space<hbm>>
        %dma_start3A_721 = arith.constant 0 : i32
        %dma_start3A_722 = tpu.memref_slice %arg5[%dma_start3A_721] : memref<512xi32, #tpu.memory_space<vmem>> -> memref<128xi32, #tpu.memory_space<vmem>>
        %dma_start3A_723 = arith.constant 0 : i32
        %dma_start3A_724 = tpu.memref_slice %arg2[%select_n3A_697, %add3A_699, %select_n3A_715, %dma_start3A_723] : memref<25x128x8x128xi32, #tpu.memory_space<hbm>> -> memref<1x1x1x128xi32, #tpu.memory_space<hbm>>
        %dma_start3A_725 = tpu.memref_squeeze %dma_start3A_724 : memref<1x1x1x128xi32, #tpu.memory_space<hbm>> -> memref<128xi32, #tpu.memory_space<hbm>>
        tpu.enqueue_dma source(%dma_start3A_725 : memref<128xi32, #tpu.memory_space<hbm>>) target(%dma_start3A_722 : memref<128xi32, #tpu.memory_space<vmem>>) target_semaphore(%arg15 : memref<!tpu.dma_semaphore, #tpu.memory_space<semaphore_mem>>)
        %jit3A_726 = arith.constant 8 : i32
        %div3A_727 = arith.divsi %add3A_673, %jit3A_726 : i32
        %sign3A_728 = arith.constant 0 : i32
        %sign3A_729 = arith.cmpi sgt, %add3A_673, %sign3A_728 : i32
        %sign3A_730 = arith.extui %sign3A_729 : i1 to i32
        %sign3A_731 = arith.constant 0 : i32
        %sign3A_732 = arith.cmpi slt, %add3A_673, %sign3A_731 : i32
        %sign3A_733 = arith.extui %sign3A_732 : i1 to i32
        %sign3A_734 = arith.subi %sign3A_730, %sign3A_733 : i32
        %sign3A_735 = arith.constant 0 : i32
        %sign3A_736 = arith.cmpi sgt, %jit3A_726, %sign3A_735 : i32
        %sign3A_737 = arith.extui %sign3A_736 : i1 to i32
        %sign3A_738 = arith.constant 0 : i32
        %sign3A_739 = arith.cmpi slt, %jit3A_726, %sign3A_738 : i32
        %sign3A_740 = arith.extui %sign3A_739 : i1 to i32
        %sign3A_741 = arith.subi %sign3A_737, %sign3A_740 : i32
        %ne3A_742 = arith.cmpi ne, %sign3A_734, %sign3A_741 : i32
        %rem3A_743 = arith.remsi %add3A_673, %jit3A_726 : i32
        %ne3A_744 = arith.constant 0 : i32
        %ne3A_745 = arith.cmpi ne, %rem3A_743, %ne3A_744 : i32
        %and3A_746 = arith.andi %ne3A_742, %ne3A_745 : i1
        %sub3A_747 = arith.constant 1 : i32
        %sub3A_748 = arith.subi %div3A_727, %sub3A_747 : i32
        %select_n3A_749 = arith.select %and3A_746, %sub3A_748, %div3A_727 : i32
        %add3A_750 = arith.constant 1 : i32
        %add3A_751 = arith.addi %mul3A_2, %add3A_750 : i32
        %jit3A_752 = arith.constant 8 : i32
        %eq3A_753 = arith.constant 0 : i32
        %eq3A_754 = arith.cmpi eq, %jit3A_752, %eq3A_753 : i32
        %jit3A_755 = arith.constant 1 : i32
        %select_n3A_756 = arith.select %eq3A_754, %jit3A_755, %jit3A_752 : i32
        %rem3A_757 = arith.remsi %add3A_673, %select_n3A_756 : i32
        %ne3A_758 = arith.constant 0 : i32
        %ne3A_759 = arith.cmpi ne, %rem3A_757, %ne3A_758 : i32
        %lt3A_760 = arith.constant 0 : i32
        %lt3A_761 = arith.cmpi slt, %rem3A_757, %lt3A_760 : i32
        %lt3A_762 = arith.constant 0 : i32
        %lt3A_763 = arith.cmpi slt, %select_n3A_756, %lt3A_762 : i32
        %ne3A_764 = arith.xori %lt3A_761, %lt3A_763 : i1
        %and3A_765 = arith.andi %ne3A_764, %ne3A_759 : i1
        %add3A_766 = arith.addi %rem3A_757, %select_n3A_756 : i32
        %select_n3A_767 = arith.select %and3A_765, %add3A_766, %rem3A_757 : i32
        %dma_start3A_768 = arith.constant 128 : i32
        %dma_start3A_769 = tpu.memref_slice %arg5[%dma_start3A_768] : memref<512xi32, #tpu.memory_space<vmem>> -> memref<128xi32, #tpu.memory_space<vmem>>
        %dma_start3A_770 = arith.constant 0 : i32
        %dma_start3A_771 = tpu.memref_slice %arg2[%select_n3A_749, %add3A_751, %select_n3A_767, %dma_start3A_770] : memref<25x128x8x128xi32, #tpu.memory_space<hbm>> -> memref<1x1x1x128xi32, #tpu.memory_space<hbm>>
        %dma_start3A_772 = tpu.memref_squeeze %dma_start3A_771 : memref<1x1x1x128xi32, #tpu.memory_space<hbm>> -> memref<128xi32, #tpu.memory_space<hbm>>
        %dma_start3A_773 = arith.constant 128 : i32
        %dma_start3A_774 = tpu.memref_slice %arg5[%dma_start3A_773] : memref<512xi32, #tpu.memory_space<vmem>> -> memref<128xi32, #tpu.memory_space<vmem>>
        %dma_start3A_775 = arith.constant 0 : i32
        %dma_start3A_776 = tpu.memref_slice %arg2[%select_n3A_749, %add3A_751, %select_n3A_767, %dma_start3A_775] : memref<25x128x8x128xi32, #tpu.memory_space<hbm>> -> memref<1x1x1x128xi32, #tpu.memory_space<hbm>>
        %dma_start3A_777 = tpu.memref_squeeze %dma_start3A_776 : memref<1x1x1x128xi32, #tpu.memory_space<hbm>> -> memref<128xi32, #tpu.memory_space<hbm>>
        tpu.enqueue_dma source(%dma_start3A_777 : memref<128xi32, #tpu.memory_space<hbm>>) target(%dma_start3A_774 : memref<128xi32, #tpu.memory_space<vmem>>) target_semaphore(%arg15 : memref<!tpu.dma_semaphore, #tpu.memory_space<semaphore_mem>>)
        %jit3A_778 = arith.constant 8 : i32
        %div3A_779 = arith.divsi %add3A_673, %jit3A_778 : i32
        %sign3A_780 = arith.constant 0 : i32
        %sign3A_781 = arith.cmpi sgt, %add3A_673, %sign3A_780 : i32
        %sign3A_782 = arith.extui %sign3A_781 : i1 to i32
        %sign3A_783 = arith.constant 0 : i32
        %sign3A_784 = arith.cmpi slt, %add3A_673, %sign3A_783 : i32
        %sign3A_785 = arith.extui %sign3A_784 : i1 to i32
        %sign3A_786 = arith.subi %sign3A_782, %sign3A_785 : i32
        %sign3A_787 = arith.constant 0 : i32
        %sign3A_788 = arith.cmpi sgt, %jit3A_778, %sign3A_787 : i32
        %sign3A_789 = arith.extui %sign3A_788 : i1 to i32
        %sign3A_790 = arith.constant 0 : i32
        %sign3A_791 = arith.cmpi slt, %jit3A_778, %sign3A_790 : i32
        %sign3A_792 = arith.extui %sign3A_791 : i1 to i32
        %sign3A_793 = arith.subi %sign3A_789, %sign3A_792 : i32
        %ne3A_794 = arith.cmpi ne, %sign3A_786, %sign3A_793 : i32
        %rem3A_795 = arith.remsi %add3A_673, %jit3A_778 : i32
        %ne3A_796 = arith.constant 0 : i32
        %ne3A_797 = arith.cmpi ne, %rem3A_795, %ne3A_796 : i32
        %and3A_798 = arith.andi %ne3A_794, %ne3A_797 : i1
        %sub3A_799 = arith.constant 1 : i32
        %sub3A_800 = arith.subi %div3A_779, %sub3A_799 : i32
        %select_n3A_801 = arith.select %and3A_798, %sub3A_800, %div3A_779 : i32
        %add3A_802 = arith.constant 2 : i32
        %add3A_803 = arith.addi %mul3A_2, %add3A_802 : i32
        %jit3A_804 = arith.constant 8 : i32
        %eq3A_805 = arith.constant 0 : i32
        %eq3A_806 = arith.cmpi eq, %jit3A_804, %eq3A_805 : i32
        %jit3A_807 = arith.constant 1 : i32
        %select_n3A_808 = arith.select %eq3A_806, %jit3A_807, %jit3A_804 : i32
        %rem3A_809 = arith.remsi %add3A_673, %select_n3A_808 : i32
        %ne3A_810 = arith.constant 0 : i32
        %ne3A_811 = arith.cmpi ne, %rem3A_809, %ne3A_810 : i32
        %lt3A_812 = arith.constant 0 : i32
        %lt3A_813 = arith.cmpi slt, %rem3A_809, %lt3A_812 : i32
        %lt3A_814 = arith.constant 0 : i32
        %lt3A_815 = arith.cmpi slt, %select_n3A_808, %lt3A_814 : i32
        %ne3A_816 = arith.xori %lt3A_813, %lt3A_815 : i1
        %and3A_817 = arith.andi %ne3A_816, %ne3A_811 : i1
        %add3A_818 = arith.addi %rem3A_809, %select_n3A_808 : i32
        %select_n3A_819 = arith.select %and3A_817, %add3A_818, %rem3A_809 : i32
        %dma_start3A_820 = arith.constant 256 : i32
        %dma_start3A_821 = tpu.memref_slice %arg5[%dma_start3A_820] : memref<512xi32, #tpu.memory_space<vmem>> -> memref<128xi32, #tpu.memory_space<vmem>>
        %dma_start3A_822 = arith.constant 0 : i32
        %dma_start3A_823 = tpu.memref_slice %arg2[%select_n3A_801, %add3A_803, %select_n3A_819, %dma_start3A_822] : memref<25x128x8x128xi32, #tpu.memory_space<hbm>> -> memref<1x1x1x128xi32, #tpu.memory_space<hbm>>
        %dma_start3A_824 = tpu.memref_squeeze %dma_start3A_823 : memref<1x1x1x128xi32, #tpu.memory_space<hbm>> -> memref<128xi32, #tpu.memory_space<hbm>>
        %dma_start3A_825 = arith.constant 256 : i32
        %dma_start3A_826 = tpu.memref_slice %arg5[%dma_start3A_825] : memref<512xi32, #tpu.memory_space<vmem>> -> memref<128xi32, #tpu.memory_space<vmem>>
        %dma_start3A_827 = arith.constant 0 : i32
        %dma_start3A_828 = tpu.memref_slice %arg2[%select_n3A_801, %add3A_803, %select_n3A_819, %dma_start3A_827] : memref<25x128x8x128xi32, #tpu.memory_space<hbm>> -> memref<1x1x1x128xi32, #tpu.memory_space<hbm>>
        %dma_start3A_829 = tpu.memref_squeeze %dma_start3A_828 : memref<1x1x1x128xi32, #tpu.memory_space<hbm>> -> memref<128xi32, #tpu.memory_space<hbm>>
        tpu.enqueue_dma source(%dma_start3A_829 : memref<128xi32, #tpu.memory_space<hbm>>) target(%dma_start3A_826 : memref<128xi32, #tpu.memory_space<vmem>>) target_semaphore(%arg15 : memref<!tpu.dma_semaphore, #tpu.memory_space<semaphore_mem>>)
        %jit3A_830 = arith.constant 8 : i32
        %div3A_831 = arith.divsi %add3A_673, %jit3A_830 : i32
        %sign3A_832 = arith.constant 0 : i32
        %sign3A_833 = arith.cmpi sgt, %add3A_673, %sign3A_832 : i32
        %sign3A_834 = arith.extui %sign3A_833 : i1 to i32
        %sign3A_835 = arith.constant 0 : i32
        %sign3A_836 = arith.cmpi slt, %add3A_673, %sign3A_835 : i32
        %sign3A_837 = arith.extui %sign3A_836 : i1 to i32
        %sign3A_838 = arith.subi %sign3A_834, %sign3A_837 : i32
        %sign3A_839 = arith.constant 0 : i32
        %sign3A_840 = arith.cmpi sgt, %jit3A_830, %sign3A_839 : i32
        %sign3A_841 = arith.extui %sign3A_840 : i1 to i32
        %sign3A_842 = arith.constant 0 : i32
        %sign3A_843 = arith.cmpi slt, %jit3A_830, %sign3A_842 : i32
        %sign3A_844 = arith.extui %sign3A_843 : i1 to i32
        %sign3A_845 = arith.subi %sign3A_841, %sign3A_844 : i32
        %ne3A_846 = arith.cmpi ne, %sign3A_838, %sign3A_845 : i32
        %rem3A_847 = arith.remsi %add3A_673, %jit3A_830 : i32
        %ne3A_848 = arith.constant 0 : i32
        %ne3A_849 = arith.cmpi ne, %rem3A_847, %ne3A_848 : i32
        %and3A_850 = arith.andi %ne3A_846, %ne3A_849 : i1
        %sub3A_851 = arith.constant 1 : i32
        %sub3A_852 = arith.subi %div3A_831, %sub3A_851 : i32
        %select_n3A_853 = arith.select %and3A_850, %sub3A_852, %div3A_831 : i32
        %add3A_854 = arith.constant 3 : i32
        %add3A_855 = arith.addi %mul3A_2, %add3A_854 : i32
        %jit3A_856 = arith.constant 8 : i32
        %eq3A_857 = arith.constant 0 : i32
        %eq3A_858 = arith.cmpi eq, %jit3A_856, %eq3A_857 : i32
        %jit3A_859 = arith.constant 1 : i32
        %select_n3A_860 = arith.select %eq3A_858, %jit3A_859, %jit3A_856 : i32
        %rem3A_861 = arith.remsi %add3A_673, %select_n3A_860 : i32
        %ne3A_862 = arith.constant 0 : i32
        %ne3A_863 = arith.cmpi ne, %rem3A_861, %ne3A_862 : i32
        %lt3A_864 = arith.constant 0 : i32
        %lt3A_865 = arith.cmpi slt, %rem3A_861, %lt3A_864 : i32
        %lt3A_866 = arith.constant 0 : i32
        %lt3A_867 = arith.cmpi slt, %select_n3A_860, %lt3A_866 : i32
        %ne3A_868 = arith.xori %lt3A_865, %lt3A_867 : i1
        %and3A_869 = arith.andi %ne3A_868, %ne3A_863 : i1
        %add3A_870 = arith.addi %rem3A_861, %select_n3A_860 : i32
        %select_n3A_871 = arith.select %and3A_869, %add3A_870, %rem3A_861 : i32
        %dma_start3A_872 = arith.constant 384 : i32
        %dma_start3A_873 = tpu.memref_slice %arg5[%dma_start3A_872] : memref<512xi32, #tpu.memory_space<vmem>> -> memref<128xi32, #tpu.memory_space<vmem>>
        %dma_start3A_874 = arith.constant 0 : i32
        %dma_start3A_875 = tpu.memref_slice %arg2[%select_n3A_853, %add3A_855, %select_n3A_871, %dma_start3A_874] : memref<25x128x8x128xi32, #tpu.memory_space<hbm>> -> memref<1x1x1x128xi32, #tpu.memory_space<hbm>>
        %dma_start3A_876 = tpu.memref_squeeze %dma_start3A_875 : memref<1x1x1x128xi32, #tpu.memory_space<hbm>> -> memref<128xi32, #tpu.memory_space<hbm>>
        %dma_start3A_877 = arith.constant 384 : i32
        %dma_start3A_878 = tpu.memref_slice %arg5[%dma_start3A_877] : memref<512xi32, #tpu.memory_space<vmem>> -> memref<128xi32, #tpu.memory_space<vmem>>
        %dma_start3A_879 = arith.constant 0 : i32
        %dma_start3A_880 = tpu.memref_slice %arg2[%select_n3A_853, %add3A_855, %select_n3A_871, %dma_start3A_879] : memref<25x128x8x128xi32, #tpu.memory_space<hbm>> -> memref<1x1x1x128xi32, #tpu.memory_space<hbm>>
        %dma_start3A_881 = tpu.memref_squeeze %dma_start3A_880 : memref<1x1x1x128xi32, #tpu.memory_space<hbm>> -> memref<128xi32, #tpu.memory_space<hbm>>
        tpu.enqueue_dma source(%dma_start3A_881 : memref<128xi32, #tpu.memory_space<hbm>>) target(%dma_start3A_878 : memref<128xi32, #tpu.memory_space<vmem>>) target_semaphore(%arg15 : memref<!tpu.dma_semaphore, #tpu.memory_space<semaphore_mem>>)
      } else {
      }
      %add3A_482 = arith.constant 2 : i32
      %add3A_483 = arith.addi %mul3A_295, %add3A_482 : i32
      %dma_wait3A_484 = arith.constant 0 : i32
      %dma_wait3A_485 = arith.constant 0 : i32
      %dma_wait3A_486 = tpu.memref_slice %arg3[%dma_wait3A_484, %dma_wait3A_485] : memref<1000000x32xf32, #tpu.memory_space<hbm>> -> memref<1000000x32xf32, #tpu.memory_space<hbm>>
      tpu.wait_indirect_dma semaphore(%arg21 : memref<!tpu.dma_semaphore, #tpu.memory_space<semaphore_mem>>) src(%dma_wait3A_486 : memref<1000000x32xf32, #tpu.memory_space<hbm>>) dst(%arg11 : memref<512x32xf32, #tpu.memory_space<vmem>>)
      %add3A_487 = arith.constant 2 : i32
      %add3A_488 = arith.addi %add3A_483, %add3A_487 : i32
      %lt3A_489 = arith.constant 200 : i32
      %lt3A_490 = arith.cmpi slt, %add3A_488, %lt3A_489 : i32
      %convert_element_type3A_491 = arith.extui %lt3A_490 : i1 to i32
      %cond3A_492 = arith.constant 0 : i32
      %cond3A_493 = arith.cmpi ne, %convert_element_type3A_491, %cond3A_492 : i32
      scf.if %cond3A_493 {
        %add3A_672 = arith.constant 2 : i32
        %add3A_673 = arith.addi %add3A_483, %add3A_672 : i32
        %jit3A_674 = arith.constant 8 : i32
        %div3A_675 = arith.divsi %add3A_673, %jit3A_674 : i32
        %sign3A_676 = arith.constant 0 : i32
        %sign3A_677 = arith.cmpi sgt, %add3A_673, %sign3A_676 : i32
        %sign3A_678 = arith.extui %sign3A_677 : i1 to i32
        %sign3A_679 = arith.constant 0 : i32
        %sign3A_680 = arith.cmpi slt, %add3A_673, %sign3A_679 : i32
        %sign3A_681 = arith.extui %sign3A_680 : i1 to i32
        %sign3A_682 = arith.subi %sign3A_678, %sign3A_681 : i32
        %sign3A_683 = arith.constant 0 : i32
        %sign3A_684 = arith.cmpi sgt, %jit3A_674, %sign3A_683 : i32
        %sign3A_685 = arith.extui %sign3A_684 : i1 to i32
        %sign3A_686 = arith.constant 0 : i32
        %sign3A_687 = arith.cmpi slt, %jit3A_674, %sign3A_686 : i32
        %sign3A_688 = arith.extui %sign3A_687 : i1 to i32
        %sign3A_689 = arith.subi %sign3A_685, %sign3A_688 : i32
        %ne3A_690 = arith.cmpi ne, %sign3A_682, %sign3A_689 : i32
        %rem3A_691 = arith.remsi %add3A_673, %jit3A_674 : i32
        %ne3A_692 = arith.constant 0 : i32
        %ne3A_693 = arith.cmpi ne, %rem3A_691, %ne3A_692 : i32
        %and3A_694 = arith.andi %ne3A_690, %ne3A_693 : i1
        %sub3A_695 = arith.constant 1 : i32
        %sub3A_696 = arith.subi %div3A_675, %sub3A_695 : i32
        %select_n3A_697 = arith.select %and3A_694, %sub3A_696, %div3A_675 : i32
        %add3A_698 = arith.constant 0 : i32
        %add3A_699 = arith.addi %mul3A_2, %add3A_698 : i32
        %jit3A_700 = arith.constant 8 : i32
        %eq3A_701 = arith.constant 0 : i32
        %eq3A_702 = arith.cmpi eq, %jit3A_700, %eq3A_701 : i32
        %jit3A_703 = arith.constant 1 : i32
        %select_n3A_704 = arith.select %eq3A_702, %jit3A_703, %jit3A_700 : i32
        %rem3A_705 = arith.remsi %add3A_673, %select_n3A_704 : i32
        %ne3A_706 = arith.constant 0 : i32
        %ne3A_707 = arith.cmpi ne, %rem3A_705, %ne3A_706 : i32
        %lt3A_708 = arith.constant 0 : i32
        %lt3A_709 = arith.cmpi slt, %rem3A_705, %lt3A_708 : i32
        %lt3A_710 = arith.constant 0 : i32
        %lt3A_711 = arith.cmpi slt, %select_n3A_704, %lt3A_710 : i32
        %ne3A_712 = arith.xori %lt3A_709, %lt3A_711 : i1
        %and3A_713 = arith.andi %ne3A_712, %ne3A_707 : i1
        %add3A_714 = arith.addi %rem3A_705, %select_n3A_704 : i32
        %select_n3A_715 = arith.select %and3A_713, %add3A_714, %rem3A_705 : i32
        %dma_wait3A_716 = arith.constant 0 : i32
        %dma_wait3A_717 = tpu.memref_slice %arg5[%dma_wait3A_716] : memref<512xi32, #tpu.memory_space<vmem>> -> memref<128xi32, #tpu.memory_space<vmem>>
        %dma_wait3A_718 = arith.constant 0 : i32
        %dma_wait3A_719 = tpu.memref_slice %arg2[%select_n3A_697, %add3A_699, %select_n3A_715, %dma_wait3A_718] : memref<25x128x8x128xi32, #tpu.memory_space<hbm>> -> memref<1x1x1x128xi32, #tpu.memory_space<hbm>>
        %dma_wait3A_720 = tpu.memref_squeeze %dma_wait3A_719 : memref<1x1x1x128xi32, #tpu.memory_space<hbm>> -> memref<128xi32, #tpu.memory_space<hbm>>
        %dma_wait3A_721 = arith.constant 0 : i32
        %dma_wait3A_722 = tpu.memref_slice %arg5[%dma_wait3A_721] : memref<512xi32, #tpu.memory_space<vmem>> -> memref<128xi32, #tpu.memory_space<vmem>>
        %dma_wait3A_723 = arith.constant 0 : i32
        %dma_wait3A_724 = tpu.memref_slice %arg2[%select_n3A_697, %add3A_699, %select_n3A_715, %dma_wait3A_723] : memref<25x128x8x128xi32, #tpu.memory_space<hbm>> -> memref<1x1x1x128xi32, #tpu.memory_space<hbm>>
        %dma_wait3A_725 = tpu.memref_squeeze %dma_wait3A_724 : memref<1x1x1x128xi32, #tpu.memory_space<hbm>> -> memref<128xi32, #tpu.memory_space<hbm>>
        tpu.wait_dma2 semaphore(%arg15 : memref<!tpu.dma_semaphore, #tpu.memory_space<semaphore_mem>>) src(%dma_wait3A_725 : memref<128xi32, #tpu.memory_space<hbm>>) dst(%dma_wait3A_722 : memref<128xi32, #tpu.memory_space<vmem>>)
        %jit3A_726 = arith.constant 8 : i32
        %div3A_727 = arith.divsi %add3A_673, %jit3A_726 : i32
        %sign3A_728 = arith.constant 0 : i32
        %sign3A_729 = arith.cmpi sgt, %add3A_673, %sign3A_728 : i32
        %sign3A_730 = arith.extui %sign3A_729 : i1 to i32
        %sign3A_731 = arith.constant 0 : i32
        %sign3A_732 = arith.cmpi slt, %add3A_673, %sign3A_731 : i32
        %sign3A_733 = arith.extui %sign3A_732 : i1 to i32
        %sign3A_734 = arith.subi %sign3A_730, %sign3A_733 : i32
        %sign3A_735 = arith.constant 0 : i32
        %sign3A_736 = arith.cmpi sgt, %jit3A_726, %sign3A_735 : i32
        %sign3A_737 = arith.extui %sign3A_736 : i1 to i32
        %sign3A_738 = arith.constant 0 : i32
        %sign3A_739 = arith.cmpi slt, %jit3A_726, %sign3A_738 : i32
        %sign3A_740 = arith.extui %sign3A_739 : i1 to i32
        %sign3A_741 = arith.subi %sign3A_737, %sign3A_740 : i32
        %ne3A_742 = arith.cmpi ne, %sign3A_734, %sign3A_741 : i32
        %rem3A_743 = arith.remsi %add3A_673, %jit3A_726 : i32
        %ne3A_744 = arith.constant 0 : i32
        %ne3A_745 = arith.cmpi ne, %rem3A_743, %ne3A_744 : i32
        %and3A_746 = arith.andi %ne3A_742, %ne3A_745 : i1
        %sub3A_747 = arith.constant 1 : i32
        %sub3A_748 = arith.subi %div3A_727, %sub3A_747 : i32
        %select_n3A_749 = arith.select %and3A_746, %sub3A_748, %div3A_727 : i32
        %add3A_750 = arith.constant 1 : i32
        %add3A_751 = arith.addi %mul3A_2, %add3A_750 : i32
        %jit3A_752 = arith.constant 8 : i32
        %eq3A_753 = arith.constant 0 : i32
        %eq3A_754 = arith.cmpi eq, %jit3A_752, %eq3A_753 : i32
        %jit3A_755 = arith.constant 1 : i32
        %select_n3A_756 = arith.select %eq3A_754, %jit3A_755, %jit3A_752 : i32
        %rem3A_757 = arith.remsi %add3A_673, %select_n3A_756 : i32
        %ne3A_758 = arith.constant 0 : i32
        %ne3A_759 = arith.cmpi ne, %rem3A_757, %ne3A_758 : i32
        %lt3A_760 = arith.constant 0 : i32
        %lt3A_761 = arith.cmpi slt, %rem3A_757, %lt3A_760 : i32
        %lt3A_762 = arith.constant 0 : i32
        %lt3A_763 = arith.cmpi slt, %select_n3A_756, %lt3A_762 : i32
        %ne3A_764 = arith.xori %lt3A_761, %lt3A_763 : i1
        %and3A_765 = arith.andi %ne3A_764, %ne3A_759 : i1
        %add3A_766 = arith.addi %rem3A_757, %select_n3A_756 : i32
        %select_n3A_767 = arith.select %and3A_765, %add3A_766, %rem3A_757 : i32
        %dma_wait3A_768 = arith.constant 128 : i32
        %dma_wait3A_769 = tpu.memref_slice %arg5[%dma_wait3A_768] : memref<512xi32, #tpu.memory_space<vmem>> -> memref<128xi32, #tpu.memory_space<vmem>>
        %dma_wait3A_770 = arith.constant 0 : i32
        %dma_wait3A_771 = tpu.memref_slice %arg2[%select_n3A_749, %add3A_751, %select_n3A_767, %dma_wait3A_770] : memref<25x128x8x128xi32, #tpu.memory_space<hbm>> -> memref<1x1x1x128xi32, #tpu.memory_space<hbm>>
        %dma_wait3A_772 = tpu.memref_squeeze %dma_wait3A_771 : memref<1x1x1x128xi32, #tpu.memory_space<hbm>> -> memref<128xi32, #tpu.memory_space<hbm>>
        %dma_wait3A_773 = arith.constant 128 : i32
        %dma_wait3A_774 = tpu.memref_slice %arg5[%dma_wait3A_773] : memref<512xi32, #tpu.memory_space<vmem>> -> memref<128xi32, #tpu.memory_space<vmem>>
        %dma_wait3A_775 = arith.constant 0 : i32
        %dma_wait3A_776 = tpu.memref_slice %arg2[%select_n3A_749, %add3A_751, %select_n3A_767, %dma_wait3A_775] : memref<25x128x8x128xi32, #tpu.memory_space<hbm>> -> memref<1x1x1x128xi32, #tpu.memory_space<hbm>>
        %dma_wait3A_777 = tpu.memref_squeeze %dma_wait3A_776 : memref<1x1x1x128xi32, #tpu.memory_space<hbm>> -> memref<128xi32, #tpu.memory_space<hbm>>
        tpu.wait_dma2 semaphore(%arg15 : memref<!tpu.dma_semaphore, #tpu.memory_space<semaphore_mem>>) src(%dma_wait3A_777 : memref<128xi32, #tpu.memory_space<hbm>>) dst(%dma_wait3A_774 : memref<128xi32, #tpu.memory_space<vmem>>)
        %jit3A_778 = arith.constant 8 : i32
        %div3A_779 = arith.divsi %add3A_673, %jit3A_778 : i32
        %sign3A_780 = arith.constant 0 : i32
        %sign3A_781 = arith.cmpi sgt, %add3A_673, %sign3A_780 : i32
        %sign3A_782 = arith.extui %sign3A_781 : i1 to i32
        %sign3A_783 = arith.constant 0 : i32
        %sign3A_784 = arith.cmpi slt, %add3A_673, %sign3A_783 : i32
        %sign3A_785 = arith.extui %sign3A_784 : i1 to i32
        %sign3A_786 = arith.subi %sign3A_782, %sign3A_785 : i32
        %sign3A_787 = arith.constant 0 : i32
        %sign3A_788 = arith.cmpi sgt, %jit3A_778, %sign3A_787 : i32
        %sign3A_789 = arith.extui %sign3A_788 : i1 to i32
        %sign3A_790 = arith.constant 0 : i32
        %sign3A_791 = arith.cmpi slt, %jit3A_778, %sign3A_790 : i32
        %sign3A_792 = arith.extui %sign3A_791 : i1 to i32
        %sign3A_793 = arith.subi %sign3A_789, %sign3A_792 : i32
        %ne3A_794 = arith.cmpi ne, %sign3A_786, %sign3A_793 : i32
        %rem3A_795 = arith.remsi %add3A_673, %jit3A_778 : i32
        %ne3A_796 = arith.constant 0 : i32
        %ne3A_797 = arith.cmpi ne, %rem3A_795, %ne3A_796 : i32
        %and3A_798 = arith.andi %ne3A_794, %ne3A_797 : i1
        %sub3A_799 = arith.constant 1 : i32
        %sub3A_800 = arith.subi %div3A_779, %sub3A_799 : i32
        %select_n3A_801 = arith.select %and3A_798, %sub3A_800, %div3A_779 : i32
        %add3A_802 = arith.constant 2 : i32
        %add3A_803 = arith.addi %mul3A_2, %add3A_802 : i32
        %jit3A_804 = arith.constant 8 : i32
        %eq3A_805 = arith.constant 0 : i32
        %eq3A_806 = arith.cmpi eq, %jit3A_804, %eq3A_805 : i32
        %jit3A_807 = arith.constant 1 : i32
        %select_n3A_808 = arith.select %eq3A_806, %jit3A_807, %jit3A_804 : i32
        %rem3A_809 = arith.remsi %add3A_673, %select_n3A_808 : i32
        %ne3A_810 = arith.constant 0 : i32
        %ne3A_811 = arith.cmpi ne, %rem3A_809, %ne3A_810 : i32
        %lt3A_812 = arith.constant 0 : i32
        %lt3A_813 = arith.cmpi slt, %rem3A_809, %lt3A_812 : i32
        %lt3A_814 = arith.constant 0 : i32
        %lt3A_815 = arith.cmpi slt, %select_n3A_808, %lt3A_814 : i32
        %ne3A_816 = arith.xori %lt3A_813, %lt3A_815 : i1
        %and3A_817 = arith.andi %ne3A_816, %ne3A_811 : i1
        %add3A_818 = arith.addi %rem3A_809, %select_n3A_808 : i32
        %select_n3A_819 = arith.select %and3A_817, %add3A_818, %rem3A_809 : i32
        %dma_wait3A_820 = arith.constant 256 : i32
        %dma_wait3A_821 = tpu.memref_slice %arg5[%dma_wait3A_820] : memref<512xi32, #tpu.memory_space<vmem>> -> memref<128xi32, #tpu.memory_space<vmem>>
        %dma_wait3A_822 = arith.constant 0 : i32
        %dma_wait3A_823 = tpu.memref_slice %arg2[%select_n3A_801, %add3A_803, %select_n3A_819, %dma_wait3A_822] : memref<25x128x8x128xi32, #tpu.memory_space<hbm>> -> memref<1x1x1x128xi32, #tpu.memory_space<hbm>>
        %dma_wait3A_824 = tpu.memref_squeeze %dma_wait3A_823 : memref<1x1x1x128xi32, #tpu.memory_space<hbm>> -> memref<128xi32, #tpu.memory_space<hbm>>
        %dma_wait3A_825 = arith.constant 256 : i32
        %dma_wait3A_826 = tpu.memref_slice %arg5[%dma_wait3A_825] : memref<512xi32, #tpu.memory_space<vmem>> -> memref<128xi32, #tpu.memory_space<vmem>>
        %dma_wait3A_827 = arith.constant 0 : i32
        %dma_wait3A_828 = tpu.memref_slice %arg2[%select_n3A_801, %add3A_803, %select_n3A_819, %dma_wait3A_827] : memref<25x128x8x128xi32, #tpu.memory_space<hbm>> -> memref<1x1x1x128xi32, #tpu.memory_space<hbm>>
        %dma_wait3A_829 = tpu.memref_squeeze %dma_wait3A_828 : memref<1x1x1x128xi32, #tpu.memory_space<hbm>> -> memref<128xi32, #tpu.memory_space<hbm>>
        tpu.wait_dma2 semaphore(%arg15 : memref<!tpu.dma_semaphore, #tpu.memory_space<semaphore_mem>>) src(%dma_wait3A_829 : memref<128xi32, #tpu.memory_space<hbm>>) dst(%dma_wait3A_826 : memref<128xi32, #tpu.memory_space<vmem>>)
        %jit3A_830 = arith.constant 8 : i32
        %div3A_831 = arith.divsi %add3A_673, %jit3A_830 : i32
        %sign3A_832 = arith.constant 0 : i32
        %sign3A_833 = arith.cmpi sgt, %add3A_673, %sign3A_832 : i32
        %sign3A_834 = arith.extui %sign3A_833 : i1 to i32
        %sign3A_835 = arith.constant 0 : i32
        %sign3A_836 = arith.cmpi slt, %add3A_673, %sign3A_835 : i32
        %sign3A_837 = arith.extui %sign3A_836 : i1 to i32
        %sign3A_838 = arith.subi %sign3A_834, %sign3A_837 : i32
        %sign3A_839 = arith.constant 0 : i32
        %sign3A_840 = arith.cmpi sgt, %jit3A_830, %sign3A_839 : i32
        %sign3A_841 = arith.extui %sign3A_840 : i1 to i32
        %sign3A_842 = arith.constant 0 : i32
        %sign3A_843 = arith.cmpi slt, %jit3A_830, %sign3A_842 : i32
        %sign3A_844 = arith.extui %sign3A_843 : i1 to i32
        %sign3A_845 = arith.subi %sign3A_841, %sign3A_844 : i32
        %ne3A_846 = arith.cmpi ne, %sign3A_838, %sign3A_845 : i32
        %rem3A_847 = arith.remsi %add3A_673, %jit3A_830 : i32
        %ne3A_848 = arith.constant 0 : i32
        %ne3A_849 = arith.cmpi ne, %rem3A_847, %ne3A_848 : i32
        %and3A_850 = arith.andi %ne3A_846, %ne3A_849 : i1
        %sub3A_851 = arith.constant 1 : i32
        %sub3A_852 = arith.subi %div3A_831, %sub3A_851 : i32
        %select_n3A_853 = arith.select %and3A_850, %sub3A_852, %div3A_831 : i32
        %add3A_854 = arith.constant 3 : i32
        %add3A_855 = arith.addi %mul3A_2, %add3A_854 : i32
        %jit3A_856 = arith.constant 8 : i32
        %eq3A_857 = arith.constant 0 : i32
        %eq3A_858 = arith.cmpi eq, %jit3A_856, %eq3A_857 : i32
        %jit3A_859 = arith.constant 1 : i32
        %select_n3A_860 = arith.select %eq3A_858, %jit3A_859, %jit3A_856 : i32
        %rem3A_861 = arith.remsi %add3A_673, %select_n3A_860 : i32
        %ne3A_862 = arith.constant 0 : i32
        %ne3A_863 = arith.cmpi ne, %rem3A_861, %ne3A_862 : i32
        %lt3A_864 = arith.constant 0 : i32
        %lt3A_865 = arith.cmpi slt, %rem3A_861, %lt3A_864 : i32
        %lt3A_866 = arith.constant 0 : i32
        %lt3A_867 = arith.cmpi slt, %select_n3A_860, %lt3A_866 : i32
        %ne3A_868 = arith.xori %lt3A_865, %lt3A_867 : i1
        %and3A_869 = arith.andi %ne3A_868, %ne3A_863 : i1
        %add3A_870 = arith.addi %rem3A_861, %select_n3A_860 : i32
        %select_n3A_871 = arith.select %and3A_869, %add3A_870, %rem3A_861 : i32
        %dma_wait3A_872 = arith.constant 384 : i32
        %dma_wait3A_873 = tpu.memref_slice %arg5[%dma_wait3A_872] : memref<512xi32, #tpu.memory_space<vmem>> -> memref<128xi32, #tpu.memory_space<vmem>>
        %dma_wait3A_874 = arith.constant 0 : i32
        %dma_wait3A_875 = tpu.memref_slice %arg2[%select_n3A_853, %add3A_855, %select_n3A_871, %dma_wait3A_874] : memref<25x128x8x128xi32, #tpu.memory_space<hbm>> -> memref<1x1x1x128xi32, #tpu.memory_space<hbm>>
        %dma_wait3A_876 = tpu.memref_squeeze %dma_wait3A_875 : memref<1x1x1x128xi32, #tpu.memory_space<hbm>> -> memref<128xi32, #tpu.memory_space<hbm>>
        %dma_wait3A_877 = arith.constant 384 : i32
        %dma_wait3A_878 = tpu.memref_slice %arg5[%dma_wait3A_877] : memref<512xi32, #tpu.memory_space<vmem>> -> memref<128xi32, #tpu.memory_space<vmem>>
        %dma_wait3A_879 = arith.constant 0 : i32
        %dma_wait3A_880 = tpu.memref_slice %arg2[%select_n3A_853, %add3A_855, %select_n3A_871, %dma_wait3A_879] : memref<25x128x8x128xi32, #tpu.memory_space<hbm>> -> memref<1x1x1x128xi32, #tpu.memory_space<hbm>>
        %dma_wait3A_881 = tpu.memref_squeeze %dma_wait3A_880 : memref<1x1x1x128xi32, #tpu.memory_space<hbm>> -> memref<128xi32, #tpu.memory_space<hbm>>
        tpu.wait_dma2 semaphore(%arg15 : memref<!tpu.dma_semaphore, #tpu.memory_space<semaphore_mem>>) src(%dma_wait3A_881 : memref<128xi32, #tpu.memory_space<hbm>>) dst(%dma_wait3A_878 : memref<128xi32, #tpu.memory_space<vmem>>)
        %dma_start3A_882 = arith.constant 0 : i32
        %dma_start3A_883 = arith.constant 0 : i32
        %dma_start3A_884 = tpu.memref_slice %arg3[%dma_start3A_882, %dma_start3A_883] : memref<1000000x32xf32, #tpu.memory_space<hbm>> -> memref<1000000x32xf32, #tpu.memory_space<hbm>>
        tpu.enqueue_indirect_dma source(%dma_start3A_884 : memref<1000000x32xf32, #tpu.memory_space<hbm>>) target(%arg9 : memref<512x32xf32, #tpu.memory_space<vmem>>) offsets(%arg5 : memref<512xi32, #tpu.memory_space<vmem>>) semaphore(%arg19 : memref<!tpu.dma_semaphore, #tpu.memory_space<semaphore_mem>>)
      } else {
      }
      %ge3A_494 = arith.constant 2 : i32
      %ge3A_495 = arith.cmpi sge, %add3A_483, %ge3A_494 : i32
      %convert_element_type3A_496 = arith.extui %ge3A_495 : i1 to i32
      %cond3A_497 = arith.constant 0 : i32
      %cond3A_498 = arith.cmpi ne, %convert_element_type3A_496, %cond3A_497 : i32
      scf.if %cond3A_498 {
        %sub3A_672 = arith.constant 2 : i32
        %sub3A_673 = arith.subi %add3A_483, %sub3A_672 : i32
        %mul3A_674 = arith.constant 4 : i32
        %mul3A_675 = arith.muli %add3A, %mul3A_674 : i32
        %mul3A_676 = arith.constant 8 : i32
        %mul3A_677 = arith.muli %mul3A_675, %mul3A_676 : i32
        %dma_wait3A_678 = arith.constant 0 : i32
        %dma_wait3A_679 = arith.constant 0 : i32
        %dma_wait3A_680 = arith.constant 0 : i32
        %dma_wait3A_681 = tpu.memref_slice %arg13[%dma_wait3A_679, %dma_wait3A_680] : memref<128x129xf32, #tpu.memory_space<vmem>> -> memref<32x128xf32, #tpu.memory_space<vmem>>
        %dma_wait3A_682 = arith.constant 0 : i32
        %dma_wait3A_683 = tpu.memref_slice %arg4[%sub3A_673, %dma_wait3A_678, %mul3A_677, %dma_wait3A_682] : memref<200x4x1024x128xf32, #tpu.memory_space<hbm>> -> memref<1x1x32x128xf32, #tpu.memory_space<hbm>>
        %dma_wait3A_684 = tpu.memref_squeeze %dma_wait3A_683 : memref<1x1x32x128xf32, #tpu.memory_space<hbm>> -> memref<32x128xf32, #tpu.memory_space<hbm>>
        %dma_wait3A_685 = arith.constant 0 : i32
        %dma_wait3A_686 = tpu.memref_slice %arg4[%sub3A_673, %dma_wait3A_678, %mul3A_677, %dma_wait3A_685] : memref<200x4x1024x128xf32, #tpu.memory_space<hbm>> -> memref<1x1x32x128xf32, #tpu.memory_space<hbm>>
        %dma_wait3A_687 = tpu.memref_squeeze %dma_wait3A_686 : memref<1x1x32x128xf32, #tpu.memory_space<hbm>> -> memref<32x128xf32, #tpu.memory_space<hbm>>
        %dma_wait3A_688 = arith.constant 0 : i32
        %dma_wait3A_689 = arith.constant 0 : i32
        %dma_wait3A_690 = tpu.memref_slice %arg13[%dma_wait3A_688, %dma_wait3A_689] : memref<128x129xf32, #tpu.memory_space<vmem>> -> memref<32x128xf32, #tpu.memory_space<vmem>>
        tpu.wait_dma2 semaphore(%arg23 : memref<!tpu.dma_semaphore, #tpu.memory_space<semaphore_mem>>) src(%dma_wait3A_690 : memref<32x128xf32, #tpu.memory_space<vmem>>) dst(%dma_wait3A_687 : memref<32x128xf32, #tpu.memory_space<hbm>>)
        %mul3A_691 = arith.constant 4 : i32
        %mul3A_692 = arith.muli %add3A, %mul3A_691 : i32
        %mul3A_693 = arith.constant 8 : i32
        %mul3A_694 = arith.muli %mul3A_692, %mul3A_693 : i32
        %dma_wait3A_695 = arith.constant 1 : i32
        %dma_wait3A_696 = arith.constant 32 : i32
        %dma_wait3A_697 = arith.constant 0 : i32
        %dma_wait3A_698 = tpu.memref_slice %arg13[%dma_wait3A_696, %dma_wait3A_697] : memref<128x129xf32, #tpu.memory_space<vmem>> -> memref<32x128xf32, #tpu.memory_space<vmem>>
        %dma_wait3A_699 = arith.constant 0 : i32
        %dma_wait3A_700 = tpu.memref_slice %arg4[%sub3A_673, %dma_wait3A_695, %mul3A_694, %dma_wait3A_699] : memref<200x4x1024x128xf32, #tpu.memory_space<hbm>> -> memref<1x1x32x128xf32, #tpu.memory_space<hbm>>
        %dma_wait3A_701 = tpu.memref_squeeze %dma_wait3A_700 : memref<1x1x32x128xf32, #tpu.memory_space<hbm>> -> memref<32x128xf32, #tpu.memory_space<hbm>>
        %dma_wait3A_702 = arith.constant 0 : i32
        %dma_wait3A_703 = tpu.memref_slice %arg4[%sub3A_673, %dma_wait3A_695, %mul3A_694, %dma_wait3A_702] : memref<200x4x1024x128xf32, #tpu.memory_space<hbm>> -> memref<1x1x32x128xf32, #tpu.memory_space<hbm>>
        %dma_wait3A_704 = tpu.memref_squeeze %dma_wait3A_703 : memref<1x1x32x128xf32, #tpu.memory_space<hbm>> -> memref<32x128xf32, #tpu.memory_space<hbm>>
        %dma_wait3A_705 = arith.constant 32 : i32
        %dma_wait3A_706 = arith.constant 0 : i32
        %dma_wait3A_707 = tpu.memref_slice %arg13[%dma_wait3A_705, %dma_wait3A_706] : memref<128x129xf32, #tpu.memory_space<vmem>> -> memref<32x128xf32, #tpu.memory_space<vmem>>
        tpu.wait_dma2 semaphore(%arg23 : memref<!tpu.dma_semaphore, #tpu.memory_space<semaphore_mem>>) src(%dma_wait3A_707 : memref<32x128xf32, #tpu.memory_space<vmem>>) dst(%dma_wait3A_704 : memref<32x128xf32, #tpu.memory_space<hbm>>)
        %mul3A_708 = arith.constant 4 : i32
        %mul3A_709 = arith.muli %add3A, %mul3A_708 : i32
        %mul3A_710 = arith.constant 8 : i32
        %mul3A_711 = arith.muli %mul3A_709, %mul3A_710 : i32
        %dma_wait3A_712 = arith.constant 2 : i32
        %dma_wait3A_713 = arith.constant 64 : i32
        %dma_wait3A_714 = arith.constant 0 : i32
        %dma_wait3A_715 = tpu.memref_slice %arg13[%dma_wait3A_713, %dma_wait3A_714] : memref<128x129xf32, #tpu.memory_space<vmem>> -> memref<32x128xf32, #tpu.memory_space<vmem>>
        %dma_wait3A_716 = arith.constant 0 : i32
        %dma_wait3A_717 = tpu.memref_slice %arg4[%sub3A_673, %dma_wait3A_712, %mul3A_711, %dma_wait3A_716] : memref<200x4x1024x128xf32, #tpu.memory_space<hbm>> -> memref<1x1x32x128xf32, #tpu.memory_space<hbm>>
        %dma_wait3A_718 = tpu.memref_squeeze %dma_wait3A_717 : memref<1x1x32x128xf32, #tpu.memory_space<hbm>> -> memref<32x128xf32, #tpu.memory_space<hbm>>
        %dma_wait3A_719 = arith.constant 0 : i32
        %dma_wait3A_720 = tpu.memref_slice %arg4[%sub3A_673, %dma_wait3A_712, %mul3A_711, %dma_wait3A_719] : memref<200x4x1024x128xf32, #tpu.memory_space<hbm>> -> memref<1x1x32x128xf32, #tpu.memory_space<hbm>>
        %dma_wait3A_721 = tpu.memref_squeeze %dma_wait3A_720 : memref<1x1x32x128xf32, #tpu.memory_space<hbm>> -> memref<32x128xf32, #tpu.memory_space<hbm>>
        %dma_wait3A_722 = arith.constant 64 : i32
        %dma_wait3A_723 = arith.constant 0 : i32
        %dma_wait3A_724 = tpu.memref_slice %arg13[%dma_wait3A_722, %dma_wait3A_723] : memref<128x129xf32, #tpu.memory_space<vmem>> -> memref<32x128xf32, #tpu.memory_space<vmem>>
        tpu.wait_dma2 semaphore(%arg23 : memref<!tpu.dma_semaphore, #tpu.memory_space<semaphore_mem>>) src(%dma_wait3A_724 : memref<32x128xf32, #tpu.memory_space<vmem>>) dst(%dma_wait3A_721 : memref<32x128xf32, #tpu.memory_space<hbm>>)
        %mul3A_725 = arith.constant 4 : i32
        %mul3A_726 = arith.muli %add3A, %mul3A_725 : i32
        %mul3A_727 = arith.constant 8 : i32
        %mul3A_728 = arith.muli %mul3A_726, %mul3A_727 : i32
        %dma_wait3A_729 = arith.constant 3 : i32
        %dma_wait3A_730 = arith.constant 96 : i32
        %dma_wait3A_731 = arith.constant 0 : i32
        %dma_wait3A_732 = tpu.memref_slice %arg13[%dma_wait3A_730, %dma_wait3A_731] : memref<128x129xf32, #tpu.memory_space<vmem>> -> memref<32x128xf32, #tpu.memory_space<vmem>>
        %dma_wait3A_733 = arith.constant 0 : i32
        %dma_wait3A_734 = tpu.memref_slice %arg4[%sub3A_673, %dma_wait3A_729, %mul3A_728, %dma_wait3A_733] : memref<200x4x1024x128xf32, #tpu.memory_space<hbm>> -> memref<1x1x32x128xf32, #tpu.memory_space<hbm>>
        %dma_wait3A_735 = tpu.memref_squeeze %dma_wait3A_734 : memref<1x1x32x128xf32, #tpu.memory_space<hbm>> -> memref<32x128xf32, #tpu.memory_space<hbm>>
        %dma_wait3A_736 = arith.constant 0 : i32
        %dma_wait3A_737 = tpu.memref_slice %arg4[%sub3A_673, %dma_wait3A_729, %mul3A_728, %dma_wait3A_736] : memref<200x4x1024x128xf32, #tpu.memory_space<hbm>> -> memref<1x1x32x128xf32, #tpu.memory_space<hbm>>
        %dma_wait3A_738 = tpu.memref_squeeze %dma_wait3A_737 : memref<1x1x32x128xf32, #tpu.memory_space<hbm>> -> memref<32x128xf32, #tpu.memory_space<hbm>>
        %dma_wait3A_739 = arith.constant 96 : i32
        %dma_wait3A_740 = arith.constant 0 : i32
        %dma_wait3A_741 = tpu.memref_slice %arg13[%dma_wait3A_739, %dma_wait3A_740] : memref<128x129xf32, #tpu.memory_space<vmem>> -> memref<32x128xf32, #tpu.memory_space<vmem>>
        tpu.wait_dma2 semaphore(%arg23 : memref<!tpu.dma_semaphore, #tpu.memory_space<semaphore_mem>>) src(%dma_wait3A_741 : memref<32x128xf32, #tpu.memory_space<vmem>>) dst(%dma_wait3A_738 : memref<32x128xf32, #tpu.memory_space<hbm>>)
      } else {
      }
      %parallel_loop3A_499 = arith.constant 0 : i32
      %parallel_loop3A_500 = arith.constant 512 : i32
      %parallel_loop3A_501 = arith.constant 1 : i32
      scf.for %parallel_loop3A_672 = %parallel_loop3A_499 to %parallel_loop3A_500 step %parallel_loop3A_501  : i32 {
        %parallel_loop3A_673 = arith.constant 128 : i32
        %parallel_loop3A_674 = arith.divsi %parallel_loop3A_672, %parallel_loop3A_673 : i32
        %parallel_loop3A_675 = arith.constant 0 : i32
        %parallel_loop3A_676 = arith.cmpi sgt, %parallel_loop3A_672, %parallel_loop3A_675 : i32
        %parallel_loop3A_677 = arith.extui %parallel_loop3A_676 : i1 to i32
        %parallel_loop3A_678 = arith.constant 0 : i32
        %parallel_loop3A_679 = arith.cmpi slt, %parallel_loop3A_672, %parallel_loop3A_678 : i32
        %parallel_loop3A_680 = arith.extui %parallel_loop3A_679 : i1 to i32
        %parallel_loop3A_681 = arith.subi %parallel_loop3A_677, %parallel_loop3A_680 : i32
        %parallel_loop3A_682 = arith.constant 0 : i32
        %parallel_loop3A_683 = arith.cmpi sgt, %parallel_loop3A_673, %parallel_loop3A_682 : i32
        %parallel_loop3A_684 = arith.extui %parallel_loop3A_683 : i1 to i32
        %parallel_loop3A_685 = arith.constant 0 : i32
        %parallel_loop3A_686 = arith.cmpi slt, %parallel_loop3A_673, %parallel_loop3A_685 : i32
        %parallel_loop3A_687 = arith.extui %parallel_loop3A_686 : i1 to i32
        %parallel_loop3A_688 = arith.subi %parallel_loop3A_684, %parallel_loop3A_687 : i32
        %parallel_loop3A_689 = arith.cmpi ne, %parallel_loop3A_681, %parallel_loop3A_688 : i32
        %parallel_loop3A_690 = arith.remsi %parallel_loop3A_672, %parallel_loop3A_673 : i32
        %parallel_loop3A_691 = arith.constant 0 : i32
        %parallel_loop3A_692 = arith.cmpi ne, %parallel_loop3A_690, %parallel_loop3A_691 : i32
        %parallel_loop3A_693 = arith.andi %parallel_loop3A_689, %parallel_loop3A_692 : i1
        %parallel_loop3A_694 = arith.constant 1 : i32
        %parallel_loop3A_695 = arith.subi %parallel_loop3A_674, %parallel_loop3A_694 : i32
        %parallel_loop3A_696 = arith.select %parallel_loop3A_693, %parallel_loop3A_695, %parallel_loop3A_674 : i32
        %parallel_loop3A_697 = arith.constant 128 : i32
        %parallel_loop3A_698 = arith.constant 0 : i32
        %parallel_loop3A_699 = arith.cmpi eq, %parallel_loop3A_697, %parallel_loop3A_698 : i32
        %parallel_loop3A_700 = arith.constant 1 : i32
        %parallel_loop3A_701 = arith.select %parallel_loop3A_699, %parallel_loop3A_700, %parallel_loop3A_697 : i32
        %parallel_loop3A_702 = arith.remsi %parallel_loop3A_672, %parallel_loop3A_701 : i32
        %parallel_loop3A_703 = arith.constant 0 : i32
        %parallel_loop3A_704 = arith.cmpi ne, %parallel_loop3A_702, %parallel_loop3A_703 : i32
        %parallel_loop3A_705 = arith.constant 0 : i32
        %parallel_loop3A_706 = arith.cmpi slt, %parallel_loop3A_702, %parallel_loop3A_705 : i32
        %parallel_loop3A_707 = arith.constant 0 : i32
        %parallel_loop3A_708 = arith.cmpi slt, %parallel_loop3A_701, %parallel_loop3A_707 : i32
        %parallel_loop3A_709 = arith.xori %parallel_loop3A_706, %parallel_loop3A_708 : i1
        %parallel_loop3A_710 = arith.andi %parallel_loop3A_709, %parallel_loop3A_704 : i1
        %parallel_loop3A_711 = arith.addi %parallel_loop3A_702, %parallel_loop3A_701 : i32
        %parallel_loop3A_712 = arith.select %parallel_loop3A_710, %parallel_loop3A_711, %parallel_loop3A_702 : i32
        %parallel_loop3A_713 = arith.constant 8 : i32
        %parallel_loop3A_714 = arith.muli %parallel_loop3A_696, %parallel_loop3A_713 : i32
        %parallel_loop3A_715 = vector.broadcast %parallel_loop3A_714 : i32 to vector<16xi32>
        %parallel_loop3A_716 = arith.addi %add3A_49, %parallel_loop3A_715 : vector<16xi32>
        %parallel_loop3A_717 = arith.constant 8 : i32
        %parallel_loop3A_718 = arith.muli %parallel_loop3A_696, %parallel_loop3A_717 : i32
        %parallel_loop3A_719 = vector.broadcast %parallel_loop3A_718 : i32 to vector<16xi32>
        %parallel_loop3A_720 = arith.addi %add3A_52, %parallel_loop3A_719 : vector<16xi32>
        %parallel_loop3A_721 = arith.constant 0 : i32
        %parallel_loop3A_722 = vector.broadcast %parallel_loop3A_721 : i32 to vector<16xi32>
        %parallel_loop3A_723 = vector.broadcast %parallel_loop3A_712 : i32 to vector<16xi32>
        %parallel_loop3A_724 = arith.addi %parallel_loop3A_722, %parallel_loop3A_723 : vector<16xi32>
        %parallel_loop3A_725 = arith.index_cast %parallel_loop3A_672 : i32 to index
        %parallel_loop3A_726 = arith.constant 0 : index
        %parallel_loop3A_727 = tpu.vector_load %arg11[%parallel_loop3A_725, %parallel_loop3A_726] {strides = array<i32>} : memref<512x32xf32, #tpu.memory_space<vmem>>, vector<16xf32>,
        %parallel_loop3A_728 = arith.constant 5.65685415 : f32
        %parallel_loop3A_729 = vector.broadcast %parallel_loop3A_728 : f32 to vector<16xf32>
        %parallel_loop3A_730 = arith.mulf %parallel_loop3A_727, %parallel_loop3A_729 : vector<16xf32>
        tpu.vector_store_idx %arg13[%parallel_loop3A_716, %parallel_loop3A_724], %parallel_loop3A_730 : memref<128x129xf32, #tpu.memory_space<vmem>>[vector<16xi32>, vector<16xi32>], vector<16xf32>,
        %parallel_loop3A_731 = arith.index_cast %parallel_loop3A_672 : i32 to index
        %parallel_loop3A_732 = arith.constant 16 : index
        %parallel_loop3A_733 = tpu.vector_load %arg11[%parallel_loop3A_731, %parallel_loop3A_732] {strides = array<i32>} : memref<512x32xf32, #tpu.memory_space<vmem>>, vector<16xf32>,
        %parallel_loop3A_734 = arith.constant 5.65685415 : f32
        %parallel_loop3A_735 = vector.broadcast %parallel_loop3A_734 : f32 to vector<16xf32>
        %parallel_loop3A_736 = arith.mulf %parallel_loop3A_733, %parallel_loop3A_735 : vector<16xf32>
        tpu.vector_store_idx %arg13[%parallel_loop3A_720, %parallel_loop3A_724], %parallel_loop3A_736 : memref<128x129xf32, #tpu.memory_space<vmem>>[vector<16xi32>, vector<16xi32>], vector<16xf32>,
      } {sc.loop_unroll_factor = 4 : i64, sc.parallel_access}
      %mul3A_502 = arith.constant 4 : i32
      %mul3A_503 = arith.muli %add3A, %mul3A_502 : i32
      %mul3A_504 = arith.constant 8 : i32
      %mul3A_505 = arith.muli %mul3A_503, %mul3A_504 : i32
      %dma_start3A_506 = arith.constant 0 : i32
      %dma_start3A_507 = arith.constant 0 : i32
      %dma_start3A_508 = arith.constant 0 : i32
      %dma_start3A_509 = tpu.memref_slice %arg13[%dma_start3A_507, %dma_start3A_508] : memref<128x129xf32, #tpu.memory_space<vmem>> -> memref<32x128xf32, #tpu.memory_space<vmem>>
      %dma_start3A_510 = arith.constant 0 : i32
      %dma_start3A_511 = tpu.memref_slice %arg4[%add3A_483, %dma_start3A_506, %mul3A_505, %dma_start3A_510] : memref<200x4x1024x128xf32, #tpu.memory_space<hbm>> -> memref<1x1x32x128xf32, #tpu.memory_space<hbm>>
      %dma_start3A_512 = tpu.memref_squeeze %dma_start3A_511 : memref<1x1x32x128xf32, #tpu.memory_space<hbm>> -> memref<32x128xf32, #tpu.memory_space<hbm>>
      %dma_start3A_513 = arith.constant 0 : i32
      %dma_start3A_514 = tpu.memref_slice %arg4[%add3A_483, %dma_start3A_506, %mul3A_505, %dma_start3A_513] : memref<200x4x1024x128xf32, #tpu.memory_space<hbm>> -> memref<1x1x32x128xf32, #tpu.memory_space<hbm>>
      %dma_start3A_515 = tpu.memref_squeeze %dma_start3A_514 : memref<1x1x32x128xf32, #tpu.memory_space<hbm>> -> memref<32x128xf32, #tpu.memory_space<hbm>>
      %dma_start3A_516 = arith.constant 0 : i32
      %dma_start3A_517 = arith.constant 0 : i32
      %dma_start3A_518 = tpu.memref_slice %arg13[%dma_start3A_516, %dma_start3A_517] : memref<128x129xf32, #tpu.memory_space<vmem>> -> memref<32x128xf32, #tpu.memory_space<vmem>>
      tpu.enqueue_dma source(%dma_start3A_518 : memref<32x128xf32, #tpu.memory_space<vmem>>) target(%dma_start3A_515 : memref<32x128xf32, #tpu.memory_space<hbm>>) target_semaphore(%arg23 : memref<!tpu.dma_semaphore, #tpu.memory_space<semaphore_mem>>)
      %mul3A_519 = arith.constant 4 : i32
      %mul3A_520 = arith.muli %add3A, %mul3A_519 : i32
      %mul3A_521 = arith.constant 8 : i32
      %mul3A_522 = arith.muli %mul3A_520, %mul3A_521 : i32
      %dma_start3A_523 = arith.constant 1 : i32
      %dma_start3A_524 = arith.constant 32 : i32
      %dma_start3A_525 = arith.constant 0 : i32
      %dma_start3A_526 = tpu.memref_slice %arg13[%dma_start3A_524, %dma_start3A_525] : memref<128x129xf32, #tpu.memory_space<vmem>> -> memref<32x128xf32, #tpu.memory_space<vmem>>
      %dma_start3A_527 = arith.constant 0 : i32
      %dma_start3A_528 = tpu.memref_slice %arg4[%add3A_483, %dma_start3A_523, %mul3A_522, %dma_start3A_527] : memref<200x4x1024x128xf32, #tpu.memory_space<hbm>> -> memref<1x1x32x128xf32, #tpu.memory_space<hbm>>
      %dma_start3A_529 = tpu.memref_squeeze %dma_start3A_528 : memref<1x1x32x128xf32, #tpu.memory_space<hbm>> -> memref<32x128xf32, #tpu.memory_space<hbm>>
      %dma_start3A_530 = arith.constant 0 : i32
      %dma_start3A_531 = tpu.memref_slice %arg4[%add3A_483, %dma_start3A_523, %mul3A_522, %dma_start3A_530] : memref<200x4x1024x128xf32, #tpu.memory_space<hbm>> -> memref<1x1x32x128xf32, #tpu.memory_space<hbm>>
      %dma_start3A_532 = tpu.memref_squeeze %dma_start3A_531 : memref<1x1x32x128xf32, #tpu.memory_space<hbm>> -> memref<32x128xf32, #tpu.memory_space<hbm>>
      %dma_start3A_533 = arith.constant 32 : i32
      %dma_start3A_534 = arith.constant 0 : i32
      %dma_start3A_535 = tpu.memref_slice %arg13[%dma_start3A_533, %dma_start3A_534] : memref<128x129xf32, #tpu.memory_space<vmem>> -> memref<32x128xf32, #tpu.memory_space<vmem>>
      tpu.enqueue_dma source(%dma_start3A_535 : memref<32x128xf32, #tpu.memory_space<vmem>>) target(%dma_start3A_532 : memref<32x128xf32, #tpu.memory_space<hbm>>) target_semaphore(%arg23 : memref<!tpu.dma_semaphore, #tpu.memory_space<semaphore_mem>>)
      %mul3A_536 = arith.constant 4 : i32
      %mul3A_537 = arith.muli %add3A, %mul3A_536 : i32
      %mul3A_538 = arith.constant 8 : i32
      %mul3A_539 = arith.muli %mul3A_537, %mul3A_538 : i32
      %dma_start3A_540 = arith.constant 2 : i32
      %dma_start3A_541 = arith.constant 64 : i32
      %dma_start3A_542 = arith.constant 0 : i32
      %dma_start3A_543 = tpu.memref_slice %arg13[%dma_start3A_541, %dma_start3A_542] : memref<128x129xf32, #tpu.memory_space<vmem>> -> memref<32x128xf32, #tpu.memory_space<vmem>>
      %dma_start3A_544 = arith.constant 0 : i32
      %dma_start3A_545 = tpu.memref_slice %arg4[%add3A_483, %dma_start3A_540, %mul3A_539, %dma_start3A_544] : memref<200x4x1024x128xf32, #tpu.memory_space<hbm>> -> memref<1x1x32x128xf32, #tpu.memory_space<hbm>>
      %dma_start3A_546 = tpu.memref_squeeze %dma_start3A_545 : memref<1x1x32x128xf32, #tpu.memory_space<hbm>> -> memref<32x128xf32, #tpu.memory_space<hbm>>
      %dma_start3A_547 = arith.constant 0 : i32
      %dma_start3A_548 = tpu.memref_slice %arg4[%add3A_483, %dma_start3A_540, %mul3A_539, %dma_start3A_547] : memref<200x4x1024x128xf32, #tpu.memory_space<hbm>> -> memref<1x1x32x128xf32, #tpu.memory_space<hbm>>
      %dma_start3A_549 = tpu.memref_squeeze %dma_start3A_548 : memref<1x1x32x128xf32, #tpu.memory_space<hbm>> -> memref<32x128xf32, #tpu.memory_space<hbm>>
      %dma_start3A_550 = arith.constant 64 : i32
      %dma_start3A_551 = arith.constant 0 : i32
      %dma_start3A_552 = tpu.memref_slice %arg13[%dma_start3A_550, %dma_start3A_551] : memref<128x129xf32, #tpu.memory_space<vmem>> -> memref<32x128xf32, #tpu.memory_space<vmem>>
      tpu.enqueue_dma source(%dma_start3A_552 : memref<32x128xf32, #tpu.memory_space<vmem>>) target(%dma_start3A_549 : memref<32x128xf32, #tpu.memory_space<hbm>>) target_semaphore(%arg23 : memref<!tpu.dma_semaphore, #tpu.memory_space<semaphore_mem>>)
      %mul3A_553 = arith.constant 4 : i32
      %mul3A_554 = arith.muli %add3A, %mul3A_553 : i32
      %mul3A_555 = arith.constant 8 : i32
      %mul3A_556 = arith.muli %mul3A_554, %mul3A_555 : i32
      %dma_start3A_557 = arith.constant 3 : i32
      %dma_start3A_558 = arith.constant 96 : i32
      %dma_start3A_559 = arith.constant 0 : i32
      %dma_start3A_560 = tpu.memref_slice %arg13[%dma_start3A_558, %dma_start3A_559] : memref<128x129xf32, #tpu.memory_space<vmem>> -> memref<32x128xf32, #tpu.memory_space<vmem>>
      %dma_start3A_561 = arith.constant 0 : i32
      %dma_start3A_562 = tpu.memref_slice %arg4[%add3A_483, %dma_start3A_557, %mul3A_556, %dma_start3A_561] : memref<200x4x1024x128xf32, #tpu.memory_space<hbm>> -> memref<1x1x32x128xf32, #tpu.memory_space<hbm>>
      %dma_start3A_563 = tpu.memref_squeeze %dma_start3A_562 : memref<1x1x32x128xf32, #tpu.memory_space<hbm>> -> memref<32x128xf32, #tpu.memory_space<hbm>>
      %dma_start3A_564 = arith.constant 0 : i32
      %dma_start3A_565 = tpu.memref_slice %arg4[%add3A_483, %dma_start3A_557, %mul3A_556, %dma_start3A_564] : memref<200x4x1024x128xf32, #tpu.memory_space<hbm>> -> memref<1x1x32x128xf32, #tpu.memory_space<hbm>>
      %dma_start3A_566 = tpu.memref_squeeze %dma_start3A_565 : memref<1x1x32x128xf32, #tpu.memory_space<hbm>> -> memref<32x128xf32, #tpu.memory_space<hbm>>
      %dma_start3A_567 = arith.constant 96 : i32
      %dma_start3A_568 = arith.constant 0 : i32
      %dma_start3A_569 = tpu.memref_slice %arg13[%dma_start3A_567, %dma_start3A_568] : memref<128x129xf32, #tpu.memory_space<vmem>> -> memref<32x128xf32, #tpu.memory_space<vmem>>
      tpu.enqueue_dma source(%dma_start3A_569 : memref<32x128xf32, #tpu.memory_space<vmem>>) target(%dma_start3A_566 : memref<32x128xf32, #tpu.memory_space<hbm>>) target_semaphore(%arg23 : memref<!tpu.dma_semaphore, #tpu.memory_space<semaphore_mem>>)
      %add3A_570 = arith.constant 3 : i32
      %add3A_571 = arith.addi %add3A_483, %add3A_570 : i32
      %lt3A_572 = arith.constant 200 : i32
      %lt3A_573 = arith.cmpi slt, %add3A_571, %lt3A_572 : i32
      %convert_element_type3A_574 = arith.extui %lt3A_573 : i1 to i32
      %cond3A_575 = arith.constant 0 : i32
      %cond3A_576 = arith.cmpi ne, %convert_element_type3A_574, %cond3A_575 : i32
      scf.if %cond3A_576 {
        %add3A_672 = arith.constant 3 : i32
        %add3A_673 = arith.addi %add3A_483, %add3A_672 : i32
        %jit3A_674 = arith.constant 8 : i32
        %div3A_675 = arith.divsi %add3A_673, %jit3A_674 : i32
        %sign3A_676 = arith.constant 0 : i32
        %sign3A_677 = arith.cmpi sgt, %add3A_673, %sign3A_676 : i32
        %sign3A_678 = arith.extui %sign3A_677 : i1 to i32
        %sign3A_679 = arith.constant 0 : i32
        %sign3A_680 = arith.cmpi slt, %add3A_673, %sign3A_679 : i32
        %sign3A_681 = arith.extui %sign3A_680 : i1 to i32
        %sign3A_682 = arith.subi %sign3A_678, %sign3A_681 : i32
        %sign3A_683 = arith.constant 0 : i32
        %sign3A_684 = arith.cmpi sgt, %jit3A_674, %sign3A_683 : i32
        %sign3A_685 = arith.extui %sign3A_684 : i1 to i32
        %sign3A_686 = arith.constant 0 : i32
        %sign3A_687 = arith.cmpi slt, %jit3A_674, %sign3A_686 : i32
        %sign3A_688 = arith.extui %sign3A_687 : i1 to i32
        %sign3A_689 = arith.subi %sign3A_685, %sign3A_688 : i32
        %ne3A_690 = arith.cmpi ne, %sign3A_682, %sign3A_689 : i32
        %rem3A_691 = arith.remsi %add3A_673, %jit3A_674 : i32
        %ne3A_692 = arith.constant 0 : i32
        %ne3A_693 = arith.cmpi ne, %rem3A_691, %ne3A_692 : i32
        %and3A_694 = arith.andi %ne3A_690, %ne3A_693 : i1
        %sub3A_695 = arith.constant 1 : i32
        %sub3A_696 = arith.subi %div3A_675, %sub3A_695 : i32
        %select_n3A_697 = arith.select %and3A_694, %sub3A_696, %div3A_675 : i32
        %add3A_698 = arith.constant 0 : i32
        %add3A_699 = arith.addi %mul3A_2, %add3A_698 : i32
        %jit3A_700 = arith.constant 8 : i32
        %eq3A_701 = arith.constant 0 : i32
        %eq3A_702 = arith.cmpi eq, %jit3A_700, %eq3A_701 : i32
        %jit3A_703 = arith.constant 1 : i32
        %select_n3A_704 = arith.select %eq3A_702, %jit3A_703, %jit3A_700 : i32
        %rem3A_705 = arith.remsi %add3A_673, %select_n3A_704 : i32
        %ne3A_706 = arith.constant 0 : i32
        %ne3A_707 = arith.cmpi ne, %rem3A_705, %ne3A_706 : i32
        %lt3A_708 = arith.constant 0 : i32
        %lt3A_709 = arith.cmpi slt, %rem3A_705, %lt3A_708 : i32
        %lt3A_710 = arith.constant 0 : i32
        %lt3A_711 = arith.cmpi slt, %select_n3A_704, %lt3A_710 : i32
        %ne3A_712 = arith.xori %lt3A_709, %lt3A_711 : i1
        %and3A_713 = arith.andi %ne3A_712, %ne3A_707 : i1
        %add3A_714 = arith.addi %rem3A_705, %select_n3A_704 : i32
        %select_n3A_715 = arith.select %and3A_713, %add3A_714, %rem3A_705 : i32
        %dma_start3A_716 = arith.constant 0 : i32
        %dma_start3A_717 = tpu.memref_slice %arg6[%dma_start3A_716] : memref<512xi32, #tpu.memory_space<vmem>> -> memref<128xi32, #tpu.memory_space<vmem>>
        %dma_start3A_718 = arith.constant 0 : i32
        %dma_start3A_719 = tpu.memref_slice %arg2[%select_n3A_697, %add3A_699, %select_n3A_715, %dma_start3A_718] : memref<25x128x8x128xi32, #tpu.memory_space<hbm>> -> memref<1x1x1x128xi32, #tpu.memory_space<hbm>>
        %dma_start3A_720 = tpu.memref_squeeze %dma_start3A_719 : memref<1x1x1x128xi32, #tpu.memory_space<hbm>> -> memref<128xi32, #tpu.memory_space<hbm>>
        %dma_start3A_721 = arith.constant 0 : i32
        %dma_start3A_722 = tpu.memref_slice %arg6[%dma_start3A_721] : memref<512xi32, #tpu.memory_space<vmem>> -> memref<128xi32, #tpu.memory_space<vmem>>
        %dma_start3A_723 = arith.constant 0 : i32
        %dma_start3A_724 = tpu.memref_slice %arg2[%select_n3A_697, %add3A_699, %select_n3A_715, %dma_start3A_723] : memref<25x128x8x128xi32, #tpu.memory_space<hbm>> -> memref<1x1x1x128xi32, #tpu.memory_space<hbm>>
        %dma_start3A_725 = tpu.memref_squeeze %dma_start3A_724 : memref<1x1x1x128xi32, #tpu.memory_space<hbm>> -> memref<128xi32, #tpu.memory_space<hbm>>
        tpu.enqueue_dma source(%dma_start3A_725 : memref<128xi32, #tpu.memory_space<hbm>>) target(%dma_start3A_722 : memref<128xi32, #tpu.memory_space<vmem>>) target_semaphore(%arg16 : memref<!tpu.dma_semaphore, #tpu.memory_space<semaphore_mem>>)
        %jit3A_726 = arith.constant 8 : i32
        %div3A_727 = arith.divsi %add3A_673, %jit3A_726 : i32
        %sign3A_728 = arith.constant 0 : i32
        %sign3A_729 = arith.cmpi sgt, %add3A_673, %sign3A_728 : i32
        %sign3A_730 = arith.extui %sign3A_729 : i1 to i32
        %sign3A_731 = arith.constant 0 : i32
        %sign3A_732 = arith.cmpi slt, %add3A_673, %sign3A_731 : i32
        %sign3A_733 = arith.extui %sign3A_732 : i1 to i32
        %sign3A_734 = arith.subi %sign3A_730, %sign3A_733 : i32
        %sign3A_735 = arith.constant 0 : i32
        %sign3A_736 = arith.cmpi sgt, %jit3A_726, %sign3A_735 : i32
        %sign3A_737 = arith.extui %sign3A_736 : i1 to i32
        %sign3A_738 = arith.constant 0 : i32
        %sign3A_739 = arith.cmpi slt, %jit3A_726, %sign3A_738 : i32
        %sign3A_740 = arith.extui %sign3A_739 : i1 to i32
        %sign3A_741 = arith.subi %sign3A_737, %sign3A_740 : i32
        %ne3A_742 = arith.cmpi ne, %sign3A_734, %sign3A_741 : i32
        %rem3A_743 = arith.remsi %add3A_673, %jit3A_726 : i32
        %ne3A_744 = arith.constant 0 : i32
        %ne3A_745 = arith.cmpi ne, %rem3A_743, %ne3A_744 : i32
        %and3A_746 = arith.andi %ne3A_742, %ne3A_745 : i1
        %sub3A_747 = arith.constant 1 : i32
        %sub3A_748 = arith.subi %div3A_727, %sub3A_747 : i32
        %select_n3A_749 = arith.select %and3A_746, %sub3A_748, %div3A_727 : i32
        %add3A_750 = arith.constant 1 : i32
        %add3A_751 = arith.addi %mul3A_2, %add3A_750 : i32
        %jit3A_752 = arith.constant 8 : i32
        %eq3A_753 = arith.constant 0 : i32
        %eq3A_754 = arith.cmpi eq, %jit3A_752, %eq3A_753 : i32
        %jit3A_755 = arith.constant 1 : i32
        %select_n3A_756 = arith.select %eq3A_754, %jit3A_755, %jit3A_752 : i32
        %rem3A_757 = arith.remsi %add3A_673, %select_n3A_756 : i32
        %ne3A_758 = arith.constant 0 : i32
        %ne3A_759 = arith.cmpi ne, %rem3A_757, %ne3A_758 : i32
        %lt3A_760 = arith.constant 0 : i32
        %lt3A_761 = arith.cmpi slt, %rem3A_757, %lt3A_760 : i32
        %lt3A_762 = arith.constant 0 : i32
        %lt3A_763 = arith.cmpi slt, %select_n3A_756, %lt3A_762 : i32
        %ne3A_764 = arith.xori %lt3A_761, %lt3A_763 : i1
        %and3A_765 = arith.andi %ne3A_764, %ne3A_759 : i1
        %add3A_766 = arith.addi %rem3A_757, %select_n3A_756 : i32
        %select_n3A_767 = arith.select %and3A_765, %add3A_766, %rem3A_757 : i32
        %dma_start3A_768 = arith.constant 128 : i32
        %dma_start3A_769 = tpu.memref_slice %arg6[%dma_start3A_768] : memref<512xi32, #tpu.memory_space<vmem>> -> memref<128xi32, #tpu.memory_space<vmem>>
        %dma_start3A_770 = arith.constant 0 : i32
        %dma_start3A_771 = tpu.memref_slice %arg2[%select_n3A_749, %add3A_751, %select_n3A_767, %dma_start3A_770] : memref<25x128x8x128xi32, #tpu.memory_space<hbm>> -> memref<1x1x1x128xi32, #tpu.memory_space<hbm>>
        %dma_start3A_772 = tpu.memref_squeeze %dma_start3A_771 : memref<1x1x1x128xi32, #tpu.memory_space<hbm>> -> memref<128xi32, #tpu.memory_space<hbm>>
        %dma_start3A_773 = arith.constant 128 : i32
        %dma_start3A_774 = tpu.memref_slice %arg6[%dma_start3A_773] : memref<512xi32, #tpu.memory_space<vmem>> -> memref<128xi32, #tpu.memory_space<vmem>>
        %dma_start3A_775 = arith.constant 0 : i32
        %dma_start3A_776 = tpu.memref_slice %arg2[%select_n3A_749, %add3A_751, %select_n3A_767, %dma_start3A_775] : memref<25x128x8x128xi32, #tpu.memory_space<hbm>> -> memref<1x1x1x128xi32, #tpu.memory_space<hbm>>
        %dma_start3A_777 = tpu.memref_squeeze %dma_start3A_776 : memref<1x1x1x128xi32, #tpu.memory_space<hbm>> -> memref<128xi32, #tpu.memory_space<hbm>>
        tpu.enqueue_dma source(%dma_start3A_777 : memref<128xi32, #tpu.memory_space<hbm>>) target(%dma_start3A_774 : memref<128xi32, #tpu.memory_space<vmem>>) target_semaphore(%arg16 : memref<!tpu.dma_semaphore, #tpu.memory_space<semaphore_mem>>)
        %jit3A_778 = arith.constant 8 : i32
        %div3A_779 = arith.divsi %add3A_673, %jit3A_778 : i32
        %sign3A_780 = arith.constant 0 : i32
        %sign3A_781 = arith.cmpi sgt, %add3A_673, %sign3A_780 : i32
        %sign3A_782 = arith.extui %sign3A_781 : i1 to i32
        %sign3A_783 = arith.constant 0 : i32
        %sign3A_784 = arith.cmpi slt, %add3A_673, %sign3A_783 : i32
        %sign3A_785 = arith.extui %sign3A_784 : i1 to i32
        %sign3A_786 = arith.subi %sign3A_782, %sign3A_785 : i32
        %sign3A_787 = arith.constant 0 : i32
        %sign3A_788 = arith.cmpi sgt, %jit3A_778, %sign3A_787 : i32
        %sign3A_789 = arith.extui %sign3A_788 : i1 to i32
        %sign3A_790 = arith.constant 0 : i32
        %sign3A_791 = arith.cmpi slt, %jit3A_778, %sign3A_790 : i32
        %sign3A_792 = arith.extui %sign3A_791 : i1 to i32
        %sign3A_793 = arith.subi %sign3A_789, %sign3A_792 : i32
        %ne3A_794 = arith.cmpi ne, %sign3A_786, %sign3A_793 : i32
        %rem3A_795 = arith.remsi %add3A_673, %jit3A_778 : i32
        %ne3A_796 = arith.constant 0 : i32
        %ne3A_797 = arith.cmpi ne, %rem3A_795, %ne3A_796 : i32
        %and3A_798 = arith.andi %ne3A_794, %ne3A_797 : i1
        %sub3A_799 = arith.constant 1 : i32
        %sub3A_800 = arith.subi %div3A_779, %sub3A_799 : i32
        %select_n3A_801 = arith.select %and3A_798, %sub3A_800, %div3A_779 : i32
        %add3A_802 = arith.constant 2 : i32
        %add3A_803 = arith.addi %mul3A_2, %add3A_802 : i32
        %jit3A_804 = arith.constant 8 : i32
        %eq3A_805 = arith.constant 0 : i32
        %eq3A_806 = arith.cmpi eq, %jit3A_804, %eq3A_805 : i32
        %jit3A_807 = arith.constant 1 : i32
        %select_n3A_808 = arith.select %eq3A_806, %jit3A_807, %jit3A_804 : i32
        %rem3A_809 = arith.remsi %add3A_673, %select_n3A_808 : i32
        %ne3A_810 = arith.constant 0 : i32
        %ne3A_811 = arith.cmpi ne, %rem3A_809, %ne3A_810 : i32
        %lt3A_812 = arith.constant 0 : i32
        %lt3A_813 = arith.cmpi slt, %rem3A_809, %lt3A_812 : i32
        %lt3A_814 = arith.constant 0 : i32
        %lt3A_815 = arith.cmpi slt, %select_n3A_808, %lt3A_814 : i32
        %ne3A_816 = arith.xori %lt3A_813, %lt3A_815 : i1
        %and3A_817 = arith.andi %ne3A_816, %ne3A_811 : i1
        %add3A_818 = arith.addi %rem3A_809, %select_n3A_808 : i32
        %select_n3A_819 = arith.select %and3A_817, %add3A_818, %rem3A_809 : i32
        %dma_start3A_820 = arith.constant 256 : i32
        %dma_start3A_821 = tpu.memref_slice %arg6[%dma_start3A_820] : memref<512xi32, #tpu.memory_space<vmem>> -> memref<128xi32, #tpu.memory_space<vmem>>
        %dma_start3A_822 = arith.constant 0 : i32
        %dma_start3A_823 = tpu.memref_slice %arg2[%select_n3A_801, %add3A_803, %select_n3A_819, %dma_start3A_822] : memref<25x128x8x128xi32, #tpu.memory_space<hbm>> -> memref<1x1x1x128xi32, #tpu.memory_space<hbm>>
        %dma_start3A_824 = tpu.memref_squeeze %dma_start3A_823 : memref<1x1x1x128xi32, #tpu.memory_space<hbm>> -> memref<128xi32, #tpu.memory_space<hbm>>
        %dma_start3A_825 = arith.constant 256 : i32
        %dma_start3A_826 = tpu.memref_slice %arg6[%dma_start3A_825] : memref<512xi32, #tpu.memory_space<vmem>> -> memref<128xi32, #tpu.memory_space<vmem>>
        %dma_start3A_827 = arith.constant 0 : i32
        %dma_start3A_828 = tpu.memref_slice %arg2[%select_n3A_801, %add3A_803, %select_n3A_819, %dma_start3A_827] : memref<25x128x8x128xi32, #tpu.memory_space<hbm>> -> memref<1x1x1x128xi32, #tpu.memory_space<hbm>>
        %dma_start3A_829 = tpu.memref_squeeze %dma_start3A_828 : memref<1x1x1x128xi32, #tpu.memory_space<hbm>> -> memref<128xi32, #tpu.memory_space<hbm>>
        tpu.enqueue_dma source(%dma_start3A_829 : memref<128xi32, #tpu.memory_space<hbm>>) target(%dma_start3A_826 : memref<128xi32, #tpu.memory_space<vmem>>) target_semaphore(%arg16 : memref<!tpu.dma_semaphore, #tpu.memory_space<semaphore_mem>>)
        %jit3A_830 = arith.constant 8 : i32
        %div3A_831 = arith.divsi %add3A_673, %jit3A_830 : i32
        %sign3A_832 = arith.constant 0 : i32
        %sign3A_833 = arith.cmpi sgt, %add3A_673, %sign3A_832 : i32
        %sign3A_834 = arith.extui %sign3A_833 : i1 to i32
        %sign3A_835 = arith.constant 0 : i32
        %sign3A_836 = arith.cmpi slt, %add3A_673, %sign3A_835 : i32
        %sign3A_837 = arith.extui %sign3A_836 : i1 to i32
        %sign3A_838 = arith.subi %sign3A_834, %sign3A_837 : i32
        %sign3A_839 = arith.constant 0 : i32
        %sign3A_840 = arith.cmpi sgt, %jit3A_830, %sign3A_839 : i32
        %sign3A_841 = arith.extui %sign3A_840 : i1 to i32
        %sign3A_842 = arith.constant 0 : i32
        %sign3A_843 = arith.cmpi slt, %jit3A_830, %sign3A_842 : i32
        %sign3A_844 = arith.extui %sign3A_843 : i1 to i32
        %sign3A_845 = arith.subi %sign3A_841, %sign3A_844 : i32
        %ne3A_846 = arith.cmpi ne, %sign3A_838, %sign3A_845 : i32
        %rem3A_847 = arith.remsi %add3A_673, %jit3A_830 : i32
        %ne3A_848 = arith.constant 0 : i32
        %ne3A_849 = arith.cmpi ne, %rem3A_847, %ne3A_848 : i32
        %and3A_850 = arith.andi %ne3A_846, %ne3A_849 : i1
        %sub3A_851 = arith.constant 1 : i32
        %sub3A_852 = arith.subi %div3A_831, %sub3A_851 : i32
        %select_n3A_853 = arith.select %and3A_850, %sub3A_852, %div3A_831 : i32
        %add3A_854 = arith.constant 3 : i32
        %add3A_855 = arith.addi %mul3A_2, %add3A_854 : i32
        %jit3A_856 = arith.constant 8 : i32
        %eq3A_857 = arith.constant 0 : i32
        %eq3A_858 = arith.cmpi eq, %jit3A_856, %eq3A_857 : i32
        %jit3A_859 = arith.constant 1 : i32
        %select_n3A_860 = arith.select %eq3A_858, %jit3A_859, %jit3A_856 : i32
        %rem3A_861 = arith.remsi %add3A_673, %select_n3A_860 : i32
        %ne3A_862 = arith.constant 0 : i32
        %ne3A_863 = arith.cmpi ne, %rem3A_861, %ne3A_862 : i32
        %lt3A_864 = arith.constant 0 : i32
        %lt3A_865 = arith.cmpi slt, %rem3A_861, %lt3A_864 : i32
        %lt3A_866 = arith.constant 0 : i32
        %lt3A_867 = arith.cmpi slt, %select_n3A_860, %lt3A_866 : i32
        %ne3A_868 = arith.xori %lt3A_865, %lt3A_867 : i1
        %and3A_869 = arith.andi %ne3A_868, %ne3A_863 : i1
        %add3A_870 = arith.addi %rem3A_861, %select_n3A_860 : i32
        %select_n3A_871 = arith.select %and3A_869, %add3A_870, %rem3A_861 : i32
        %dma_start3A_872 = arith.constant 384 : i32
        %dma_start3A_873 = tpu.memref_slice %arg6[%dma_start3A_872] : memref<512xi32, #tpu.memory_space<vmem>> -> memref<128xi32, #tpu.memory_space<vmem>>
        %dma_start3A_874 = arith.constant 0 : i32
        %dma_start3A_875 = tpu.memref_slice %arg2[%select_n3A_853, %add3A_855, %select_n3A_871, %dma_start3A_874] : memref<25x128x8x128xi32, #tpu.memory_space<hbm>> -> memref<1x1x1x128xi32, #tpu.memory_space<hbm>>
        %dma_start3A_876 = tpu.memref_squeeze %dma_start3A_875 : memref<1x1x1x128xi32, #tpu.memory_space<hbm>> -> memref<128xi32, #tpu.memory_space<hbm>>
        %dma_start3A_877 = arith.constant 384 : i32
        %dma_start3A_878 = tpu.memref_slice %arg6[%dma_start3A_877] : memref<512xi32, #tpu.memory_space<vmem>> -> memref<128xi32, #tpu.memory_space<vmem>>
        %dma_start3A_879 = arith.constant 0 : i32
        %dma_start3A_880 = tpu.memref_slice %arg2[%select_n3A_853, %add3A_855, %select_n3A_871, %dma_start3A_879] : memref<25x128x8x128xi32, #tpu.memory_space<hbm>> -> memref<1x1x1x128xi32, #tpu.memory_space<hbm>>
        %dma_start3A_881 = tpu.memref_squeeze %dma_start3A_880 : memref<1x1x1x128xi32, #tpu.memory_space<hbm>> -> memref<128xi32, #tpu.memory_space<hbm>>
        tpu.enqueue_dma source(%dma_start3A_881 : memref<128xi32, #tpu.memory_space<hbm>>) target(%dma_start3A_878 : memref<128xi32, #tpu.memory_space<vmem>>) target_semaphore(%arg16 : memref<!tpu.dma_semaphore, #tpu.memory_space<semaphore_mem>>)
      } else {
      }
      %add3A_577 = arith.constant 3 : i32
      %add3A_578 = arith.addi %mul3A_295, %add3A_577 : i32
      %dma_wait3A_579 = arith.constant 0 : i32
      %dma_wait3A_580 = arith.constant 0 : i32
      %dma_wait3A_581 = tpu.memref_slice %arg3[%dma_wait3A_579, %dma_wait3A_580] : memref<1000000x32xf32, #tpu.memory_space<hbm>> -> memref<1000000x32xf32, #tpu.memory_space<hbm>>
      tpu.wait_indirect_dma semaphore(%arg22 : memref<!tpu.dma_semaphore, #tpu.memory_space<semaphore_mem>>) src(%dma_wait3A_581 : memref<1000000x32xf32, #tpu.memory_space<hbm>>) dst(%arg12 : memref<512x32xf32, #tpu.memory_space<vmem>>)
      %add3A_582 = arith.constant 2 : i32
      %add3A_583 = arith.addi %add3A_578, %add3A_582 : i32
      %lt3A_584 = arith.constant 200 : i32
      %lt3A_585 = arith.cmpi slt, %add3A_583, %lt3A_584 : i32
      %convert_element_type3A_586 = arith.extui %lt3A_585 : i1 to i32
      %cond3A_587 = arith.constant 0 : i32
      %cond3A_588 = arith.cmpi ne, %convert_element_type3A_586, %cond3A_587 : i32
      scf.if %cond3A_588 {
        %add3A_672 = arith.constant 2 : i32
        %add3A_673 = arith.addi %add3A_578, %add3A_672 : i32
        %jit3A_674 = arith.constant 8 : i32
        %div3A_675 = arith.divsi %add3A_673, %jit3A_674 : i32
        %sign3A_676 = arith.constant 0 : i32
        %sign3A_677 = arith.cmpi sgt, %add3A_673, %sign3A_676 : i32
        %sign3A_678 = arith.extui %sign3A_677 : i1 to i32
        %sign3A_679 = arith.constant 0 : i32
        %sign3A_680 = arith.cmpi slt, %add3A_673, %sign3A_679 : i32
        %sign3A_681 = arith.extui %sign3A_680 : i1 to i32
        %sign3A_682 = arith.subi %sign3A_678, %sign3A_681 : i32
        %sign3A_683 = arith.constant 0 : i32
        %sign3A_684 = arith.cmpi sgt, %jit3A_674, %sign3A_683 : i32
        %sign3A_685 = arith.extui %sign3A_684 : i1 to i32
        %sign3A_686 = arith.constant 0 : i32
        %sign3A_687 = arith.cmpi slt, %jit3A_674, %sign3A_686 : i32
        %sign3A_688 = arith.extui %sign3A_687 : i1 to i32
        %sign3A_689 = arith.subi %sign3A_685, %sign3A_688 : i32
        %ne3A_690 = arith.cmpi ne, %sign3A_682, %sign3A_689 : i32
        %rem3A_691 = arith.remsi %add3A_673, %jit3A_674 : i32
        %ne3A_692 = arith.constant 0 : i32
        %ne3A_693 = arith.cmpi ne, %rem3A_691, %ne3A_692 : i32
        %and3A_694 = arith.andi %ne3A_690, %ne3A_693 : i1
        %sub3A_695 = arith.constant 1 : i32
        %sub3A_696 = arith.subi %div3A_675, %sub3A_695 : i32
        %select_n3A_697 = arith.select %and3A_694, %sub3A_696, %div3A_675 : i32
        %add3A_698 = arith.constant 0 : i32
        %add3A_699 = arith.addi %mul3A_2, %add3A_698 : i32
        %jit3A_700 = arith.constant 8 : i32
        %eq3A_701 = arith.constant 0 : i32
        %eq3A_702 = arith.cmpi eq, %jit3A_700, %eq3A_701 : i32
        %jit3A_703 = arith.constant 1 : i32
        %select_n3A_704 = arith.select %eq3A_702, %jit3A_703, %jit3A_700 : i32
        %rem3A_705 = arith.remsi %add3A_673, %select_n3A_704 : i32
        %ne3A_706 = arith.constant 0 : i32
        %ne3A_707 = arith.cmpi ne, %rem3A_705, %ne3A_706 : i32
        %lt3A_708 = arith.constant 0 : i32
        %lt3A_709 = arith.cmpi slt, %rem3A_705, %lt3A_708 : i32
        %lt3A_710 = arith.constant 0 : i32
        %lt3A_711 = arith.cmpi slt, %select_n3A_704, %lt3A_710 : i32
        %ne3A_712 = arith.xori %lt3A_709, %lt3A_711 : i1
        %and3A_713 = arith.andi %ne3A_712, %ne3A_707 : i1
        %add3A_714 = arith.addi %rem3A_705, %select_n3A_704 : i32
        %select_n3A_715 = arith.select %and3A_713, %add3A_714, %rem3A_705 : i32
        %dma_wait3A_716 = arith.constant 0 : i32
        %dma_wait3A_717 = tpu.memref_slice %arg6[%dma_wait3A_716] : memref<512xi32, #tpu.memory_space<vmem>> -> memref<128xi32, #tpu.memory_space<vmem>>
        %dma_wait3A_718 = arith.constant 0 : i32
        %dma_wait3A_719 = tpu.memref_slice %arg2[%select_n3A_697, %add3A_699, %select_n3A_715, %dma_wait3A_718] : memref<25x128x8x128xi32, #tpu.memory_space<hbm>> -> memref<1x1x1x128xi32, #tpu.memory_space<hbm>>
        %dma_wait3A_720 = tpu.memref_squeeze %dma_wait3A_719 : memref<1x1x1x128xi32, #tpu.memory_space<hbm>> -> memref<128xi32, #tpu.memory_space<hbm>>
        %dma_wait3A_721 = arith.constant 0 : i32
        %dma_wait3A_722 = tpu.memref_slice %arg6[%dma_wait3A_721] : memref<512xi32, #tpu.memory_space<vmem>> -> memref<128xi32, #tpu.memory_space<vmem>>
        %dma_wait3A_723 = arith.constant 0 : i32
        %dma_wait3A_724 = tpu.memref_slice %arg2[%select_n3A_697, %add3A_699, %select_n3A_715, %dma_wait3A_723] : memref<25x128x8x128xi32, #tpu.memory_space<hbm>> -> memref<1x1x1x128xi32, #tpu.memory_space<hbm>>
        %dma_wait3A_725 = tpu.memref_squeeze %dma_wait3A_724 : memref<1x1x1x128xi32, #tpu.memory_space<hbm>> -> memref<128xi32, #tpu.memory_space<hbm>>
        tpu.wait_dma2 semaphore(%arg16 : memref<!tpu.dma_semaphore, #tpu.memory_space<semaphore_mem>>) src(%dma_wait3A_725 : memref<128xi32, #tpu.memory_space<hbm>>) dst(%dma_wait3A_722 : memref<128xi32, #tpu.memory_space<vmem>>)
        %jit3A_726 = arith.constant 8 : i32
        %div3A_727 = arith.divsi %add3A_673, %jit3A_726 : i32
        %sign3A_728 = arith.constant 0 : i32
        %sign3A_729 = arith.cmpi sgt, %add3A_673, %sign3A_728 : i32
        %sign3A_730 = arith.extui %sign3A_729 : i1 to i32
        %sign3A_731 = arith.constant 0 : i32
        %sign3A_732 = arith.cmpi slt, %add3A_673, %sign3A_731 : i32
        %sign3A_733 = arith.extui %sign3A_732 : i1 to i32
        %sign3A_734 = arith.subi %sign3A_730, %sign3A_733 : i32
        %sign3A_735 = arith.constant 0 : i32
        %sign3A_736 = arith.cmpi sgt, %jit3A_726, %sign3A_735 : i32
        %sign3A_737 = arith.extui %sign3A_736 : i1 to i32
        %sign3A_738 = arith.constant 0 : i32
        %sign3A_739 = arith.cmpi slt, %jit3A_726, %sign3A_738 : i32
        %sign3A_740 = arith.extui %sign3A_739 : i1 to i32
        %sign3A_741 = arith.subi %sign3A_737, %sign3A_740 : i32
        %ne3A_742 = arith.cmpi ne, %sign3A_734, %sign3A_741 : i32
        %rem3A_743 = arith.remsi %add3A_673, %jit3A_726 : i32
        %ne3A_744 = arith.constant 0 : i32
        %ne3A_745 = arith.cmpi ne, %rem3A_743, %ne3A_744 : i32
        %and3A_746 = arith.andi %ne3A_742, %ne3A_745 : i1
        %sub3A_747 = arith.constant 1 : i32
        %sub3A_748 = arith.subi %div3A_727, %sub3A_747 : i32
        %select_n3A_749 = arith.select %and3A_746, %sub3A_748, %div3A_727 : i32
        %add3A_750 = arith.constant 1 : i32
        %add3A_751 = arith.addi %mul3A_2, %add3A_750 : i32
        %jit3A_752 = arith.constant 8 : i32
        %eq3A_753 = arith.constant 0 : i32
        %eq3A_754 = arith.cmpi eq, %jit3A_752, %eq3A_753 : i32
        %jit3A_755 = arith.constant 1 : i32
        %select_n3A_756 = arith.select %eq3A_754, %jit3A_755, %jit3A_752 : i32
        %rem3A_757 = arith.remsi %add3A_673, %select_n3A_756 : i32
        %ne3A_758 = arith.constant 0 : i32
        %ne3A_759 = arith.cmpi ne, %rem3A_757, %ne3A_758 : i32
        %lt3A_760 = arith.constant 0 : i32
        %lt3A_761 = arith.cmpi slt, %rem3A_757, %lt3A_760 : i32
        %lt3A_762 = arith.constant 0 : i32
        %lt3A_763 = arith.cmpi slt, %select_n3A_756, %lt3A_762 : i32
        %ne3A_764 = arith.xori %lt3A_761, %lt3A_763 : i1
        %and3A_765 = arith.andi %ne3A_764, %ne3A_759 : i1
        %add3A_766 = arith.addi %rem3A_757, %select_n3A_756 : i32
        %select_n3A_767 = arith.select %and3A_765, %add3A_766, %rem3A_757 : i32
        %dma_wait3A_768 = arith.constant 128 : i32
        %dma_wait3A_769 = tpu.memref_slice %arg6[%dma_wait3A_768] : memref<512xi32, #tpu.memory_space<vmem>> -> memref<128xi32, #tpu.memory_space<vmem>>
        %dma_wait3A_770 = arith.constant 0 : i32
        %dma_wait3A_771 = tpu.memref_slice %arg2[%select_n3A_749, %add3A_751, %select_n3A_767, %dma_wait3A_770] : memref<25x128x8x128xi32, #tpu.memory_space<hbm>> -> memref<1x1x1x128xi32, #tpu.memory_space<hbm>>
        %dma_wait3A_772 = tpu.memref_squeeze %dma_wait3A_771 : memref<1x1x1x128xi32, #tpu.memory_space<hbm>> -> memref<128xi32, #tpu.memory_space<hbm>>
        %dma_wait3A_773 = arith.constant 128 : i32
        %dma_wait3A_774 = tpu.memref_slice %arg6[%dma_wait3A_773] : memref<512xi32, #tpu.memory_space<vmem>> -> memref<128xi32, #tpu.memory_space<vmem>>
        %dma_wait3A_775 = arith.constant 0 : i32
        %dma_wait3A_776 = tpu.memref_slice %arg2[%select_n3A_749, %add3A_751, %select_n3A_767, %dma_wait3A_775] : memref<25x128x8x128xi32, #tpu.memory_space<hbm>> -> memref<1x1x1x128xi32, #tpu.memory_space<hbm>>
        %dma_wait3A_777 = tpu.memref_squeeze %dma_wait3A_776 : memref<1x1x1x128xi32, #tpu.memory_space<hbm>> -> memref<128xi32, #tpu.memory_space<hbm>>
        tpu.wait_dma2 semaphore(%arg16 : memref<!tpu.dma_semaphore, #tpu.memory_space<semaphore_mem>>) src(%dma_wait3A_777 : memref<128xi32, #tpu.memory_space<hbm>>) dst(%dma_wait3A_774 : memref<128xi32, #tpu.memory_space<vmem>>)
        %jit3A_778 = arith.constant 8 : i32
        %div3A_779 = arith.divsi %add3A_673, %jit3A_778 : i32
        %sign3A_780 = arith.constant 0 : i32
        %sign3A_781 = arith.cmpi sgt, %add3A_673, %sign3A_780 : i32
        %sign3A_782 = arith.extui %sign3A_781 : i1 to i32
        %sign3A_783 = arith.constant 0 : i32
        %sign3A_784 = arith.cmpi slt, %add3A_673, %sign3A_783 : i32
        %sign3A_785 = arith.extui %sign3A_784 : i1 to i32
        %sign3A_786 = arith.subi %sign3A_782, %sign3A_785 : i32
        %sign3A_787 = arith.constant 0 : i32
        %sign3A_788 = arith.cmpi sgt, %jit3A_778, %sign3A_787 : i32
        %sign3A_789 = arith.extui %sign3A_788 : i1 to i32
        %sign3A_790 = arith.constant 0 : i32
        %sign3A_791 = arith.cmpi slt, %jit3A_778, %sign3A_790 : i32
        %sign3A_792 = arith.extui %sign3A_791 : i1 to i32
        %sign3A_793 = arith.subi %sign3A_789, %sign3A_792 : i32
        %ne3A_794 = arith.cmpi ne, %sign3A_786, %sign3A_793 : i32
        %rem3A_795 = arith.remsi %add3A_673, %jit3A_778 : i32
        %ne3A_796 = arith.constant 0 : i32
        %ne3A_797 = arith.cmpi ne, %rem3A_795, %ne3A_796 : i32
        %and3A_798 = arith.andi %ne3A_794, %ne3A_797 : i1
        %sub3A_799 = arith.constant 1 : i32
        %sub3A_800 = arith.subi %div3A_779, %sub3A_799 : i32
        %select_n3A_801 = arith.select %and3A_798, %sub3A_800, %div3A_779 : i32
        %add3A_802 = arith.constant 2 : i32
        %add3A_803 = arith.addi %mul3A_2, %add3A_802 : i32
        %jit3A_804 = arith.constant 8 : i32
        %eq3A_805 = arith.constant 0 : i32
        %eq3A_806 = arith.cmpi eq, %jit3A_804, %eq3A_805 : i32
        %jit3A_807 = arith.constant 1 : i32
        %select_n3A_808 = arith.select %eq3A_806, %jit3A_807, %jit3A_804 : i32
        %rem3A_809 = arith.remsi %add3A_673, %select_n3A_808 : i32
        %ne3A_810 = arith.constant 0 : i32
        %ne3A_811 = arith.cmpi ne, %rem3A_809, %ne3A_810 : i32
        %lt3A_812 = arith.constant 0 : i32
        %lt3A_813 = arith.cmpi slt, %rem3A_809, %lt3A_812 : i32
        %lt3A_814 = arith.constant 0 : i32
        %lt3A_815 = arith.cmpi slt, %select_n3A_808, %lt3A_814 : i32
        %ne3A_816 = arith.xori %lt3A_813, %lt3A_815 : i1
        %and3A_817 = arith.andi %ne3A_816, %ne3A_811 : i1
        %add3A_818 = arith.addi %rem3A_809, %select_n3A_808 : i32
        %select_n3A_819 = arith.select %and3A_817, %add3A_818, %rem3A_809 : i32
        %dma_wait3A_820 = arith.constant 256 : i32
        %dma_wait3A_821 = tpu.memref_slice %arg6[%dma_wait3A_820] : memref<512xi32, #tpu.memory_space<vmem>> -> memref<128xi32, #tpu.memory_space<vmem>>
        %dma_wait3A_822 = arith.constant 0 : i32
        %dma_wait3A_823 = tpu.memref_slice %arg2[%select_n3A_801, %add3A_803, %select_n3A_819, %dma_wait3A_822] : memref<25x128x8x128xi32, #tpu.memory_space<hbm>> -> memref<1x1x1x128xi32, #tpu.memory_space<hbm>>
        %dma_wait3A_824 = tpu.memref_squeeze %dma_wait3A_823 : memref<1x1x1x128xi32, #tpu.memory_space<hbm>> -> memref<128xi32, #tpu.memory_space<hbm>>
        %dma_wait3A_825 = arith.constant 256 : i32
        %dma_wait3A_826 = tpu.memref_slice %arg6[%dma_wait3A_825] : memref<512xi32, #tpu.memory_space<vmem>> -> memref<128xi32, #tpu.memory_space<vmem>>
        %dma_wait3A_827 = arith.constant 0 : i32
        %dma_wait3A_828 = tpu.memref_slice %arg2[%select_n3A_801, %add3A_803, %select_n3A_819, %dma_wait3A_827] : memref<25x128x8x128xi32, #tpu.memory_space<hbm>> -> memref<1x1x1x128xi32, #tpu.memory_space<hbm>>
        %dma_wait3A_829 = tpu.memref_squeeze %dma_wait3A_828 : memref<1x1x1x128xi32, #tpu.memory_space<hbm>> -> memref<128xi32, #tpu.memory_space<hbm>>
        tpu.wait_dma2 semaphore(%arg16 : memref<!tpu.dma_semaphore, #tpu.memory_space<semaphore_mem>>) src(%dma_wait3A_829 : memref<128xi32, #tpu.memory_space<hbm>>) dst(%dma_wait3A_826 : memref<128xi32, #tpu.memory_space<vmem>>)
        %jit3A_830 = arith.constant 8 : i32
        %div3A_831 = arith.divsi %add3A_673, %jit3A_830 : i32
        %sign3A_832 = arith.constant 0 : i32
        %sign3A_833 = arith.cmpi sgt, %add3A_673, %sign3A_832 : i32
        %sign3A_834 = arith.extui %sign3A_833 : i1 to i32
        %sign3A_835 = arith.constant 0 : i32
        %sign3A_836 = arith.cmpi slt, %add3A_673, %sign3A_835 : i32
        %sign3A_837 = arith.extui %sign3A_836 : i1 to i32
        %sign3A_838 = arith.subi %sign3A_834, %sign3A_837 : i32
        %sign3A_839 = arith.constant 0 : i32
        %sign3A_840 = arith.cmpi sgt, %jit3A_830, %sign3A_839 : i32
        %sign3A_841 = arith.extui %sign3A_840 : i1 to i32
        %sign3A_842 = arith.constant 0 : i32
        %sign3A_843 = arith.cmpi slt, %jit3A_830, %sign3A_842 : i32
        %sign3A_844 = arith.extui %sign3A_843 : i1 to i32
        %sign3A_845 = arith.subi %sign3A_841, %sign3A_844 : i32
        %ne3A_846 = arith.cmpi ne, %sign3A_838, %sign3A_845 : i32
        %rem3A_847 = arith.remsi %add3A_673, %jit3A_830 : i32
        %ne3A_848 = arith.constant 0 : i32
        %ne3A_849 = arith.cmpi ne, %rem3A_847, %ne3A_848 : i32
        %and3A_850 = arith.andi %ne3A_846, %ne3A_849 : i1
        %sub3A_851 = arith.constant 1 : i32
        %sub3A_852 = arith.subi %div3A_831, %sub3A_851 : i32
        %select_n3A_853 = arith.select %and3A_850, %sub3A_852, %div3A_831 : i32
        %add3A_854 = arith.constant 3 : i32
        %add3A_855 = arith.addi %mul3A_2, %add3A_854 : i32
        %jit3A_856 = arith.constant 8 : i32
        %eq3A_857 = arith.constant 0 : i32
        %eq3A_858 = arith.cmpi eq, %jit3A_856, %eq3A_857 : i32
        %jit3A_859 = arith.constant 1 : i32
        %select_n3A_860 = arith.select %eq3A_858, %jit3A_859, %jit3A_856 : i32
        %rem3A_861 = arith.remsi %add3A_673, %select_n3A_860 : i32
        %ne3A_862 = arith.constant 0 : i32
        %ne3A_863 = arith.cmpi ne, %rem3A_861, %ne3A_862 : i32
        %lt3A_864 = arith.constant 0 : i32
        %lt3A_865 = arith.cmpi slt, %rem3A_861, %lt3A_864 : i32
        %lt3A_866 = arith.constant 0 : i32
        %lt3A_867 = arith.cmpi slt, %select_n3A_860, %lt3A_866 : i32
        %ne3A_868 = arith.xori %lt3A_865, %lt3A_867 : i1
        %and3A_869 = arith.andi %ne3A_868, %ne3A_863 : i1
        %add3A_870 = arith.addi %rem3A_861, %select_n3A_860 : i32
        %select_n3A_871 = arith.select %and3A_869, %add3A_870, %rem3A_861 : i32
        %dma_wait3A_872 = arith.constant 384 : i32
        %dma_wait3A_873 = tpu.memref_slice %arg6[%dma_wait3A_872] : memref<512xi32, #tpu.memory_space<vmem>> -> memref<128xi32, #tpu.memory_space<vmem>>
        %dma_wait3A_874 = arith.constant 0 : i32
        %dma_wait3A_875 = tpu.memref_slice %arg2[%select_n3A_853, %add3A_855, %select_n3A_871, %dma_wait3A_874] : memref<25x128x8x128xi32, #tpu.memory_space<hbm>> -> memref<1x1x1x128xi32, #tpu.memory_space<hbm>>
        %dma_wait3A_876 = tpu.memref_squeeze %dma_wait3A_875 : memref<1x1x1x128xi32, #tpu.memory_space<hbm>> -> memref<128xi32, #tpu.memory_space<hbm>>
        %dma_wait3A_877 = arith.constant 384 : i32
        %dma_wait3A_878 = tpu.memref_slice %arg6[%dma_wait3A_877] : memref<512xi32, #tpu.memory_space<vmem>> -> memref<128xi32, #tpu.memory_space<vmem>>
        %dma_wait3A_879 = arith.constant 0 : i32
        %dma_wait3A_880 = tpu.memref_slice %arg2[%select_n3A_853, %add3A_855, %select_n3A_871, %dma_wait3A_879] : memref<25x128x8x128xi32, #tpu.memory_space<hbm>> -> memref<1x1x1x128xi32, #tpu.memory_space<hbm>>
        %dma_wait3A_881 = tpu.memref_squeeze %dma_wait3A_880 : memref<1x1x1x128xi32, #tpu.memory_space<hbm>> -> memref<128xi32, #tpu.memory_space<hbm>>
        tpu.wait_dma2 semaphore(%arg16 : memref<!tpu.dma_semaphore, #tpu.memory_space<semaphore_mem>>) src(%dma_wait3A_881 : memref<128xi32, #tpu.memory_space<hbm>>) dst(%dma_wait3A_878 : memref<128xi32, #tpu.memory_space<vmem>>)
        %dma_start3A_882 = arith.constant 0 : i32
        %dma_start3A_883 = arith.constant 0 : i32
        %dma_start3A_884 = tpu.memref_slice %arg3[%dma_start3A_882, %dma_start3A_883] : memref<1000000x32xf32, #tpu.memory_space<hbm>> -> memref<1000000x32xf32, #tpu.memory_space<hbm>>
        tpu.enqueue_indirect_dma source(%dma_start3A_884 : memref<1000000x32xf32, #tpu.memory_space<hbm>>) target(%arg10 : memref<512x32xf32, #tpu.memory_space<vmem>>) offsets(%arg6 : memref<512xi32, #tpu.memory_space<vmem>>) semaphore(%arg20 : memref<!tpu.dma_semaphore, #tpu.memory_space<semaphore_mem>>)
      } else {
      }
      %ge3A_589 = arith.constant 2 : i32
      %ge3A_590 = arith.cmpi sge, %add3A_578, %ge3A_589 : i32
      %convert_element_type3A_591 = arith.extui %ge3A_590 : i1 to i32
      %cond3A_592 = arith.constant 0 : i32
      %cond3A_593 = arith.cmpi ne, %convert_element_type3A_591, %cond3A_592 : i32
      scf.if %cond3A_593 {
        %sub3A_672 = arith.constant 2 : i32
        %sub3A_673 = arith.subi %add3A_578, %sub3A_672 : i32
        %mul3A_674 = arith.constant 4 : i32
        %mul3A_675 = arith.muli %add3A, %mul3A_674 : i32
        %mul3A_676 = arith.constant 8 : i32
        %mul3A_677 = arith.muli %mul3A_675, %mul3A_676 : i32
        %dma_wait3A_678 = arith.constant 0 : i32
        %dma_wait3A_679 = arith.constant 0 : i32
        %dma_wait3A_680 = arith.constant 0 : i32
        %dma_wait3A_681 = tpu.memref_slice %arg14[%dma_wait3A_679, %dma_wait3A_680] : memref<128x129xf32, #tpu.memory_space<vmem>> -> memref<32x128xf32, #tpu.memory_space<vmem>>
        %dma_wait3A_682 = arith.constant 0 : i32
        %dma_wait3A_683 = tpu.memref_slice %arg4[%sub3A_673, %dma_wait3A_678, %mul3A_677, %dma_wait3A_682] : memref<200x4x1024x128xf32, #tpu.memory_space<hbm>> -> memref<1x1x32x128xf32, #tpu.memory_space<hbm>>
        %dma_wait3A_684 = tpu.memref_squeeze %dma_wait3A_683 : memref<1x1x32x128xf32, #tpu.memory_space<hbm>> -> memref<32x128xf32, #tpu.memory_space<hbm>>
        %dma_wait3A_685 = arith.constant 0 : i32
        %dma_wait3A_686 = tpu.memref_slice %arg4[%sub3A_673, %dma_wait3A_678, %mul3A_677, %dma_wait3A_685] : memref<200x4x1024x128xf32, #tpu.memory_space<hbm>> -> memref<1x1x32x128xf32, #tpu.memory_space<hbm>>
        %dma_wait3A_687 = tpu.memref_squeeze %dma_wait3A_686 : memref<1x1x32x128xf32, #tpu.memory_space<hbm>> -> memref<32x128xf32, #tpu.memory_space<hbm>>
        %dma_wait3A_688 = arith.constant 0 : i32
        %dma_wait3A_689 = arith.constant 0 : i32
        %dma_wait3A_690 = tpu.memref_slice %arg14[%dma_wait3A_688, %dma_wait3A_689] : memref<128x129xf32, #tpu.memory_space<vmem>> -> memref<32x128xf32, #tpu.memory_space<vmem>>
        tpu.wait_dma2 semaphore(%arg24 : memref<!tpu.dma_semaphore, #tpu.memory_space<semaphore_mem>>) src(%dma_wait3A_690 : memref<32x128xf32, #tpu.memory_space<vmem>>) dst(%dma_wait3A_687 : memref<32x128xf32, #tpu.memory_space<hbm>>)
        %mul3A_691 = arith.constant 4 : i32
        %mul3A_692 = arith.muli %add3A, %mul3A_691 : i32
        %mul3A_693 = arith.constant 8 : i32
        %mul3A_694 = arith.muli %mul3A_692, %mul3A_693 : i32
        %dma_wait3A_695 = arith.constant 1 : i32
        %dma_wait3A_696 = arith.constant 32 : i32
        %dma_wait3A_697 = arith.constant 0 : i32
        %dma_wait3A_698 = tpu.memref_slice %arg14[%dma_wait3A_696, %dma_wait3A_697] : memref<128x129xf32, #tpu.memory_space<vmem>> -> memref<32x128xf32, #tpu.memory_space<vmem>>
        %dma_wait3A_699 = arith.constant 0 : i32
        %dma_wait3A_700 = tpu.memref_slice %arg4[%sub3A_673, %dma_wait3A_695, %mul3A_694, %dma_wait3A_699] : memref<200x4x1024x128xf32, #tpu.memory_space<hbm>> -> memref<1x1x32x128xf32, #tpu.memory_space<hbm>>
        %dma_wait3A_701 = tpu.memref_squeeze %dma_wait3A_700 : memref<1x1x32x128xf32, #tpu.memory_space<hbm>> -> memref<32x128xf32, #tpu.memory_space<hbm>>
        %dma_wait3A_702 = arith.constant 0 : i32
        %dma_wait3A_703 = tpu.memref_slice %arg4[%sub3A_673, %dma_wait3A_695, %mul3A_694, %dma_wait3A_702] : memref<200x4x1024x128xf32, #tpu.memory_space<hbm>> -> memref<1x1x32x128xf32, #tpu.memory_space<hbm>>
        %dma_wait3A_704 = tpu.memref_squeeze %dma_wait3A_703 : memref<1x1x32x128xf32, #tpu.memory_space<hbm>> -> memref<32x128xf32, #tpu.memory_space<hbm>>
        %dma_wait3A_705 = arith.constant 32 : i32
        %dma_wait3A_706 = arith.constant 0 : i32
        %dma_wait3A_707 = tpu.memref_slice %arg14[%dma_wait3A_705, %dma_wait3A_706] : memref<128x129xf32, #tpu.memory_space<vmem>> -> memref<32x128xf32, #tpu.memory_space<vmem>>
        tpu.wait_dma2 semaphore(%arg24 : memref<!tpu.dma_semaphore, #tpu.memory_space<semaphore_mem>>) src(%dma_wait3A_707 : memref<32x128xf32, #tpu.memory_space<vmem>>) dst(%dma_wait3A_704 : memref<32x128xf32, #tpu.memory_space<hbm>>)
        %mul3A_708 = arith.constant 4 : i32
        %mul3A_709 = arith.muli %add3A, %mul3A_708 : i32
        %mul3A_710 = arith.constant 8 : i32
        %mul3A_711 = arith.muli %mul3A_709, %mul3A_710 : i32
        %dma_wait3A_712 = arith.constant 2 : i32
        %dma_wait3A_713 = arith.constant 64 : i32
        %dma_wait3A_714 = arith.constant 0 : i32
        %dma_wait3A_715 = tpu.memref_slice %arg14[%dma_wait3A_713, %dma_wait3A_714] : memref<128x129xf32, #tpu.memory_space<vmem>> -> memref<32x128xf32, #tpu.memory_space<vmem>>
        %dma_wait3A_716 = arith.constant 0 : i32
        %dma_wait3A_717 = tpu.memref_slice %arg4[%sub3A_673, %dma_wait3A_712, %mul3A_711, %dma_wait3A_716] : memref<200x4x1024x128xf32, #tpu.memory_space<hbm>> -> memref<1x1x32x128xf32, #tpu.memory_space<hbm>>
        %dma_wait3A_718 = tpu.memref_squeeze %dma_wait3A_717 : memref<1x1x32x128xf32, #tpu.memory_space<hbm>> -> memref<32x128xf32, #tpu.memory_space<hbm>>
        %dma_wait3A_719 = arith.constant 0 : i32
        %dma_wait3A_720 = tpu.memref_slice %arg4[%sub3A_673, %dma_wait3A_712, %mul3A_711, %dma_wait3A_719] : memref<200x4x1024x128xf32, #tpu.memory_space<hbm>> -> memref<1x1x32x128xf32, #tpu.memory_space<hbm>>
        %dma_wait3A_721 = tpu.memref_squeeze %dma_wait3A_720 : memref<1x1x32x128xf32, #tpu.memory_space<hbm>> -> memref<32x128xf32, #tpu.memory_space<hbm>>
        %dma_wait3A_722 = arith.constant 64 : i32
        %dma_wait3A_723 = arith.constant 0 : i32
        %dma_wait3A_724 = tpu.memref_slice %arg14[%dma_wait3A_722, %dma_wait3A_723] : memref<128x129xf32, #tpu.memory_space<vmem>> -> memref<32x128xf32, #tpu.memory_space<vmem>>
        tpu.wait_dma2 semaphore(%arg24 : memref<!tpu.dma_semaphore, #tpu.memory_space<semaphore_mem>>) src(%dma_wait3A_724 : memref<32x128xf32, #tpu.memory_space<vmem>>) dst(%dma_wait3A_721 : memref<32x128xf32, #tpu.memory_space<hbm>>)
        %mul3A_725 = arith.constant 4 : i32
        %mul3A_726 = arith.muli %add3A, %mul3A_725 : i32
        %mul3A_727 = arith.constant 8 : i32
        %mul3A_728 = arith.muli %mul3A_726, %mul3A_727 : i32
        %dma_wait3A_729 = arith.constant 3 : i32
        %dma_wait3A_730 = arith.constant 96 : i32
        %dma_wait3A_731 = arith.constant 0 : i32
        %dma_wait3A_732 = tpu.memref_slice %arg14[%dma_wait3A_730, %dma_wait3A_731] : memref<128x129xf32, #tpu.memory_space<vmem>> -> memref<32x128xf32, #tpu.memory_space<vmem>>
        %dma_wait3A_733 = arith.constant 0 : i32
        %dma_wait3A_734 = tpu.memref_slice %arg4[%sub3A_673, %dma_wait3A_729, %mul3A_728, %dma_wait3A_733] : memref<200x4x1024x128xf32, #tpu.memory_space<hbm>> -> memref<1x1x32x128xf32, #tpu.memory_space<hbm>>
        %dma_wait3A_735 = tpu.memref_squeeze %dma_wait3A_734 : memref<1x1x32x128xf32, #tpu.memory_space<hbm>> -> memref<32x128xf32, #tpu.memory_space<hbm>>
        %dma_wait3A_736 = arith.constant 0 : i32
        %dma_wait3A_737 = tpu.memref_slice %arg4[%sub3A_673, %dma_wait3A_729, %mul3A_728, %dma_wait3A_736] : memref<200x4x1024x128xf32, #tpu.memory_space<hbm>> -> memref<1x1x32x128xf32, #tpu.memory_space<hbm>>
        %dma_wait3A_738 = tpu.memref_squeeze %dma_wait3A_737 : memref<1x1x32x128xf32, #tpu.memory_space<hbm>> -> memref<32x128xf32, #tpu.memory_space<hbm>>
        %dma_wait3A_739 = arith.constant 96 : i32
        %dma_wait3A_740 = arith.constant 0 : i32
        %dma_wait3A_741 = tpu.memref_slice %arg14[%dma_wait3A_739, %dma_wait3A_740] : memref<128x129xf32, #tpu.memory_space<vmem>> -> memref<32x128xf32, #tpu.memory_space<vmem>>
        tpu.wait_dma2 semaphore(%arg24 : memref<!tpu.dma_semaphore, #tpu.memory_space<semaphore_mem>>) src(%dma_wait3A_741 : memref<32x128xf32, #tpu.memory_space<vmem>>) dst(%dma_wait3A_738 : memref<32x128xf32, #tpu.memory_space<hbm>>)
      } else {
      }
      %parallel_loop3A_594 = arith.constant 0 : i32
      %parallel_loop3A_595 = arith.constant 512 : i32
      %parallel_loop3A_596 = arith.constant 1 : i32
      scf.for %parallel_loop3A_672 = %parallel_loop3A_594 to %parallel_loop3A_595 step %parallel_loop3A_596  : i32 {
        %parallel_loop3A_673 = arith.constant 128 : i32
        %parallel_loop3A_674 = arith.divsi %parallel_loop3A_672, %parallel_loop3A_673 : i32
        %parallel_loop3A_675 = arith.constant 0 : i32
        %parallel_loop3A_676 = arith.cmpi sgt, %parallel_loop3A_672, %parallel_loop3A_675 : i32
        %parallel_loop3A_677 = arith.extui %parallel_loop3A_676 : i1 to i32
        %parallel_loop3A_678 = arith.constant 0 : i32
        %parallel_loop3A_679 = arith.cmpi slt, %parallel_loop3A_672, %parallel_loop3A_678 : i32
        %parallel_loop3A_680 = arith.extui %parallel_loop3A_679 : i1 to i32
        %parallel_loop3A_681 = arith.subi %parallel_loop3A_677, %parallel_loop3A_680 : i32
        %parallel_loop3A_682 = arith.constant 0 : i32
        %parallel_loop3A_683 = arith.cmpi sgt, %parallel_loop3A_673, %parallel_loop3A_682 : i32
        %parallel_loop3A_684 = arith.extui %parallel_loop3A_683 : i1 to i32
        %parallel_loop3A_685 = arith.constant 0 : i32
        %parallel_loop3A_686 = arith.cmpi slt, %parallel_loop3A_673, %parallel_loop3A_685 : i32
        %parallel_loop3A_687 = arith.extui %parallel_loop3A_686 : i1 to i32
        %parallel_loop3A_688 = arith.subi %parallel_loop3A_684, %parallel_loop3A_687 : i32
        %parallel_loop3A_689 = arith.cmpi ne, %parallel_loop3A_681, %parallel_loop3A_688 : i32
        %parallel_loop3A_690 = arith.remsi %parallel_loop3A_672, %parallel_loop3A_673 : i32
        %parallel_loop3A_691 = arith.constant 0 : i32
        %parallel_loop3A_692 = arith.cmpi ne, %parallel_loop3A_690, %parallel_loop3A_691 : i32
        %parallel_loop3A_693 = arith.andi %parallel_loop3A_689, %parallel_loop3A_692 : i1
        %parallel_loop3A_694 = arith.constant 1 : i32
        %parallel_loop3A_695 = arith.subi %parallel_loop3A_674, %parallel_loop3A_694 : i32
        %parallel_loop3A_696 = arith.select %parallel_loop3A_693, %parallel_loop3A_695, %parallel_loop3A_674 : i32
        %parallel_loop3A_697 = arith.constant 128 : i32
        %parallel_loop3A_698 = arith.constant 0 : i32
        %parallel_loop3A_699 = arith.cmpi eq, %parallel_loop3A_697, %parallel_loop3A_698 : i32
        %parallel_loop3A_700 = arith.constant 1 : i32
        %parallel_loop3A_701 = arith.select %parallel_loop3A_699, %parallel_loop3A_700, %parallel_loop3A_697 : i32
        %parallel_loop3A_702 = arith.remsi %parallel_loop3A_672, %parallel_loop3A_701 : i32
        %parallel_loop3A_703 = arith.constant 0 : i32
        %parallel_loop3A_704 = arith.cmpi ne, %parallel_loop3A_702, %parallel_loop3A_703 : i32
        %parallel_loop3A_705 = arith.constant 0 : i32
        %parallel_loop3A_706 = arith.cmpi slt, %parallel_loop3A_702, %parallel_loop3A_705 : i32
        %parallel_loop3A_707 = arith.constant 0 : i32
        %parallel_loop3A_708 = arith.cmpi slt, %parallel_loop3A_701, %parallel_loop3A_707 : i32
        %parallel_loop3A_709 = arith.xori %parallel_loop3A_706, %parallel_loop3A_708 : i1
        %parallel_loop3A_710 = arith.andi %parallel_loop3A_709, %parallel_loop3A_704 : i1
        %parallel_loop3A_711 = arith.addi %parallel_loop3A_702, %parallel_loop3A_701 : i32
        %parallel_loop3A_712 = arith.select %parallel_loop3A_710, %parallel_loop3A_711, %parallel_loop3A_702 : i32
        %parallel_loop3A_713 = arith.constant 8 : i32
        %parallel_loop3A_714 = arith.muli %parallel_loop3A_696, %parallel_loop3A_713 : i32
        %parallel_loop3A_715 = vector.broadcast %parallel_loop3A_714 : i32 to vector<16xi32>
        %parallel_loop3A_716 = arith.addi %add3A_49, %parallel_loop3A_715 : vector<16xi32>
        %parallel_loop3A_717 = arith.constant 8 : i32
        %parallel_loop3A_718 = arith.muli %parallel_loop3A_696, %parallel_loop3A_717 : i32
        %parallel_loop3A_719 = vector.broadcast %parallel_loop3A_718 : i32 to vector<16xi32>
        %parallel_loop3A_720 = arith.addi %add3A_52, %parallel_loop3A_719 : vector<16xi32>
        %parallel_loop3A_721 = arith.constant 0 : i32
        %parallel_loop3A_722 = vector.broadcast %parallel_loop3A_721 : i32 to vector<16xi32>
        %parallel_loop3A_723 = vector.broadcast %parallel_loop3A_712 : i32 to vector<16xi32>
        %parallel_loop3A_724 = arith.addi %parallel_loop3A_722, %parallel_loop3A_723 : vector<16xi32>
        %parallel_loop3A_725 = arith.index_cast %parallel_loop3A_672 : i32 to index
        %parallel_loop3A_726 = arith.constant 0 : index
        %parallel_loop3A_727 = tpu.vector_load %arg12[%parallel_loop3A_725, %parallel_loop3A_726] {strides = array<i32>} : memref<512x32xf32, #tpu.memory_space<vmem>>, vector<16xf32>,
        %parallel_loop3A_728 = arith.constant 5.65685415 : f32
        %parallel_loop3A_729 = vector.broadcast %parallel_loop3A_728 : f32 to vector<16xf32>
        %parallel_loop3A_730 = arith.mulf %parallel_loop3A_727, %parallel_loop3A_729 : vector<16xf32>
        tpu.vector_store_idx %arg14[%parallel_loop3A_716, %parallel_loop3A_724], %parallel_loop3A_730 : memref<128x129xf32, #tpu.memory_space<vmem>>[vector<16xi32>, vector<16xi32>], vector<16xf32>,
        %parallel_loop3A_731 = arith.index_cast %parallel_loop3A_672 : i32 to index
        %parallel_loop3A_732 = arith.constant 16 : index
        %parallel_loop3A_733 = tpu.vector_load %arg12[%parallel_loop3A_731, %parallel_loop3A_732] {strides = array<i32>} : memref<512x32xf32, #tpu.memory_space<vmem>>, vector<16xf32>,
        %parallel_loop3A_734 = arith.constant 5.65685415 : f32
        %parallel_loop3A_735 = vector.broadcast %parallel_loop3A_734 : f32 to vector<16xf32>
        %parallel_loop3A_736 = arith.mulf %parallel_loop3A_733, %parallel_loop3A_735 : vector<16xf32>
        tpu.vector_store_idx %arg14[%parallel_loop3A_720, %parallel_loop3A_724], %parallel_loop3A_736 : memref<128x129xf32, #tpu.memory_space<vmem>>[vector<16xi32>, vector<16xi32>], vector<16xf32>,
      } {sc.loop_unroll_factor = 4 : i64, sc.parallel_access}
      %mul3A_597 = arith.constant 4 : i32
      %mul3A_598 = arith.muli %add3A, %mul3A_597 : i32
      %mul3A_599 = arith.constant 8 : i32
      %mul3A_600 = arith.muli %mul3A_598, %mul3A_599 : i32
      %dma_start3A_601 = arith.constant 0 : i32
      %dma_start3A_602 = arith.constant 0 : i32
      %dma_start3A_603 = arith.constant 0 : i32
      %dma_start3A_604 = tpu.memref_slice %arg14[%dma_start3A_602, %dma_start3A_603] : memref<128x129xf32, #tpu.memory_space<vmem>> -> memref<32x128xf32, #tpu.memory_space<vmem>>
      %dma_start3A_605 = arith.constant 0 : i32
      %dma_start3A_606 = tpu.memref_slice %arg4[%add3A_578, %dma_start3A_601, %mul3A_600, %dma_start3A_605] : memref<200x4x1024x128xf32, #tpu.memory_space<hbm>> -> memref<1x1x32x128xf32, #tpu.memory_space<hbm>>
      %dma_start3A_607 = tpu.memref_squeeze %dma_start3A_606 : memref<1x1x32x128xf32, #tpu.memory_space<hbm>> -> memref<32x128xf32, #tpu.memory_space<hbm>>
      %dma_start3A_608 = arith.constant 0 : i32
      %dma_start3A_609 = tpu.memref_slice %arg4[%add3A_578, %dma_start3A_601, %mul3A_600, %dma_start3A_608] : memref<200x4x1024x128xf32, #tpu.memory_space<hbm>> -> memref<1x1x32x128xf32, #tpu.memory_space<hbm>>
      %dma_start3A_610 = tpu.memref_squeeze %dma_start3A_609 : memref<1x1x32x128xf32, #tpu.memory_space<hbm>> -> memref<32x128xf32, #tpu.memory_space<hbm>>
      %dma_start3A_611 = arith.constant 0 : i32
      %dma_start3A_612 = arith.constant 0 : i32
      %dma_start3A_613 = tpu.memref_slice %arg14[%dma_start3A_611, %dma_start3A_612] : memref<128x129xf32, #tpu.memory_space<vmem>> -> memref<32x128xf32, #tpu.memory_space<vmem>>
      tpu.enqueue_dma source(%dma_start3A_613 : memref<32x128xf32, #tpu.memory_space<vmem>>) target(%dma_start3A_610 : memref<32x128xf32, #tpu.memory_space<hbm>>) target_semaphore(%arg24 : memref<!tpu.dma_semaphore, #tpu.memory_space<semaphore_mem>>)
      %mul3A_614 = arith.constant 4 : i32
      %mul3A_615 = arith.muli %add3A, %mul3A_614 : i32
      %mul3A_616 = arith.constant 8 : i32
      %mul3A_617 = arith.muli %mul3A_615, %mul3A_616 : i32
      %dma_start3A_618 = arith.constant 1 : i32
      %dma_start3A_619 = arith.constant 32 : i32
      %dma_start3A_620 = arith.constant 0 : i32
      %dma_start3A_621 = tpu.memref_slice %arg14[%dma_start3A_619, %dma_start3A_620] : memref<128x129xf32, #tpu.memory_space<vmem>> -> memref<32x128xf32, #tpu.memory_space<vmem>>
      %dma_start3A_622 = arith.constant 0 : i32
      %dma_start3A_623 = tpu.memref_slice %arg4[%add3A_578, %dma_start3A_618, %mul3A_617, %dma_start3A_622] : memref<200x4x1024x128xf32, #tpu.memory_space<hbm>> -> memref<1x1x32x128xf32, #tpu.memory_space<hbm>>
      %dma_start3A_624 = tpu.memref_squeeze %dma_start3A_623 : memref<1x1x32x128xf32, #tpu.memory_space<hbm>> -> memref<32x128xf32, #tpu.memory_space<hbm>>
      %dma_start3A_625 = arith.constant 0 : i32
      %dma_start3A_626 = tpu.memref_slice %arg4[%add3A_578, %dma_start3A_618, %mul3A_617, %dma_start3A_625] : memref<200x4x1024x128xf32, #tpu.memory_space<hbm>> -> memref<1x1x32x128xf32, #tpu.memory_space<hbm>>
      %dma_start3A_627 = tpu.memref_squeeze %dma_start3A_626 : memref<1x1x32x128xf32, #tpu.memory_space<hbm>> -> memref<32x128xf32, #tpu.memory_space<hbm>>
      %dma_start3A_628 = arith.constant 32 : i32
      %dma_start3A_629 = arith.constant 0 : i32
      %dma_start3A_630 = tpu.memref_slice %arg14[%dma_start3A_628, %dma_start3A_629] : memref<128x129xf32, #tpu.memory_space<vmem>> -> memref<32x128xf32, #tpu.memory_space<vmem>>
      tpu.enqueue_dma source(%dma_start3A_630 : memref<32x128xf32, #tpu.memory_space<vmem>>) target(%dma_start3A_627 : memref<32x128xf32, #tpu.memory_space<hbm>>) target_semaphore(%arg24 : memref<!tpu.dma_semaphore, #tpu.memory_space<semaphore_mem>>)
      %mul3A_631 = arith.constant 4 : i32
      %mul3A_632 = arith.muli %add3A, %mul3A_631 : i32
      %mul3A_633 = arith.constant 8 : i32
      %mul3A_634 = arith.muli %mul3A_632, %mul3A_633 : i32
      %dma_start3A_635 = arith.constant 2 : i32
      %dma_start3A_636 = arith.constant 64 : i32
      %dma_start3A_637 = arith.constant 0 : i32
      %dma_start3A_638 = tpu.memref_slice %arg14[%dma_start3A_636, %dma_start3A_637] : memref<128x129xf32, #tpu.memory_space<vmem>> -> memref<32x128xf32, #tpu.memory_space<vmem>>
      %dma_start3A_639 = arith.constant 0 : i32
      %dma_start3A_640 = tpu.memref_slice %arg4[%add3A_578, %dma_start3A_635, %mul3A_634, %dma_start3A_639] : memref<200x4x1024x128xf32, #tpu.memory_space<hbm>> -> memref<1x1x32x128xf32, #tpu.memory_space<hbm>>
      %dma_start3A_641 = tpu.memref_squeeze %dma_start3A_640 : memref<1x1x32x128xf32, #tpu.memory_space<hbm>> -> memref<32x128xf32, #tpu.memory_space<hbm>>
      %dma_start3A_642 = arith.constant 0 : i32
      %dma_start3A_643 = tpu.memref_slice %arg4[%add3A_578, %dma_start3A_635, %mul3A_634, %dma_start3A_642] : memref<200x4x1024x128xf32, #tpu.memory_space<hbm>> -> memref<1x1x32x128xf32, #tpu.memory_space<hbm>>
      %dma_start3A_644 = tpu.memref_squeeze %dma_start3A_643 : memref<1x1x32x128xf32, #tpu.memory_space<hbm>> -> memref<32x128xf32, #tpu.memory_space<hbm>>
      %dma_start3A_645 = arith.constant 64 : i32
      %dma_start3A_646 = arith.constant 0 : i32
      %dma_start3A_647 = tpu.memref_slice %arg14[%dma_start3A_645, %dma_start3A_646] : memref<128x129xf32, #tpu.memory_space<vmem>> -> memref<32x128xf32, #tpu.memory_space<vmem>>
      tpu.enqueue_dma source(%dma_start3A_647 : memref<32x128xf32, #tpu.memory_space<vmem>>) target(%dma_start3A_644 : memref<32x128xf32, #tpu.memory_space<hbm>>) target_semaphore(%arg24 : memref<!tpu.dma_semaphore, #tpu.memory_space<semaphore_mem>>)
      %mul3A_648 = arith.constant 4 : i32
      %mul3A_649 = arith.muli %add3A, %mul3A_648 : i32
      %mul3A_650 = arith.constant 8 : i32
      %mul3A_651 = arith.muli %mul3A_649, %mul3A_650 : i32
      %dma_start3A_652 = arith.constant 3 : i32
      %dma_start3A_653 = arith.constant 96 : i32
      %dma_start3A_654 = arith.constant 0 : i32
      %dma_start3A_655 = tpu.memref_slice %arg14[%dma_start3A_653, %dma_start3A_654] : memref<128x129xf32, #tpu.memory_space<vmem>> -> memref<32x128xf32, #tpu.memory_space<vmem>>
      %dma_start3A_656 = arith.constant 0 : i32
      %dma_start3A_657 = tpu.memref_slice %arg4[%add3A_578, %dma_start3A_652, %mul3A_651, %dma_start3A_656] : memref<200x4x1024x128xf32, #tpu.memory_space<hbm>> -> memref<1x1x32x128xf32, #tpu.memory_space<hbm>>
      %dma_start3A_658 = tpu.memref_squeeze %dma_start3A_657 : memref<1x1x32x128xf32, #tpu.memory_space<hbm>> -> memref<32x128xf32, #tpu.memory_space<hbm>>
      %dma_start3A_659 = arith.constant 0 : i32
      %dma_start3A_660 = tpu.memref_slice %arg4[%add3A_578, %dma_start3A_652, %mul3A_651, %dma_start3A_659] : memref<200x4x1024x128xf32, #tpu.memory_space<hbm>> -> memref<1x1x32x128xf32, #tpu.memory_space<hbm>>
      %dma_start3A_661 = tpu.memref_squeeze %dma_start3A_660 : memref<1x1x32x128xf32, #tpu.memory_space<hbm>> -> memref<32x128xf32, #tpu.memory_space<hbm>>
      %dma_start3A_662 = arith.constant 96 : i32
      %dma_start3A_663 = arith.constant 0 : i32
      %dma_start3A_664 = tpu.memref_slice %arg14[%dma_start3A_662, %dma_start3A_663] : memref<128x129xf32, #tpu.memory_space<vmem>> -> memref<32x128xf32, #tpu.memory_space<vmem>>
      tpu.enqueue_dma source(%dma_start3A_664 : memref<32x128xf32, #tpu.memory_space<vmem>>) target(%dma_start3A_661 : memref<32x128xf32, #tpu.memory_space<hbm>>) target_semaphore(%arg24 : memref<!tpu.dma_semaphore, #tpu.memory_space<semaphore_mem>>)
      %add3A_665 = arith.constant 3 : i32
      %add3A_666 = arith.addi %add3A_578, %add3A_665 : i32
      %lt3A_667 = arith.constant 200 : i32
      %lt3A_668 = arith.cmpi slt, %add3A_666, %lt3A_667 : i32
      %convert_element_type3A_669 = arith.extui %lt3A_668 : i1 to i32
      %cond3A_670 = arith.constant 0 : i32
      %cond3A_671 = arith.cmpi ne, %convert_element_type3A_669, %cond3A_670 : i32
      scf.if %cond3A_671 {
        %add3A_672 = arith.constant 3 : i32
        %add3A_673 = arith.addi %add3A_578, %add3A_672 : i32
        %jit3A_674 = arith.constant 8 : i32
        %div3A_675 = arith.divsi %add3A_673, %jit3A_674 : i32
        %sign3A_676 = arith.constant 0 : i32
        %sign3A_677 = arith.cmpi sgt, %add3A_673, %sign3A_676 : i32
        %sign3A_678 = arith.extui %sign3A_677 : i1 to i32
        %sign3A_679 = arith.constant 0 : i32
        %sign3A_680 = arith.cmpi slt, %add3A_673, %sign3A_679 : i32
        %sign3A_681 = arith.extui %sign3A_680 : i1 to i32
        %sign3A_682 = arith.subi %sign3A_678, %sign3A_681 : i32
        %sign3A_683 = arith.constant 0 : i32
        %sign3A_684 = arith.cmpi sgt, %jit3A_674, %sign3A_683 : i32
        %sign3A_685 = arith.extui %sign3A_684 : i1 to i32
        %sign3A_686 = arith.constant 0 : i32
        %sign3A_687 = arith.cmpi slt, %jit3A_674, %sign3A_686 : i32
        %sign3A_688 = arith.extui %sign3A_687 : i1 to i32
        %sign3A_689 = arith.subi %sign3A_685, %sign3A_688 : i32
        %ne3A_690 = arith.cmpi ne, %sign3A_682, %sign3A_689 : i32
        %rem3A_691 = arith.remsi %add3A_673, %jit3A_674 : i32
        %ne3A_692 = arith.constant 0 : i32
        %ne3A_693 = arith.cmpi ne, %rem3A_691, %ne3A_692 : i32
        %and3A_694 = arith.andi %ne3A_690, %ne3A_693 : i1
        %sub3A_695 = arith.constant 1 : i32
        %sub3A_696 = arith.subi %div3A_675, %sub3A_695 : i32
        %select_n3A_697 = arith.select %and3A_694, %sub3A_696, %div3A_675 : i32
        %add3A_698 = arith.constant 0 : i32
        %add3A_699 = arith.addi %mul3A_2, %add3A_698 : i32
        %jit3A_700 = arith.constant 8 : i32
        %eq3A_701 = arith.constant 0 : i32
        %eq3A_702 = arith.cmpi eq, %jit3A_700, %eq3A_701 : i32
        %jit3A_703 = arith.constant 1 : i32
        %select_n3A_704 = arith.select %eq3A_702, %jit3A_703, %jit3A_700 : i32
        %rem3A_705 = arith.remsi %add3A_673, %select_n3A_704 : i32
        %ne3A_706 = arith.constant 0 : i32
        %ne3A_707 = arith.cmpi ne, %rem3A_705, %ne3A_706 : i32
        %lt3A_708 = arith.constant 0 : i32
        %lt3A_709 = arith.cmpi slt, %rem3A_705, %lt3A_708 : i32
        %lt3A_710 = arith.constant 0 : i32
        %lt3A_711 = arith.cmpi slt, %select_n3A_704, %lt3A_710 : i32
        %ne3A_712 = arith.xori %lt3A_709, %lt3A_711 : i1
        %and3A_713 = arith.andi %ne3A_712, %ne3A_707 : i1
        %add3A_714 = arith.addi %rem3A_705, %select_n3A_704 : i32
        %select_n3A_715 = arith.select %and3A_713, %add3A_714, %rem3A_705 : i32
        %dma_start3A_716 = arith.constant 0 : i32
        %dma_start3A_717 = tpu.memref_slice %arg7[%dma_start3A_716] : memref<512xi32, #tpu.memory_space<vmem>> -> memref<128xi32, #tpu.memory_space<vmem>>
        %dma_start3A_718 = arith.constant 0 : i32
        %dma_start3A_719 = tpu.memref_slice %arg2[%select_n3A_697, %add3A_699, %select_n3A_715, %dma_start3A_718] : memref<25x128x8x128xi32, #tpu.memory_space<hbm>> -> memref<1x1x1x128xi32, #tpu.memory_space<hbm>>
        %dma_start3A_720 = tpu.memref_squeeze %dma_start3A_719 : memref<1x1x1x128xi32, #tpu.memory_space<hbm>> -> memref<128xi32, #tpu.memory_space<hbm>>
        %dma_start3A_721 = arith.constant 0 : i32
        %dma_start3A_722 = tpu.memref_slice %arg7[%dma_start3A_721] : memref<512xi32, #tpu.memory_space<vmem>> -> memref<128xi32, #tpu.memory_space<vmem>>
        %dma_start3A_723 = arith.constant 0 : i32
        %dma_start3A_724 = tpu.memref_slice %arg2[%select_n3A_697, %add3A_699, %select_n3A_715, %dma_start3A_723] : memref<25x128x8x128xi32, #tpu.memory_space<hbm>> -> memref<1x1x1x128xi32, #tpu.memory_space<hbm>>
        %dma_start3A_725 = tpu.memref_squeeze %dma_start3A_724 : memref<1x1x1x128xi32, #tpu.memory_space<hbm>> -> memref<128xi32, #tpu.memory_space<hbm>>
        tpu.enqueue_dma source(%dma_start3A_725 : memref<128xi32, #tpu.memory_space<hbm>>) target(%dma_start3A_722 : memref<128xi32, #tpu.memory_space<vmem>>) target_semaphore(%arg17 : memref<!tpu.dma_semaphore, #tpu.memory_space<semaphore_mem>>)
        %jit3A_726 = arith.constant 8 : i32
        %div3A_727 = arith.divsi %add3A_673, %jit3A_726 : i32
        %sign3A_728 = arith.constant 0 : i32
        %sign3A_729 = arith.cmpi sgt, %add3A_673, %sign3A_728 : i32
        %sign3A_730 = arith.extui %sign3A_729 : i1 to i32
        %sign3A_731 = arith.constant 0 : i32
        %sign3A_732 = arith.cmpi slt, %add3A_673, %sign3A_731 : i32
        %sign3A_733 = arith.extui %sign3A_732 : i1 to i32
        %sign3A_734 = arith.subi %sign3A_730, %sign3A_733 : i32
        %sign3A_735 = arith.constant 0 : i32
        %sign3A_736 = arith.cmpi sgt, %jit3A_726, %sign3A_735 : i32
        %sign3A_737 = arith.extui %sign3A_736 : i1 to i32
        %sign3A_738 = arith.constant 0 : i32
        %sign3A_739 = arith.cmpi slt, %jit3A_726, %sign3A_738 : i32
        %sign3A_740 = arith.extui %sign3A_739 : i1 to i32
        %sign3A_741 = arith.subi %sign3A_737, %sign3A_740 : i32
        %ne3A_742 = arith.cmpi ne, %sign3A_734, %sign3A_741 : i32
        %rem3A_743 = arith.remsi %add3A_673, %jit3A_726 : i32
        %ne3A_744 = arith.constant 0 : i32
        %ne3A_745 = arith.cmpi ne, %rem3A_743, %ne3A_744 : i32
        %and3A_746 = arith.andi %ne3A_742, %ne3A_745 : i1
        %sub3A_747 = arith.constant 1 : i32
        %sub3A_748 = arith.subi %div3A_727, %sub3A_747 : i32
        %select_n3A_749 = arith.select %and3A_746, %sub3A_748, %div3A_727 : i32
        %add3A_750 = arith.constant 1 : i32
        %add3A_751 = arith.addi %mul3A_2, %add3A_750 : i32
        %jit3A_752 = arith.constant 8 : i32
        %eq3A_753 = arith.constant 0 : i32
        %eq3A_754 = arith.cmpi eq, %jit3A_752, %eq3A_753 : i32
        %jit3A_755 = arith.constant 1 : i32
        %select_n3A_756 = arith.select %eq3A_754, %jit3A_755, %jit3A_752 : i32
        %rem3A_757 = arith.remsi %add3A_673, %select_n3A_756 : i32
        %ne3A_758 = arith.constant 0 : i32
        %ne3A_759 = arith.cmpi ne, %rem3A_757, %ne3A_758 : i32
        %lt3A_760 = arith.constant 0 : i32
        %lt3A_761 = arith.cmpi slt, %rem3A_757, %lt3A_760 : i32
        %lt3A_762 = arith.constant 0 : i32
        %lt3A_763 = arith.cmpi slt, %select_n3A_756, %lt3A_762 : i32
        %ne3A_764 = arith.xori %lt3A_761, %lt3A_763 : i1
        %and3A_765 = arith.andi %ne3A_764, %ne3A_759 : i1
        %add3A_766 = arith.addi %rem3A_757, %select_n3A_756 : i32
        %select_n3A_767 = arith.select %and3A_765, %add3A_766, %rem3A_757 : i32
        %dma_start3A_768 = arith.constant 128 : i32
        %dma_start3A_769 = tpu.memref_slice %arg7[%dma_start3A_768] : memref<512xi32, #tpu.memory_space<vmem>> -> memref<128xi32, #tpu.memory_space<vmem>>
        %dma_start3A_770 = arith.constant 0 : i32
        %dma_start3A_771 = tpu.memref_slice %arg2[%select_n3A_749, %add3A_751, %select_n3A_767, %dma_start3A_770] : memref<25x128x8x128xi32, #tpu.memory_space<hbm>> -> memref<1x1x1x128xi32, #tpu.memory_space<hbm>>
        %dma_start3A_772 = tpu.memref_squeeze %dma_start3A_771 : memref<1x1x1x128xi32, #tpu.memory_space<hbm>> -> memref<128xi32, #tpu.memory_space<hbm>>
        %dma_start3A_773 = arith.constant 128 : i32
        %dma_start3A_774 = tpu.memref_slice %arg7[%dma_start3A_773] : memref<512xi32, #tpu.memory_space<vmem>> -> memref<128xi32, #tpu.memory_space<vmem>>
        %dma_start3A_775 = arith.constant 0 : i32
        %dma_start3A_776 = tpu.memref_slice %arg2[%select_n3A_749, %add3A_751, %select_n3A_767, %dma_start3A_775] : memref<25x128x8x128xi32, #tpu.memory_space<hbm>> -> memref<1x1x1x128xi32, #tpu.memory_space<hbm>>
        %dma_start3A_777 = tpu.memref_squeeze %dma_start3A_776 : memref<1x1x1x128xi32, #tpu.memory_space<hbm>> -> memref<128xi32, #tpu.memory_space<hbm>>
        tpu.enqueue_dma source(%dma_start3A_777 : memref<128xi32, #tpu.memory_space<hbm>>) target(%dma_start3A_774 : memref<128xi32, #tpu.memory_space<vmem>>) target_semaphore(%arg17 : memref<!tpu.dma_semaphore, #tpu.memory_space<semaphore_mem>>)
        %jit3A_778 = arith.constant 8 : i32
        %div3A_779 = arith.divsi %add3A_673, %jit3A_778 : i32
        %sign3A_780 = arith.constant 0 : i32
        %sign3A_781 = arith.cmpi sgt, %add3A_673, %sign3A_780 : i32
        %sign3A_782 = arith.extui %sign3A_781 : i1 to i32
        %sign3A_783 = arith.constant 0 : i32
        %sign3A_784 = arith.cmpi slt, %add3A_673, %sign3A_783 : i32
        %sign3A_785 = arith.extui %sign3A_784 : i1 to i32
        %sign3A_786 = arith.subi %sign3A_782, %sign3A_785 : i32
        %sign3A_787 = arith.constant 0 : i32
        %sign3A_788 = arith.cmpi sgt, %jit3A_778, %sign3A_787 : i32
        %sign3A_789 = arith.extui %sign3A_788 : i1 to i32
        %sign3A_790 = arith.constant 0 : i32
        %sign3A_791 = arith.cmpi slt, %jit3A_778, %sign3A_790 : i32
        %sign3A_792 = arith.extui %sign3A_791 : i1 to i32
        %sign3A_793 = arith.subi %sign3A_789, %sign3A_792 : i32
        %ne3A_794 = arith.cmpi ne, %sign3A_786, %sign3A_793 : i32
        %rem3A_795 = arith.remsi %add3A_673, %jit3A_778 : i32
        %ne3A_796 = arith.constant 0 : i32
        %ne3A_797 = arith.cmpi ne, %rem3A_795, %ne3A_796 : i32
        %and3A_798 = arith.andi %ne3A_794, %ne3A_797 : i1
        %sub3A_799 = arith.constant 1 : i32
        %sub3A_800 = arith.subi %div3A_779, %sub3A_799 : i32
        %select_n3A_801 = arith.select %and3A_798, %sub3A_800, %div3A_779 : i32
        %add3A_802 = arith.constant 2 : i32
        %add3A_803 = arith.addi %mul3A_2, %add3A_802 : i32
        %jit3A_804 = arith.constant 8 : i32
        %eq3A_805 = arith.constant 0 : i32
        %eq3A_806 = arith.cmpi eq, %jit3A_804, %eq3A_805 : i32
        %jit3A_807 = arith.constant 1 : i32
        %select_n3A_808 = arith.select %eq3A_806, %jit3A_807, %jit3A_804 : i32
        %rem3A_809 = arith.remsi %add3A_673, %select_n3A_808 : i32
        %ne3A_810 = arith.constant 0 : i32
        %ne3A_811 = arith.cmpi ne, %rem3A_809, %ne3A_810 : i32
        %lt3A_812 = arith.constant 0 : i32
        %lt3A_813 = arith.cmpi slt, %rem3A_809, %lt3A_812 : i32
        %lt3A_814 = arith.constant 0 : i32
        %lt3A_815 = arith.cmpi slt, %select_n3A_808, %lt3A_814 : i32
        %ne3A_816 = arith.xori %lt3A_813, %lt3A_815 : i1
        %and3A_817 = arith.andi %ne3A_816, %ne3A_811 : i1
        %add3A_818 = arith.addi %rem3A_809, %select_n3A_808 : i32
        %select_n3A_819 = arith.select %and3A_817, %add3A_818, %rem3A_809 : i32
        %dma_start3A_820 = arith.constant 256 : i32
        %dma_start3A_821 = tpu.memref_slice %arg7[%dma_start3A_820] : memref<512xi32, #tpu.memory_space<vmem>> -> memref<128xi32, #tpu.memory_space<vmem>>
        %dma_start3A_822 = arith.constant 0 : i32
        %dma_start3A_823 = tpu.memref_slice %arg2[%select_n3A_801, %add3A_803, %select_n3A_819, %dma_start3A_822] : memref<25x128x8x128xi32, #tpu.memory_space<hbm>> -> memref<1x1x1x128xi32, #tpu.memory_space<hbm>>
        %dma_start3A_824 = tpu.memref_squeeze %dma_start3A_823 : memref<1x1x1x128xi32, #tpu.memory_space<hbm>> -> memref<128xi32, #tpu.memory_space<hbm>>
        %dma_start3A_825 = arith.constant 256 : i32
        %dma_start3A_826 = tpu.memref_slice %arg7[%dma_start3A_825] : memref<512xi32, #tpu.memory_space<vmem>> -> memref<128xi32, #tpu.memory_space<vmem>>
        %dma_start3A_827 = arith.constant 0 : i32
        %dma_start3A_828 = tpu.memref_slice %arg2[%select_n3A_801, %add3A_803, %select_n3A_819, %dma_start3A_827] : memref<25x128x8x128xi32, #tpu.memory_space<hbm>> -> memref<1x1x1x128xi32, #tpu.memory_space<hbm>>
        %dma_start3A_829 = tpu.memref_squeeze %dma_start3A_828 : memref<1x1x1x128xi32, #tpu.memory_space<hbm>> -> memref<128xi32, #tpu.memory_space<hbm>>
        tpu.enqueue_dma source(%dma_start3A_829 : memref<128xi32, #tpu.memory_space<hbm>>) target(%dma_start3A_826 : memref<128xi32, #tpu.memory_space<vmem>>) target_semaphore(%arg17 : memref<!tpu.dma_semaphore, #tpu.memory_space<semaphore_mem>>)
        %jit3A_830 = arith.constant 8 : i32
        %div3A_831 = arith.divsi %add3A_673, %jit3A_830 : i32
        %sign3A_832 = arith.constant 0 : i32
        %sign3A_833 = arith.cmpi sgt, %add3A_673, %sign3A_832 : i32
        %sign3A_834 = arith.extui %sign3A_833 : i1 to i32
        %sign3A_835 = arith.constant 0 : i32
        %sign3A_836 = arith.cmpi slt, %add3A_673, %sign3A_835 : i32
        %sign3A_837 = arith.extui %sign3A_836 : i1 to i32
        %sign3A_838 = arith.subi %sign3A_834, %sign3A_837 : i32
        %sign3A_839 = arith.constant 0 : i32
        %sign3A_840 = arith.cmpi sgt, %jit3A_830, %sign3A_839 : i32
        %sign3A_841 = arith.extui %sign3A_840 : i1 to i32
        %sign3A_842 = arith.constant 0 : i32
        %sign3A_843 = arith.cmpi slt, %jit3A_830, %sign3A_842 : i32
        %sign3A_844 = arith.extui %sign3A_843 : i1 to i32
        %sign3A_845 = arith.subi %sign3A_841, %sign3A_844 : i32
        %ne3A_846 = arith.cmpi ne, %sign3A_838, %sign3A_845 : i32
        %rem3A_847 = arith.remsi %add3A_673, %jit3A_830 : i32
        %ne3A_848 = arith.constant 0 : i32
        %ne3A_849 = arith.cmpi ne, %rem3A_847, %ne3A_848 : i32
        %and3A_850 = arith.andi %ne3A_846, %ne3A_849 : i1
        %sub3A_851 = arith.constant 1 : i32
        %sub3A_852 = arith.subi %div3A_831, %sub3A_851 : i32
        %select_n3A_853 = arith.select %and3A_850, %sub3A_852, %div3A_831 : i32
        %add3A_854 = arith.constant 3 : i32
        %add3A_855 = arith.addi %mul3A_2, %add3A_854 : i32
        %jit3A_856 = arith.constant 8 : i32
        %eq3A_857 = arith.constant 0 : i32
        %eq3A_858 = arith.cmpi eq, %jit3A_856, %eq3A_857 : i32
        %jit3A_859 = arith.constant 1 : i32
        %select_n3A_860 = arith.select %eq3A_858, %jit3A_859, %jit3A_856 : i32
        %rem3A_861 = arith.remsi %add3A_673, %select_n3A_860 : i32
        %ne3A_862 = arith.constant 0 : i32
        %ne3A_863 = arith.cmpi ne, %rem3A_861, %ne3A_862 : i32
        %lt3A_864 = arith.constant 0 : i32
        %lt3A_865 = arith.cmpi slt, %rem3A_861, %lt3A_864 : i32
        %lt3A_866 = arith.constant 0 : i32
        %lt3A_867 = arith.cmpi slt, %select_n3A_860, %lt3A_866 : i32
        %ne3A_868 = arith.xori %lt3A_865, %lt3A_867 : i1
        %and3A_869 = arith.andi %ne3A_868, %ne3A_863 : i1
        %add3A_870 = arith.addi %rem3A_861, %select_n3A_860 : i32
        %select_n3A_871 = arith.select %and3A_869, %add3A_870, %rem3A_861 : i32
        %dma_start3A_872 = arith.constant 384 : i32
        %dma_start3A_873 = tpu.memref_slice %arg7[%dma_start3A_872] : memref<512xi32, #tpu.memory_space<vmem>> -> memref<128xi32, #tpu.memory_space<vmem>>
        %dma_start3A_874 = arith.constant 0 : i32
        %dma_start3A_875 = tpu.memref_slice %arg2[%select_n3A_853, %add3A_855, %select_n3A_871, %dma_start3A_874] : memref<25x128x8x128xi32, #tpu.memory_space<hbm>> -> memref<1x1x1x128xi32, #tpu.memory_space<hbm>>
        %dma_start3A_876 = tpu.memref_squeeze %dma_start3A_875 : memref<1x1x1x128xi32, #tpu.memory_space<hbm>> -> memref<128xi32, #tpu.memory_space<hbm>>
        %dma_start3A_877 = arith.constant 384 : i32
        %dma_start3A_878 = tpu.memref_slice %arg7[%dma_start3A_877] : memref<512xi32, #tpu.memory_space<vmem>> -> memref<128xi32, #tpu.memory_space<vmem>>
        %dma_start3A_879 = arith.constant 0 : i32
        %dma_start3A_880 = tpu.memref_slice %arg2[%select_n3A_853, %add3A_855, %select_n3A_871, %dma_start3A_879] : memref<25x128x8x128xi32, #tpu.memory_space<hbm>> -> memref<1x1x1x128xi32, #tpu.memory_space<hbm>>
        %dma_start3A_881 = tpu.memref_squeeze %dma_start3A_880 : memref<1x1x1x128xi32, #tpu.memory_space<hbm>> -> memref<128xi32, #tpu.memory_space<hbm>>
        tpu.enqueue_dma source(%dma_start3A_881 : memref<128xi32, #tpu.memory_space<hbm>>) target(%dma_start3A_878 : memref<128xi32, #tpu.memory_space<vmem>>) target_semaphore(%arg17 : memref<!tpu.dma_semaphore, #tpu.memory_space<semaphore_mem>>)
      } else {
      }
    }
    %scan3A_149 = arith.constant 50 : i32
    %mul3A_150 = arith.constant 4 : i32
    %mul3A_151 = arith.muli %add3A, %mul3A_150 : i32
    %mul3A_152 = arith.constant 8 : i32
    %mul3A_153 = arith.muli %mul3A_151, %mul3A_152 : i32
    %dma_wait3A = arith.constant 198 : i32
    %dma_wait3A_154 = arith.constant 0 : i32
    %dma_wait3A_155 = arith.constant 0 : i32
    %dma_wait3A_156 = arith.constant 0 : i32
    %dma_wait3A_157 = tpu.memref_slice %arg13[%dma_wait3A_155, %dma_wait3A_156] : memref<128x129xf32, #tpu.memory_space<vmem>> -> memref<32x128xf32, #tpu.memory_space<vmem>>
    %dma_wait3A_158 = arith.constant 0 : i32
    %dma_wait3A_159 = tpu.memref_slice %arg4[%dma_wait3A, %dma_wait3A_154, %mul3A_153, %dma_wait3A_158] : memref<200x4x1024x128xf32, #tpu.memory_space<hbm>> -> memref<1x1x32x128xf32, #tpu.memory_space<hbm>>
    %dma_wait3A_160 = tpu.memref_squeeze %dma_wait3A_159 : memref<1x1x32x128xf32, #tpu.memory_space<hbm>> -> memref<32x128xf32, #tpu.memory_space<hbm>>
    %dma_wait3A_161 = arith.constant 0 : i32
    %dma_wait3A_162 = tpu.memref_slice %arg4[%dma_wait3A, %dma_wait3A_154, %mul3A_153, %dma_wait3A_161] : memref<200x4x1024x128xf32, #tpu.memory_space<hbm>> -> memref<1x1x32x128xf32, #tpu.memory_space<hbm>>
    %dma_wait3A_163 = tpu.memref_squeeze %dma_wait3A_162 : memref<1x1x32x128xf32, #tpu.memory_space<hbm>> -> memref<32x128xf32, #tpu.memory_space<hbm>>
    %dma_wait3A_164 = arith.constant 0 : i32
    %dma_wait3A_165 = arith.constant 0 : i32
    %dma_wait3A_166 = tpu.memref_slice %arg13[%dma_wait3A_164, %dma_wait3A_165] : memref<128x129xf32, #tpu.memory_space<vmem>> -> memref<32x128xf32, #tpu.memory_space<vmem>>
    tpu.wait_dma2 semaphore(%arg23 : memref<!tpu.dma_semaphore, #tpu.memory_space<semaphore_mem>>) src(%dma_wait3A_166 : memref<32x128xf32, #tpu.memory_space<vmem>>) dst(%dma_wait3A_163 : memref<32x128xf32, #tpu.memory_space<hbm>>)
    %mul3A_167 = arith.constant 4 : i32
    %mul3A_168 = arith.muli %add3A, %mul3A_167 : i32
    %mul3A_169 = arith.constant 8 : i32
    %mul3A_170 = arith.muli %mul3A_168, %mul3A_169 : i32
    %dma_wait3A_171 = arith.constant 198 : i32
    %dma_wait3A_172 = arith.constant 1 : i32
    %dma_wait3A_173 = arith.constant 32 : i32
    %dma_wait3A_174 = arith.constant 0 : i32
    %dma_wait3A_175 = tpu.memref_slice %arg13[%dma_wait3A_173, %dma_wait3A_174] : memref<128x129xf32, #tpu.memory_space<vmem>> -> memref<32x128xf32, #tpu.memory_space<vmem>>
    %dma_wait3A_176 = arith.constant 0 : i32
    %dma_wait3A_177 = tpu.memref_slice %arg4[%dma_wait3A_171, %dma_wait3A_172, %mul3A_170, %dma_wait3A_176] : memref<200x4x1024x128xf32, #tpu.memory_space<hbm>> -> memref<1x1x32x128xf32, #tpu.memory_space<hbm>>
    %dma_wait3A_178 = tpu.memref_squeeze %dma_wait3A_177 : memref<1x1x32x128xf32, #tpu.memory_space<hbm>> -> memref<32x128xf32, #tpu.memory_space<hbm>>
    %dma_wait3A_179 = arith.constant 0 : i32
    %dma_wait3A_180 = tpu.memref_slice %arg4[%dma_wait3A_171, %dma_wait3A_172, %mul3A_170, %dma_wait3A_179] : memref<200x4x1024x128xf32, #tpu.memory_space<hbm>> -> memref<1x1x32x128xf32, #tpu.memory_space<hbm>>
    %dma_wait3A_181 = tpu.memref_squeeze %dma_wait3A_180 : memref<1x1x32x128xf32, #tpu.memory_space<hbm>> -> memref<32x128xf32, #tpu.memory_space<hbm>>
    %dma_wait3A_182 = arith.constant 32 : i32
    %dma_wait3A_183 = arith.constant 0 : i32
    %dma_wait3A_184 = tpu.memref_slice %arg13[%dma_wait3A_182, %dma_wait3A_183] : memref<128x129xf32, #tpu.memory_space<vmem>> -> memref<32x128xf32, #tpu.memory_space<vmem>>
    tpu.wait_dma2 semaphore(%arg23 : memref<!tpu.dma_semaphore, #tpu.memory_space<semaphore_mem>>) src(%dma_wait3A_184 : memref<32x128xf32, #tpu.memory_space<vmem>>) dst(%dma_wait3A_181 : memref<32x128xf32, #tpu.memory_space<hbm>>)
    %mul3A_185 = arith.constant 4 : i32
    %mul3A_186 = arith.muli %add3A, %mul3A_185 : i32
    %mul3A_187 = arith.constant 8 : i32
    %mul3A_188 = arith.muli %mul3A_186, %mul3A_187 : i32
    %dma_wait3A_189 = arith.constant 198 : i32
    %dma_wait3A_190 = arith.constant 2 : i32
    %dma_wait3A_191 = arith.constant 64 : i32
    %dma_wait3A_192 = arith.constant 0 : i32
    %dma_wait3A_193 = tpu.memref_slice %arg13[%dma_wait3A_191, %dma_wait3A_192] : memref<128x129xf32, #tpu.memory_space<vmem>> -> memref<32x128xf32, #tpu.memory_space<vmem>>
    %dma_wait3A_194 = arith.constant 0 : i32
    %dma_wait3A_195 = tpu.memref_slice %arg4[%dma_wait3A_189, %dma_wait3A_190, %mul3A_188, %dma_wait3A_194] : memref<200x4x1024x128xf32, #tpu.memory_space<hbm>> -> memref<1x1x32x128xf32, #tpu.memory_space<hbm>>
    %dma_wait3A_196 = tpu.memref_squeeze %dma_wait3A_195 : memref<1x1x32x128xf32, #tpu.memory_space<hbm>> -> memref<32x128xf32, #tpu.memory_space<hbm>>
    %dma_wait3A_197 = arith.constant 0 : i32
    %dma_wait3A_198 = tpu.memref_slice %arg4[%dma_wait3A_189, %dma_wait3A_190, %mul3A_188, %dma_wait3A_197] : memref<200x4x1024x128xf32, #tpu.memory_space<hbm>> -> memref<1x1x32x128xf32, #tpu.memory_space<hbm>>
    %dma_wait3A_199 = tpu.memref_squeeze %dma_wait3A_198 : memref<1x1x32x128xf32, #tpu.memory_space<hbm>> -> memref<32x128xf32, #tpu.memory_space<hbm>>
    %dma_wait3A_200 = arith.constant 64 : i32
    %dma_wait3A_201 = arith.constant 0 : i32
    %dma_wait3A_202 = tpu.memref_slice %arg13[%dma_wait3A_200, %dma_wait3A_201] : memref<128x129xf32, #tpu.memory_space<vmem>> -> memref<32x128xf32, #tpu.memory_space<vmem>>
    tpu.wait_dma2 semaphore(%arg23 : memref<!tpu.dma_semaphore, #tpu.memory_space<semaphore_mem>>) src(%dma_wait3A_202 : memref<32x128xf32, #tpu.memory_space<vmem>>) dst(%dma_wait3A_199 : memref<32x128xf32, #tpu.memory_space<hbm>>)
    %mul3A_203 = arith.constant 4 : i32
    %mul3A_204 = arith.muli %add3A, %mul3A_203 : i32
    %mul3A_205 = arith.constant 8 : i32
    %mul3A_206 = arith.muli %mul3A_204, %mul3A_205 : i32
    %dma_wait3A_207 = arith.constant 198 : i32
    %dma_wait3A_208 = arith.constant 3 : i32
    %dma_wait3A_209 = arith.constant 96 : i32
    %dma_wait3A_210 = arith.constant 0 : i32
    %dma_wait3A_211 = tpu.memref_slice %arg13[%dma_wait3A_209, %dma_wait3A_210] : memref<128x129xf32, #tpu.memory_space<vmem>> -> memref<32x128xf32, #tpu.memory_space<vmem>>
    %dma_wait3A_212 = arith.constant 0 : i32
    %dma_wait3A_213 = tpu.memref_slice %arg4[%dma_wait3A_207, %dma_wait3A_208, %mul3A_206, %dma_wait3A_212] : memref<200x4x1024x128xf32, #tpu.memory_space<hbm>> -> memref<1x1x32x128xf32, #tpu.memory_space<hbm>>
    %dma_wait3A_214 = tpu.memref_squeeze %dma_wait3A_213 : memref<1x1x32x128xf32, #tpu.memory_space<hbm>> -> memref<32x128xf32, #tpu.memory_space<hbm>>
    %dma_wait3A_215 = arith.constant 0 : i32
    %dma_wait3A_216 = tpu.memref_slice %arg4[%dma_wait3A_207, %dma_wait3A_208, %mul3A_206, %dma_wait3A_215] : memref<200x4x1024x128xf32, #tpu.memory_space<hbm>> -> memref<1x1x32x128xf32, #tpu.memory_space<hbm>>
    %dma_wait3A_217 = tpu.memref_squeeze %dma_wait3A_216 : memref<1x1x32x128xf32, #tpu.memory_space<hbm>> -> memref<32x128xf32, #tpu.memory_space<hbm>>
    %dma_wait3A_218 = arith.constant 96 : i32
    %dma_wait3A_219 = arith.constant 0 : i32
    %dma_wait3A_220 = tpu.memref_slice %arg13[%dma_wait3A_218, %dma_wait3A_219] : memref<128x129xf32, #tpu.memory_space<vmem>> -> memref<32x128xf32, #tpu.memory_space<vmem>>
    tpu.wait_dma2 semaphore(%arg23 : memref<!tpu.dma_semaphore, #tpu.memory_space<semaphore_mem>>) src(%dma_wait3A_220 : memref<32x128xf32, #tpu.memory_space<vmem>>) dst(%dma_wait3A_217 : memref<32x128xf32, #tpu.memory_space<hbm>>)
    %mul3A_221 = arith.constant 4 : i32
    %mul3A_222 = arith.muli %add3A, %mul3A_221 : i32
    %mul3A_223 = arith.constant 8 : i32
    %mul3A_224 = arith.muli %mul3A_222, %mul3A_223 : i32
    %dma_wait3A_225 = arith.constant 199 : i32
    %dma_wait3A_226 = arith.constant 0 : i32
    %dma_wait3A_227 = arith.constant 0 : i32
    %dma_wait3A_228 = arith.constant 0 : i32
    %dma_wait3A_229 = tpu.memref_slice %arg14[%dma_wait3A_227, %dma_wait3A_228] : memref<128x129xf32, #tpu.memory_space<vmem>> -> memref<32x128xf32, #tpu.memory_space<vmem>>
    %dma_wait3A_230 = arith.constant 0 : i32
    %dma_wait3A_231 = tpu.memref_slice %arg4[%dma_wait3A_225, %dma_wait3A_226, %mul3A_224, %dma_wait3A_230] : memref<200x4x1024x128xf32, #tpu.memory_space<hbm>> -> memref<1x1x32x128xf32, #tpu.memory_space<hbm>>
    %dma_wait3A_232 = tpu.memref_squeeze %dma_wait3A_231 : memref<1x1x32x128xf32, #tpu.memory_space<hbm>> -> memref<32x128xf32, #tpu.memory_space<hbm>>
    %dma_wait3A_233 = arith.constant 0 : i32
    %dma_wait3A_234 = tpu.memref_slice %arg4[%dma_wait3A_225, %dma_wait3A_226, %mul3A_224, %dma_wait3A_233] : memref<200x4x1024x128xf32, #tpu.memory_space<hbm>> -> memref<1x1x32x128xf32, #tpu.memory_space<hbm>>
    %dma_wait3A_235 = tpu.memref_squeeze %dma_wait3A_234 : memref<1x1x32x128xf32, #tpu.memory_space<hbm>> -> memref<32x128xf32, #tpu.memory_space<hbm>>
    %dma_wait3A_236 = arith.constant 0 : i32
    %dma_wait3A_237 = arith.constant 0 : i32
    %dma_wait3A_238 = tpu.memref_slice %arg14[%dma_wait3A_236, %dma_wait3A_237] : memref<128x129xf32, #tpu.memory_space<vmem>> -> memref<32x128xf32, #tpu.memory_space<vmem>>
    tpu.wait_dma2 semaphore(%arg24 : memref<!tpu.dma_semaphore, #tpu.memory_space<semaphore_mem>>) src(%dma_wait3A_238 : memref<32x128xf32, #tpu.memory_space<vmem>>) dst(%dma_wait3A_235 : memref<32x128xf32, #tpu.memory_space<hbm>>)
    %mul3A_239 = arith.constant 4 : i32
    %mul3A_240 = arith.muli %add3A, %mul3A_239 : i32
    %mul3A_241 = arith.constant 8 : i32
    %mul3A_242 = arith.muli %mul3A_240, %mul3A_241 : i32
    %dma_wait3A_243 = arith.constant 199 : i32
    %dma_wait3A_244 = arith.constant 1 : i32
    %dma_wait3A_245 = arith.constant 32 : i32
    %dma_wait3A_246 = arith.constant 0 : i32
    %dma_wait3A_247 = tpu.memref_slice %arg14[%dma_wait3A_245, %dma_wait3A_246] : memref<128x129xf32, #tpu.memory_space<vmem>> -> memref<32x128xf32, #tpu.memory_space<vmem>>
    %dma_wait3A_248 = arith.constant 0 : i32
    %dma_wait3A_249 = tpu.memref_slice %arg4[%dma_wait3A_243, %dma_wait3A_244, %mul3A_242, %dma_wait3A_248] : memref<200x4x1024x128xf32, #tpu.memory_space<hbm>> -> memref<1x1x32x128xf32, #tpu.memory_space<hbm>>
    %dma_wait3A_250 = tpu.memref_squeeze %dma_wait3A_249 : memref<1x1x32x128xf32, #tpu.memory_space<hbm>> -> memref<32x128xf32, #tpu.memory_space<hbm>>
    %dma_wait3A_251 = arith.constant 0 : i32
    %dma_wait3A_252 = tpu.memref_slice %arg4[%dma_wait3A_243, %dma_wait3A_244, %mul3A_242, %dma_wait3A_251] : memref<200x4x1024x128xf32, #tpu.memory_space<hbm>> -> memref<1x1x32x128xf32, #tpu.memory_space<hbm>>
    %dma_wait3A_253 = tpu.memref_squeeze %dma_wait3A_252 : memref<1x1x32x128xf32, #tpu.memory_space<hbm>> -> memref<32x128xf32, #tpu.memory_space<hbm>>
    %dma_wait3A_254 = arith.constant 32 : i32
    %dma_wait3A_255 = arith.constant 0 : i32
    %dma_wait3A_256 = tpu.memref_slice %arg14[%dma_wait3A_254, %dma_wait3A_255] : memref<128x129xf32, #tpu.memory_space<vmem>> -> memref<32x128xf32, #tpu.memory_space<vmem>>
    tpu.wait_dma2 semaphore(%arg24 : memref<!tpu.dma_semaphore, #tpu.memory_space<semaphore_mem>>) src(%dma_wait3A_256 : memref<32x128xf32, #tpu.memory_space<vmem>>) dst(%dma_wait3A_253 : memref<32x128xf32, #tpu.memory_space<hbm>>)
    %mul3A_257 = arith.constant 4 : i32
    %mul3A_258 = arith.muli %add3A, %mul3A_257 : i32
    %mul3A_259 = arith.constant 8 : i32
    %mul3A_260 = arith.muli %mul3A_258, %mul3A_259 : i32
    %dma_wait3A_261 = arith.constant 199 : i32
    %dma_wait3A_262 = arith.constant 2 : i32
    %dma_wait3A_263 = arith.constant 64 : i32
    %dma_wait3A_264 = arith.constant 0 : i32
    %dma_wait3A_265 = tpu.memref_slice %arg14[%dma_wait3A_263, %dma_wait3A_264] : memref<128x129xf32, #tpu.memory_space<vmem>> -> memref<32x128xf32, #tpu.memory_space<vmem>>
    %dma_wait3A_266 = arith.constant 0 : i32
    %dma_wait3A_267 = tpu.memref_slice %arg4[%dma_wait3A_261, %dma_wait3A_262, %mul3A_260, %dma_wait3A_266] : memref<200x4x1024x128xf32, #tpu.memory_space<hbm>> -> memref<1x1x32x128xf32, #tpu.memory_space<hbm>>
    %dma_wait3A_268 = tpu.memref_squeeze %dma_wait3A_267 : memref<1x1x32x128xf32, #tpu.memory_space<hbm>> -> memref<32x128xf32, #tpu.memory_space<hbm>>
    %dma_wait3A_269 = arith.constant 0 : i32
    %dma_wait3A_270 = tpu.memref_slice %arg4[%dma_wait3A_261, %dma_wait3A_262, %mul3A_260, %dma_wait3A_269] : memref<200x4x1024x128xf32, #tpu.memory_space<hbm>> -> memref<1x1x32x128xf32, #tpu.memory_space<hbm>>
    %dma_wait3A_271 = tpu.memref_squeeze %dma_wait3A_270 : memref<1x1x32x128xf32, #tpu.memory_space<hbm>> -> memref<32x128xf32, #tpu.memory_space<hbm>>
    %dma_wait3A_272 = arith.constant 64 : i32
    %dma_wait3A_273 = arith.constant 0 : i32
    %dma_wait3A_274 = tpu.memref_slice %arg14[%dma_wait3A_272, %dma_wait3A_273] : memref<128x129xf32, #tpu.memory_space<vmem>> -> memref<32x128xf32, #tpu.memory_space<vmem>>
    tpu.wait_dma2 semaphore(%arg24 : memref<!tpu.dma_semaphore, #tpu.memory_space<semaphore_mem>>) src(%dma_wait3A_274 : memref<32x128xf32, #tpu.memory_space<vmem>>) dst(%dma_wait3A_271 : memref<32x128xf32, #tpu.memory_space<hbm>>)
    %mul3A_275 = arith.constant 4 : i32
    %mul3A_276 = arith.muli %add3A, %mul3A_275 : i32
    %mul3A_277 = arith.constant 8 : i32
    %mul3A_278 = arith.muli %mul3A_276, %mul3A_277 : i32
    %dma_wait3A_279 = arith.constant 199 : i32
    %dma_wait3A_280 = arith.constant 3 : i32
    %dma_wait3A_281 = arith.constant 96 : i32
    %dma_wait3A_282 = arith.constant 0 : i32
    %dma_wait3A_283 = tpu.memref_slice %arg14[%dma_wait3A_281, %dma_wait3A_282] : memref<128x129xf32, #tpu.memory_space<vmem>> -> memref<32x128xf32, #tpu.memory_space<vmem>>
    %dma_wait3A_284 = arith.constant 0 : i32
    %dma_wait3A_285 = tpu.memref_slice %arg4[%dma_wait3A_279, %dma_wait3A_280, %mul3A_278, %dma_wait3A_284] : memref<200x4x1024x128xf32, #tpu.memory_space<hbm>> -> memref<1x1x32x128xf32, #tpu.memory_space<hbm>>
    %dma_wait3A_286 = tpu.memref_squeeze %dma_wait3A_285 : memref<1x1x32x128xf32, #tpu.memory_space<hbm>> -> memref<32x128xf32, #tpu.memory_space<hbm>>
    %dma_wait3A_287 = arith.constant 0 : i32
    %dma_wait3A_288 = tpu.memref_slice %arg4[%dma_wait3A_279, %dma_wait3A_280, %mul3A_278, %dma_wait3A_287] : memref<200x4x1024x128xf32, #tpu.memory_space<hbm>> -> memref<1x1x32x128xf32, #tpu.memory_space<hbm>>
    %dma_wait3A_289 = tpu.memref_squeeze %dma_wait3A_288 : memref<1x1x32x128xf32, #tpu.memory_space<hbm>> -> memref<32x128xf32, #tpu.memory_space<hbm>>
    %dma_wait3A_290 = arith.constant 96 : i32
    %dma_wait3A_291 = arith.constant 0 : i32
    %dma_wait3A_292 = tpu.memref_slice %arg14[%dma_wait3A_290, %dma_wait3A_291] : memref<128x129xf32, #tpu.memory_space<vmem>> -> memref<32x128xf32, #tpu.memory_space<vmem>>
    tpu.wait_dma2 semaphore(%arg24 : memref<!tpu.dma_semaphore, #tpu.memory_space<semaphore_mem>>) src(%dma_wait3A_292 : memref<32x128xf32, #tpu.memory_space<vmem>>) dst(%dma_wait3A_289 : memref<32x128xf32, #tpu.memory_space<hbm>>)
    return
  }
}

</mosaic_0001>

<sc_bundles>
// kernel: kernel.3.cloned.1.call-start
scs
__scs_entry_jumppad:
0x0: {  	(pc) =	sbr.rel $0x88, $3  }
0x1: {  	(tag) =	ssettag $0x0;
	lr =	simm.s32 $0x1  }
0x2: {  	[smem:$0x3F9F] =	sst lr;
	_ =	strace $0xD0000000  }
0x3: {  	_ = 	snop  }
0x4: {  	_ = 	snop  }
0x5: {  	_ = 	snop  }
0x6: {  	_ = 	snop  }
0x7: {  	_ = 	snop  }
__scs_overlays_trampoline_lowered:
0x8: {  	[smem:$0x3FAE] =	sst s0  }
0x9: {  	[smem:$0x3FAF] =	sst s1  }
0xa: {  	[smem:$0x3FB0] =	sst s2  }
0xb: {  	[smem:$0x3FB1] =	sst s3  }
0xc: {  	[smem:$0x3FB2] =	sst s4  }
0xd: {  	[smem:$0x3FB3] =	sst s5  }
0xe: {  	[smem:$0x3FB4] =	sst s6  }
0xf: {  	[smem:$0x3FB5] =	sst s7  }
0x10: {  	[smem:$0x3FB6] =	sst s8  }
0x11: {  	[smem:$0x3FB7] =	sst s9;
	s0 =	simm.s32 @!p0 $0x0  }
0x12: {  	s1 =	sld [smem:$0x3F9D];
	s0 =	simm.s32 @p0 $0x1  }
0x13: {  	[smem:$0x3FB8] =	sst s0;
	s0 =	simm.s32 @!p1 $0x0  }
0x14: {  	s2 =	sld [smem:$0x3F9C];
	s0 =	simm.s32 @p1 $0x1  }
0x15: {  	[smem:$0x3FB9] =	sst s0;
	s0 =	simm.s32 @!p2 $0x0  }
0x16: {  	s3 =	sld [smem:$0x3FDB];
	s0 =	simm.s32 @p2 $0x1  }
0x17: {  	s4 =	simm.s32 $0x1BF5;
	[smem:$0x3FBB] =	sst s0  }
0x18: {  	s0 =	sld [smem:$0x3F9E];
	_ =	swait.ge [sflag:s4], $0x0  }
0x19: {  	s7 =	sld [smem:$0x3F9F]  }
0x1a: {  	s8 =	sadd.s32 $0xFFFFE003, lr  }
0x1b: {  	s9 =	sadd.s32 $0xFFFFFEF7, lr;
	s5 =	simm.s32 $0xFFFFFFFF;
	p2 =	slt.u32 s8, $0xFFFFF086  }
0x1c: {  	p1 =	slt.u32 s9, $0xF7A;
	s5 =	simm.s32 @!p2 $0x0  }
0x1d: {  	s5 =	simm.s32 @p1 $0x1;
	p0 =	seq.s32 s7, s2  }
0x1e: {  	s7 =	smul.u32 @!p0 $0xF7A, s2;
	p2 =	seq.s32 @!p0 s5, $0x0  }
0x1f: {  	s9 =	smul.u32 $0xF7A, s1;
	s8 =	simm.s32 @!p0 $0x1BF5;
	p2 =	por !p2, p0  }
0x20: {  	[sflag:s8] =	ssyncset.s32 @!p0 $0xFFFFF086;
	s6 =	sadd.s32 @!p0 s3, s7;
	s7 =	simm.s32 @!p0 $0x108  }
0x21: {  	s3 =	sadd.s32 s3, s9;
	s6 =	sadd.s32 @!p0 $0x88, s6;
	s7 =	simm.s32 @p2 $0x1082  }
0x22: {  	[simem:s7], [sflag:s8] =	dma.local @!p0 [hbm:s6], $0xF7A  }
0x23: {  	s9 =	sor.u32 $0xD0000000, s2;
	s6 =	simm.s32 $0x108;
	_ =	swait.ge @!p0 [sflag:s8], $0x0  }
0x24: {  	s3 =	sadd.s32 $0x88, s3;
	s6 =	simm.s32 @!p1 $0x1082;
	[sflag:s4] =	ssyncset.s32 $0xFFFFF086  }
0x25: {  	[simem:s6], [sflag:s4] =	dma.local [hbm:s3], $0xF7A  }
0x26: {  	[smem:$0x3F9F] =	sst s1;
	(tag) =	ssettag s2;
	_ =	strace s9  }
0x27: {  	s1 =	sld [smem:$0x3FAF]  }
0x28: {  	s2 =	sld [smem:$0x3FB0]  }
0x29: {  	s4 =	sld [smem:$0x3FB2]  }
0x2a: {  	p0 =	seq.s32 s5, $0x0;
	s5 =	sld [smem:$0x3FB3]  }
0x2b: {  	s6 =	sld [smem:$0x3FB4]  }
0x2c: {  	s7 =	sld [smem:$0x3FB5]  }
0x2d: {  	s3 =	simm.s32 $0x108;
	s8 =	sld [smem:$0x3FB6]  }
0x2e: {  	s3 =	simm.s32 @!p0 $0x1082;
	s9 =	sld [smem:$0x3FB7]  }
0x2f: {  	lr =	sadd.s32 s0, s3;
	s0 =	sld [smem:$0x3FAE]  }
0x30: {  	s3 =	sld [smem:$0x3FB1]  }
0x31: {  	[smem:$0x3FBA] =	sst s10  }
0x32: {  	s10 =	sld [smem:$0x3FB8];
	_ =	sdelay $0x3  }
0x33: {  	p0 =	seq.s32 s10, $0x1;
	s10 =	sld [smem:$0x3FBA];
	_ =	sdelay $0x3  }
0x34: {  	[smem:$0x3FBA] =	sst s10  }
0x35: {  	s10 =	sld [smem:$0x3FB9];
	_ =	sdelay $0x3  }
0x36: {  	p1 =	seq.s32 s10, $0x1;
	s10 =	sld [smem:$0x3FBA];
	_ =	sdelay $0x3  }
0x37: {  	[smem:$0x3FBA] =	sst s10  }
0x38: {  	s10 =	sld [smem:$0x3FBB]  }
0x39: {  	_ = 	snop;
	(pc) =	sbr.ind lr, $3  }
0x3a: {  	_ = 	snop  }
0x3b: {  	_ = 	snop  }
0x3c: {  	p2 =	seq.s32 s10, $0x1;
	s10 =	sld [smem:$0x3FBA]  }
0x3d: {  	_ =	shalt  }
0x3e: {  	_ =	shalt  }
0x3f: {  	_ =	shalt  }
0x40: {  	_ =	shalt  }
0x41: {  	_ =	shalt  }
0x42: {  	_ =	shalt  }
0x43: {  	_ =	shalt  }
0x44: {  	_ =	shalt  }
0x45: {  	_ =	shalt  }
0x46: {  	_ =	shalt  }
0x47: {  	_ =	shalt  }
0x48: {  	_ =	shalt  }
0x49: {  	_ =	shalt  }
0x4a: {  	_ =	shalt  }
0x4b: {  	_ =	shalt  }
0x4c: {  	_ =	shalt  }
0x4d: {  	_ =	shalt  }
0x4e: {  	_ =	shalt  }
0x4f: {  	_ =	shalt  }
0x50: {  	_ =	shalt  }
0x51: {  	_ =	shalt  }
0x52: {  	_ =	shalt  }
0x53: {  	_ =	shalt  }
0x54: {  	_ =	shalt  }
0x55: {  	_ =	shalt  }
0x56: {  	_ =	shalt  }
0x57: {  	_ =	shalt  }
0x58: {  	_ =	shalt  }
0x59: {  	_ =	shalt  }
0x5a: {  	_ =	shalt  }
0x5b: {  	_ =	shalt  }
0x5c: {  	_ =	shalt  }
0x5d: {  	_ =	shalt  }
0x5e: {  	_ =	shalt  }
0x5f: {  	_ =	shalt  }
0x60: {  	_ =	shalt  }
0x61: {  	_ =	shalt  }
0x62: {  	_ =	shalt  }
0x63: {  	_ =	shalt  }
0x64: {  	_ =	shalt  }
0x65: {  	_ =	shalt  }
0x66: {  	_ =	shalt  }
0x67: {  	_ =	shalt  }
0x68: {  	_ =	shalt  }
0x69: {  	_ =	shalt  }
0x6a: {  	_ =	shalt  }
0x6b: {  	_ =	shalt  }
0x6c: {  	_ =	shalt  }
0x6d: {  	_ =	shalt  }
0x6e: {  	_ =	shalt  }
0x6f: {  	_ =	shalt  }
0x70: {  	_ =	shalt  }
0x71: {  	_ =	shalt  }
0x72: {  	_ =	shalt  }
0x73: {  	_ =	shalt  }
0x74: {  	_ =	shalt  }
0x75: {  	_ =	shalt  }
0x76: {  	_ =	shalt  }
0x77: {  	_ =	shalt  }
0x78: {  	_ =	shalt  }
0x79: {  	_ =	shalt  }
0x7a: {  	_ =	shalt  }
0x7b: {  	_ =	shalt  }
0x7c: {  	_ =	shalt  }
0x7d: {  	_ =	shalt  }
0x7e: {  	_ =	shalt  }
0x7f: {  	_ =	shalt  }
0x80: {  	_ =	shalt  }
0x81: {  	_ =	shalt  }
0x82: {  	_ =	shalt  }
0x83: {  	_ =	shalt  }
0x84: {  	_ =	shalt  }
0x85: {  	_ =	shalt  }
0x86: {  	_ =	shalt  }
0x87: {  	_ =	shalt  }
.Lfunc_end0:
.L_simem_size_0:
called_computation_lowered:
.L_overlay_start_0:
0x88: {  	s2 =	sld [smem:$0x3FD9]  }
0x89: {  	s3 =	sld [smem:$0x3FFE];
	_ =	sdelay $0x1  }
0x8a: {  	s1 =	srdreg.scid  }
0x8b: {  	s0 =	sand.u32 $0x1, s1  }
0x8c: {  	s17 =	sshll.u32 s0, $0xA;
	s2 =	sadd.s32 s3, s2  }
0x8d: {  	s2 =	sadd.s32 s2, s17  }
0x8e: {  	[smem:$0x3FC6] =	sst s2  }
0x8f: {  	_ = 	snop  }
0x90: {  	s2 =	sld [smem:$0x3FC9]  }
0x91: {  	s18 =	sld [smem:$0x3FD0];
	(tm) =	ssettm $0x1  }
0x92: {  	s4 =	sld [smem:$0x3FFB];
	_ =	sdelay $0x3  }
0x93: {  	_ =	strace s4  }
0x94: {  	s4 =	sld [smem:$0x3FFC];
	_ =	sdelay $0x3  }
0x95: {  	_ =	strace s4  }
0x96: {  	s4 =	sld [smem:$0x3FFD];
	_ =	sdelay $0x3  }
0x97: {  	_ =	strace s4  }
0x98: {  	_ =	strace $0x8FFFFFFF  }
0x99: {  	s19 =	sld [smem:$0x3FDB];
	_ =	sdelay $0x1  }
0x9a: {  	s5 =	simm.s32 $_scs_section_size  }
0x9b: {  	s6 =	simm.s32 $_size__tile_overlayer_lowered;
	s7 =	simm.s32 $_tile_overlayer_lowered  }
0x9c: {  	s22 =	simm.s32 $0x1BFF;
	s21 =	sshll.u32 s7, $0x1;
	s4 =	sadd.s32 s5, s19  }
0x9d: {  	s8 =	simm.s32 $0x0;
	s20 =	sshll.u32 s6, $0x1;
	s6 =	sadd.s32 s21, s4  }
0x9e: {  	[timem:s8], [sflag:s22] =	dma.local [hbm:s6], s20  }
0x9f: {  	_ =	swait.ge [sflag:s22], s20  }
0xa0: {  	s5 =	ssub.s32 $0x0, s20;
	[sflag:s22] =	ssyncset.done $0x0  }
0xa1: {  	[sflag:s22] =	ssyncadd.s32 s5;
	_ =	sdelay $0x1  }
0xa2: {  	s23 =	simm.s32 $0x1B8B  }
0xa3: {  	_ =	swait.ge [sflag:s23], $0x1  }
0xa4: {  	[sflag:s23] =	ssyncset.done $0x0  }
0xa5: {  	s25 =	simm.s32 $0x1B8E;
	s24 =	sld [smem:$0x3FFE];
	[sflag:s23] =	ssyncadd.s32 $0xFFFFFFFF  }
0xa6: {  	s26 =	simm.s32 $execute0_lowered;
	[smem:$0x3FD2] =	sst s25  }
0xa7: {  	s6 =	sshll.u32 s26, $0x1;
	_ =	strace $0x80000046;
	[dreg:$0x1] =	wrdreg $0xFFFFFFFF  }
0xa8: {  	s28 =	simm.s32 $_size_execute0_lowered;
	s4 =	sadd.s32 s4, s6;
	[dreg:$0x0] =	wrdreg $0x0  }
0xa9: {  	s6 =	sshll.u32 s28, $0x1;
	[dreg:$0x2] =	wrdreg s4  }
0xaa: {  	[dreg:$0x3] =	wrdreg s6  }
0xab: {  	[dreg:$0x4] =	wrdreg $0xC0  }
0xac: {  	_ =	task [dreg:s8], $0x5FFFF  }
0xad: {  	[dreg:$0x1] =	wrdreg $0xFFFFFFFF  }
0xae: {  	[dreg:$0x0] =	wrdreg $0x60  }
0xaf: {  	[dreg:$0x2] =	wrdreg s2  }
0xb0: {  	[dreg:$0x3] =	wrdreg s24  }
0xb1: {  	[dreg:$0x4] =	wrdreg s18  }
0xb2: {  	[dreg:$0x5] =	wrdreg $0x9  }
0xb3: {  	_ =	task.clear_ibuf [dreg:s8], $0x6FFFF;
	_ =	strace $0x90000046  }
0xb4: {  	s29 =	simm.s32 $0x9;
	_ =	strace $0x80000048  }
0xb5: {  	_ =	swait.ge [sflag:s29], $0x1  }
0xb6: {  	[sflag:s29] =	ssyncadd.s32 $0xFFFFFFFF  }
0xb7: {  	_ =	strace $0x90000048  }
0xb8: {  	_ =	sfence  }
0xb9: {  	s30 =	sld [smem:$0x0];
	_ =	sdelay $0x2  }
0xba: {  	s31 =	sshll.u32 s1, $0xD;
	s1 =	sshrl.u32 s1, $0x2  }
0xbb: {  	s3 =	sand.u32 $0x4000, s31;
	s1 =	sadd.s32 s1, s30  }
0xbc: {  	s0 =	sor.u32 s3, s0;
	s1 =	sshll.u32 s1, $0x11  }
0xbd: {  	s0 =	sor.u32 s1, s0  }
0xbe: {  	s0 =	sadd.s32 $0x8F2B, s0  }
0xbf: {  	[sflag:s0] =	ssyncadd.remote.s32 $0x1  }
0xc0: {  	_ =	sfence.sel $0xFFFF  }
0xc1: {  	[dreg:$0x0] =	wrdreg $0xFFFFFFFF;
	(pc) =	sbr.abs _section_cstart, $3  }
0xc2: {  	[dreg:$0x1] =	wrdreg $0xFFFFFFFF  }
0xc3: {  	_ =	task.clear_ibuf [dreg:s8], $0x2FFFF;
	_ =	strace $0x9FFFFFFF  }
0xc4: {  	(tm) =	ssettm $0x7FFFFFFF  }
0xc5: {  	_ =	shalt  }
tec
execute0_lowered:
.L_overlay_start_1:
0x0: {  	(tag) =	ssettag $0x1  }
0x1: {  	s1 =	rddreg [dreg:$0x0]  }
0x2: {  	s0 =	rddreg [dreg:$0x1]  }
0x3: {  	s31 =	rddreg [dreg:$0x2]  }
0x4: {  	s4 =	simm.s32 $0x0;
	s2 =	srdreg.scid;
	s3 =	stileid.u32  }
0x5: {  	[smem:$0x7FF] =	sst s4;
	s2 =	sand.u32 $0x1, s2;
	s3 =	sshll.u32 s3, $0x1  }
0x6: {  	s5 =	sadd.s32 $0xF42800, s0;
	s22 =	sadd.s32 $0x4000, s31;
	s23 =	sadd.s32 $0x8000, s31  }
0x7: {  	s24 =	sadd.s32 $0xC000, s31;
	s19 =	sadd.s32 $0x10000, s31;
	s20 =	sadd.s32 $0x14000, s31  }
0x8: {  	s21 =	sadd.s32 $0x18000, s31;
	_ =	strace $0x80000047;
	[dreg:$0x11] =	wrdreg s19  }
0x9: {  	s25 =	ssub.s32 $0x2, s2;
	s2 =	sor.u32 s2, s3;
	[dreg:$0x12] =	wrdreg s20  }
0xa: {  	[dreg:$0x13] =	wrdreg s21;
	s6 =	sshll.u32 s2, $0xC;
	s2 =	sshll.u32 s2, $0x9  }
0xb: {  	s19 =	simm.s32 $0x3;
	s26 =	sshrl.u32 s25, $0x1;
	s7 =	sadd.s32 s1, s2  }
0xc: {  	s0 =	ssub.s32 s25, s26;
	s25 =	sadd.s32 $0x1C000, s31;
	[dreg:$0x4] =	wrdreg s7  }
0xd: {  	s21 =	simm.s32 $0x10800;
	s26 =	sadd.s32 $0x20000, s31;
	[dreg:$0x14] =	wrdreg s25  }
0xe: {  	v0 =	vimm.s32 $0x14B8;
	vm0 =	vcmask $0x300;
	v1 =	vimm.s32 $0x36B8;
	s8 =	sor.u32 $0x400, s6;
	s11 =	sadd.s32 $0x10, s7;
	[dreg:$0x15] =	wrdreg s26  }
0xf: {  	vm1 =	vcmask $0x704;
	v0 =	vsel vm0, $0x0, v0;
	v1 =	vsel vm0, $0x2200, v1;
	s9 =	sor.u32 $0x800, s6;
	s12 =	sadd.s32 $0x90, s7;
	[dreg:$0x8] =	wrdreg s11  }
0x10: {  	vm15 =	vcmask $0xB08;
	v0 =	vsel vm1, $0x88, v0;
	v1 =	vsel vm1, $0x2288, v1;
	s10 =	sor.u32 $0xC00, s6;
	s13 =	sadd.s32 $0x110, s7;
	[dreg:$0x9] =	wrdreg s12  }
0x11: {  	vm4 =	vcmask $0xF0C;
	v0 =	vsel vm15, $0x110, v0;
	v1 =	vsel vm15, $0x2310, v1;
	s28 =	sshrl.u32 s8, $0x3;
	s14 =	sadd.s32 $0x190, s7;
	[dreg:$0xa] =	wrdreg s13  }
0x12: {  	vm5 =	vcmask $0x1310;
	v0 =	vsel vm4, $0x198, v0;
	v1 =	vsel vm4, $0x2398, v1;
	s29 =	sshrl.u32 s9, $0x3;
	s15 =	sadd.s32 $0x20, s7;
	[dreg:$0xb] =	wrdreg s14  }
0x13: {  	vm6 =	vcmask $0x1714;
	s30 =	sshrl.u32 s10, $0x3;
	s16 =	sadd.s32 $0xA0, s7;
	v0 =	vsel vm5, $0x220, v0;
	v1 =	vsel vm5, $0x2420, v1;
	[dreg:$0xc] =	wrdreg s15  }
0x14: {  	vm7 =	vcmask $0x1B18;
	s17 =	sadd.s32 $0x120, s7;
	s18 =	sadd.s32 $0x1A0, s7;
	[dreg:$0xd] =	wrdreg s16;
	v0 =	vsel vm6, $0x2A8, v0;
	v1 =	vsel vm6, $0x24A8, v1  }
0x15: {  	vm8 =	vcmask $0x1F1C;
	s0 =	smax.u32 s0, $0x1;
	s25 =	simm.s32 $0x600;
	[dreg:$0xe] =	wrdreg s17;
	v0 =	vsel vm7, $0x330, v0;
	v1 =	vsel vm7, $0x2530, v1  }
0x16: {  	vm9 =	vcmask $0x2320;
	s7 =	simm.s32 $0x14C00;
	s2 =	sadd.s32 s1, s28;
	[dreg:$0xf] =	wrdreg s18;
	v0 =	vsel vm8, $0x3B8, v0;
	v1 =	vsel vm8, $0x25B8, v1  }
0x17: {  	vm10 =	vcmask $0x2724;
	s3 =	sadd.s32 s1, s30;
	[dreg:$0x10] =	wrdreg s0;
	s28 =	sadd.s32 $0x24000, s31;
	v0 =	vsel vm9, $0x1100, v0;
	v1 =	vsel vm9, $0x3300, v1  }
0x18: {  	vm11 =	vcmask $0x2B28;
	s30 =	sadd.s32 $0x2C000, s31;
	s13 =	simm.s32 $0x200;
	[dreg:$0x5] =	wrdreg s2;
	v0 =	vsel vm10, $0x1188, v0;
	v1 =	vsel vm10, $0x3388, v1  }
.Ltmp0:
0x19: {  	vm12 =	vcmask $0x2F2C;
	s14 =	simm.s32 $0x400;
	[dreg:$0x7] =	wrdreg s3;
	v0 =	vsel vm11, $0x1210, v0;
	v1 =	vsel vm11, $0x3410, v1;
	(pc) =	sbr.rel .LBB2_1-.Ltmp0, $4  }
0x1a: {  	vm13 =	vcmask $0x3330;
	s18 =	simm.s32 $0x5;
	s16 =	simm.s32 $0x6;
	[dreg:$0x16] =	wrdreg s28;
	v0 =	vsel vm12, $0x1298, v0;
	v1 =	vsel vm12, $0x3498, v1  }
0x1b: {  	vm14 =	vcmask $0x3734;
	s17 =	simm.s32 $0x4;
	s2 =	sadd.s32 s1, s29;
	[dreg:$0x18] =	wrdreg s30;
	v0 =	vsel vm13, $0x1320, v0;
	v1 =	vsel vm13, $0x3520, v1  }
0x1c: {  	vm15 =	vcmask $0x3B38;
	s12 =	simm.s32 $0x9;
	s29 =	sadd.s32 $0x28000, s31;
	[dreg:$0x6] =	wrdreg s2;
	v0 =	vsel vm14, $0x13A8, v0;
	v1 =	vsel vm14, $0x35A8, v1  }
0x1d: {  	s15 =	simm.s32 $0xA;
	[dreg:$0x17] =	wrdreg s29;
	s2 =	simm.s32 $0x0;
	v0 =	vsel vm15, $0x1430, v0;
	v1 =	vsel vm15, $0x3630, v1  }
.LBB2_44:
0x1e: {  	_ =	swait.ge [sflag:s12], $0x1000  }
0x1f: {  	[sflag:s12] =	ssyncset.done $0x0  }
0x20: {  	[sflag:s12] =	ssyncadd.s32 $0xFFFFF000  }
0x21: {  	_ =	swait.ge [sflag:s12], $0x1000  }
0x22: {  	[sflag:s12] =	ssyncset.done $0x0  }
0x23: {  	[sflag:s12] =	ssyncadd.s32 $0xFFFFF000  }
0x24: {  	_ =	swait.ge [sflag:s12], $0x1000  }
0x25: {  	[sflag:s12] =	ssyncset.done $0x0  }
0x26: {  	[sflag:s12] =	ssyncadd.s32 $0xFFFFF000  }
0x27: {  	_ =	swait.ge [sflag:s12], $0x1000  }
0x28: {  	[sflag:s12] =	ssyncset.done $0x0  }
0x29: {  	[sflag:s12] =	ssyncadd.s32 $0xFFFFF000  }
0x2a: {  	_ =	swait.ge [sflag:s15], $0x1000  }
0x2b: {  	[sflag:s15] =	ssyncset.done $0x0  }
0x2c: {  	[sflag:s15] =	ssyncadd.s32 $0xFFFFF000  }
0x2d: {  	_ =	swait.ge [sflag:s15], $0x1000  }
0x2e: {  	[sflag:s15] =	ssyncset.done $0x0  }
0x2f: {  	[sflag:s15] =	ssyncadd.s32 $0xFFFFF000  }
0x30: {  	_ =	swait.ge [sflag:s15], $0x1000  }
0x31: {  	[sflag:s15] =	ssyncset.done $0x0  }
0x32: {  	[sflag:s15] =	ssyncadd.s32 $0xFFFFF000  }
0x33: {  	_ =	swait.ge [sflag:s15], $0x1000  }
0x34: {  	s2 =	rddreg [dreg:$0x19]  }
0x35: {  	s0 =	rddreg [dreg:$0x10];
	s2 =	sadd.s32 $0x1, s2  }
0x36: {  	p0 =	sne.s32 s2, s0  }
.Ltmp1:
0x37: {  	_ = 	snop;
	(pc) =	sbr.rel @!p0 .LBB2_45-.Ltmp1, $3  }
0x38: {  	_ =	sdelay $0x1  }
0x39: {  	[sflag:s15] =	ssyncset.done $0x0  }
0x3a: {  	[sflag:s15] =	ssyncadd.s32 $0xFFFFF000  }
.LBB2_1:
0x3b: {  	[dreg:$0x19] =	wrdreg s2  }
0x3c: {  	s0 =	rddreg [dreg:$0x4];
	s2 =	simm.s32 $0xB  }
0x3d: {  	[tilespmem:s4], [sflag:$0xB] =	stream.linear.gather [hbm4b:s0+s4], $0x80, $0x38;
	[tilespmem:$0x19000] =	vst v63  }
0x3e: {  	_ =	swait.ge [sflag:s2], $0x80  }
0x3f: {  	[sflag:s2] =	ssyncset.done $0x0  }
0x40: {  	s3 =	simm.s32 $0x80;
	s11 =	rddreg [dreg:$0x5];
	[sflag:s2] =	ssyncadd.s32 $0xFFFFFF80  }
0x41: {  	[tilespmem:s3], [sflag:$0xB] =	stream.linear.gather [hbm4b:s11+s4], $0x80, $0x38;
	[tilespmem:$0x19000] =	vst v63  }
0x42: {  	_ =	swait.ge [sflag:s2], $0x80  }
0x43: {  	[sflag:s2] =	ssyncset.done $0x0  }
0x44: {  	s26 =	simm.s32 $0x100;
	s20 =	rddreg [dreg:$0x6];
	[sflag:s2] =	ssyncadd.s32 $0xFFFFFF80  }
0x45: {  	[tilespmem:s26], [sflag:$0xB] =	stream.linear.gather [hbm4b:s20+s4], $0x80, $0x38;
	[tilespmem:$0x19000] =	vst v63  }
0x46: {  	_ =	swait.ge [sflag:s2], $0x80  }
0x47: {  	[sflag:s2] =	ssyncset.done $0x0  }
0x48: {  	s29 =	simm.s32 $0x180;
	s28 =	rddreg [dreg:$0x7];
	[sflag:s2] =	ssyncadd.s32 $0xFFFFFF80  }
0x49: {  	[tilespmem:s29], [sflag:$0xB] =	stream.linear.gather [hbm4b:s28+s4], $0x80, $0x38;
	[tilespmem:$0x19000] =	vst v63  }
0x4a: {  	_ =	swait.ge [sflag:s2], $0x80  }
0x4b: {  	[sflag:s2] =	ssyncset.done $0x0  }
0x4c: {  	s30 =	simm.s32 $0x800;
	[sflag:s2] =	ssyncadd.s32 $0xFFFFFF80  }
0x4d: {  	[tilespmem:s30], [sflag:$0x5] =	stream.indirect.gather [hbm4b:s5+s13], $0x20, s4, s13, $0xb8;
	[tilespmem:$0x19000] =	vst v63  }
0x4e: {  	s3 =	rddreg [dreg:$0x8]  }
0x4f: {  	[tilespmem:s13], [sflag:$0xB] =	stream.linear.gather [hbm4b:s3+s4], $0x80, $0x38;
	[tilespmem:$0x19000] =	vst v63  }
0x50: {  	_ =	swait.ge [sflag:s2], $0x80  }
0x51: {  	[sflag:s2] =	ssyncset.done $0x0  }
0x52: {  	s20 =	simm.s32 $0x280;
	s11 =	rddreg [dreg:$0x9];
	[sflag:s2] =	ssyncadd.s32 $0xFFFFFF80  }
0x53: {  	[tilespmem:s20], [sflag:$0xB] =	stream.linear.gather [hbm4b:s11+s4], $0x80, $0x38;
	[tilespmem:$0x19000] =	vst v63  }
0x54: {  	_ =	swait.ge [sflag:s2], $0x80  }
0x55: {  	[sflag:s2] =	ssyncset.done $0x0  }
0x56: {  	s28 =	simm.s32 $0x300;
	s26 =	rddreg [dreg:$0xa];
	[sflag:s2] =	ssyncadd.s32 $0xFFFFFF80  }
0x57: {  	[tilespmem:s28], [sflag:$0xB] =	stream.linear.gather [hbm4b:s26+s4], $0x80, $0x38;
	[tilespmem:$0x19000] =	vst v63  }
0x58: {  	_ =	swait.ge [sflag:s2], $0x80  }
0x59: {  	[sflag:s2] =	ssyncset.done $0x0  }
0x5a: {  	s30 =	simm.s32 $0x380;
	s29 =	rddreg [dreg:$0xb];
	[sflag:s2] =	ssyncadd.s32 $0xFFFFFF80  }
0x5b: {  	[tilespmem:s30], [sflag:$0xB] =	stream.linear.gather [hbm4b:s29+s4], $0x80, $0x38;
	[tilespmem:$0x19000] =	vst v63  }
0x5c: {  	_ =	swait.ge [sflag:s2], $0x80  }
0x5d: {  	[sflag:s2] =	ssyncset.done $0x0  }
0x5e: {  	[sflag:s2] =	ssyncadd.s32 $0xFFFFFF80;
	s2 =	simm.s32 $0x4800  }
0x5f: {  	[tilespmem:s2], [sflag:$0x6] =	stream.indirect.gather [hbm4b:s5+s13], $0x20, s13, s13, $0xb8;
	[tilespmem:$0x19000] =	vst v63  }
0x60: {  	s3 =	rddreg [dreg:$0xc]  }
0x61: {  	[tilespmem:s14], [sflag:$0x3] =	stream.linear.gather [hbm4b:s3+s4], $0x80, $0x38;
	[tilespmem:$0x19000] =	vst v63  }
0x62: {  	s20 =	simm.s32 $0x480;
	s11 =	rddreg [dreg:$0xd]  }
0x63: {  	[tilespmem:s20], [sflag:$0x3] =	stream.linear.gather [hbm4b:s11+s4], $0x80, $0x38;
	[tilespmem:$0x19000] =	vst v63  }
0x64: {  	s28 =	simm.s32 $0x500;
	s26 =	rddreg [dreg:$0xe]  }
0x65: {  	[tilespmem:s28], [sflag:$0x3] =	stream.linear.gather [hbm4b:s26+s4], $0x80, $0x38;
	[tilespmem:$0x19000] =	vst v63  }
0x66: {  	s30 =	simm.s32 $0x580;
	s29 =	rddreg [dreg:$0xf];
	s20 =	simm.s32 $0x0  }
0x67: {  	[tilespmem:s30], [sflag:$0x3] =	stream.linear.gather [hbm4b:s29+s4], $0x80, $0x38;
	[tilespmem:$0x19000] =	vst v63  }
.LBB2_2:
0x68: {  	_ =	swait.ge [sflag:s18], $0x4000  }
0x69: {  	[sflag:s18] =	ssyncset.done $0x0  }
0x6a: {  	[sflag:s18] =	ssyncadd.s32 $0xFFFFC000  }
0x6b: {  	_ =	swait.ge [sflag:s19], $0x80  }
0x6c: {  	[sflag:s19] =	ssyncset.done $0x0  }
0x6d: {  	[sflag:s19] =	ssyncadd.s32 $0xFFFFFF80  }
0x6e: {  	_ =	swait.ge [sflag:s19], $0x80  }
0x6f: {  	[sflag:s19] =	ssyncset.done $0x0  }
0x70: {  	[sflag:s19] =	ssyncadd.s32 $0xFFFFFF80  }
0x71: {  	_ =	swait.ge [sflag:s19], $0x80  }
0x72: {  	[sflag:s19] =	ssyncset.done $0x0  }
0x73: {  	[sflag:s19] =	ssyncadd.s32 $0xFFFFFF80  }
0x74: {  	_ =	swait.ge [sflag:s19], $0x80  }
0x75: {  	[sflag:s19] =	ssyncset.done $0x0  }
0x76: {  	s0 =	simm.s32 $0x8800;
	p0 =	seq.s32 s20, $0x0;
	[sflag:s19] =	ssyncadd.s32 $0xFFFFFF80  }
0x77: {  	[tilespmem:s0], [sflag:$0x7] =	stream.indirect.gather [hbm4b:s5+s13], $0x20, s14, s13, $0xb8;
	[tilespmem:$0x19000] =	vst v63  }
0x78: {  	s0 =	simm.s32 @!p0 $0x9  }
0x79: {  	_ =	swait.ge @!p0 [sflag:s0], $0x1000  }
0x7a: {  	[sflag:s0] =	ssyncset.done @!p0 $0x0  }
0x7b: {  	[sflag:s0] =	ssyncadd.s32 @!p0 $0xFFFFF000  }
0x7c: {  	_ =	swait.ge @!p0 [sflag:s0], $0x1000  }
0x7d: {  	[sflag:s0] =	ssyncset.done @!p0 $0x0  }
0x7e: {  	s2 =	simm.s32 $0x0;
	s3 =	simm.s32 $0x0;
	[sflag:s0] =	ssyncadd.s32 @!p0 $0xFFFFF000  }
0x7f: {  	s26 =	simm.s32 $0x2;
	s2 =	sand.u32 $0x18, s2;
	_ =	swait.ge @!p0 [sflag:s0], $0x1000  }
0x80: {  	v3 =	vmov s3;
	v4 =	vmov s26;
	v2 =	vmov s2;
	[sflag:s0] =	ssyncset.done @!p0 $0x0  }
0x81: {  	s11 =	simm.s32 $0x1;
	v6 =	vand.u32 $0x4, v3;
	v7 =	vand.u32 $0x78, v3;
	v2 =	vmul.u32 $0x88, v2;
	[sflag:s0] =	ssyncadd.s32 @!p0 $0xFFFFF000  }
0x82: {  	s3 =	simm.s32 $0x5;
	v3 =	vmov s11;
	s11 =	simm.s32 $0x3;
	v10 =	vand.u32 $0x6, v4;
	v13 =	vand.u32 $0x78, v4;
	_ =	swait.ge @!p0 [sflag:s0], $0x1000  }
0x83: {  	v23 =	vmov s3;
	v8 =	vbroadcast v2, $0x0;
	v2 =	vmov s11;
	[sflag:s0] =	ssyncset.done @!p0 $0x0  }
0x84: {  	v9 =	vand.u32 $0x5, v3;
	v11 =	vand.u32 $0x78, v3;
	s11 =	simm.s32 $0x6;
	v12 =	vand.u32 $0x78, v2;
	[sflag:s0] =	ssyncadd.s32 @!p0 $0xFFFFF000;
	s0 =	simm.s32 $0x840  }
0x85: {  	v15 =	vand.u32 $0x7, v2;
	v24 =	vmov s11;
	v3 =	vadd.s32 v0, v8;
	v5 =	vld [tilespmem:s0+$0x20]  }
0x86: {  	v8 =	vadd.s32 v1, v8;
	v2 =	vadd.s32 v12, v3;
	v4 =	vadd.s32 v7, v3;
	v14 =	vld [tilespmem:s0+$0xFFFFFFC0]  }
0x87: {  	v17 =	vadd.s32 v11, v3;
	v7 =	vadd.s32 v7, v8;
	v18 =	vor.u32 v15, v2;
	v16 =	vld [tilespmem:s0+$0xFFFFFFE0]  }
0x88: {  	s26 =	simm.s32 $0x4;
	v12 =	vadd.s32 v12, v8;
	v11 =	vadd.s32 v11, v8;
	v19 =	vor.u32 v6, v4  }
0x89: {  	v2 =	vadd.s32 v13, v3;
	v3 =	vmov s26;
	v17 =	vor.u32 v9, v17;
	v20 =	vld [tilespmem:s0+$0x0]  }
0x8a: {  	s26 =	simm.s32 $0x0;
	v12 =	vor.u32 v15, v12;
	v15 =	vor.u32 v6, v7;
	v22 =	vmul.f32 $5.656854150e+00, v5  }
0x8b: {  	v25 =	vor.u32 v9, v11;
	v21 =	vor.u32 v10, v2;
	s11 =	sand.u32 $0x18, s26;
	s26 =	simm.s32 $0x7;
	v14 =	vmul.f32 $5.656854150e+00, v14  }
0x8c: {  	v6 =	vadd.s32 v13, v8;
	v9 =	vmov s26;
	s26 =	simm.s32 $0x8C0;
	v16 =	vmul.f32 $5.656854150e+00, v16;
	[tilespmem:v18+s21+$0x0] =	vst.idx.msk $0xffff, v22  }
0x8d: {  	v8 =	vand.u32 $0x78, v23;
	v5 =	vand.u32 $0x5, v23;
	v23 =	vld [tilespmem:s26+$0xFFFFFFE0];
	[tilespmem:v19+s21+$0x0] =	vst.idx.msk $0xffff, v14;
	v19 =	vmov s11  }
0x8e: {  	v14 =	vmul.f32 $5.656854150e+00, v20;
	[tilespmem:v17+s21+$0x0] =	vst.idx.msk $0xffff, v16;
	v18 =	vld [tilespmem:s0+$0x30];
	v16 =	vmul.u32 $0x88, v19  }
0x8f: {  	v20 =	vld [tilespmem:s0+$0xFFFFFFD0]  }
0x90: {  	v7 =	vand.u32 $0x78, v24;
	v2 =	vand.u32 $0x4, v3;
	[tilespmem:v21+s21+$0x0] =	vst.idx.msk $0xffff, v14;
	v21 =	vld [tilespmem:s26+$0x20];
	v13 =	vbroadcast v16, $0x0  }
0x91: {  	v4 =	vand.u32 $0x78, v3;
	v3 =	vand.u32 $0x6, v24;
	v6 =	vor.u32 v10, v6;
	v19 =	vld [tilespmem:s0+$0xFFFFFFF0]  }
0x92: {  	v11 =	vand.u32 $0x78, v9;
	v9 =	vand.u32 $0x7, v9;
	v22 =	vld [tilespmem:s26+$0xFFFFFFC0];
	v16 =	vadd.s32 v0, v13  }
0x93: {  	v14 =	vld [tilespmem:s0+$0x10];
	v23 =	vmul.f32 $5.656854150e+00, v23;
	v10 =	vmul.f32 $5.656854150e+00, v18;
	v17 =	vadd.s32 v11, v16  }
0x94: {  	v20 =	vmul.f32 $5.656854150e+00, v20;
	v18 =	vadd.s32 v4, v16;
	v26 =	vor.u32 v9, v17  }
0x95: {  	v62 =	vadd.s32 v8, v16;
	v18 =	vor.u32 v2, v18;
	v27 =	vmul.f32 $5.656854150e+00, v21;
	v21 =	vld [tilespmem:s26+$0x0]  }
0x96: {  	s3 =	simm.s32 $0x9;
	v16 =	vadd.s32 v7, v16;
	v63 =	vmul.f32 $5.656854150e+00, v19;
	v17 =	vor.u32 v5, v62;
	[tilespmem:v12+s21+$0x0] =	vst.idx.msk $0xffff, v10  }
0x97: {  	s28 =	simm.s32 $0x8;
	s11 =	simm.s32 $0xA;
	v22 =	vmul.f32 $5.656854150e+00, v22;
	v19 =	vmov s3;
	v16 =	vor.u32 v3, v16;
	[tilespmem:v15+s21+$0x0] =	vst.idx.msk $0xffff, v20  }
0x98: {  	v12 =	vmov s28;
	v14 =	vmul.f32 $5.656854150e+00, v14;
	[tilespmem:v25+s21+$0x0] =	vst.idx.msk $0xffff, v63;
	v20 =	vmov s11  }
0x99: {  	s30 =	simm.s32 $0x0;
	s29 =	simm.s32 $0xC;
	s2 =	sshll.u32 s20, $0x2;
	v10 =	vand.u32 $0x4, v12;
	v15 =	vand.u32 $0x78, v12;
	v12 =	vand.u32 $0x5, v19;
	[tilespmem:v26+s21+$0x0] =	vst.idx.msk $0xffff, v27  }
.LBB2_3:
0x9a: {  	p1 =	slt.u32 s29, $0x1FC;
	s0 =	sand.u32 $0x18, s30;
	v24 =	vand.u32 $0x6, v20;
	[tilespmem:v18+s21+$0x0] =	vst.idx.msk $0xffff, v22;
	v13 =	vadd.s32 v1, v13;
	v18 =	vmul.f32 $5.656854150e+00, v21;
	v21 =	vld [tilespmem:s26+$0x30]  }
0x9b: {  	v22 =	vmov s0;
	v25 =	vld [tilespmem:s26+$0xFFFFFFD0];
	v26 =	vadd.s32 v4, v13;
	[tilespmem:v17+s21+$0x0] =	vst.idx.msk $0xffff, v23;
	v11 =	vadd.s32 v11, v13;
	v4 =	vmovc v15  }
0x9c: {  	v8 =	vadd.s32 v8, v13;
	v15 =	vmul.u32 $0x88, v22;
	v22 =	vld [tilespmem:s26+$0xFFFFFFF0];
	[tilespmem:v16+s21+$0x0] =	vst.idx.msk $0xffff, v18;
	v16 =	vor.u32 v9, v11  }
0x9d: {  	v23 =	vor.u32 v2, v26;
	v26 =	vor.u32 v5, v8;
	v11 =	vadd.s32 v7, v13;
	v2 =	vmovc v10;
	v27 =	vld [tilespmem:s26+$0x10]  }
0x9e: {  	s0 =	sadd.s32 $0x3, s28;
	s28 =	smov.u32 s29;
	v8 =	vand.u32 $0x78, v19;
	v13 =	vbroadcast v15, $0x0;
	[tilespmem:v6+s21+$0x0] =	vst.idx.msk $0xffff, v14;
	v6 =	vor.u32 v3, v11;
	v3 =	vmovc v24  }
0x9f: {  	v7 =	vand.u32 $0x78, v20;
	v9 =	vmov s0;
	v5 =	vmovc v12;
	s26 =	sadd.s32 $0x80, s26;
	v10 =	vmul.f32 $5.656854150e+00, v21  }
0xa0: {  	v11 =	vand.u32 $0x78, v9;
	v12 =	vadd.s32 v0, v13;
	v15 =	vld [tilespmem:s26+$0x20];
	v14 =	vmul.f32 $5.656854150e+00, v25  }
0xa1: {  	v9 =	vand.u32 $0x7, v9;
	v20 =	vld [tilespmem:s26+$0xFFFFFFC0];
	v17 =	vadd.s32 v4, v12;
	v18 =	vadd.s32 v11, v12;
	[tilespmem:v16+s21+$0x0] =	vst.idx.msk $0xffff, v10  }
0xa2: {  	v10 =	vadd.s32 v8, v12;
	v12 =	vadd.s32 v7, v12;
	v24 =	vld [tilespmem:s26+$0xFFFFFFE0];
	v25 =	vor.u32 v9, v18  }
.Ltmp2:
0xa3: {  	v18 =	vor.u32 v2, v17;
	v17 =	vor.u32 v5, v10;
	v16 =	vor.u32 v3, v12;
	v21 =	vld [tilespmem:s26+$0x0];
	(pc) =	sbr.rel @p1 .LBB2_3-.Ltmp2, $4  }
0xa4: {  	v12 =	vmov s29;
	[tilespmem:v23+s21+$0x0] =	vst.idx.msk $0xffff, v14;
	v23 =	vmul.f32 $5.656854150e+00, v22;
	v14 =	vmul.f32 $5.656854150e+00, v27  }
0xa5: {  	s0 =	sadd.s32 $0x1, s29;
	v10 =	vand.u32 $0x4, v12;
	v27 =	vmul.f32 $5.656854150e+00, v15  }
0xa6: {  	v19 =	vmov s0;
	s0 =	sadd.s32 $0x2, s29;
	v15 =	vand.u32 $0x78, v12;
	v22 =	vmul.f32 $5.656854150e+00, v20;
	[tilespmem:v26+s21+$0x0] =	vst.idx.msk $0xffff, v23  }
0xa7: {  	s30 =	sshrl.u32 s28, $0x4;
	s29 =	sadd.s32 $0x4, s29;
	v12 =	vand.u32 $0x5, v19;
	v20 =	vmov s0;
	v23 =	vmul.f32 $5.656854150e+00, v24;
	[tilespmem:v25+s21+$0x0] =	vst.idx.msk $0xffff, v27  }
0xa8: {  	s0 =	sand.u32 $0x18, s30  }
0xa9: {  	v24 =	vmov s0  }
0xaa: {  	v24 =	vmul.u32 $0x88, v24;
	_ =	sdelay $0x1  }
0xab: {  	s3 =	sadd.s32 $0x3, s28;
	v24 =	vbroadcast v24, $0x0  }
0xac: {  	v25 =	vand.u32 $0x6, v20;
	s11 =	sadd.s32 $0x80, s26;
	v26 =	vmov s3  }
0xad: {  	v13 =	vadd.s32 v1, v13;
	v28 =	vld [tilespmem:s11+$0x20];
	v29 =	vand.u32 $0x78, v26;
	v27 =	vadd.s32 v0, v24  }
0xae: {  	v21 =	vmul.f32 $5.656854150e+00, v21;
	v30 =	vld [tilespmem:s11+$0xFFFFFFC0];
	v26 =	vand.u32 $0x7, v26;
	v31 =	vadd.s32 v29, v27  }
0xaf: {  	[tilespmem:v18+s21+$0x0] =	vst.idx.msk $0xffff, v22;
	v63 =	vand.u32 $0x78, v19;
	v37 =	vld [tilespmem:s11+$0xFFFFFFE0];
	v36 =	vadd.s32 v15, v27;
	v31 =	vor.u32 v26, v31  }
0xb0: {  	v38 =	vand.u32 $0x78, v20;
	[tilespmem:v6+s21+$0x0] =	vst.idx.msk $0xffff, v14;
	v40 =	vld [tilespmem:s11+$0x0];
	v39 =	vadd.s32 v63, v27;
	v19 =	vor.u32 v10, v36  }
0xb1: {  	v32 =	vld [tilespmem:s26+$0x30];
	v4 =	vadd.s32 v4, v13;
	v27 =	vadd.s32 v38, v27;
	v20 =	vor.u32 v12, v39  }
0xb2: {  	[tilespmem:v17+s21+$0x0] =	vst.idx.msk $0xffff, v23;
	v41 =	vld [tilespmem:s26+$0xFFFFFFD0];
	v11 =	vadd.s32 v11, v13;
	v43 =	vmul.f32 $5.656854150e+00, v28;
	v42 =	vor.u32 v25, v27  }
0xb3: {  	v8 =	vadd.s32 v8, v13;
	[tilespmem:v16+s21+$0x0] =	vst.idx.msk $0xffff, v21;
	v44 =	vor.u32 v9, v11;
	v45 =	vld [tilespmem:s26+$0xFFFFFFF0];
	v46 =	vmul.f32 $5.656854150e+00, v30  }
0xb4: {  	v7 =	vadd.s32 v7, v13;
	v2 =	vor.u32 v2, v4;
	v48 =	vld [tilespmem:s26+$0x10];
	v49 =	vmul.f32 $5.656854150e+00, v37;
	[tilespmem:v31+s21+$0x0] =	vst.idx.msk $0xffff, v43  }
0xb5: {  	v47 =	vor.u32 v5, v8;
	v50 =	vadd.s32 v1, v24;
	v51 =	vmul.f32 $5.656854150e+00, v40;
	[tilespmem:v19+s21+$0x0] =	vst.idx.msk $0xffff, v46;
	v52 =	vld [tilespmem:s11+$0x30]  }
0xb6: {  	v3 =	vor.u32 v3, v7;
	v53 =	vmul.f32 $5.656854150e+00, v32;
	v54 =	vadd.s32 v29, v50;
	[tilespmem:v20+s21+$0x0] =	vst.idx.msk $0xffff, v49;
	v19 =	vld [tilespmem:s11+$0xFFFFFFD0]  }
0xb7: {  	v16 =	vmul.f32 $5.656854150e+00, v41;
	v55 =	vadd.s32 v15, v50;
	v8 =	vor.u32 v26, v54;
	[tilespmem:v42+s21+$0x0] =	vst.idx.msk $0xffff, v51;
	v20 =	vld [tilespmem:s11+$0xFFFFFFF0]  }
0xb8: {  	[tilespmem:v44+s21+$0x0] =	vst.idx.msk $0xffff, v53;
	v56 =	vmul.f32 $5.656854150e+00, v45;
	v57 =	vadd.s32 v63, v50;
	v58 =	vor.u32 v10, v55;
	v59 =	vld [tilespmem:s11+$0x10]  }
0xb9: {  	v61 =	vadd.s32 v38, v50;
	[tilespmem:v2+s21+$0x0] =	vst.idx.msk $0xffff, v16;
	v2 =	vmul.f32 $5.656854150e+00, v48;
	v60 =	vor.u32 v12, v57  }
0xba: {  	v62 =	vor.u32 v25, v61;
	[tilespmem:v47+s21+$0x0] =	vst.idx.msk $0xffff, v56;
	v63 =	vmul.f32 $5.656854150e+00, v52  }
0xbb: {  	s26 =	sshll.u32 s20, $0x15;
	[tilespmem:v3+s21+$0x0] =	vst.idx.msk $0xffff, v2;
	v2 =	vmul.f32 $5.656854150e+00, v19  }
0xbc: {  	s0 =	sor.u32 s6, s26;
	v3 =	vmul.f32 $5.656854150e+00, v20;
	[tilespmem:v8+s21+$0x0] =	vst.idx.msk $0xffff, v63  }
0xbd: {  	s28 =	sshrl.u32 s0, $0x3;
	[tilespmem:v58+s21+$0x0] =	vst.idx.msk $0xffff, v2;
	v2 =	vmul.f32 $5.656854150e+00, v59  }
0xbe: {  	s29 =	simm.s32 $0x10800;
	s30 =	simm.s32 $0x10;
	s26 =	sadd.s32 s31, s28;
	[tilespmem:v60+s21+$0x0] =	vst.idx.msk $0xffff, v3  }
0xbf: {  	s0 =	simm.s32 $0x10888;
	s11 =	smov.u32 s31;
	s31 =	sadd.s32 $0x0, s26;
	[tilespmem:v62+s21+$0x0] =	vst.idx.msk $0xffff, v2  }
.LBB2_5:
0xc0: {  	[hbm4b:s31+s4] =	stream.linear.scatter [tilespmem:s29], [sflag:$0x9], $0x80, $0x38;
	[tilespmem:$0x19000] =	vst v63  }
0xc1: {  	s3 =	smov.u32 s30;
	s29 =	smov.u32 s0;
	p1 =	sne.s32 s30, $0x1F0  }
.Ltmp3:
0xc2: {  	s30 =	sadd.s32 $0x10, s30;
	(pc) =	sbr.rel @p1 .LBB2_5-.Ltmp3, $2  }
0xc3: {  	_ =	sdelay $0x2  }
0xc4: {  	s0 =	sadd.s32 $0x88, s0;
	s31 =	sadd.s32 s3, s26  }
0xc5: {  	[hbm4b:s31+s4] =	stream.linear.scatter [tilespmem:s29], [sflag:$0x9], $0x80, $0x38;
	[tilespmem:$0x19000] =	vst v63  }
0xc6: {  	s26 =	sadd.s32 s28, s22;
	s29 =	simm.s32 $0x11900  }
0xc7: {  	s30 =	simm.s32 $0x10;
	s0 =	simm.s32 $0x11988;
	s31 =	sadd.s32 $0x0, s26  }
.LBB2_7:
0xc8: {  	[hbm4b:s31+s4] =	stream.linear.scatter [tilespmem:s29], [sflag:$0x9], $0x80, $0x38;
	[tilespmem:$0x19000] =	vst v63  }
0xc9: {  	s3 =	smov.u32 s30;
	s29 =	smov.u32 s0;
	p1 =	sne.s32 s30, $0x1F0  }
.Ltmp4:
0xca: {  	s30 =	sadd.s32 $0x10, s30;
	(pc) =	sbr.rel @p1 .LBB2_7-.Ltmp4, $2  }
0xcb: {  	_ =	sdelay $0x2  }
0xcc: {  	s0 =	sadd.s32 $0x88, s0;
	s31 =	sadd.s32 s3, s26  }
0xcd: {  	[hbm4b:s31+s4] =	stream.linear.scatter [tilespmem:s29], [sflag:$0x9], $0x80, $0x38;
	[tilespmem:$0x19000] =	vst v63  }
0xce: {  	s26 =	sadd.s32 s28, s23;
	s29 =	simm.s32 $0x12A00  }
0xcf: {  	s30 =	simm.s32 $0x10;
	s0 =	simm.s32 $0x12A88;
	s31 =	sadd.s32 $0x0, s26  }
.LBB2_9:
0xd0: {  	[hbm4b:s31+s4] =	stream.linear.scatter [tilespmem:s29], [sflag:$0x9], $0x80, $0x38;
	[tilespmem:$0x19000] =	vst v63  }
0xd1: {  	s3 =	smov.u32 s30;
	s29 =	smov.u32 s0;
	p1 =	sne.s32 s30, $0x1F0  }
.Ltmp5:
0xd2: {  	s30 =	sadd.s32 $0x10, s30;
	(pc) =	sbr.rel @p1 .LBB2_9-.Ltmp5, $2  }
0xd3: {  	_ =	sdelay $0x2  }
0xd4: {  	s0 =	sadd.s32 $0x88, s0;
	s31 =	sadd.s32 s3, s26  }
0xd5: {  	[hbm4b:s31+s4] =	stream.linear.scatter [tilespmem:s29], [sflag:$0x9], $0x80, $0x38;
	[tilespmem:$0x19000] =	vst v63  }
0xd6: {  	s26 =	sadd.s32 s28, s24;
	s29 =	simm.s32 $0x13B00  }
0xd7: {  	s30 =	simm.s32 $0x10;
	s0 =	simm.s32 $0x13B88;
	s31 =	sadd.s32 $0x0, s26  }
.LBB2_11:
0xd8: {  	[hbm4b:s31+s4] =	stream.linear.scatter [tilespmem:s29], [sflag:$0x9], $0x80, $0x38;
	[tilespmem:$0x19000] =	vst v63  }
0xd9: {  	s3 =	smov.u32 s30;
	s29 =	smov.u32 s0;
	p1 =	sne.s32 s30, $0x1F0  }
.Ltmp6:
0xda: {  	s30 =	sadd.s32 $0x10, s30;
	(pc) =	sbr.rel @p1 .LBB2_11-.Ltmp6, $2  }
0xdb: {  	_ =	sdelay $0x2  }
0xdc: {  	s0 =	sadd.s32 $0x88, s0;
	s31 =	sadd.s32 s3, s26  }
0xdd: {  	[hbm4b:s31+s4] =	stream.linear.scatter [tilespmem:s29], [sflag:$0x9], $0x80, $0x38;
	[tilespmem:$0x19000] =	vst v63  }
0xde: {  	s26 =	sor.u32 $0x3, s2  }
0xdf: {  	s0 =	sshll.u32 s20, $0x10;
	s3 =	sshll.u32 s26, $0x7  }
0xe0: {  	s0 =	sand.u32 $0x3E0000, s0;
	s3 =	sand.u32 $0x380, s3  }
0xe1: {  	s0 =	sor.u32 s0, s3  }
0xe2: {  	s3 =	sor.u32 s6, s0  }
0xe3: {  	s3 =	sshrl.u32 s3, $0x3  }
0xe4: {  	s3 =	sadd.s32 s1, s3  }
0xe5: {  	[tilespmem:s25], [sflag:$0x4] =	stream.linear.gather [hbm4b:s3+s4], $0x80, $0x38;
	[tilespmem:$0x19000] =	vst v63  }
0xe6: {  	s3 =	sor.u32 s8, s0  }
0xe7: {  	s3 =	sshrl.u32 s3, $0x3  }
0xe8: {  	s29 =	simm.s32 $0x680;
	s3 =	sadd.s32 s1, s3  }
0xe9: {  	[tilespmem:s29], [sflag:$0x4] =	stream.linear.gather [hbm4b:s3+s4], $0x80, $0x38;
	[tilespmem:$0x19000] =	vst v63  }
0xea: {  	s3 =	sor.u32 s9, s0  }
0xeb: {  	s0 =	sor.u32 s10, s0;
	s3 =	sshrl.u32 s3, $0x3  }
0xec: {  	s29 =	simm.s32 $0x700;
	s0 =	sshrl.u32 s0, $0x3;
	s3 =	sadd.s32 s1, s3  }
0xed: {  	[tilespmem:s29], [sflag:$0x4] =	stream.linear.gather [hbm4b:s3+s4], $0x80, $0x38;
	[tilespmem:$0x19000] =	vst v63  }
0xee: {  	s0 =	sadd.s32 s1, s0;
	s3 =	simm.s32 $0x780  }
0xef: {  	[tilespmem:s3], [sflag:$0x4] =	stream.linear.gather [hbm4b:s0+s4], $0x80, $0x38;
	[tilespmem:$0x19000] =	vst v63  }
0xf0: {  	_ =	swait.ge [sflag:s16], $0x4000  }
0xf1: {  	[sflag:s16] =	ssyncset.done $0x0  }
0xf2: {  	[sflag:s16] =	ssyncadd.s32 $0xFFFFC000  }
0xf3: {  	_ =	swait.ge [sflag:s17], $0x80  }
0xf4: {  	[sflag:s17] =	ssyncset.done $0x0  }
0xf5: {  	[sflag:s17] =	ssyncadd.s32 $0xFFFFFF80  }
0xf6: {  	_ =	swait.ge [sflag:s17], $0x80  }
0xf7: {  	[sflag:s17] =	ssyncset.done $0x0  }
0xf8: {  	[sflag:s17] =	ssyncadd.s32 $0xFFFFFF80  }
0xf9: {  	_ =	swait.ge [sflag:s17], $0x80  }
0xfa: {  	[sflag:s17] =	ssyncset.done $0x0  }
0xfb: {  	[sflag:s17] =	ssyncadd.s32 $0xFFFFFF80  }
0xfc: {  	_ =	swait.ge [sflag:s17], $0x80  }
0xfd: {  	[sflag:s17] =	ssyncset.done $0x0  }
0xfe: {  	s3 =	simm.s32 $0xC800;
	s0 =	simm.s32 @!p0 $0xA;
	[sflag:s17] =	ssyncadd.s32 $0xFFFFFF80  }
0xff: {  	[tilespmem:s3], [sflag:$0x8] =	stream.indirect.gather [hbm4b:s5+s13], $0x20, s25, s13, $0xb8;
	[tilespmem:$0x19000] =	vst v63  }
0x100: {  	_ =	swait.ge @!p0 [sflag:s0], $0x1000  }
0x101: {  	[sflag:s0] =	ssyncset.done @!p0 $0x0  }
0x102: {  	[sflag:s0] =	ssyncadd.s32 @!p0 $0xFFFFF000  }
0x103: {  	_ =	swait.ge @!p0 [sflag:s0], $0x1000  }
0x104: {  	[sflag:s0] =	ssyncset.done @!p0 $0x0  }
0x105: {  	s3 =	simm.s32 $0x0;
	[sflag:s0] =	ssyncadd.s32 @!p0 $0xFFFFF000  }
0x106: {  	s29 =	simm.s32 $0x0;
	s3 =	sand.u32 $0x18, s3;
	_ =	swait.ge @!p0 [sflag:s0], $0x1000  }
0x107: {  	v3 =	vmov s29;
	s29 =	simm.s32 $0x2;
	v2 =	vmov s3;
	[sflag:s0] =	ssyncset.done @!p0 $0x0  }
0x108: {  	v4 =	vmov s29;
	v2 =	vmul.u32 $0x88, v2;
	[sflag:s0] =	ssyncadd.s32 @!p0 $0xFFFFF000  }
0x109: {  	v6 =	vand.u32 $0x4, v3;
	v7 =	vand.u32 $0x78, v3;
	v10 =	vand.u32 $0x6, v4;
	s3 =	simm.s32 $0x1;
	_ =	swait.ge @!p0 [sflag:s0], $0x1000  }
0x10a: {  	v13 =	vand.u32 $0x78, v4;
	v3 =	vmov s3;
	s3 =	simm.s32 $0x3;
	v8 =	vbroadcast v2, $0x0;
	[sflag:s0] =	ssyncset.done @!p0 $0x0  }
0x10b: {  	v9 =	vand.u32 $0x5, v3;
	v11 =	vand.u32 $0x78, v3;
	v2 =	vmov s3;
	[sflag:s0] =	ssyncadd.s32 @!p0 $0xFFFFF000;
	s0 =	simm.s32 $0x4840  }
0x10c: {  	v12 =	vand.u32 $0x78, v2;
	v15 =	vand.u32 $0x7, v2;
	v3 =	vadd.s32 v0, v8;
	v5 =	vld [tilespmem:s0+$0x20]  }
0x10d: {  	v8 =	vadd.s32 v1, v8;
	v2 =	vadd.s32 v12, v3;
	v4 =	vadd.s32 v7, v3;
	v14 =	vld [tilespmem:s0+$0xFFFFFFC0]  }
0x10e: {  	v17 =	vadd.s32 v11, v3;
	v7 =	vadd.s32 v7, v8;
	v18 =	vor.u32 v15, v2;
	v16 =	vld [tilespmem:s0+$0xFFFFFFE0]  }
0x10f: {  	s3 =	simm.s32 $0x4;
	v12 =	vadd.s32 v12, v8;
	v11 =	vadd.s32 v11, v8;
	v19 =	vor.u32 v6, v4  }
0x110: {  	v2 =	vadd.s32 v13, v3;
	v3 =	vmov s3;
	v17 =	vor.u32 v9, v17;
	v20 =	vld [tilespmem:s0+$0x0]  }
0x111: {  	s3 =	simm.s32 $0x5;
	v12 =	vor.u32 v15, v12;
	v15 =	vor.u32 v6, v7;
	v22 =	vmul.f32 $5.656854150e+00, v5  }
0x112: {  	s29 =	simm.s32 $0x0;
	v21 =	vor.u32 v10, v2;
	v23 =	vmov s3;
	s3 =	simm.s32 $0x6;
	v14 =	vmul.f32 $5.656854150e+00, v14  }
0x113: {  	v6 =	vadd.s32 v13, v8;
	v24 =	vmov s3;
	s3 =	sand.u32 $0x18, s29;
	s29 =	simm.s32 $0x48C0;
	v16 =	vmul.f32 $5.656854150e+00, v16;
	[tilespmem:v18+s7+$0x0] =	vst.idx.msk $0xffff, v22  }
0x114: {  	v8 =	vand.u32 $0x78, v23;
	v5 =	vand.u32 $0x5, v23;
	v23 =	vld [tilespmem:s29+$0xFFFFFFE0];
	[tilespmem:v19+s7+$0x0] =	vst.idx.msk $0xffff, v14;
	v19 =	vmov s3  }
0x115: {  	v14 =	vmul.f32 $5.656854150e+00, v20;
	[tilespmem:v17+s7+$0x0] =	vst.idx.msk $0xffff, v16;
	v18 =	vld [tilespmem:s0+$0x30];
	v16 =	vmul.u32 $0x88, v19  }
0x116: {  	v25 =	vor.u32 v9, v11;
	v2 =	vand.u32 $0x4, v3;
	v20 =	vld [tilespmem:s0+$0xFFFFFFD0]  }
0x117: {  	v4 =	vand.u32 $0x78, v3;
	v6 =	vor.u32 v10, v6;
	s3 =	simm.s32 $0x7;
	[tilespmem:v21+s7+$0x0] =	vst.idx.msk $0xffff, v14;
	v21 =	vld [tilespmem:s29+$0x20];
	v13 =	vbroadcast v16, $0x0  }
0x118: {  	v3 =	vand.u32 $0x6, v24;
	v7 =	vand.u32 $0x78, v24;
	v19 =	vld [tilespmem:s0+$0xFFFFFFF0];
	v9 =	vmov s3  }
0x119: {  	v22 =	vld [tilespmem:s29+$0xFFFFFFC0];
	v11 =	vand.u32 $0x78, v9;
	v9 =	vand.u32 $0x7, v9;
	v16 =	vadd.s32 v0, v13  }
0x11a: {  	v14 =	vld [tilespmem:s0+$0x10];
	v23 =	vmul.f32 $5.656854150e+00, v23;
	v10 =	vmul.f32 $5.656854150e+00, v18;
	v17 =	vadd.s32 v11, v16  }
0x11b: {  	v20 =	vmul.f32 $5.656854150e+00, v20;
	v18 =	vadd.s32 v4, v16;
	v26 =	vor.u32 v9, v17  }
0x11c: {  	v62 =	vadd.s32 v8, v16;
	v18 =	vor.u32 v2, v18;
	v27 =	vmul.f32 $5.656854150e+00, v21;
	v21 =	vld [tilespmem:s29+$0x0]  }
0x11d: {  	s3 =	simm.s32 $0x9;
	v16 =	vadd.s32 v7, v16;
	v63 =	vmul.f32 $5.656854150e+00, v19;
	v17 =	vor.u32 v5, v62;
	[tilespmem:v12+s7+$0x0] =	vst.idx.msk $0xffff, v10  }
0x11e: {  	s30 =	simm.s32 $0x8;
	v22 =	vmul.f32 $5.656854150e+00, v22;
	v19 =	vmov s3;
	s3 =	simm.s32 $0xA;
	v16 =	vor.u32 v3, v16;
	[tilespmem:v15+s7+$0x0] =	vst.idx.msk $0xffff, v20  }
0x11f: {  	v12 =	vmov s30;
	v14 =	vmul.f32 $5.656854150e+00, v14;
	[tilespmem:v25+s7+$0x0] =	vst.idx.msk $0xffff, v63;
	v20 =	vmov s3  }
0x120: {  	s31 =	simm.s32 $0xC;
	s0 =	simm.s32 $0x0;
	v10 =	vand.u32 $0x4, v12;
	v15 =	vand.u32 $0x78, v12;
	v12 =	vand.u32 $0x5, v19;
	[tilespmem:v26+s7+$0x0] =	vst.idx.msk $0xffff, v27  }
.LBB2_13:
0x121: {  	p0 =	slt.u32 s31, $0x1FC;
	s0 =	sand.u32 $0x18, s0;
	v24 =	vand.u32 $0x6, v20;
	[tilespmem:v18+s7+$0x0] =	vst.idx.msk $0xffff, v22;
	v13 =	vadd.s32 v1, v13;
	v18 =	vmul.f32 $5.656854150e+00, v21;
	v21 =	vld [tilespmem:s29+$0x30]  }
0x122: {  	v22 =	vmov s0;
	v25 =	vld [tilespmem:s29+$0xFFFFFFD0];
	v26 =	vadd.s32 v4, v13;
	[tilespmem:v17+s7+$0x0] =	vst.idx.msk $0xffff, v23;
	v11 =	vadd.s32 v11, v13;
	v4 =	vmovc v15  }
0x123: {  	v8 =	vadd.s32 v8, v13;
	v15 =	vmul.u32 $0x88, v22;
	v22 =	vld [tilespmem:s29+$0xFFFFFFF0];
	[tilespmem:v16+s7+$0x0] =	vst.idx.msk $0xffff, v18;
	v16 =	vor.u32 v9, v11  }
0x124: {  	v23 =	vor.u32 v2, v26;
	v26 =	vor.u32 v5, v8;
	v11 =	vadd.s32 v7, v13;
	v2 =	vmovc v10;
	v27 =	vld [tilespmem:s29+$0x10]  }
0x125: {  	s0 =	sadd.s32 $0x3, s30;
	s30 =	smov.u32 s31;
	v8 =	vand.u32 $0x78, v19;
	v13 =	vbroadcast v15, $0x0;
	[tilespmem:v6+s7+$0x0] =	vst.idx.msk $0xffff, v14;
	v6 =	vor.u32 v3, v11;
	v3 =	vmovc v24  }
0x126: {  	v7 =	vand.u32 $0x78, v20;
	v9 =	vmov s0;
	v5 =	vmovc v12;
	s29 =	sadd.s32 $0x80, s29;
	v10 =	vmul.f32 $5.656854150e+00, v21  }
0x127: {  	v11 =	vand.u32 $0x78, v9;
	v12 =	vadd.s32 v0, v13;
	v15 =	vld [tilespmem:s29+$0x20];
	v14 =	vmul.f32 $5.656854150e+00, v25  }
0x128: {  	v9 =	vand.u32 $0x7, v9;
	v20 =	vld [tilespmem:s29+$0xFFFFFFC0];
	v17 =	vadd.s32 v4, v12;
	v18 =	vadd.s32 v11, v12;
	[tilespmem:v16+s7+$0x0] =	vst.idx.msk $0xffff, v10  }
0x129: {  	v10 =	vadd.s32 v8, v12;
	v12 =	vadd.s32 v7, v12;
	v24 =	vld [tilespmem:s29+$0xFFFFFFE0];
	v25 =	vor.u32 v9, v18  }
.Ltmp7:
0x12a: {  	v18 =	vor.u32 v2, v17;
	v17 =	vor.u32 v5, v10;
	v16 =	vor.u32 v3, v12;
	v21 =	vld [tilespmem:s29+$0x0];
	(pc) =	sbr.rel @p0 .LBB2_13-.Ltmp7, $4  }
0x12b: {  	v12 =	vmov s31;
	[tilespmem:v23+s7+$0x0] =	vst.idx.msk $0xffff, v14;
	v23 =	vmul.f32 $5.656854150e+00, v22;
	v14 =	vmul.f32 $5.656854150e+00, v27  }
0x12c: {  	s0 =	sadd.s32 $0x1, s31;
	v10 =	vand.u32 $0x4, v12;
	v27 =	vmul.f32 $5.656854150e+00, v15  }
0x12d: {  	s3 =	sadd.s32 $0x2, s31;
	v19 =	vmov s0;
	v15 =	vand.u32 $0x78, v12;
	v22 =	vmul.f32 $5.656854150e+00, v20;
	[tilespmem:v26+s7+$0x0] =	vst.idx.msk $0xffff, v23  }
0x12e: {  	s0 =	sshrl.u32 s30, $0x4;
	s31 =	sadd.s32 $0x4, s31;
	v12 =	vand.u32 $0x5, v19;
	v20 =	vmov s3;
	v23 =	vmul.f32 $5.656854150e+00, v24;
	[tilespmem:v25+s7+$0x0] =	vst.idx.msk $0xffff, v27  }
0x12f: {  	s0 =	sand.u32 $0x18, s0  }
0x130: {  	v24 =	vmov s0  }
0x131: {  	v24 =	vmul.u32 $0x88, v24;
	_ =	sdelay $0x1  }
0x132: {  	s3 =	sadd.s32 $0x3, s30;
	v24 =	vbroadcast v24, $0x0  }
0x133: {  	v25 =	vand.u32 $0x6, v20;
	v26 =	vmov s3;
	s3 =	sadd.s32 $0x80, s29  }
0x134: {  	v13 =	vadd.s32 v1, v13;
	v28 =	vld [tilespmem:s3+$0x20];
	v29 =	vand.u32 $0x78, v26;
	v27 =	vadd.s32 v0, v24  }
0x135: {  	v21 =	vmul.f32 $5.656854150e+00, v21;
	v30 =	vld [tilespmem:s3+$0xFFFFFFC0];
	v26 =	vand.u32 $0x7, v26;
	v31 =	vadd.s32 v29, v27  }
0x136: {  	[tilespmem:v18+s7+$0x0] =	vst.idx.msk $0xffff, v22;
	v63 =	vand.u32 $0x78, v19;
	v37 =	vld [tilespmem:s3+$0xFFFFFFE0];
	v36 =	vadd.s32 v15, v27;
	v31 =	vor.u32 v26, v31  }
0x137: {  	v38 =	vand.u32 $0x78, v20;
	v32 =	vld [tilespmem:s29+$0x30];
	[tilespmem:v6+s7+$0x0] =	vst.idx.msk $0xffff, v14;
	v39 =	vadd.s32 v63, v27;
	v19 =	vor.u32 v10, v36  }
0x138: {  	v4 =	vadd.s32 v4, v13;
	v41 =	vld [tilespmem:s29+$0xFFFFFFD0];
	v11 =	vadd.s32 v11, v13;
	v20 =	vor.u32 v12, v39  }
0x139: {  	[tilespmem:v17+s7+$0x0] =	vst.idx.msk $0xffff, v23;
	v8 =	vadd.s32 v8, v13;
	v40 =	vld [tilespmem:s3+$0x0];
	v44 =	vor.u32 v9, v11;
	v43 =	vmul.f32 $5.656854150e+00, v28  }
0x13a: {  	[tilespmem:v16+s7+$0x0] =	vst.idx.msk $0xffff, v21;
	v45 =	vld [tilespmem:s29+$0xFFFFFFF0];
	v2 =	vor.u32 v2, v4;
	v27 =	vadd.s32 v38, v27;
	v46 =	vmul.f32 $5.656854150e+00, v30  }
0x13b: {  	v7 =	vadd.s32 v7, v13;
	v48 =	vld [tilespmem:s29+$0x10];
	v49 =	vmul.f32 $5.656854150e+00, v37;
	v42 =	vor.u32 v25, v27;
	[tilespmem:v31+s7+$0x0] =	vst.idx.msk $0xffff, v43  }
0x13c: {  	v47 =	vor.u32 v5, v8;
	v53 =	vmul.f32 $5.656854150e+00, v32;
	v50 =	vadd.s32 v1, v24;
	[tilespmem:v19+s7+$0x0] =	vst.idx.msk $0xffff, v46;
	v52 =	vld [tilespmem:s3+$0x30]  }
0x13d: {  	v3 =	vor.u32 v3, v7;
	v16 =	vmul.f32 $5.656854150e+00, v41;
	v54 =	vadd.s32 v29, v50;
	[tilespmem:v20+s7+$0x0] =	vst.idx.msk $0xffff, v49;
	v19 =	vld [tilespmem:s3+$0xFFFFFFD0]  }
0x13e: {  	v51 =	vmul.f32 $5.656854150e+00, v40;
	v55 =	vadd.s32 v15, v50;
	[tilespmem:v44+s7+$0x0] =	vst.idx.msk $0xffff, v53;
	v8 =	vor.u32 v26, v54;
	v20 =	vld [tilespmem:s3+$0xFFFFFFF0]  }
0x13f: {  	v56 =	vmul.f32 $5.656854150e+00, v45;
	v57 =	vadd.s32 v63, v50;
	v58 =	vor.u32 v10, v55;
	[tilespmem:v2+s7+$0x0] =	vst.idx.msk $0xffff, v16  }
0x140: {  	v2 =	vmul.f32 $5.656854150e+00, v48;
	v60 =	vor.u32 v12, v57;
	[tilespmem:v42+s7+$0x0] =	vst.idx.msk $0xffff, v51  }
0x141: {  	[tilespmem:v47+s7+$0x0] =	vst.idx.msk $0xffff, v56;
	v59 =	vld [tilespmem:s3+$0x10];
	v63 =	vmul.f32 $5.656854150e+00, v52  }
0x142: {  	v61 =	vadd.s32 v38, v50;
	[tilespmem:v3+s7+$0x0] =	vst.idx.msk $0xffff, v2;
	v2 =	vmul.f32 $5.656854150e+00, v19  }
0x143: {  	v62 =	vor.u32 v25, v61;
	v3 =	vmul.f32 $5.656854150e+00, v20;
	[tilespmem:v8+s7+$0x0] =	vst.idx.msk $0xffff, v63  }
0x144: {  	[tilespmem:v58+s7+$0x0] =	vst.idx.msk $0xffff, v2  }
0x145: {  	[tilespmem:v60+s7+$0x0] =	vst.idx.msk $0xffff, v3  }
0x146: {  	v2 =	vmul.f32 $5.656854150e+00, v59;
	s3 =	rddreg [dreg:$0x11]  }
0x147: {  	s30 =	simm.s32 $0x14C00;
	s29 =	sadd.s32 s28, s3  }
0x148: {  	s31 =	simm.s32 $0x10;
	s0 =	simm.s32 $0x14C88;
	[tilespmem:v62+s7+$0x0] =	vst.idx.msk $0xffff, v2;
	s3 =	sadd.s32 $0x0, s29  }
.LBB2_15:
0x149: {  	[hbm4b:s3+s4] =	stream.linear.scatter [tilespmem:s30], [sflag:$0xA], $0x80, $0x38;
	[tilespmem:$0x19000] =	vst v63  }
0x14a: {  	s3 =	smov.u32 s31;
	s30 =	smov.u32 s0;
	p0 =	sne.s32 s31, $0x1F0  }
.Ltmp8:
0x14b: {  	s31 =	sadd.s32 $0x10, s31;
	(pc) =	sbr.rel @p0 .LBB2_15-.Ltmp8, $2  }
0x14c: {  	_ =	sdelay $0x2  }
0x14d: {  	s0 =	sadd.s32 $0x88, s0;
	s3 =	sadd.s32 s3, s29  }
0x14e: {  	[hbm4b:s3+s4] =	stream.linear.scatter [tilespmem:s30], [sflag:$0xA], $0x80, $0x38;
	[tilespmem:$0x19000] =	vst v63  }
0x14f: {  	s0 =	rddreg [dreg:$0x12]  }
0x150: {  	s30 =	simm.s32 $0x15D00;
	s29 =	sadd.s32 s28, s0  }
0x151: {  	s31 =	simm.s32 $0x10;
	s0 =	simm.s32 $0x15D88;
	s3 =	sadd.s32 $0x0, s29  }
.LBB2_17:
0x152: {  	[hbm4b:s3+s4] =	stream.linear.scatter [tilespmem:s30], [sflag:$0xA], $0x80, $0x38;
	[tilespmem:$0x19000] =	vst v63  }
0x153: {  	s3 =	smov.u32 s31;
	s30 =	smov.u32 s0;
	p0 =	sne.s32 s31, $0x1F0  }
.Ltmp9:
0x154: {  	s31 =	sadd.s32 $0x10, s31;
	(pc) =	sbr.rel @p0 .LBB2_17-.Ltmp9, $2  }
0x155: {  	_ =	sdelay $0x2  }
0x156: {  	s0 =	sadd.s32 $0x88, s0;
	s3 =	sadd.s32 s3, s29  }
0x157: {  	[hbm4b:s3+s4] =	stream.linear.scatter [tilespmem:s30], [sflag:$0xA], $0x80, $0x38;
	[tilespmem:$0x19000] =	vst v63  }
0x158: {  	s0 =	rddreg [dreg:$0x13]  }
0x159: {  	s30 =	simm.s32 $0x16E00;
	s29 =	sadd.s32 s28, s0  }
0x15a: {  	s31 =	simm.s32 $0x10;
	s0 =	simm.s32 $0x16E88;
	s3 =	sadd.s32 $0x0, s29  }
.LBB2_19:
0x15b: {  	[hbm4b:s3+s4] =	stream.linear.scatter [tilespmem:s30], [sflag:$0xA], $0x80, $0x38;
	[tilespmem:$0x19000] =	vst v63  }
0x15c: {  	s3 =	smov.u32 s31;
	s30 =	smov.u32 s0;
	p0 =	sne.s32 s31, $0x1F0  }
.Ltmp10:
0x15d: {  	s31 =	sadd.s32 $0x10, s31;
	(pc) =	sbr.rel @p0 .LBB2_19-.Ltmp10, $2  }
0x15e: {  	_ =	sdelay $0x2  }
0x15f: {  	s0 =	sadd.s32 $0x88, s0;
	s3 =	sadd.s32 s3, s29  }
0x160: {  	[hbm4b:s3+s4] =	stream.linear.scatter [tilespmem:s30], [sflag:$0xA], $0x80, $0x38;
	[tilespmem:$0x19000] =	vst v63  }
0x161: {  	s0 =	rddreg [dreg:$0x14]  }
0x162: {  	s30 =	simm.s32 $0x17F00;
	s29 =	sadd.s32 s28, s0  }
0x163: {  	s31 =	simm.s32 $0x10;
	s0 =	simm.s32 $0x17F88;
	s3 =	sadd.s32 $0x0, s29  }
.LBB2_21:
0x164: {  	[hbm4b:s3+s4] =	stream.linear.scatter [tilespmem:s30], [sflag:$0xA], $0x80, $0x38;
	[tilespmem:$0x19000] =	vst v63  }
0x165: {  	s3 =	smov.u32 s31;
	s30 =	smov.u32 s0;
	p0 =	sne.s32 s31, $0x1F0  }
.Ltmp11:
0x166: {  	s31 =	sadd.s32 $0x10, s31;
	(pc) =	sbr.rel @p0 .LBB2_21-.Ltmp11, $2  }
0x167: {  	_ =	sdelay $0x2  }
0x168: {  	s0 =	sadd.s32 $0x88, s0;
	s3 =	sadd.s32 s3, s29  }
0x169: {  	[hbm4b:s3+s4] =	stream.linear.scatter [tilespmem:s30], [sflag:$0xA], $0x80, $0x38;
	[tilespmem:$0x19000] =	vst v63  }
0x16a: {  	p0 =	seq.s32 s20, $0x31  }
0x16b: {  	s0 =	sadd.s32 @!p0 $0x4, s2  }
0x16c: {  	s3 =	sshll.u32 @!p0 s0, $0xE;
	s0 =	sshll.u32 @!p0 s0, $0x7  }
0x16d: {  	s3 =	sand.u32 @!p0 $0x7E0000, s3;
	s0 =	sand.u32 @!p0 $0x200, s0  }
0x16e: {  	s29 =	simm.s32 @p0 $0x7;
	s0 =	sor.u32 @!p0 s3, s0  }
0x16f: {  	_ =	swait.ge @p0 [sflag:s29], $0x4000;
	s3 =	sor.u32 @!p0 s6, s0  }
0x170: {  	[sflag:s29] =	ssyncset.done @p0 $0x0;
	s3 =	sshrl.u32 @!p0 s3, $0x3  }
0x171: {  	[sflag:s29] =	ssyncadd.s32 @p0 $0xFFFFC000;
	s29 =	simm.s32 @!p0 $0x0;
	s3 =	sadd.s32 @!p0 s1, s3  }
0x172: {  	[tilespmem:s29], [sflag:$0x1] =	stream.linear.gather @!p0 [hbm4b:s3+s29], $0x80, $0x38;
	[tilespmem:$0x19000] =	vst v63  }
0x173: {  	s3 =	sor.u32 @!p0 s8, s0  }
0x174: {  	s3 =	sshrl.u32 @!p0 s3, $0x3  }
0x175: {  	s30 =	simm.s32 @!p0 $0x80;
	s3 =	sadd.s32 @!p0 s1, s3  }
0x176: {  	[tilespmem:s30], [sflag:$0x1] =	stream.linear.gather @!p0 [hbm4b:s3+s29], $0x80, $0x38;
	[tilespmem:$0x19000] =	vst v63  }
0x177: {  	s3 =	sor.u32 @!p0 s9, s0  }
0x178: {  	s0 =	sor.u32 @!p0 s10, s0;
	s3 =	sshrl.u32 @!p0 s3, $0x3  }
0x179: {  	s30 =	simm.s32 @!p0 $0x100;
	s0 =	sshrl.u32 @!p0 s0, $0x3;
	s3 =	sadd.s32 @!p0 s1, s3  }
0x17a: {  	[tilespmem:s30], [sflag:$0x1] =	stream.linear.gather @!p0 [hbm4b:s3+s29], $0x80, $0x38;
	[tilespmem:$0x19000] =	vst v63  }
0x17b: {  	s0 =	sadd.s32 @!p0 s1, s0;
	s3 =	simm.s32 @!p0 $0x180  }
0x17c: {  	[tilespmem:s3], [sflag:$0x1] =	stream.linear.gather @!p0 [hbm4b:s0+s29], $0x80, $0x38;
	[tilespmem:$0x19000] =	vst v63  }
0x17d: {  	s0 =	simm.s32 @!p0 $0x7  }
0x17e: {  	_ =	swait.ge @!p0 [sflag:s0], $0x4000  }
0x17f: {  	[sflag:s0] =	ssyncset.done @!p0 $0x0  }
0x180: {  	[sflag:s0] =	ssyncadd.s32 @!p0 $0xFFFFC000;
	s0 =	simm.s32 @!p0 $0x1  }
0x181: {  	_ =	swait.ge @!p0 [sflag:s0], $0x80  }
0x182: {  	[sflag:s0] =	ssyncset.done @!p0 $0x0  }
0x183: {  	[sflag:s0] =	ssyncadd.s32 @!p0 $0xFFFFFF80  }
0x184: {  	_ =	swait.ge @!p0 [sflag:s0], $0x80  }
0x185: {  	[sflag:s0] =	ssyncset.done @!p0 $0x0  }
0x186: {  	[sflag:s0] =	ssyncadd.s32 @!p0 $0xFFFFFF80  }
0x187: {  	_ =	swait.ge @!p0 [sflag:s0], $0x80  }
0x188: {  	[sflag:s0] =	ssyncset.done @!p0 $0x0  }
0x189: {  	[sflag:s0] =	ssyncadd.s32 @!p0 $0xFFFFFF80  }
0x18a: {  	_ =	swait.ge @!p0 [sflag:s0], $0x80  }
0x18b: {  	[sflag:s0] =	ssyncset.done @!p0 $0x0  }
0x18c: {  	s3 =	simm.s32 @!p0 $0x800;
	[sflag:s0] =	ssyncadd.s32 @!p0 $0xFFFFFF80;
	s0 =	simm.s32 @!p0 $0x200  }
0x18d: {  	[tilespmem:s3], [sflag:$0x5] =	stream.indirect.gather @!p0 [hbm4b:s5+s0], $0x20, s29, s0, $0xb8;
	[tilespmem:$0x19000] =	vst v63  }
0x18e: {  	_ =	swait.ge [sflag:s12], $0x1000  }
0x18f: {  	[sflag:s12] =	ssyncset.done $0x0  }
0x190: {  	[sflag:s12] =	ssyncadd.s32 $0xFFFFF000  }
0x191: {  	_ =	swait.ge [sflag:s12], $0x1000  }
0x192: {  	[sflag:s12] =	ssyncset.done $0x0  }
0x193: {  	s3 =	simm.s32 $0x0;
	[sflag:s12] =	ssyncadd.s32 $0xFFFFF000  }
0x194: {  	s0 =	sand.u32 $0x18, s3;
	s3 =	simm.s32 $0x0;
	_ =	swait.ge [sflag:s12], $0x1000  }
0x195: {  	v2 =	vmov s0;
	v3 =	vmov s3;
	[sflag:s12] =	ssyncset.done $0x0  }
0x196: {  	s0 =	simm.s32 $0x1;
	s3 =	simm.s32 $0x2;
	v2 =	vmul.u32 $0x88, v2;
	v6 =	vand.u32 $0x4, v3;
	[sflag:s12] =	ssyncadd.s32 $0xFFFFF000  }
0x197: {  	v7 =	vand.u32 $0x78, v3;
	v3 =	vmov s0;
	v4 =	vmov s3;
	_ =	swait.ge [sflag:s12], $0x1000  }
0x198: {  	s0 =	simm.s32 $0x3;
	v9 =	vand.u32 $0x5, v3;
	v10 =	vand.u32 $0x6, v4;
	v8 =	vbroadcast v2, $0x0;
	[sflag:s12] =	ssyncset.done $0x0  }
0x199: {  	s3 =	simm.s32 $0x8840;
	v11 =	vand.u32 $0x78, v3;
	v13 =	vand.u32 $0x78, v4;
	v2 =	vmov s0;
	[sflag:s12] =	ssyncadd.s32 $0xFFFFF000  }
0x19a: {  	v12 =	vand.u32 $0x78, v2;
	v15 =	vand.u32 $0x7, v2;
	v3 =	vadd.s32 v0, v8;
	v5 =	vld [tilespmem:s3+$0x20]  }
0x19b: {  	v8 =	vadd.s32 v1, v8;
	v2 =	vadd.s32 v12, v3;
	v4 =	vadd.s32 v7, v3;
	v14 =	vld [tilespmem:s3+$0xFFFFFFC0]  }
0x19c: {  	v17 =	vadd.s32 v11, v3;
	v7 =	vadd.s32 v7, v8;
	v18 =	vor.u32 v15, v2;
	v16 =	vld [tilespmem:s3+$0xFFFFFFE0]  }
0x19d: {  	s0 =	simm.s32 $0x4;
	v12 =	vadd.s32 v12, v8;
	v11 =	vadd.s32 v11, v8;
	v19 =	vor.u32 v6, v4  }
0x19e: {  	v2 =	vadd.s32 v13, v3;
	v3 =	vmov s0;
	v17 =	vor.u32 v9, v17;
	v20 =	vld [tilespmem:s3+$0x0]  }
0x19f: {  	s0 =	simm.s32 $0x5;
	v12 =	vor.u32 v15, v12;
	v15 =	vor.u32 v6, v7;
	v22 =	vmul.f32 $5.656854150e+00, v5  }
0x1a0: {  	s29 =	simm.s32 $0x0;
	v21 =	vor.u32 v10, v2;
	v23 =	vmov s0;
	s0 =	simm.s32 $0x6;
	v14 =	vmul.f32 $5.656854150e+00, v14  }
0x1a1: {  	v6 =	vadd.s32 v13, v8;
	v24 =	vmov s0;
	s0 =	sand.u32 $0x18, s29;
	s29 =	simm.s32 $0x88C0;
	v16 =	vmul.f32 $5.656854150e+00, v16;
	[tilespmem:v18+s21+$0x0] =	vst.idx.msk $0xffff, v22  }
0x1a2: {  	v8 =	vand.u32 $0x78, v23;
	v5 =	vand.u32 $0x5, v23;
	v23 =	vld [tilespmem:s29+$0xFFFFFFE0];
	[tilespmem:v19+s21+$0x0] =	vst.idx.msk $0xffff, v14;
	v19 =	vmov s0  }
0x1a3: {  	v14 =	vmul.f32 $5.656854150e+00, v20;
	[tilespmem:v17+s21+$0x0] =	vst.idx.msk $0xffff, v16;
	v18 =	vld [tilespmem:s3+$0x30];
	v16 =	vmul.u32 $0x88, v19  }
0x1a4: {  	v25 =	vor.u32 v9, v11;
	v2 =	vand.u32 $0x4, v3;
	v20 =	vld [tilespmem:s3+$0xFFFFFFD0]  }
0x1a5: {  	v4 =	vand.u32 $0x78, v3;
	v6 =	vor.u32 v10, v6;
	s0 =	simm.s32 $0x7;
	[tilespmem:v21+s21+$0x0] =	vst.idx.msk $0xffff, v14;
	v21 =	vld [tilespmem:s29+$0x20];
	v13 =	vbroadcast v16, $0x0  }
0x1a6: {  	v3 =	vand.u32 $0x6, v24;
	v7 =	vand.u32 $0x78, v24;
	v19 =	vld [tilespmem:s3+$0xFFFFFFF0];
	v9 =	vmov s0  }
0x1a7: {  	v22 =	vld [tilespmem:s29+$0xFFFFFFC0];
	v11 =	vand.u32 $0x78, v9;
	v9 =	vand.u32 $0x7, v9;
	v16 =	vadd.s32 v0, v13  }
0x1a8: {  	v14 =	vld [tilespmem:s3+$0x10];
	v23 =	vmul.f32 $5.656854150e+00, v23;
	v10 =	vmul.f32 $5.656854150e+00, v18;
	v17 =	vadd.s32 v11, v16  }
0x1a9: {  	v20 =	vmul.f32 $5.656854150e+00, v20;
	v18 =	vadd.s32 v4, v16;
	v26 =	vor.u32 v9, v17  }
0x1aa: {  	v62 =	vadd.s32 v8, v16;
	v18 =	vor.u32 v2, v18;
	v27 =	vmul.f32 $5.656854150e+00, v21;
	v21 =	vld [tilespmem:s29+$0x0]  }
0x1ab: {  	s3 =	simm.s32 $0x9;
	v16 =	vadd.s32 v7, v16;
	v63 =	vmul.f32 $5.656854150e+00, v19;
	v17 =	vor.u32 v5, v62;
	[tilespmem:v12+s21+$0x0] =	vst.idx.msk $0xffff, v10  }
0x1ac: {  	s30 =	simm.s32 $0x8;
	v22 =	vmul.f32 $5.656854150e+00, v22;
	v19 =	vmov s3;
	s3 =	simm.s32 $0xA;
	v16 =	vor.u32 v3, v16;
	[tilespmem:v15+s21+$0x0] =	vst.idx.msk $0xffff, v20  }
0x1ad: {  	v12 =	vmov s30;
	v14 =	vmul.f32 $5.656854150e+00, v14;
	[tilespmem:v25+s21+$0x0] =	vst.idx.msk $0xffff, v63;
	v20 =	vmov s3  }
0x1ae: {  	s31 =	simm.s32 $0xC;
	s0 =	simm.s32 $0x0;
	v10 =	vand.u32 $0x4, v12;
	v15 =	vand.u32 $0x78, v12;
	v12 =	vand.u32 $0x5, v19;
	[tilespmem:v26+s21+$0x0] =	vst.idx.msk $0xffff, v27  }
.LBB2_23:
0x1af: {  	p1 =	slt.u32 s31, $0x1FC;
	s0 =	sand.u32 $0x18, s0;
	v24 =	vand.u32 $0x6, v20;
	[tilespmem:v18+s21+$0x0] =	vst.idx.msk $0xffff, v22;
	v13 =	vadd.s32 v1, v13;
	v18 =	vmul.f32 $5.656854150e+00, v21;
	v21 =	vld [tilespmem:s29+$0x30]  }
0x1b0: {  	v22 =	vmov s0;
	v25 =	vld [tilespmem:s29+$0xFFFFFFD0];
	v26 =	vadd.s32 v4, v13;
	[tilespmem:v17+s21+$0x0] =	vst.idx.msk $0xffff, v23;
	v11 =	vadd.s32 v11, v13;
	v4 =	vmovc v15  }
0x1b1: {  	v8 =	vadd.s32 v8, v13;
	v15 =	vmul.u32 $0x88, v22;
	v22 =	vld [tilespmem:s29+$0xFFFFFFF0];
	[tilespmem:v16+s21+$0x0] =	vst.idx.msk $0xffff, v18;
	v16 =	vor.u32 v9, v11  }
0x1b2: {  	v23 =	vor.u32 v2, v26;
	v26 =	vor.u32 v5, v8;
	v11 =	vadd.s32 v7, v13;
	v2 =	vmovc v10;
	v27 =	vld [tilespmem:s29+$0x10]  }
0x1b3: {  	s0 =	sadd.s32 $0x3, s30;
	s30 =	smov.u32 s31;
	v8 =	vand.u32 $0x78, v19;
	v13 =	vbroadcast v15, $0x0;
	[tilespmem:v6+s21+$0x0] =	vst.idx.msk $0xffff, v14;
	v6 =	vor.u32 v3, v11;
	v3 =	vmovc v24  }
0x1b4: {  	v7 =	vand.u32 $0x78, v20;
	v9 =	vmov s0;
	v5 =	vmovc v12;
	s29 =	sadd.s32 $0x80, s29;
	v10 =	vmul.f32 $5.656854150e+00, v21  }
0x1b5: {  	v11 =	vand.u32 $0x78, v9;
	v12 =	vadd.s32 v0, v13;
	v15 =	vld [tilespmem:s29+$0x20];
	v14 =	vmul.f32 $5.656854150e+00, v25  }
0x1b6: {  	v9 =	vand.u32 $0x7, v9;
	v20 =	vld [tilespmem:s29+$0xFFFFFFC0];
	v17 =	vadd.s32 v4, v12;
	v18 =	vadd.s32 v11, v12;
	[tilespmem:v16+s21+$0x0] =	vst.idx.msk $0xffff, v10  }
0x1b7: {  	v10 =	vadd.s32 v8, v12;
	v12 =	vadd.s32 v7, v12;
	v24 =	vld [tilespmem:s29+$0xFFFFFFE0];
	v25 =	vor.u32 v9, v18  }
.Ltmp12:
0x1b8: {  	v18 =	vor.u32 v2, v17;
	v17 =	vor.u32 v5, v10;
	v16 =	vor.u32 v3, v12;
	v21 =	vld [tilespmem:s29+$0x0];
	(pc) =	sbr.rel @p1 .LBB2_23-.Ltmp12, $4  }
0x1b9: {  	v12 =	vmov s31;
	[tilespmem:v23+s21+$0x0] =	vst.idx.msk $0xffff, v14;
	v23 =	vmul.f32 $5.656854150e+00, v22;
	v14 =	vmul.f32 $5.656854150e+00, v27  }
0x1ba: {  	s0 =	sadd.s32 $0x1, s31;
	v10 =	vand.u32 $0x4, v12;
	v27 =	vmul.f32 $5.656854150e+00, v15  }
0x1bb: {  	s3 =	sadd.s32 $0x2, s31;
	v19 =	vmov s0;
	v15 =	vand.u32 $0x78, v12;
	v22 =	vmul.f32 $5.656854150e+00, v20;
	[tilespmem:v26+s21+$0x0] =	vst.idx.msk $0xffff, v23  }
0x1bc: {  	s0 =	sshrl.u32 s30, $0x4;
	s31 =	sadd.s32 $0x4, s31;
	v12 =	vand.u32 $0x5, v19;
	v20 =	vmov s3;
	v23 =	vmul.f32 $5.656854150e+00, v24;
	[tilespmem:v25+s21+$0x0] =	vst.idx.msk $0xffff, v27  }
0x1bd: {  	s0 =	sand.u32 $0x18, s0  }
0x1be: {  	v24 =	vmov s0  }
0x1bf: {  	v24 =	vmul.u32 $0x88, v24;
	_ =	sdelay $0x1  }
0x1c0: {  	s3 =	sadd.s32 $0x3, s30;
	v24 =	vbroadcast v24, $0x0  }
0x1c1: {  	v25 =	vand.u32 $0x6, v20;
	v26 =	vmov s3;
	s3 =	sadd.s32 $0x80, s29  }
0x1c2: {  	v13 =	vadd.s32 v1, v13;
	v28 =	vld [tilespmem:s3+$0x20];
	v29 =	vand.u32 $0x78, v26;
	v27 =	vadd.s32 v0, v24  }
0x1c3: {  	v21 =	vmul.f32 $5.656854150e+00, v21;
	v30 =	vld [tilespmem:s3+$0xFFFFFFC0];
	v26 =	vand.u32 $0x7, v26;
	v31 =	vadd.s32 v29, v27  }
0x1c4: {  	[tilespmem:v18+s21+$0x0] =	vst.idx.msk $0xffff, v22;
	v63 =	vand.u32 $0x78, v19;
	v37 =	vld [tilespmem:s3+$0xFFFFFFE0];
	v36 =	vadd.s32 v15, v27;
	v31 =	vor.u32 v26, v31  }
0x1c5: {  	v38 =	vand.u32 $0x78, v20;
	v32 =	vld [tilespmem:s29+$0x30];
	[tilespmem:v6+s21+$0x0] =	vst.idx.msk $0xffff, v14;
	v39 =	vadd.s32 v63, v27;
	v19 =	vor.u32 v10, v36  }
0x1c6: {  	v4 =	vadd.s32 v4, v13;
	v41 =	vld [tilespmem:s29+$0xFFFFFFD0];
	v11 =	vadd.s32 v11, v13;
	v20 =	vor.u32 v12, v39  }
0x1c7: {  	[tilespmem:v17+s21+$0x0] =	vst.idx.msk $0xffff, v23;
	v8 =	vadd.s32 v8, v13;
	v40 =	vld [tilespmem:s3+$0x0];
	v44 =	vor.u32 v9, v11;
	v43 =	vmul.f32 $5.656854150e+00, v28  }
0x1c8: {  	[tilespmem:v16+s21+$0x0] =	vst.idx.msk $0xffff, v21;
	v45 =	vld [tilespmem:s29+$0xFFFFFFF0];
	v2 =	vor.u32 v2, v4;
	v27 =	vadd.s32 v38, v27;
	v46 =	vmul.f32 $5.656854150e+00, v30  }
0x1c9: {  	v7 =	vadd.s32 v7, v13;
	v48 =	vld [tilespmem:s29+$0x10];
	v49 =	vmul.f32 $5.656854150e+00, v37;
	v42 =	vor.u32 v25, v27;
	[tilespmem:v31+s21+$0x0] =	vst.idx.msk $0xffff, v43  }
0x1ca: {  	v47 =	vor.u32 v5, v8;
	v53 =	vmul.f32 $5.656854150e+00, v32;
	v50 =	vadd.s32 v1, v24;
	[tilespmem:v19+s21+$0x0] =	vst.idx.msk $0xffff, v46;
	v52 =	vld [tilespmem:s3+$0x30]  }
0x1cb: {  	v3 =	vor.u32 v3, v7;
	v16 =	vmul.f32 $5.656854150e+00, v41;
	v54 =	vadd.s32 v29, v50;
	[tilespmem:v20+s21+$0x0] =	vst.idx.msk $0xffff, v49;
	v19 =	vld [tilespmem:s3+$0xFFFFFFD0]  }
0x1cc: {  	v51 =	vmul.f32 $5.656854150e+00, v40;
	v55 =	vadd.s32 v15, v50;
	[tilespmem:v44+s21+$0x0] =	vst.idx.msk $0xffff, v53;
	v8 =	vor.u32 v26, v54;
	v20 =	vld [tilespmem:s3+$0xFFFFFFF0]  }
0x1cd: {  	v56 =	vmul.f32 $5.656854150e+00, v45;
	v57 =	vadd.s32 v63, v50;
	v58 =	vor.u32 v10, v55;
	[tilespmem:v2+s21+$0x0] =	vst.idx.msk $0xffff, v16  }
0x1ce: {  	v2 =	vmul.f32 $5.656854150e+00, v48;
	v60 =	vor.u32 v12, v57;
	[tilespmem:v42+s21+$0x0] =	vst.idx.msk $0xffff, v51  }
0x1cf: {  	[tilespmem:v47+s21+$0x0] =	vst.idx.msk $0xffff, v56;
	v59 =	vld [tilespmem:s3+$0x10];
	v63 =	vmul.f32 $5.656854150e+00, v52  }
0x1d0: {  	v61 =	vadd.s32 v38, v50;
	[tilespmem:v3+s21+$0x0] =	vst.idx.msk $0xffff, v2;
	v2 =	vmul.f32 $5.656854150e+00, v19  }
0x1d1: {  	v62 =	vor.u32 v25, v61;
	v3 =	vmul.f32 $5.656854150e+00, v20;
	[tilespmem:v8+s21+$0x0] =	vst.idx.msk $0xffff, v63  }
0x1d2: {  	[tilespmem:v58+s21+$0x0] =	vst.idx.msk $0xffff, v2  }
0x1d3: {  	[tilespmem:v60+s21+$0x0] =	vst.idx.msk $0xffff, v3  }
0x1d4: {  	v2 =	vmul.f32 $5.656854150e+00, v59;
	s3 =	rddreg [dreg:$0x15]  }
0x1d5: {  	s30 =	simm.s32 $0x10800;
	s29 =	sadd.s32 s28, s3  }
0x1d6: {  	s31 =	simm.s32 $0x10;
	s0 =	simm.s32 $0x10888;
	[tilespmem:v62+s21+$0x0] =	vst.idx.msk $0xffff, v2;
	s3 =	sadd.s32 $0x0, s29  }
.LBB2_25:
0x1d7: {  	[hbm4b:s3+s4] =	stream.linear.scatter [tilespmem:s30], [sflag:$0x9], $0x80, $0x38;
	[tilespmem:$0x19000] =	vst v63  }
0x1d8: {  	s3 =	smov.u32 s31;
	s30 =	smov.u32 s0;
	p1 =	sne.s32 s31, $0x1F0  }
.Ltmp13:
0x1d9: {  	s31 =	sadd.s32 $0x10, s31;
	(pc) =	sbr.rel @p1 .LBB2_25-.Ltmp13, $2  }
0x1da: {  	_ =	sdelay $0x2  }
0x1db: {  	s0 =	sadd.s32 $0x88, s0;
	s3 =	sadd.s32 s3, s29  }
0x1dc: {  	[hbm4b:s3+s4] =	stream.linear.scatter [tilespmem:s30], [sflag:$0x9], $0x80, $0x38;
	[tilespmem:$0x19000] =	vst v63  }
0x1dd: {  	s0 =	rddreg [dreg:$0x16]  }
0x1de: {  	s30 =	simm.s32 $0x11900;
	s29 =	sadd.s32 s28, s0  }
0x1df: {  	s31 =	simm.s32 $0x10;
	s0 =	simm.s32 $0x11988;
	s3 =	sadd.s32 $0x0, s29  }
.LBB2_27:
0x1e0: {  	[hbm4b:s3+s4] =	stream.linear.scatter [tilespmem:s30], [sflag:$0x9], $0x80, $0x38;
	[tilespmem:$0x19000] =	vst v63  }
0x1e1: {  	s3 =	smov.u32 s31;
	s30 =	smov.u32 s0;
	p1 =	sne.s32 s31, $0x1F0  }
.Ltmp14:
0x1e2: {  	s31 =	sadd.s32 $0x10, s31;
	(pc) =	sbr.rel @p1 .LBB2_27-.Ltmp14, $2  }
0x1e3: {  	_ =	sdelay $0x2  }
0x1e4: {  	s0 =	sadd.s32 $0x88, s0;
	s3 =	sadd.s32 s3, s29  }
0x1e5: {  	[hbm4b:s3+s4] =	stream.linear.scatter [tilespmem:s30], [sflag:$0x9], $0x80, $0x38;
	[tilespmem:$0x19000] =	vst v63  }
0x1e6: {  	s0 =	rddreg [dreg:$0x17]  }
0x1e7: {  	s30 =	simm.s32 $0x12A00;
	s29 =	sadd.s32 s28, s0  }
0x1e8: {  	s31 =	simm.s32 $0x10;
	s0 =	simm.s32 $0x12A88;
	s3 =	sadd.s32 $0x0, s29  }
.LBB2_29:
0x1e9: {  	[hbm4b:s3+s4] =	stream.linear.scatter [tilespmem:s30], [sflag:$0x9], $0x80, $0x38;
	[tilespmem:$0x19000] =	vst v63  }
0x1ea: {  	s3 =	smov.u32 s31;
	s30 =	smov.u32 s0;
	p1 =	sne.s32 s31, $0x1F0  }
.Ltmp15:
0x1eb: {  	s31 =	sadd.s32 $0x10, s31;
	(pc) =	sbr.rel @p1 .LBB2_29-.Ltmp15, $2  }
0x1ec: {  	_ =	sdelay $0x2  }
0x1ed: {  	s0 =	sadd.s32 $0x88, s0;
	s3 =	sadd.s32 s3, s29  }
0x1ee: {  	[hbm4b:s3+s4] =	stream.linear.scatter [tilespmem:s30], [sflag:$0x9], $0x80, $0x38;
	[tilespmem:$0x19000] =	vst v63  }
0x1ef: {  	s0 =	rddreg [dreg:$0x18]  }
0x1f0: {  	s29 =	simm.s32 $0x13B00;
	s28 =	sadd.s32 s28, s0  }
0x1f1: {  	s30 =	simm.s32 $0x10;
	s0 =	simm.s32 $0x13B88;
	s3 =	sadd.s32 $0x0, s28  }
.LBB2_31:
0x1f2: {  	[hbm4b:s3+s4] =	stream.linear.scatter [tilespmem:s29], [sflag:$0x9], $0x80, $0x38;
	[tilespmem:$0x19000] =	vst v63  }
0x1f3: {  	s3 =	smov.u32 s30;
	s29 =	smov.u32 s0;
	p1 =	sne.s32 s30, $0x1F0  }
.Ltmp16:
0x1f4: {  	s30 =	sadd.s32 $0x10, s30;
	(pc) =	sbr.rel @p1 .LBB2_31-.Ltmp16, $2  }
0x1f5: {  	_ =	sdelay $0x2  }
0x1f6: {  	s0 =	sadd.s32 $0x88, s0;
	s3 =	sadd.s32 s3, s28  }
0x1f7: {  	[hbm4b:s3+s4] =	stream.linear.scatter [tilespmem:s29], [sflag:$0x9], $0x80, $0x38;
	[tilespmem:$0x19000] =	vst v63  }
0x1f8: {  	s0 =	sadd.s32 @!p0 $0x5, s2  }
0x1f9: {  	s3 =	sshll.u32 @!p0 s0, $0xE;
	s0 =	sshll.u32 @!p0 s0, $0x7  }
0x1fa: {  	s3 =	sand.u32 @!p0 $0x7E0000, s3;
	s0 =	sand.u32 @!p0 $0x280, s0  }
0x1fb: {  	s28 =	simm.s32 @p0 $0x8;
	s0 =	sor.u32 @!p0 s3, s0  }
0x1fc: {  	_ =	swait.ge @p0 [sflag:s28], $0x4000;
	s3 =	sor.u32 @!p0 s6, s0  }
0x1fd: {  	s29 =	simm.s32 @!p0 $0x200;
	[sflag:s28] =	ssyncset.done @p0 $0x0;
	s3 =	sshrl.u32 @!p0 s3, $0x3  }
0x1fe: {  	[sflag:s28] =	ssyncadd.s32 @p0 $0xFFFFC000;
	s28 =	simm.s32 @!p0 $0x0;
	s3 =	sadd.s32 @!p0 s1, s3  }
0x1ff: {  	[tilespmem:s29], [sflag:$0x2] =	stream.linear.gather @!p0 [hbm4b:s3+s28], $0x80, $0x38;
	[tilespmem:$0x19000] =	vst v63  }
0x200: {  	s3 =	sor.u32 @!p0 s8, s0  }
0x201: {  	s3 =	sshrl.u32 @!p0 s3, $0x3  }
0x202: {  	s30 =	simm.s32 @!p0 $0x280;
	s3 =	sadd.s32 @!p0 s1, s3  }
0x203: {  	[tilespmem:s30], [sflag:$0x2] =	stream.linear.gather @!p0 [hbm4b:s3+s28], $0x80, $0x38;
	[tilespmem:$0x19000] =	vst v63  }
0x204: {  	s3 =	sor.u32 @!p0 s9, s0  }
0x205: {  	s0 =	sor.u32 @!p0 s10, s0;
	s3 =	sshrl.u32 @!p0 s3, $0x3  }
0x206: {  	s30 =	simm.s32 @!p0 $0x300;
	s0 =	sshrl.u32 @!p0 s0, $0x3;
	s3 =	sadd.s32 @!p0 s1, s3  }
0x207: {  	[tilespmem:s30], [sflag:$0x2] =	stream.linear.gather @!p0 [hbm4b:s3+s28], $0x80, $0x38;
	[tilespmem:$0x19000] =	vst v63  }
0x208: {  	s0 =	sadd.s32 @!p0 s1, s0;
	s3 =	simm.s32 @!p0 $0x380  }
0x209: {  	[tilespmem:s3], [sflag:$0x2] =	stream.linear.gather @!p0 [hbm4b:s0+s28], $0x80, $0x38;
	[tilespmem:$0x19000] =	vst v63  }
0x20a: {  	s0 =	simm.s32 @!p0 $0x8  }
0x20b: {  	_ =	swait.ge @!p0 [sflag:s0], $0x4000  }
0x20c: {  	[sflag:s0] =	ssyncset.done @!p0 $0x0  }
0x20d: {  	[sflag:s0] =	ssyncadd.s32 @!p0 $0xFFFFC000;
	s0 =	simm.s32 @!p0 $0x2  }
0x20e: {  	_ =	swait.ge @!p0 [sflag:s0], $0x80  }
0x20f: {  	[sflag:s0] =	ssyncset.done @!p0 $0x0  }
0x210: {  	[sflag:s0] =	ssyncadd.s32 @!p0 $0xFFFFFF80  }
0x211: {  	_ =	swait.ge @!p0 [sflag:s0], $0x80  }
0x212: {  	[sflag:s0] =	ssyncset.done @!p0 $0x0  }
0x213: {  	[sflag:s0] =	ssyncadd.s32 @!p0 $0xFFFFFF80  }
0x214: {  	_ =	swait.ge @!p0 [sflag:s0], $0x80  }
0x215: {  	[sflag:s0] =	ssyncset.done @!p0 $0x0  }
0x216: {  	[sflag:s0] =	ssyncadd.s32 @!p0 $0xFFFFFF80  }
0x217: {  	_ =	swait.ge @!p0 [sflag:s0], $0x80  }
0x218: {  	[sflag:s0] =	ssyncset.done @!p0 $0x0  }
0x219: {  	[sflag:s0] =	ssyncadd.s32 @!p0 $0xFFFFFF80;
	s0 =	simm.s32 @!p0 $0x4800  }
0x21a: {  	[tilespmem:s0], [sflag:$0x6] =	stream.indirect.gather @!p0 [hbm4b:s5+s29], $0x20, s29, s29, $0xb8;
	[tilespmem:$0x19000] =	vst v63  }
0x21b: {  	_ =	swait.ge [sflag:s15], $0x1000  }
0x21c: {  	[sflag:s15] =	ssyncset.done $0x0  }
0x21d: {  	[sflag:s15] =	ssyncadd.s32 $0xFFFFF000  }
0x21e: {  	_ =	swait.ge [sflag:s15], $0x1000  }
0x21f: {  	[sflag:s15] =	ssyncset.done $0x0  }
0x220: {  	s3 =	simm.s32 $0x0;
	[sflag:s15] =	ssyncadd.s32 $0xFFFFF000  }
0x221: {  	s0 =	sand.u32 $0x18, s3;
	s3 =	simm.s32 $0x0;
	_ =	swait.ge [sflag:s15], $0x1000  }
0x222: {  	v2 =	vmov s0;
	v3 =	vmov s3;
	[sflag:s15] =	ssyncset.done $0x0  }
0x223: {  	s0 =	simm.s32 $0x1;
	s3 =	simm.s32 $0x2;
	v2 =	vmul.u32 $0x88, v2;
	v6 =	vand.u32 $0x4, v3;
	[sflag:s15] =	ssyncadd.s32 $0xFFFFF000  }
0x224: {  	v7 =	vand.u32 $0x78, v3;
	v3 =	vmov s0;
	v4 =	vmov s3;
	_ =	swait.ge [sflag:s15], $0x1000  }
0x225: {  	s0 =	simm.s32 $0x3;
	v9 =	vand.u32 $0x5, v3;
	v10 =	vand.u32 $0x6, v4;
	v8 =	vbroadcast v2, $0x0;
	[sflag:s15] =	ssyncset.done $0x0  }
0x226: {  	s3 =	simm.s32 $0xC840;
	v11 =	vand.u32 $0x78, v3;
	v13 =	vand.u32 $0x78, v4;
	v2 =	vmov s0;
	[sflag:s15] =	ssyncadd.s32 $0xFFFFF000  }
0x227: {  	v12 =	vand.u32 $0x78, v2;
	v15 =	vand.u32 $0x7, v2;
	v3 =	vadd.s32 v0, v8;
	v5 =	vld [tilespmem:s3+$0x20]  }
0x228: {  	v8 =	vadd.s32 v1, v8;
	v2 =	vadd.s32 v12, v3;
	v4 =	vadd.s32 v7, v3;
	v14 =	vld [tilespmem:s3+$0xFFFFFFC0]  }
0x229: {  	v17 =	vadd.s32 v11, v3;
	v7 =	vadd.s32 v7, v8;
	v18 =	vor.u32 v15, v2;
	v16 =	vld [tilespmem:s3+$0xFFFFFFE0]  }
0x22a: {  	s0 =	simm.s32 $0x4;
	v12 =	vadd.s32 v12, v8;
	v11 =	vadd.s32 v11, v8;
	v19 =	vor.u32 v6, v4  }
0x22b: {  	v2 =	vadd.s32 v13, v3;
	v3 =	vmov s0;
	v17 =	vor.u32 v9, v17;
	v20 =	vld [tilespmem:s3+$0x0]  }
0x22c: {  	s0 =	simm.s32 $0x5;
	v12 =	vor.u32 v15, v12;
	v15 =	vor.u32 v6, v7;
	v22 =	vmul.f32 $5.656854150e+00, v5  }
0x22d: {  	s28 =	simm.s32 $0x0;
	v21 =	vor.u32 v10, v2;
	v23 =	vmov s0;
	s0 =	simm.s32 $0x6;
	v14 =	vmul.f32 $5.656854150e+00, v14  }
0x22e: {  	v6 =	vadd.s32 v13, v8;
	v24 =	vmov s0;
	s0 =	sand.u32 $0x18, s28;
	s28 =	simm.s32 $0xC8C0;
	v16 =	vmul.f32 $5.656854150e+00, v16;
	[tilespmem:v18+s7+$0x0] =	vst.idx.msk $0xffff, v22  }
0x22f: {  	v8 =	vand.u32 $0x78, v23;
	v5 =	vand.u32 $0x5, v23;
	v23 =	vld [tilespmem:s28+$0xFFFFFFE0];
	[tilespmem:v19+s7+$0x0] =	vst.idx.msk $0xffff, v14;
	v19 =	vmov s0  }
0x230: {  	v14 =	vmul.f32 $5.656854150e+00, v20;
	[tilespmem:v17+s7+$0x0] =	vst.idx.msk $0xffff, v16;
	v18 =	vld [tilespmem:s3+$0x30];
	v16 =	vmul.u32 $0x88, v19  }
0x231: {  	v25 =	vor.u32 v9, v11;
	v2 =	vand.u32 $0x4, v3;
	v20 =	vld [tilespmem:s3+$0xFFFFFFD0]  }
0x232: {  	v4 =	vand.u32 $0x78, v3;
	v6 =	vor.u32 v10, v6;
	s0 =	simm.s32 $0x7;
	[tilespmem:v21+s7+$0x0] =	vst.idx.msk $0xffff, v14;
	v21 =	vld [tilespmem:s28+$0x20];
	v13 =	vbroadcast v16, $0x0  }
0x233: {  	v3 =	vand.u32 $0x6, v24;
	v7 =	vand.u32 $0x78, v24;
	v19 =	vld [tilespmem:s3+$0xFFFFFFF0];
	v9 =	vmov s0  }
0x234: {  	v22 =	vld [tilespmem:s28+$0xFFFFFFC0];
	v11 =	vand.u32 $0x78, v9;
	v9 =	vand.u32 $0x7, v9;
	v16 =	vadd.s32 v0, v13  }
0x235: {  	v14 =	vld [tilespmem:s3+$0x10];
	v23 =	vmul.f32 $5.656854150e+00, v23;
	v10 =	vmul.f32 $5.656854150e+00, v18;
	v17 =	vadd.s32 v11, v16  }
0x236: {  	v20 =	vmul.f32 $5.656854150e+00, v20;
	v18 =	vadd.s32 v4, v16;
	v26 =	vor.u32 v9, v17  }
0x237: {  	v62 =	vadd.s32 v8, v16;
	v18 =	vor.u32 v2, v18;
	v27 =	vmul.f32 $5.656854150e+00, v21;
	v21 =	vld [tilespmem:s28+$0x0]  }
0x238: {  	s3 =	simm.s32 $0x9;
	v16 =	vadd.s32 v7, v16;
	v63 =	vmul.f32 $5.656854150e+00, v19;
	v17 =	vor.u32 v5, v62;
	[tilespmem:v12+s7+$0x0] =	vst.idx.msk $0xffff, v10  }
0x239: {  	s29 =	simm.s32 $0x8;
	v22 =	vmul.f32 $5.656854150e+00, v22;
	v19 =	vmov s3;
	s3 =	simm.s32 $0xA;
	v16 =	vor.u32 v3, v16;
	[tilespmem:v15+s7+$0x0] =	vst.idx.msk $0xffff, v20  }
0x23a: {  	v12 =	vmov s29;
	v14 =	vmul.f32 $5.656854150e+00, v14;
	[tilespmem:v25+s7+$0x0] =	vst.idx.msk $0xffff, v63;
	v20 =	vmov s3  }
0x23b: {  	s31 =	smov.u32 s11;
	s30 =	simm.s32 $0xC;
	s0 =	simm.s32 $0x0;
	v10 =	vand.u32 $0x4, v12;
	v15 =	vand.u32 $0x78, v12;
	v12 =	vand.u32 $0x5, v19;
	[tilespmem:v26+s7+$0x0] =	vst.idx.msk $0xffff, v27  }
.LBB2_33:
0x23c: {  	p1 =	slt.u32 s30, $0x1FC;
	s0 =	sand.u32 $0x18, s0;
	v24 =	vand.u32 $0x6, v20;
	[tilespmem:v18+s7+$0x0] =	vst.idx.msk $0xffff, v22;
	v13 =	vadd.s32 v1, v13;
	v18 =	vmul.f32 $5.656854150e+00, v21;
	v21 =	vld [tilespmem:s28+$0x30]  }
0x23d: {  	v22 =	vmov s0;
	v25 =	vld [tilespmem:s28+$0xFFFFFFD0];
	v26 =	vadd.s32 v4, v13;
	[tilespmem:v17+s7+$0x0] =	vst.idx.msk $0xffff, v23;
	v11 =	vadd.s32 v11, v13;
	v4 =	vmovc v15  }
0x23e: {  	v8 =	vadd.s32 v8, v13;
	v15 =	vmul.u32 $0x88, v22;
	v22 =	vld [tilespmem:s28+$0xFFFFFFF0];
	[tilespmem:v16+s7+$0x0] =	vst.idx.msk $0xffff, v18;
	v16 =	vor.u32 v9, v11  }
0x23f: {  	v23 =	vor.u32 v2, v26;
	v26 =	vor.u32 v5, v8;
	v11 =	vadd.s32 v7, v13;
	v2 =	vmovc v10;
	v27 =	vld [tilespmem:s28+$0x10]  }
0x240: {  	s0 =	sadd.s32 $0x3, s29;
	s29 =	smov.u32 s30;
	v8 =	vand.u32 $0x78, v19;
	v13 =	vbroadcast v15, $0x0;
	[tilespmem:v6+s7+$0x0] =	vst.idx.msk $0xffff, v14;
	v6 =	vor.u32 v3, v11;
	v3 =	vmovc v24  }
0x241: {  	v7 =	vand.u32 $0x78, v20;
	v9 =	vmov s0;
	v5 =	vmovc v12;
	s28 =	sadd.s32 $0x80, s28;
	v10 =	vmul.f32 $5.656854150e+00, v21  }
0x242: {  	v11 =	vand.u32 $0x78, v9;
	v12 =	vadd.s32 v0, v13;
	v15 =	vld [tilespmem:s28+$0x20];
	v14 =	vmul.f32 $5.656854150e+00, v25  }
0x243: {  	v9 =	vand.u32 $0x7, v9;
	v20 =	vld [tilespmem:s28+$0xFFFFFFC0];
	v17 =	vadd.s32 v4, v12;
	v18 =	vadd.s32 v11, v12;
	[tilespmem:v16+s7+$0x0] =	vst.idx.msk $0xffff, v10  }
0x244: {  	v10 =	vadd.s32 v8, v12;
	v12 =	vadd.s32 v7, v12;
	v24 =	vld [tilespmem:s28+$0xFFFFFFE0];
	v25 =	vor.u32 v9, v18  }
.Ltmp17:
0x245: {  	v18 =	vor.u32 v2, v17;
	v17 =	vor.u32 v5, v10;
	v16 =	vor.u32 v3, v12;
	v21 =	vld [tilespmem:s28+$0x0];
	(pc) =	sbr.rel @p1 .LBB2_33-.Ltmp17, $4  }
0x246: {  	v12 =	vmov s30;
	[tilespmem:v23+s7+$0x0] =	vst.idx.msk $0xffff, v14;
	v23 =	vmul.f32 $5.656854150e+00, v22;
	v14 =	vmul.f32 $5.656854150e+00, v27  }
0x247: {  	s0 =	sadd.s32 $0x1, s30;
	v10 =	vand.u32 $0x4, v12;
	v27 =	vmul.f32 $5.656854150e+00, v15  }
0x248: {  	s3 =	sadd.s32 $0x2, s30;
	v19 =	vmov s0;
	v15 =	vand.u32 $0x78, v12;
	v22 =	vmul.f32 $5.656854150e+00, v20;
	[tilespmem:v26+s7+$0x0] =	vst.idx.msk $0xffff, v23  }
0x249: {  	s0 =	sshrl.u32 s29, $0x4;
	s30 =	sadd.s32 $0x4, s30;
	v12 =	vand.u32 $0x5, v19;
	v20 =	vmov s3;
	v23 =	vmul.f32 $5.656854150e+00, v24;
	[tilespmem:v25+s7+$0x0] =	vst.idx.msk $0xffff, v27  }
0x24a: {  	s0 =	sand.u32 $0x18, s0  }
0x24b: {  	v24 =	vmov s0  }
0x24c: {  	v24 =	vmul.u32 $0x88, v24;
	_ =	sdelay $0x1  }
0x24d: {  	s3 =	sadd.s32 $0x3, s29;
	v24 =	vbroadcast v24, $0x0  }
0x24e: {  	v25 =	vand.u32 $0x6, v20;
	s11 =	sadd.s32 $0x80, s28;
	v26 =	vmov s3  }
0x24f: {  	v13 =	vadd.s32 v1, v13;
	v28 =	vld [tilespmem:s11+$0x20];
	v29 =	vand.u32 $0x78, v26;
	v27 =	vadd.s32 v0, v24  }
0x250: {  	v21 =	vmul.f32 $5.656854150e+00, v21;
	v30 =	vld [tilespmem:s11+$0xFFFFFFC0];
	v26 =	vand.u32 $0x7, v26;
	v31 =	vadd.s32 v29, v27  }
0x251: {  	[tilespmem:v18+s7+$0x0] =	vst.idx.msk $0xffff, v22;
	v63 =	vand.u32 $0x78, v19;
	v37 =	vld [tilespmem:s11+$0xFFFFFFE0];
	v36 =	vadd.s32 v15, v27;
	v31 =	vor.u32 v26, v31  }
0x252: {  	v38 =	vand.u32 $0x78, v20;
	[tilespmem:v6+s7+$0x0] =	vst.idx.msk $0xffff, v14;
	v40 =	vld [tilespmem:s11+$0x0];
	v39 =	vadd.s32 v63, v27;
	v19 =	vor.u32 v10, v36  }
0x253: {  	v32 =	vld [tilespmem:s28+$0x30];
	v4 =	vadd.s32 v4, v13;
	v27 =	vadd.s32 v38, v27;
	v20 =	vor.u32 v12, v39  }
0x254: {  	[tilespmem:v17+s7+$0x0] =	vst.idx.msk $0xffff, v23;
	v41 =	vld [tilespmem:s28+$0xFFFFFFD0];
	v11 =	vadd.s32 v11, v13;
	v43 =	vmul.f32 $5.656854150e+00, v28;
	v42 =	vor.u32 v25, v27  }
0x255: {  	v8 =	vadd.s32 v8, v13;
	[tilespmem:v16+s7+$0x0] =	vst.idx.msk $0xffff, v21;
	v44 =	vor.u32 v9, v11;
	v45 =	vld [tilespmem:s28+$0xFFFFFFF0];
	v46 =	vmul.f32 $5.656854150e+00, v30  }
0x256: {  	v7 =	vadd.s32 v7, v13;
	v2 =	vor.u32 v2, v4;
	v48 =	vld [tilespmem:s28+$0x10];
	v49 =	vmul.f32 $5.656854150e+00, v37;
	[tilespmem:v31+s7+$0x0] =	vst.idx.msk $0xffff, v43  }
0x257: {  	v47 =	vor.u32 v5, v8;
	v50 =	vadd.s32 v1, v24;
	v51 =	vmul.f32 $5.656854150e+00, v40;
	[tilespmem:v19+s7+$0x0] =	vst.idx.msk $0xffff, v46;
	v52 =	vld [tilespmem:s11+$0x30]  }
0x258: {  	v3 =	vor.u32 v3, v7;
	v53 =	vmul.f32 $5.656854150e+00, v32;
	v54 =	vadd.s32 v29, v50;
	[tilespmem:v20+s7+$0x0] =	vst.idx.msk $0xffff, v49;
	v19 =	vld [tilespmem:s11+$0xFFFFFFD0]  }
0x259: {  	v16 =	vmul.f32 $5.656854150e+00, v41;
	v55 =	vadd.s32 v15, v50;
	v8 =	vor.u32 v26, v54;
	[tilespmem:v42+s7+$0x0] =	vst.idx.msk $0xffff, v51;
	v20 =	vld [tilespmem:s11+$0xFFFFFFF0]  }
0x25a: {  	[tilespmem:v44+s7+$0x0] =	vst.idx.msk $0xffff, v53;
	v56 =	vmul.f32 $5.656854150e+00, v45;
	v57 =	vadd.s32 v63, v50;
	v58 =	vor.u32 v10, v55;
	v59 =	vld [tilespmem:s11+$0x10]  }
0x25b: {  	v61 =	vadd.s32 v38, v50;
	[tilespmem:v2+s7+$0x0] =	vst.idx.msk $0xffff, v16;
	v2 =	vmul.f32 $5.656854150e+00, v48;
	v60 =	vor.u32 v12, v57  }
0x25c: {  	v62 =	vor.u32 v25, v61;
	[tilespmem:v47+s7+$0x0] =	vst.idx.msk $0xffff, v56;
	v63 =	vmul.f32 $5.656854150e+00, v52  }
0x25d: {  	s26 =	sshll.u32 s26, $0x13;
	[tilespmem:v3+s7+$0x0] =	vst.idx.msk $0xffff, v2;
	v2 =	vmul.f32 $5.656854150e+00, v19  }
0x25e: {  	s0 =	sor.u32 s6, s26;
	v3 =	vmul.f32 $5.656854150e+00, v20;
	[tilespmem:v8+s7+$0x0] =	vst.idx.msk $0xffff, v63  }
0x25f: {  	s26 =	sshrl.u32 s0, $0x3;
	[tilespmem:v58+s7+$0x0] =	vst.idx.msk $0xffff, v2;
	v2 =	vmul.f32 $5.656854150e+00, v59  }
0x260: {  	s29 =	simm.s32 $0x14C00;
	s28 =	sadd.s32 s31, s26;
	[tilespmem:v60+s7+$0x0] =	vst.idx.msk $0xffff, v3  }
0x261: {  	s30 =	simm.s32 $0x10;
	s0 =	simm.s32 $0x14C88;
	s3 =	sadd.s32 $0x0, s28;
	[tilespmem:v62+s7+$0x0] =	vst.idx.msk $0xffff, v2  }
.LBB2_35:
0x262: {  	[hbm4b:s3+s4] =	stream.linear.scatter [tilespmem:s29], [sflag:$0xA], $0x80, $0x38;
	[tilespmem:$0x19000] =	vst v63  }
0x263: {  	s3 =	smov.u32 s30;
	s29 =	smov.u32 s0;
	p1 =	sne.s32 s30, $0x1F0  }
.Ltmp18:
0x264: {  	s30 =	sadd.s32 $0x10, s30;
	(pc) =	sbr.rel @p1 .LBB2_35-.Ltmp18, $2  }
0x265: {  	_ =	sdelay $0x2  }
0x266: {  	s0 =	sadd.s32 $0x88, s0;
	s3 =	sadd.s32 s3, s28  }
0x267: {  	[hbm4b:s3+s4] =	stream.linear.scatter [tilespmem:s29], [sflag:$0xA], $0x80, $0x38;
	[tilespmem:$0x19000] =	vst v63  }
0x268: {  	s28 =	sadd.s32 s26, s22;
	s29 =	simm.s32 $0x15D00  }
0x269: {  	s30 =	simm.s32 $0x10;
	s0 =	simm.s32 $0x15D88;
	s3 =	sadd.s32 $0x0, s28  }
.LBB2_37:
0x26a: {  	[hbm4b:s3+s4] =	stream.linear.scatter [tilespmem:s29], [sflag:$0xA], $0x80, $0x38;
	[tilespmem:$0x19000] =	vst v63  }
0x26b: {  	s3 =	smov.u32 s30;
	s29 =	smov.u32 s0;
	p1 =	sne.s32 s30, $0x1F0  }
.Ltmp19:
0x26c: {  	s30 =	sadd.s32 $0x10, s30;
	(pc) =	sbr.rel @p1 .LBB2_37-.Ltmp19, $2  }
0x26d: {  	_ =	sdelay $0x2  }
0x26e: {  	s0 =	sadd.s32 $0x88, s0;
	s3 =	sadd.s32 s3, s28  }
0x26f: {  	[hbm4b:s3+s4] =	stream.linear.scatter [tilespmem:s29], [sflag:$0xA], $0x80, $0x38;
	[tilespmem:$0x19000] =	vst v63  }
0x270: {  	s28 =	sadd.s32 s26, s23;
	s29 =	simm.s32 $0x16E00  }
0x271: {  	s30 =	simm.s32 $0x10;
	s0 =	simm.s32 $0x16E88;
	s3 =	sadd.s32 $0x0, s28  }
.LBB2_39:
0x272: {  	[hbm4b:s3+s4] =	stream.linear.scatter [tilespmem:s29], [sflag:$0xA], $0x80, $0x38;
	[tilespmem:$0x19000] =	vst v63  }
0x273: {  	s3 =	smov.u32 s30;
	s29 =	smov.u32 s0;
	p1 =	sne.s32 s30, $0x1F0  }
.Ltmp20:
0x274: {  	s30 =	sadd.s32 $0x10, s30;
	(pc) =	sbr.rel @p1 .LBB2_39-.Ltmp20, $2  }
0x275: {  	_ =	sdelay $0x2  }
0x276: {  	s0 =	sadd.s32 $0x88, s0;
	s3 =	sadd.s32 s3, s28  }
0x277: {  	[hbm4b:s3+s4] =	stream.linear.scatter [tilespmem:s29], [sflag:$0xA], $0x80, $0x38;
	[tilespmem:$0x19000] =	vst v63  }
0x278: {  	s26 =	sadd.s32 s26, s24;
	s28 =	simm.s32 $0x17F00  }
0x279: {  	s29 =	simm.s32 $0x10;
	s0 =	simm.s32 $0x17F88;
	s3 =	sadd.s32 $0x0, s26  }
.LBB2_41:
0x27a: {  	[hbm4b:s3+s4] =	stream.linear.scatter [tilespmem:s28], [sflag:$0xA], $0x80, $0x38;
	[tilespmem:$0x19000] =	vst v63  }
0x27b: {  	s3 =	smov.u32 s29;
	s28 =	smov.u32 s0;
	p1 =	sne.s32 s29, $0x1F0  }
.Ltmp21:
0x27c: {  	s29 =	sadd.s32 $0x10, s29;
	(pc) =	sbr.rel @p1 .LBB2_41-.Ltmp21, $2  }
0x27d: {  	_ =	sdelay $0x2  }
0x27e: {  	s0 =	sadd.s32 $0x88, s0;
	s3 =	sadd.s32 s3, s26  }
.Ltmp22:
0x27f: {  	(pc) =	sbr.rel @p0 .LBB2_44-.Ltmp22, $2  }
0x280: {  	_ =	sdelay $0x2  }
0x281: {  	[hbm4b:s3+s4] =	stream.linear.scatter [tilespmem:s28], [sflag:$0xA], $0x80, $0x38;
	[tilespmem:$0x19000] =	vst v63  }
0x282: {  	s0 =	sadd.s32 $0x6, s2  }
0x283: {  	s2 =	sshll.u32 s0, $0xE;
	s0 =	sshll.u32 s0, $0x7  }
0x284: {  	s2 =	sand.u32 $0x7E0000, s2;
	s0 =	sand.u32 $0x300, s0  }
0x285: {  	s0 =	sor.u32 s2, s0  }
0x286: {  	s2 =	sor.u32 s6, s0  }
0x287: {  	s2 =	sshrl.u32 s2, $0x3  }
0x288: {  	s26 =	sor.u32 s8, s0;
	s2 =	sadd.s32 s1, s2  }
0x289: {  	[tilespmem:s14], [sflag:$0x3] =	stream.linear.gather [hbm4b:s2+s4], $0x80, $0x38;
	[tilespmem:$0x19000] =	vst v63  }
0x28a: {  	s2 =	sshrl.u32 s26, $0x3  }
0x28b: {  	s3 =	simm.s32 $0x480;
	s28 =	sor.u32 s9, s0;
	s2 =	sadd.s32 s1, s2  }
0x28c: {  	[tilespmem:s3], [sflag:$0x3] =	stream.linear.gather [hbm4b:s2+s4], $0x80, $0x38;
	[tilespmem:$0x19000] =	vst v63  }
.Ltmp23:
0x28d: {  	s0 =	sor.u32 s10, s0;
	s2 =	sshrl.u32 s28, $0x3;
	(pc) =	sbr.rel .LBB2_2-.Ltmp23, $4  }
0x28e: {  	s29 =	simm.s32 $0x500;
	s0 =	sshrl.u32 s0, $0x3;
	s2 =	sadd.s32 s1, s2  }
0x28f: {  	[tilespmem:s29], [sflag:$0x3] =	stream.linear.gather [hbm4b:s2+s4], $0x80, $0x38;
	[tilespmem:$0x19000] =	vst v63  }
0x290: {  	s30 =	simm.s32 $0x580;
	s20 =	sadd.s32 $0x1, s20;
	s0 =	sadd.s32 s1, s0  }
0x291: {  	[tilespmem:s30], [sflag:$0x3] =	stream.linear.gather [hbm4b:s0+s4], $0x80, $0x38;
	[tilespmem:$0x19000] =	vst v63  }
.LBB2_45:
0x292: {  	_ =	sfence.sel $0x180000  }
0x293: {  	[bflag:$0x0] =	sbarrier.arrive $0xFFFF  }
0x294: {  	_ =	strace $0x90000047  }
0x295: {  	s0 =	stileid.u32;
	[bflag:$0x2] =	sbarrier.arrive $0xFFFF  }
0x296: {  	p0 =	sne.s32 s0, $0x0;
	s0 =	rddreg [dreg:$0x3]  }
0x297: {  	s0 =	sadd.s32 @!p0 $0x100000, s0  }
0x298: {  	[sflag:s0] =	ssyncadd.tile.s32 @!p0 $0x1;
	_ =	shalt  }
.Lfunc_end2:
_tile_overlayer_lowered:
.L_overlay_start_2:
0x299: {  	(tag) =	ssettag $0x2  }
0x29a: {  	s0 =	rddreg [dreg:$0x0];
	s2 =	stileid.u32  }
0x29b: {  	s1 =	rddreg [dreg:$0x1];
	p0 =	sne.s32 s2, $0x0  }
0x29c: {  	s3 =	rddreg [dreg:$0x2];
	[bflag:$0x3] =	sbarrier.arrive $0xFFFF;
	s2 =	simm.s32 @!p0 $0x1C0B  }
0x29d: {  	[timem:s3], [sflag:s2] =	dma.local @!p0 [hbm:s0], s1  }
0x29e: {  	s0 =	simm.s32 @!p0 $0xB  }
0x29f: {  	_ =	swait.ge @!p0 [sflag:s0], s1  }
0x2a0: {  	s1 =	ssub.s32 @!p0 $0x0, s1;
	[sflag:s0] =	ssyncset.done @!p0 $0x0  }
0x2a1: {  	[sflag:s0] =	ssyncadd.s32 @!p0 s1  }
0x2a2: {  	[bflag:$0x3] =	sbarrier.arrive $0xFFFF  }
0x2a3: {  	_ =	shalt  }

</sc_bundles>
